<compile_context>
chip_gen: v7x
topology: tpu7x:2x2x1
jax: 0.10.2.dev20260603
libtpu: 0.0.44.dev20260713+nightly
codegen_flags: <defaults>
</compile_context>

<pallas_src>
import functools

import jax
import jax.numpy as jnp
from jax import lax
from jax.experimental import pallas as pl
from jax.experimental.pallas import tpu as pltpu
from jax.experimental.pallas import tpu_sc as plsc

E = 819200
D = 128
L = 16
NC = 2
NS = 16
NW = NC * NS
MAX_TIME_ROWS = 2048
VALUE_ROWS = 256
PER_W = E // NW
CHUNK = 128
NCHUNK = PER_W // CHUNK


def _body(nid_hbm, tb_hbm, val_hbm, nemb_hbm, temb_hbm, vemb_hbm, out_hbm,
          stab, vtab,
          nidx0, nidx1, tidx0, tidx1, vidx0, vidx1,
          rn0, rn1, rt0, rt1, rv0, rv1,
          sgn0, sgn1, sgt0, sgt1, sgv0, sgv1, si0, si1, so0, so1):
    nidx = (nidx0, nidx1)
    tidx = (tidx0, tidx1)
    vidx = (vidx0, vidx1)
    rn = (rn0, rn1)
    rt = (rt0, rt1)
    rv = (rv0, rv1)
    sgn = (sgn0, sgn1)
    sgt = (sgt0, sgt1)
    sgv = (sgv0, sgv1)
    si = (si0, si1)
    so = (so0, so1)

    wid = lax.axis_index("s") * NC + lax.axis_index("c")
    base = wid * PER_W

    def off_of(g):
        return base + g * CHUNK

    def fire_idx(g, b, sem):
        off = off_of(g)
        pltpu.async_copy(nid_hbm.at[pl.ds(off, CHUNK)], nidx[b], sem)
        pltpu.async_copy(tb_hbm.at[pl.ds(off, CHUNK)], tidx[b], sem)
        pltpu.async_copy(val_hbm.at[pl.ds(off, CHUNK)], vidx[b], sem)

    def wait_idx(b):
        pltpu.make_async_copy(nid_hbm.at[pl.ds(base, CHUNK)], nidx[b],
                              si[b]).wait()
        pltpu.make_async_copy(tb_hbm.at[pl.ds(base, CHUNK)], tidx[b],
                              si[b]).wait()
        pltpu.make_async_copy(val_hbm.at[pl.ds(base, CHUNK)], vidx[b],
                              si[b]).wait()

    def fire_gathers_tv(b):
        pltpu.async_copy(stab.at[tidx[b]], rt[b], sgt[b])
        pltpu.async_copy(vtab.at[vidx[b]], rv[b], sgv[b])

    def fire_gather_n(b):
        pltpu.async_copy(nemb_hbm.at[nidx[b]], rn[b], sgn[b])

    def fire_gathers(b):
        fire_gather_n(b)
        fire_gathers_tv(b)

    def wait_gathers(b):
        pltpu.make_async_copy(nemb_hbm.at[nidx[b]], rn[b], sgn[b]).wait()
        pltpu.make_async_copy(stab.at[tidx[b]], rt[b], sgt[b]).wait()
        pltpu.make_async_copy(vtab.at[vidx[b]], rv[b], sgv[b]).wait()

    def wait_out(b):
        pltpu.make_async_copy(rn[b], out_hbm.at[pl.ds(base, CHUNK)],
                              so[b]).wait()

    NSUB = 8

    def compute_and_out(g, b):
        n, t, v = rn[b], rt[b], rv[b]

        def add_row(r):
            for j in range(D // L):
                sl = pl.ds(j * L, L)
                plsc.addupdate(n.at[r, sl], t[r, sl] + v[r, sl])

        for q in range(NSUB):
            qs = q * (CHUNK // NSUB)
            plsc.parallel_loop(qs, qs + CHUNK // NSUB, 1, unroll=1)(add_row)
            pltpu.async_copy(
                n.at[pl.ds(qs, CHUNK // NSUB)],
                out_hbm.at[pl.ds(off_of(g) + qs, CHUNK // NSUB)], so[b])

    sid = lax.axis_index("s")
    t_rows = MAX_TIME_ROWS // NS
    v_rows = VALUE_ROWS // NS
    pltpu.sync_copy(temb_hbm.at[pl.ds(sid * t_rows, t_rows)],
                    stab.at[pl.ds(sid * t_rows, t_rows)])
    pltpu.sync_copy(vemb_hbm.at[pl.ds(sid * v_rows, v_rows)],
                    vtab.at[pl.ds(sid * v_rows, v_rows)])
    plsc.subcore_barrier()

    pltpu.sync_copy(nid_hbm.at[pl.ds(base, CHUNK)], nidx[0])
    pltpu.sync_copy(tb_hbm.at[pl.ds(base, CHUNK)], tidx[0])
    pltpu.sync_copy(val_hbm.at[pl.ds(base, CHUNK)], vidx[0])
    fire_gathers(0)
    fire_idx(1, 1, si[1])

    def pair_step(p, carry):
        for b in (0, 1):
            g = 2 * p + b
            wait_gathers(b)

            @pl.when(g < NCHUNK - 2)
            def _():
                fire_idx(g + 2, b, si[b])

            @pl.when(g < NCHUNK - 1)
            def _():
                wait_idx(1 - b)
                fire_gathers_tv(1 - b)

                @pl.when(g >= 1)
                def _():
                    wait_out(1 - b)

                fire_gather_n(1 - b)

            compute_and_out(g, b)
        return carry

    lax.fori_loop(0, NCHUNK // 2, pair_step, None)
    wait_out(0)
    wait_out(1)


@functools.partial(jax.jit, donate_argnums=())
def kernel(neuron_ids, time_bins, values, neuron_emb, time_emb, value_emb):
    mesh = plsc.VectorSubcoreMesh(
        core_axis_name="c", subcore_axis_name="s", num_cores=NC,
        num_subcores=NS)
    run = pl.kernel(
        _body,
        out_type=jax.ShapeDtypeStruct((E, D), jnp.float32),
        mesh=mesh,
        scratch_types=[
            pltpu.VMEM_SHARED((MAX_TIME_ROWS, D), jnp.float32),
            pltpu.VMEM_SHARED((VALUE_ROWS, D), jnp.float32),
            pltpu.VMEM((CHUNK,), jnp.int32),
            pltpu.VMEM((CHUNK,), jnp.int32),
            pltpu.VMEM((CHUNK,), jnp.int32),
            pltpu.VMEM((CHUNK,), jnp.int32),
            pltpu.VMEM((CHUNK,), jnp.int32),
            pltpu.VMEM((CHUNK,), jnp.int32),
            pltpu.VMEM((CHUNK, D), jnp.float32),
            pltpu.VMEM((CHUNK, D), jnp.float32),
            pltpu.VMEM((CHUNK, D), jnp.float32),
            pltpu.VMEM((CHUNK, D), jnp.float32),
            pltpu.VMEM((CHUNK, D), jnp.float32),
            pltpu.VMEM((CHUNK, D), jnp.float32),
            pltpu.SemaphoreType.DMA,
            pltpu.SemaphoreType.DMA,
            pltpu.SemaphoreType.DMA,
            pltpu.SemaphoreType.DMA,
            pltpu.SemaphoreType.DMA,
            pltpu.SemaphoreType.DMA,
            pltpu.SemaphoreType.DMA,
            pltpu.SemaphoreType.DMA,
            pltpu.SemaphoreType.DMA,
            pltpu.SemaphoreType.DMA,
        ],
    )
    return run(neuron_ids.astype(jnp.int32), time_bins.astype(jnp.int32),
               values.astype(jnp.int32), neuron_emb, time_emb, value_emb)

# --- scband reference (transcript-rebuilt; emitter-appended) ---
"""Pipeline reference for scband-spike-tokenizer-45810121179304 (READ-ONLY COPY).

The authoritative reference and input builder live on the scoring server;
editing this copy changes nothing except your own understanding.
"""

import jax, jax.numpy as jnp
import numpy as np

MAX_NEURONS = 100000
MAX_TIME_BINS = 2048
SPIKE_VALUE_BUCKETS = 256
HIDDEN_DIM = 128
E = 819200


def setup_inputs(seed: int = 0) -> dict:
    key = jax.random.key(seed)
    k1, k2, k3, k4, k5, k6 = jax.random.split(key, 6)
    neuron_ids = jax.random.randint(k1, (E,), 0, MAX_NEURONS, dtype=jnp.int64) if jax.config.jax_enable_x64 else jax.random.randint(k1, (E,), 0, MAX_NEURONS, dtype=jnp.int32)
    time_bins = jax.random.randint(k2, (E,), 0, MAX_TIME_BINS, dtype=jnp.int32)
    values = jax.random.randint(k3, (E,), 0, SPIKE_VALUE_BUCKETS, dtype=jnp.int32)
    neuron_emb = jax.random.normal(k4, (MAX_NEURONS, HIDDEN_DIM), dtype=jnp.float32) * 0.02
    time_emb = jax.random.normal(k5, (MAX_TIME_BINS, HIDDEN_DIM), dtype=jnp.float32) * 0.02
    value_emb = jax.random.normal(k6, (SPIKE_VALUE_BUCKETS, HIDDEN_DIM), dtype=jnp.float32) * 0.02
    return {
        "neuron_ids": neuron_ids,
        "time_bins": time_bins,
        "values": values,
        "neuron_emb": neuron_emb,
        "time_emb": time_emb,
        "value_emb": value_emb,
    }


def reference(neuron_ids, time_bins, values, neuron_emb, time_emb, value_emb):
    # tokens = neuron_emb(neuron_ids) + time_emb(time_bins) + value_emb(values)
    tok_n = jnp.take(neuron_emb, neuron_ids, axis=0)
    tok_t = jnp.take(time_emb, time_bins, axis=0)
    tok_v = jnp.take(value_emb, values, axis=0)
    return tok_n + tok_t + tok_v

if __name__ == "__main__":
    import jax
    _d = setup_inputs()
    print(jax.jit(kernel)(*tuple(_d.values())))

</pallas_src>

<mosaic_0001>
#map = affine_map<(d0, d1) -> (0)>
#map1 = affine_map<(d0, d1) -> (0, 0)>
module attributes {stable_mosaic.version = 14 : i64} {
  func.func @_body(%arg0: i32, %arg1: i32, %arg2: memref<819200xi32, #tpu.memory_space<hbm>>, %arg3: memref<819200xi32, #tpu.memory_space<hbm>>, %arg4: memref<819200xi32, #tpu.memory_space<hbm>>, %arg5: memref<100000x128xf32, #tpu.memory_space<hbm>>, %arg6: memref<2048x128xf32, #tpu.memory_space<hbm>>, %arg7: memref<256x128xf32, #tpu.memory_space<hbm>>, %arg8: memref<819200x128xf32, #tpu.memory_space<hbm>>, %arg9: memref<2048x128xf32, #tpu.memory_space<vmem_shared>>, %arg10: memref<256x128xf32, #tpu.memory_space<vmem_shared>>, %arg11: memref<128xi32, #tpu.memory_space<vmem>>, %arg12: memref<128xi32, #tpu.memory_space<vmem>>, %arg13: memref<128xi32, #tpu.memory_space<vmem>>, %arg14: memref<128xi32, #tpu.memory_space<vmem>>, %arg15: memref<128xi32, #tpu.memory_space<vmem>>, %arg16: memref<128xi32, #tpu.memory_space<vmem>>, %arg17: memref<128x128xf32, #tpu.memory_space<vmem>>, %arg18: memref<128x128xf32, #tpu.memory_space<vmem>>, %arg19: memref<128x128xf32, #tpu.memory_space<vmem>>, %arg20: memref<128x128xf32, #tpu.memory_space<vmem>>, %arg21: memref<128x128xf32, #tpu.memory_space<vmem>>, %arg22: memref<128x128xf32, #tpu.memory_space<vmem>>, %arg23: memref<!tpu.dma_semaphore, #tpu.memory_space<semaphore_mem>>, %arg24: memref<!tpu.dma_semaphore, #tpu.memory_space<semaphore_mem>>, %arg25: memref<!tpu.dma_semaphore, #tpu.memory_space<semaphore_mem>>, %arg26: memref<!tpu.dma_semaphore, #tpu.memory_space<semaphore_mem>>, %arg27: memref<!tpu.dma_semaphore, #tpu.memory_space<semaphore_mem>>, %arg28: memref<!tpu.dma_semaphore, #tpu.memory_space<semaphore_mem>>, %arg29: memref<!tpu.dma_semaphore, #tpu.memory_space<semaphore_mem>>, %arg30: memref<!tpu.dma_semaphore, #tpu.memory_space<semaphore_mem>>, %arg31: memref<!tpu.dma_semaphore, #tpu.memory_space<semaphore_mem>>, %arg32: memref<!tpu.dma_semaphore, #tpu.memory_space<semaphore_mem>>) attributes {dimension_semantics = [#tpu.dimension_semantics<core_parallel>, #tpu.dimension_semantics<subcore_parallel>], iteration_bounds = array<i64: 2, 16>, scalar_prefetch = 0 : i64, scratch_operands = 24 : i64, tpu.core_type = #tpu.core_type<sc_vector_subcore>, window_params = [{transform_indices = #map}, {transform_indices = #map}, {transform_indices = #map}, {transform_indices = #map1}, {transform_indices = #map1}, {transform_indices = #map1}, {transform_indices = #map1}]} {
    %mul3A = arith.constant 2 : i32
    %mul3A_0 = arith.muli %arg1, %mul3A : i32
    %add3A = arith.addi %mul3A_0, %arg0 : i32
    %mul3A_1 = arith.constant 25600 : i32
    %mul3A_2 = arith.muli %add3A, %mul3A_1 : i32
    %mul3A_3 = arith.constant 128 : i32
    %mul3A_4 = arith.muli %arg1, %mul3A_3 : i32
    %mul3A_5 = arith.constant 128 : i32
    %mul3A_6 = arith.muli %arg1, %mul3A_5 : i32
    "tpu.region"() ({
      %run_scoped3A = tpu.sem_alloc : memref<!tpu.dma_semaphore, #tpu.memory_space<semaphore_mem>>
      %dma_start3A_38 = arith.constant 0 : i32
      %dma_start3A_39 = tpu.memref_slice %arg9[%mul3A_6, %dma_start3A_38] : memref<2048x128xf32, #tpu.memory_space<vmem_shared>> -> memref<128x128xf32, #tpu.memory_space<vmem_shared>>
      %dma_start3A_40 = arith.constant 0 : i32
      %dma_start3A_41 = tpu.memref_slice %arg6[%mul3A_4, %dma_start3A_40] : memref<2048x128xf32, #tpu.memory_space<hbm>> -> memref<128x128xf32, #tpu.memory_space<hbm>>
      tpu.enqueue_dma source(%dma_start3A_41 : memref<128x128xf32, #tpu.memory_space<hbm>>) target(%dma_start3A_39 : memref<128x128xf32, #tpu.memory_space<vmem_shared>>) target_semaphore(%run_scoped3A : memref<!tpu.dma_semaphore, #tpu.memory_space<semaphore_mem>>)
      %dma_wait3A_42 = arith.constant 0 : i32
      %dma_wait3A_43 = tpu.memref_slice %arg9[%mul3A_6, %dma_wait3A_42] : memref<2048x128xf32, #tpu.memory_space<vmem_shared>> -> memref<128x128xf32, #tpu.memory_space<vmem_shared>>
      %dma_wait3A_44 = arith.constant 0 : i32
      %dma_wait3A_45 = tpu.memref_slice %arg6[%mul3A_4, %dma_wait3A_44] : memref<2048x128xf32, #tpu.memory_space<hbm>> -> memref<128x128xf32, #tpu.memory_space<hbm>>
      tpu.wait_dma2 semaphore(%run_scoped3A : memref<!tpu.dma_semaphore, #tpu.memory_space<semaphore_mem>>) src(%dma_wait3A_45 : memref<128x128xf32, #tpu.memory_space<hbm>>) dst(%dma_wait3A_43 : memref<128x128xf32, #tpu.memory_space<vmem_shared>>)
      tpu.yield
    }) : () -> ()
    %mul3A_7 = arith.constant 16 : i32
    %mul3A_8 = arith.muli %arg1, %mul3A_7 : i32
    %mul3A_9 = arith.constant 16 : i32
    %mul3A_10 = arith.muli %arg1, %mul3A_9 : i32
    "tpu.region"() ({
      %run_scoped3A = tpu.sem_alloc : memref<!tpu.dma_semaphore, #tpu.memory_space<semaphore_mem>>
      %dma_start3A_38 = arith.constant 0 : i32
      %dma_start3A_39 = tpu.memref_slice %arg10[%mul3A_10, %dma_start3A_38] : memref<256x128xf32, #tpu.memory_space<vmem_shared>> -> memref<16x128xf32, #tpu.memory_space<vmem_shared>>
      %dma_start3A_40 = arith.constant 0 : i32
      %dma_start3A_41 = tpu.memref_slice %arg7[%mul3A_8, %dma_start3A_40] : memref<256x128xf32, #tpu.memory_space<hbm>> -> memref<16x128xf32, #tpu.memory_space<hbm>>
      tpu.enqueue_dma source(%dma_start3A_41 : memref<16x128xf32, #tpu.memory_space<hbm>>) target(%dma_start3A_39 : memref<16x128xf32, #tpu.memory_space<vmem_shared>>) target_semaphore(%run_scoped3A : memref<!tpu.dma_semaphore, #tpu.memory_space<semaphore_mem>>)
      %dma_wait3A_42 = arith.constant 0 : i32
      %dma_wait3A_43 = tpu.memref_slice %arg10[%mul3A_10, %dma_wait3A_42] : memref<256x128xf32, #tpu.memory_space<vmem_shared>> -> memref<16x128xf32, #tpu.memory_space<vmem_shared>>
      %dma_wait3A_44 = arith.constant 0 : i32
      %dma_wait3A_45 = tpu.memref_slice %arg7[%mul3A_8, %dma_wait3A_44] : memref<256x128xf32, #tpu.memory_space<hbm>> -> memref<16x128xf32, #tpu.memory_space<hbm>>
      tpu.wait_dma2 semaphore(%run_scoped3A : memref<!tpu.dma_semaphore, #tpu.memory_space<semaphore_mem>>) src(%dma_wait3A_45 : memref<16x128xf32, #tpu.memory_space<hbm>>) dst(%dma_wait3A_43 : memref<16x128xf32, #tpu.memory_space<vmem_shared>>)
      tpu.yield
    }) : () -> ()
    %barrier3A = arith.constant 0 : index
    tpu.barrier barrier_id(%barrier3A)
    "tpu.region"() ({
      %run_scoped3A = tpu.sem_alloc : memref<!tpu.dma_semaphore, #tpu.memory_space<semaphore_mem>>
      %dma_start3A_38 = tpu.memref_slice %arg2[%mul3A_2] : memref<819200xi32, #tpu.memory_space<hbm>> -> memref<128xi32, #tpu.memory_space<hbm>>
      %dma_start3A_39 = tpu.memref_slice %arg2[%mul3A_2] : memref<819200xi32, #tpu.memory_space<hbm>> -> memref<128xi32, #tpu.memory_space<hbm>>
      tpu.enqueue_dma source(%dma_start3A_39 : memref<128xi32, #tpu.memory_space<hbm>>) target(%arg11 : memref<128xi32, #tpu.memory_space<vmem>>) target_semaphore(%run_scoped3A : memref<!tpu.dma_semaphore, #tpu.memory_space<semaphore_mem>>)
      %dma_wait3A_40 = tpu.memref_slice %arg2[%mul3A_2] : memref<819200xi32, #tpu.memory_space<hbm>> -> memref<128xi32, #tpu.memory_space<hbm>>
      %dma_wait3A_41 = tpu.memref_slice %arg2[%mul3A_2] : memref<819200xi32, #tpu.memory_space<hbm>> -> memref<128xi32, #tpu.memory_space<hbm>>
      tpu.wait_dma2 semaphore(%run_scoped3A : memref<!tpu.dma_semaphore, #tpu.memory_space<semaphore_mem>>) src(%dma_wait3A_41 : memref<128xi32, #tpu.memory_space<hbm>>) dst(%arg11 : memref<128xi32, #tpu.memory_space<vmem>>)
      tpu.yield
    }) : () -> ()
    "tpu.region"() ({
      %run_scoped3A = tpu.sem_alloc : memref<!tpu.dma_semaphore, #tpu.memory_space<semaphore_mem>>
      %dma_start3A_38 = tpu.memref_slice %arg3[%mul3A_2] : memref<819200xi32, #tpu.memory_space<hbm>> -> memref<128xi32, #tpu.memory_space<hbm>>
      %dma_start3A_39 = tpu.memref_slice %arg3[%mul3A_2] : memref<819200xi32, #tpu.memory_space<hbm>> -> memref<128xi32, #tpu.memory_space<hbm>>
      tpu.enqueue_dma source(%dma_start3A_39 : memref<128xi32, #tpu.memory_space<hbm>>) target(%arg13 : memref<128xi32, #tpu.memory_space<vmem>>) target_semaphore(%run_scoped3A : memref<!tpu.dma_semaphore, #tpu.memory_space<semaphore_mem>>)
      %dma_wait3A_40 = tpu.memref_slice %arg3[%mul3A_2] : memref<819200xi32, #tpu.memory_space<hbm>> -> memref<128xi32, #tpu.memory_space<hbm>>
      %dma_wait3A_41 = tpu.memref_slice %arg3[%mul3A_2] : memref<819200xi32, #tpu.memory_space<hbm>> -> memref<128xi32, #tpu.memory_space<hbm>>
      tpu.wait_dma2 semaphore(%run_scoped3A : memref<!tpu.dma_semaphore, #tpu.memory_space<semaphore_mem>>) src(%dma_wait3A_41 : memref<128xi32, #tpu.memory_space<hbm>>) dst(%arg13 : memref<128xi32, #tpu.memory_space<vmem>>)
      tpu.yield
    }) : () -> ()
    "tpu.region"() ({
      %run_scoped3A = tpu.sem_alloc : memref<!tpu.dma_semaphore, #tpu.memory_space<semaphore_mem>>
      %dma_start3A_38 = tpu.memref_slice %arg4[%mul3A_2] : memref<819200xi32, #tpu.memory_space<hbm>> -> memref<128xi32, #tpu.memory_space<hbm>>
      %dma_start3A_39 = tpu.memref_slice %arg4[%mul3A_2] : memref<819200xi32, #tpu.memory_space<hbm>> -> memref<128xi32, #tpu.memory_space<hbm>>
      tpu.enqueue_dma source(%dma_start3A_39 : memref<128xi32, #tpu.memory_space<hbm>>) target(%arg15 : memref<128xi32, #tpu.memory_space<vmem>>) target_semaphore(%run_scoped3A : memref<!tpu.dma_semaphore, #tpu.memory_space<semaphore_mem>>)
      %dma_wait3A_40 = tpu.memref_slice %arg4[%mul3A_2] : memref<819200xi32, #tpu.memory_space<hbm>> -> memref<128xi32, #tpu.memory_space<hbm>>
      %dma_wait3A_41 = tpu.memref_slice %arg4[%mul3A_2] : memref<819200xi32, #tpu.memory_space<hbm>> -> memref<128xi32, #tpu.memory_space<hbm>>
      tpu.wait_dma2 semaphore(%run_scoped3A : memref<!tpu.dma_semaphore, #tpu.memory_space<semaphore_mem>>) src(%dma_wait3A_41 : memref<128xi32, #tpu.memory_space<hbm>>) dst(%arg15 : memref<128xi32, #tpu.memory_space<vmem>>)
      tpu.yield
    }) : () -> ()
    %dma_start3A = arith.constant 0 : i32
    %dma_start3A_11 = arith.constant 0 : i32
    %dma_start3A_12 = tpu.memref_slice %arg5[%dma_start3A, %dma_start3A_11] : memref<100000x128xf32, #tpu.memory_space<hbm>> -> memref<100000x128xf32, #tpu.memory_space<hbm>>
    tpu.enqueue_indirect_dma source(%dma_start3A_12 : memref<100000x128xf32, #tpu.memory_space<hbm>>) target(%arg17 : memref<128x128xf32, #tpu.memory_space<vmem>>) offsets(%arg11 : memref<128xi32, #tpu.memory_space<vmem>>) semaphore(%arg23 : memref<!tpu.dma_semaphore, #tpu.memory_space<semaphore_mem>>)
    %dma_start3A_13 = arith.constant 0 : i32
    %dma_start3A_14 = arith.constant 0 : i32
    %dma_start3A_15 = tpu.memref_slice %arg9[%dma_start3A_13, %dma_start3A_14] : memref<2048x128xf32, #tpu.memory_space<vmem_shared>> -> memref<2048x128xf32, #tpu.memory_space<vmem_shared>>
    tpu.enqueue_indirect_dma source(%dma_start3A_15 : memref<2048x128xf32, #tpu.memory_space<vmem_shared>>) target(%arg19 : memref<128x128xf32, #tpu.memory_space<vmem>>) offsets(%arg13 : memref<128xi32, #tpu.memory_space<vmem>>) semaphore(%arg25 : memref<!tpu.dma_semaphore, #tpu.memory_space<semaphore_mem>>)
    %dma_start3A_16 = arith.constant 0 : i32
    %dma_start3A_17 = arith.constant 0 : i32
    %dma_start3A_18 = tpu.memref_slice %arg10[%dma_start3A_16, %dma_start3A_17] : memref<256x128xf32, #tpu.memory_space<vmem_shared>> -> memref<256x128xf32, #tpu.memory_space<vmem_shared>>
    tpu.enqueue_indirect_dma source(%dma_start3A_18 : memref<256x128xf32, #tpu.memory_space<vmem_shared>>) target(%arg21 : memref<128x128xf32, #tpu.memory_space<vmem>>) offsets(%arg15 : memref<128xi32, #tpu.memory_space<vmem>>) semaphore(%arg27 : memref<!tpu.dma_semaphore, #tpu.memory_space<semaphore_mem>>)
    %add3A_19 = arith.constant 128 : i32
    %add3A_20 = arith.addi %mul3A_2, %add3A_19 : i32
    %dma_start3A_21 = tpu.memref_slice %arg2[%add3A_20] : memref<819200xi32, #tpu.memory_space<hbm>> -> memref<128xi32, #tpu.memory_space<hbm>>
    %dma_start3A_22 = tpu.memref_slice %arg2[%add3A_20] : memref<819200xi32, #tpu.memory_space<hbm>> -> memref<128xi32, #tpu.memory_space<hbm>>
    tpu.enqueue_dma source(%dma_start3A_22 : memref<128xi32, #tpu.memory_space<hbm>>) target(%arg12 : memref<128xi32, #tpu.memory_space<vmem>>) target_semaphore(%arg30 : memref<!tpu.dma_semaphore, #tpu.memory_space<semaphore_mem>>)
    %dma_start3A_23 = tpu.memref_slice %arg3[%add3A_20] : memref<819200xi32, #tpu.memory_space<hbm>> -> memref<128xi32, #tpu.memory_space<hbm>>
    %dma_start3A_24 = tpu.memref_slice %arg3[%add3A_20] : memref<819200xi32, #tpu.memory_space<hbm>> -> memref<128xi32, #tpu.memory_space<hbm>>
    tpu.enqueue_dma source(%dma_start3A_24 : memref<128xi32, #tpu.memory_space<hbm>>) target(%arg14 : memref<128xi32, #tpu.memory_space<vmem>>) target_semaphore(%arg30 : memref<!tpu.dma_semaphore, #tpu.memory_space<semaphore_mem>>)
    %dma_start3A_25 = tpu.memref_slice %arg4[%add3A_20] : memref<819200xi32, #tpu.memory_space<hbm>> -> memref<128xi32, #tpu.memory_space<hbm>>
    %dma_start3A_26 = tpu.memref_slice %arg4[%add3A_20] : memref<819200xi32, #tpu.memory_space<hbm>> -> memref<128xi32, #tpu.memory_space<hbm>>
    tpu.enqueue_dma source(%dma_start3A_26 : memref<128xi32, #tpu.memory_space<hbm>>) target(%arg16 : memref<128xi32, #tpu.memory_space<vmem>>) target_semaphore(%arg30 : memref<!tpu.dma_semaphore, #tpu.memory_space<semaphore_mem>>)
    %scan3A = arith.constant 0 : i32
    %scan3A_27 = arith.constant 100 : i32
    %scan3A_28 = arith.addi %scan3A, %scan3A_27 : i32
    %scan3A_29 = arith.constant 1 : i32
    scf.for %scan3A_38 = %scan3A to %scan3A_28 step %scan3A_29  : i32 {
      %mul3A_39 = arith.constant 2 : i32
      %mul3A_40 = arith.muli %mul3A_39, %scan3A_38 : i32
      %add3A_41 = arith.constant 0 : i32
      %add3A_42 = arith.addi %mul3A_40, %add3A_41 : i32
      %dma_wait3A_43 = arith.constant 0 : i32
      %dma_wait3A_44 = arith.constant 0 : i32
      %dma_wait3A_45 = tpu.memref_slice %arg5[%dma_wait3A_43, %dma_wait3A_44] : memref<100000x128xf32, #tpu.memory_space<hbm>> -> memref<100000x128xf32, #tpu.memory_space<hbm>>
      tpu.wait_indirect_dma semaphore(%arg23 : memref<!tpu.dma_semaphore, #tpu.memory_space<semaphore_mem>>) src(%dma_wait3A_45 : memref<100000x128xf32, #tpu.memory_space<hbm>>) dst(%arg17 : memref<128x128xf32, #tpu.memory_space<vmem>>)
      %dma_wait3A_46 = arith.constant 0 : i32
      %dma_wait3A_47 = arith.constant 0 : i32
      %dma_wait3A_48 = tpu.memref_slice %arg9[%dma_wait3A_46, %dma_wait3A_47] : memref<2048x128xf32, #tpu.memory_space<vmem_shared>> -> memref<2048x128xf32, #tpu.memory_space<vmem_shared>>
      tpu.wait_indirect_dma semaphore(%arg25 : memref<!tpu.dma_semaphore, #tpu.memory_space<semaphore_mem>>) src(%dma_wait3A_48 : memref<2048x128xf32, #tpu.memory_space<vmem_shared>>) dst(%arg19 : memref<128x128xf32, #tpu.memory_space<vmem>>)
      %dma_wait3A_49 = arith.constant 0 : i32
      %dma_wait3A_50 = arith.constant 0 : i32
      %dma_wait3A_51 = tpu.memref_slice %arg10[%dma_wait3A_49, %dma_wait3A_50] : memref<256x128xf32, #tpu.memory_space<vmem_shared>> -> memref<256x128xf32, #tpu.memory_space<vmem_shared>>
      tpu.wait_indirect_dma semaphore(%arg27 : memref<!tpu.dma_semaphore, #tpu.memory_space<semaphore_mem>>) src(%dma_wait3A_51 : memref<256x128xf32, #tpu.memory_space<vmem_shared>>) dst(%arg21 : memref<128x128xf32, #tpu.memory_space<vmem>>)
      %lt3A = arith.constant 198 : i32
      %lt3A_52 = arith.cmpi slt, %add3A_42, %lt3A : i32
      %convert_element_type3A = arith.extui %lt3A_52 : i1 to i32
      %cond3A = arith.constant 0 : i32
      %cond3A_53 = arith.cmpi ne, %convert_element_type3A, %cond3A : i32
      scf.if %cond3A_53 {
        %add3A_369 = arith.constant 2 : i32
        %add3A_370 = arith.addi %add3A_42, %add3A_369 : i32
        %mul3A_371 = arith.constant 128 : i32
        %mul3A_372 = arith.muli %add3A_370, %mul3A_371 : i32
        %add3A_373 = arith.addi %mul3A_2, %mul3A_372 : i32
        %dma_start3A_374 = tpu.memref_slice %arg2[%add3A_373] : memref<819200xi32, #tpu.memory_space<hbm>> -> memref<128xi32, #tpu.memory_space<hbm>>
        %dma_start3A_375 = tpu.memref_slice %arg2[%add3A_373] : memref<819200xi32, #tpu.memory_space<hbm>> -> memref<128xi32, #tpu.memory_space<hbm>>
        tpu.enqueue_dma source(%dma_start3A_375 : memref<128xi32, #tpu.memory_space<hbm>>) target(%arg11 : memref<128xi32, #tpu.memory_space<vmem>>) target_semaphore(%arg29 : memref<!tpu.dma_semaphore, #tpu.memory_space<semaphore_mem>>)
        %dma_start3A_376 = tpu.memref_slice %arg3[%add3A_373] : memref<819200xi32, #tpu.memory_space<hbm>> -> memref<128xi32, #tpu.memory_space<hbm>>
        %dma_start3A_377 = tpu.memref_slice %arg3[%add3A_373] : memref<819200xi32, #tpu.memory_space<hbm>> -> memref<128xi32, #tpu.memory_space<hbm>>
        tpu.enqueue_dma source(%dma_start3A_377 : memref<128xi32, #tpu.memory_space<hbm>>) target(%arg13 : memref<128xi32, #tpu.memory_space<vmem>>) target_semaphore(%arg29 : memref<!tpu.dma_semaphore, #tpu.memory_space<semaphore_mem>>)
        %dma_start3A_378 = tpu.memref_slice %arg4[%add3A_373] : memref<819200xi32, #tpu.memory_space<hbm>> -> memref<128xi32, #tpu.memory_space<hbm>>
        %dma_start3A_379 = tpu.memref_slice %arg4[%add3A_373] : memref<819200xi32, #tpu.memory_space<hbm>> -> memref<128xi32, #tpu.memory_space<hbm>>
        tpu.enqueue_dma source(%dma_start3A_379 : memref<128xi32, #tpu.memory_space<hbm>>) target(%arg15 : memref<128xi32, #tpu.memory_space<vmem>>) target_semaphore(%arg29 : memref<!tpu.dma_semaphore, #tpu.memory_space<semaphore_mem>>)
      } else {
      }
      %lt3A_54 = arith.constant 199 : i32
      %lt3A_55 = arith.cmpi slt, %add3A_42, %lt3A_54 : i32
      %convert_element_type3A_56 = arith.extui %lt3A_55 : i1 to i32
      %cond3A_57 = arith.constant 0 : i32
      %cond3A_58 = arith.cmpi ne, %convert_element_type3A_56, %cond3A_57 : i32
      scf.if %cond3A_58 {
        %dma_wait3A_369 = tpu.memref_slice %arg2[%mul3A_2] : memref<819200xi32, #tpu.memory_space<hbm>> -> memref<128xi32, #tpu.memory_space<hbm>>
        %dma_wait3A_370 = tpu.memref_slice %arg2[%mul3A_2] : memref<819200xi32, #tpu.memory_space<hbm>> -> memref<128xi32, #tpu.memory_space<hbm>>
        tpu.wait_dma2 semaphore(%arg30 : memref<!tpu.dma_semaphore, #tpu.memory_space<semaphore_mem>>) src(%dma_wait3A_370 : memref<128xi32, #tpu.memory_space<hbm>>) dst(%arg12 : memref<128xi32, #tpu.memory_space<vmem>>)
        %dma_wait3A_371 = tpu.memref_slice %arg3[%mul3A_2] : memref<819200xi32, #tpu.memory_space<hbm>> -> memref<128xi32, #tpu.memory_space<hbm>>
        %dma_wait3A_372 = tpu.memref_slice %arg3[%mul3A_2] : memref<819200xi32, #tpu.memory_space<hbm>> -> memref<128xi32, #tpu.memory_space<hbm>>
        tpu.wait_dma2 semaphore(%arg30 : memref<!tpu.dma_semaphore, #tpu.memory_space<semaphore_mem>>) src(%dma_wait3A_372 : memref<128xi32, #tpu.memory_space<hbm>>) dst(%arg14 : memref<128xi32, #tpu.memory_space<vmem>>)
        %dma_wait3A_373 = tpu.memref_slice %arg4[%mul3A_2] : memref<819200xi32, #tpu.memory_space<hbm>> -> memref<128xi32, #tpu.memory_space<hbm>>
        %dma_wait3A_374 = tpu.memref_slice %arg4[%mul3A_2] : memref<819200xi32, #tpu.memory_space<hbm>> -> memref<128xi32, #tpu.memory_space<hbm>>
        tpu.wait_dma2 semaphore(%arg30 : memref<!tpu.dma_semaphore, #tpu.memory_space<semaphore_mem>>) src(%dma_wait3A_374 : memref<128xi32, #tpu.memory_space<hbm>>) dst(%arg16 : memref<128xi32, #tpu.memory_space<vmem>>)
        %dma_start3A_375 = arith.constant 0 : i32
        %dma_start3A_376 = arith.constant 0 : i32
        %dma_start3A_377 = tpu.memref_slice %arg9[%dma_start3A_375, %dma_start3A_376] : memref<2048x128xf32, #tpu.memory_space<vmem_shared>> -> memref<2048x128xf32, #tpu.memory_space<vmem_shared>>
        tpu.enqueue_indirect_dma source(%dma_start3A_377 : memref<2048x128xf32, #tpu.memory_space<vmem_shared>>) target(%arg20 : memref<128x128xf32, #tpu.memory_space<vmem>>) offsets(%arg14 : memref<128xi32, #tpu.memory_space<vmem>>) semaphore(%arg26 : memref<!tpu.dma_semaphore, #tpu.memory_space<semaphore_mem>>)
        %dma_start3A_378 = arith.constant 0 : i32
        %dma_start3A_379 = arith.constant 0 : i32
        %dma_start3A_380 = tpu.memref_slice %arg10[%dma_start3A_378, %dma_start3A_379] : memref<256x128xf32, #tpu.memory_space<vmem_shared>> -> memref<256x128xf32, #tpu.memory_space<vmem_shared>>
        tpu.enqueue_indirect_dma source(%dma_start3A_380 : memref<256x128xf32, #tpu.memory_space<vmem_shared>>) target(%arg22 : memref<128x128xf32, #tpu.memory_space<vmem>>) offsets(%arg16 : memref<128xi32, #tpu.memory_space<vmem>>) semaphore(%arg28 : memref<!tpu.dma_semaphore, #tpu.memory_space<semaphore_mem>>)
        %ge3A = arith.constant 1 : i32
        %ge3A_381 = arith.cmpi sge, %add3A_42, %ge3A : i32
        %convert_element_type3A_382 = arith.extui %ge3A_381 : i1 to i32
        %cond3A_383 = arith.constant 0 : i32
        %cond3A_384 = arith.cmpi ne, %convert_element_type3A_382, %cond3A_383 : i32
        scf.if %cond3A_384 {
          %dma_wait3A_388 = arith.constant 0 : i32
          %dma_wait3A_389 = tpu.memref_slice %arg8[%mul3A_2, %dma_wait3A_388] : memref<819200x128xf32, #tpu.memory_space<hbm>> -> memref<128x128xf32, #tpu.memory_space<hbm>>
          %dma_wait3A_390 = arith.constant 0 : i32
          %dma_wait3A_391 = tpu.memref_slice %arg8[%mul3A_2, %dma_wait3A_390] : memref<819200x128xf32, #tpu.memory_space<hbm>> -> memref<128x128xf32, #tpu.memory_space<hbm>>
          tpu.wait_dma2 semaphore(%arg32 : memref<!tpu.dma_semaphore, #tpu.memory_space<semaphore_mem>>) src(%arg18 : memref<128x128xf32, #tpu.memory_space<vmem>>) dst(%dma_wait3A_391 : memref<128x128xf32, #tpu.memory_space<hbm>>)
        } else {
        }
        %dma_start3A_385 = arith.constant 0 : i32
        %dma_start3A_386 = arith.constant 0 : i32
        %dma_start3A_387 = tpu.memref_slice %arg5[%dma_start3A_385, %dma_start3A_386] : memref<100000x128xf32, #tpu.memory_space<hbm>> -> memref<100000x128xf32, #tpu.memory_space<hbm>>
        tpu.enqueue_indirect_dma source(%dma_start3A_387 : memref<100000x128xf32, #tpu.memory_space<hbm>>) target(%arg18 : memref<128x128xf32, #tpu.memory_space<vmem>>) offsets(%arg12 : memref<128xi32, #tpu.memory_space<vmem>>) semaphore(%arg24 : memref<!tpu.dma_semaphore, #tpu.memory_space<semaphore_mem>>)
      } else {
      }
      %parallel_loop3A = arith.constant 0 : i32
      %parallel_loop3A_59 = arith.constant 16 : i32
      %parallel_loop3A_60 = arith.constant 1 : i32
      scf.for %parallel_loop3A_369 = %parallel_loop3A to %parallel_loop3A_59 step %parallel_loop3A_60  : i32 {
        %parallel_loop3A_370 = arith.index_cast %parallel_loop3A_369 : i32 to index
        %parallel_loop3A_371 = arith.constant 0 : index
        %parallel_loop3A_372 = tpu.vector_load %arg19[%parallel_loop3A_370, %parallel_loop3A_371] {strides = array<i32>} : memref<128x128xf32, #tpu.memory_space<vmem>>, vector<1x16xf32>,
        %parallel_loop3A_373 = vector.shape_cast %parallel_loop3A_372 : vector<1x16xf32> to vector<16xf32>
        %parallel_loop3A_374 = arith.index_cast %parallel_loop3A_369 : i32 to index
        %parallel_loop3A_375 = arith.constant 0 : index
        %parallel_loop3A_376 = tpu.vector_load %arg21[%parallel_loop3A_374, %parallel_loop3A_375] {strides = array<i32>} : memref<128x128xf32, #tpu.memory_space<vmem>>, vector<1x16xf32>,
        %parallel_loop3A_377 = vector.shape_cast %parallel_loop3A_376 : vector<1x16xf32> to vector<16xf32>
        %parallel_loop3A_378 = arith.addf %parallel_loop3A_373, %parallel_loop3A_377 : vector<16xf32>
        %parallel_loop3A_379 = arith.index_cast %parallel_loop3A_369 : i32 to index
        %parallel_loop3A_380 = arith.constant 0 : index
        %parallel_loop3A_381 = tpu.vector_load %arg17[%parallel_loop3A_379, %parallel_loop3A_380] {strides = array<i32>} : memref<128x128xf32, #tpu.memory_space<vmem>>, vector<1x16xf32>,
        %parallel_loop3A_382 = vector.shape_cast %parallel_loop3A_381 : vector<1x16xf32> to vector<16xf32>
        %parallel_loop3A_383 = vector.shape_cast %parallel_loop3A_378 : vector<16xf32> to vector<1x16xf32>
        tpu.vector_store %arg17[%parallel_loop3A_379, %parallel_loop3A_380], %parallel_loop3A_383 {add = true, strides = array<i32>} : memref<128x128xf32, #tpu.memory_space<vmem>>, vector<1x16xf32>,
        %parallel_loop3A_384 = arith.index_cast %parallel_loop3A_369 : i32 to index
        %parallel_loop3A_385 = arith.constant 16 : index
        %parallel_loop3A_386 = tpu.vector_load %arg19[%parallel_loop3A_384, %parallel_loop3A_385] {strides = array<i32>} : memref<128x128xf32, #tpu.memory_space<vmem>>, vector<1x16xf32>,
        %parallel_loop3A_387 = vector.shape_cast %parallel_loop3A_386 : vector<1x16xf32> to vector<16xf32>
        %parallel_loop3A_388 = arith.index_cast %parallel_loop3A_369 : i32 to index
        %parallel_loop3A_389 = arith.constant 16 : index
        %parallel_loop3A_390 = tpu.vector_load %arg21[%parallel_loop3A_388, %parallel_loop3A_389] {strides = array<i32>} : memref<128x128xf32, #tpu.memory_space<vmem>>, vector<1x16xf32>,
        %parallel_loop3A_391 = vector.shape_cast %parallel_loop3A_390 : vector<1x16xf32> to vector<16xf32>
        %parallel_loop3A_392 = arith.addf %parallel_loop3A_387, %parallel_loop3A_391 : vector<16xf32>
        %parallel_loop3A_393 = arith.index_cast %parallel_loop3A_369 : i32 to index
        %parallel_loop3A_394 = arith.constant 16 : index
        %parallel_loop3A_395 = tpu.vector_load %arg17[%parallel_loop3A_393, %parallel_loop3A_394] {strides = array<i32>} : memref<128x128xf32, #tpu.memory_space<vmem>>, vector<1x16xf32>,
        %parallel_loop3A_396 = vector.shape_cast %parallel_loop3A_395 : vector<1x16xf32> to vector<16xf32>
        %parallel_loop3A_397 = vector.shape_cast %parallel_loop3A_392 : vector<16xf32> to vector<1x16xf32>
        tpu.vector_store %arg17[%parallel_loop3A_393, %parallel_loop3A_394], %parallel_loop3A_397 {add = true, strides = array<i32>} : memref<128x128xf32, #tpu.memory_space<vmem>>, vector<1x16xf32>,
        %parallel_loop3A_398 = arith.index_cast %parallel_loop3A_369 : i32 to index
        %parallel_loop3A_399 = arith.constant 32 : index
        %parallel_loop3A_400 = tpu.vector_load %arg19[%parallel_loop3A_398, %parallel_loop3A_399] {strides = array<i32>} : memref<128x128xf32, #tpu.memory_space<vmem>>, vector<1x16xf32>,
        %parallel_loop3A_401 = vector.shape_cast %parallel_loop3A_400 : vector<1x16xf32> to vector<16xf32>
        %parallel_loop3A_402 = arith.index_cast %parallel_loop3A_369 : i32 to index
        %parallel_loop3A_403 = arith.constant 32 : index
        %parallel_loop3A_404 = tpu.vector_load %arg21[%parallel_loop3A_402, %parallel_loop3A_403] {strides = array<i32>} : memref<128x128xf32, #tpu.memory_space<vmem>>, vector<1x16xf32>,
        %parallel_loop3A_405 = vector.shape_cast %parallel_loop3A_404 : vector<1x16xf32> to vector<16xf32>
        %parallel_loop3A_406 = arith.addf %parallel_loop3A_401, %parallel_loop3A_405 : vector<16xf32>
        %parallel_loop3A_407 = arith.index_cast %parallel_loop3A_369 : i32 to index
        %parallel_loop3A_408 = arith.constant 32 : index
        %parallel_loop3A_409 = tpu.vector_load %arg17[%parallel_loop3A_407, %parallel_loop3A_408] {strides = array<i32>} : memref<128x128xf32, #tpu.memory_space<vmem>>, vector<1x16xf32>,
        %parallel_loop3A_410 = vector.shape_cast %parallel_loop3A_409 : vector<1x16xf32> to vector<16xf32>
        %parallel_loop3A_411 = vector.shape_cast %parallel_loop3A_406 : vector<16xf32> to vector<1x16xf32>
        tpu.vector_store %arg17[%parallel_loop3A_407, %parallel_loop3A_408], %parallel_loop3A_411 {add = true, strides = array<i32>} : memref<128x128xf32, #tpu.memory_space<vmem>>, vector<1x16xf32>,
        %parallel_loop3A_412 = arith.index_cast %parallel_loop3A_369 : i32 to index
        %parallel_loop3A_413 = arith.constant 48 : index
        %parallel_loop3A_414 = tpu.vector_load %arg19[%parallel_loop3A_412, %parallel_loop3A_413] {strides = array<i32>} : memref<128x128xf32, #tpu.memory_space<vmem>>, vector<1x16xf32>,
        %parallel_loop3A_415 = vector.shape_cast %parallel_loop3A_414 : vector<1x16xf32> to vector<16xf32>
        %parallel_loop3A_416 = arith.index_cast %parallel_loop3A_369 : i32 to index
        %parallel_loop3A_417 = arith.constant 48 : index
        %parallel_loop3A_418 = tpu.vector_load %arg21[%parallel_loop3A_416, %parallel_loop3A_417] {strides = array<i32>} : memref<128x128xf32, #tpu.memory_space<vmem>>, vector<1x16xf32>,
        %parallel_loop3A_419 = vector.shape_cast %parallel_loop3A_418 : vector<1x16xf32> to vector<16xf32>
        %parallel_loop3A_420 = arith.addf %parallel_loop3A_415, %parallel_loop3A_419 : vector<16xf32>
        %parallel_loop3A_421 = arith.index_cast %parallel_loop3A_369 : i32 to index
        %parallel_loop3A_422 = arith.constant 48 : index
        %parallel_loop3A_423 = tpu.vector_load %arg17[%parallel_loop3A_421, %parallel_loop3A_422] {strides = array<i32>} : memref<128x128xf32, #tpu.memory_space<vmem>>, vector<1x16xf32>,
        %parallel_loop3A_424 = vector.shape_cast %parallel_loop3A_423 : vector<1x16xf32> to vector<16xf32>
        %parallel_loop3A_425 = vector.shape_cast %parallel_loop3A_420 : vector<16xf32> to vector<1x16xf32>
        tpu.vector_store %arg17[%parallel_loop3A_421, %parallel_loop3A_422], %parallel_loop3A_425 {add = true, strides = array<i32>} : memref<128x128xf32, #tpu.memory_space<vmem>>, vector<1x16xf32>,
        %parallel_loop3A_426 = arith.index_cast %parallel_loop3A_369 : i32 to index
        %parallel_loop3A_427 = arith.constant 64 : index
        %parallel_loop3A_428 = tpu.vector_load %arg19[%parallel_loop3A_426, %parallel_loop3A_427] {strides = array<i32>} : memref<128x128xf32, #tpu.memory_space<vmem>>, vector<1x16xf32>,
        %parallel_loop3A_429 = vector.shape_cast %parallel_loop3A_428 : vector<1x16xf32> to vector<16xf32>
        %parallel_loop3A_430 = arith.index_cast %parallel_loop3A_369 : i32 to index
        %parallel_loop3A_431 = arith.constant 64 : index
        %parallel_loop3A_432 = tpu.vector_load %arg21[%parallel_loop3A_430, %parallel_loop3A_431] {strides = array<i32>} : memref<128x128xf32, #tpu.memory_space<vmem>>, vector<1x16xf32>,
        %parallel_loop3A_433 = vector.shape_cast %parallel_loop3A_432 : vector<1x16xf32> to vector<16xf32>
        %parallel_loop3A_434 = arith.addf %parallel_loop3A_429, %parallel_loop3A_433 : vector<16xf32>
        %parallel_loop3A_435 = arith.index_cast %parallel_loop3A_369 : i32 to index
        %parallel_loop3A_436 = arith.constant 64 : index
        %parallel_loop3A_437 = tpu.vector_load %arg17[%parallel_loop3A_435, %parallel_loop3A_436] {strides = array<i32>} : memref<128x128xf32, #tpu.memory_space<vmem>>, vector<1x16xf32>,
        %parallel_loop3A_438 = vector.shape_cast %parallel_loop3A_437 : vector<1x16xf32> to vector<16xf32>
        %parallel_loop3A_439 = vector.shape_cast %parallel_loop3A_434 : vector<16xf32> to vector<1x16xf32>
        tpu.vector_store %arg17[%parallel_loop3A_435, %parallel_loop3A_436], %parallel_loop3A_439 {add = true, strides = array<i32>} : memref<128x128xf32, #tpu.memory_space<vmem>>, vector<1x16xf32>,
        %parallel_loop3A_440 = arith.index_cast %parallel_loop3A_369 : i32 to index
        %parallel_loop3A_441 = arith.constant 80 : index
        %parallel_loop3A_442 = tpu.vector_load %arg19[%parallel_loop3A_440, %parallel_loop3A_441] {strides = array<i32>} : memref<128x128xf32, #tpu.memory_space<vmem>>, vector<1x16xf32>,
        %parallel_loop3A_443 = vector.shape_cast %parallel_loop3A_442 : vector<1x16xf32> to vector<16xf32>
        %parallel_loop3A_444 = arith.index_cast %parallel_loop3A_369 : i32 to index
        %parallel_loop3A_445 = arith.constant 80 : index
        %parallel_loop3A_446 = tpu.vector_load %arg21[%parallel_loop3A_444, %parallel_loop3A_445] {strides = array<i32>} : memref<128x128xf32, #tpu.memory_space<vmem>>, vector<1x16xf32>,
        %parallel_loop3A_447 = vector.shape_cast %parallel_loop3A_446 : vector<1x16xf32> to vector<16xf32>
        %parallel_loop3A_448 = arith.addf %parallel_loop3A_443, %parallel_loop3A_447 : vector<16xf32>
        %parallel_loop3A_449 = arith.index_cast %parallel_loop3A_369 : i32 to index
        %parallel_loop3A_450 = arith.constant 80 : index
        %parallel_loop3A_451 = tpu.vector_load %arg17[%parallel_loop3A_449, %parallel_loop3A_450] {strides = array<i32>} : memref<128x128xf32, #tpu.memory_space<vmem>>, vector<1x16xf32>,
        %parallel_loop3A_452 = vector.shape_cast %parallel_loop3A_451 : vector<1x16xf32> to vector<16xf32>
        %parallel_loop3A_453 = vector.shape_cast %parallel_loop3A_448 : vector<16xf32> to vector<1x16xf32>
        tpu.vector_store %arg17[%parallel_loop3A_449, %parallel_loop3A_450], %parallel_loop3A_453 {add = true, strides = array<i32>} : memref<128x128xf32, #tpu.memory_space<vmem>>, vector<1x16xf32>,
        %parallel_loop3A_454 = arith.index_cast %parallel_loop3A_369 : i32 to index
        %parallel_loop3A_455 = arith.constant 96 : index
        %parallel_loop3A_456 = tpu.vector_load %arg19[%parallel_loop3A_454, %parallel_loop3A_455] {strides = array<i32>} : memref<128x128xf32, #tpu.memory_space<vmem>>, vector<1x16xf32>,
        %parallel_loop3A_457 = vector.shape_cast %parallel_loop3A_456 : vector<1x16xf32> to vector<16xf32>
        %parallel_loop3A_458 = arith.index_cast %parallel_loop3A_369 : i32 to index
        %parallel_loop3A_459 = arith.constant 96 : index
        %parallel_loop3A_460 = tpu.vector_load %arg21[%parallel_loop3A_458, %parallel_loop3A_459] {strides = array<i32>} : memref<128x128xf32, #tpu.memory_space<vmem>>, vector<1x16xf32>,
        %parallel_loop3A_461 = vector.shape_cast %parallel_loop3A_460 : vector<1x16xf32> to vector<16xf32>
        %parallel_loop3A_462 = arith.addf %parallel_loop3A_457, %parallel_loop3A_461 : vector<16xf32>
        %parallel_loop3A_463 = arith.index_cast %parallel_loop3A_369 : i32 to index
        %parallel_loop3A_464 = arith.constant 96 : index
        %parallel_loop3A_465 = tpu.vector_load %arg17[%parallel_loop3A_463, %parallel_loop3A_464] {strides = array<i32>} : memref<128x128xf32, #tpu.memory_space<vmem>>, vector<1x16xf32>,
        %parallel_loop3A_466 = vector.shape_cast %parallel_loop3A_465 : vector<1x16xf32> to vector<16xf32>
        %parallel_loop3A_467 = vector.shape_cast %parallel_loop3A_462 : vector<16xf32> to vector<1x16xf32>
        tpu.vector_store %arg17[%parallel_loop3A_463, %parallel_loop3A_464], %parallel_loop3A_467 {add = true, strides = array<i32>} : memref<128x128xf32, #tpu.memory_space<vmem>>, vector<1x16xf32>,
        %parallel_loop3A_468 = arith.index_cast %parallel_loop3A_369 : i32 to index
        %parallel_loop3A_469 = arith.constant 112 : index
        %parallel_loop3A_470 = tpu.vector_load %arg19[%parallel_loop3A_468, %parallel_loop3A_469] {strides = array<i32>} : memref<128x128xf32, #tpu.memory_space<vmem>>, vector<1x16xf32>,
        %parallel_loop3A_471 = vector.shape_cast %parallel_loop3A_470 : vector<1x16xf32> to vector<16xf32>
        %parallel_loop3A_472 = arith.index_cast %parallel_loop3A_369 : i32 to index
        %parallel_loop3A_473 = arith.constant 112 : index
        %parallel_loop3A_474 = tpu.vector_load %arg21[%parallel_loop3A_472, %parallel_loop3A_473] {strides = array<i32>} : memref<128x128xf32, #tpu.memory_space<vmem>>, vector<1x16xf32>,
        %parallel_loop3A_475 = vector.shape_cast %parallel_loop3A_474 : vector<1x16xf32> to vector<16xf32>
        %parallel_loop3A_476 = arith.addf %parallel_loop3A_471, %parallel_loop3A_475 : vector<16xf32>
        %parallel_loop3A_477 = arith.index_cast %parallel_loop3A_369 : i32 to index
        %parallel_loop3A_478 = arith.constant 112 : index
        %parallel_loop3A_479 = tpu.vector_load %arg17[%parallel_loop3A_477, %parallel_loop3A_478] {strides = array<i32>} : memref<128x128xf32, #tpu.memory_space<vmem>>, vector<1x16xf32>,
        %parallel_loop3A_480 = vector.shape_cast %parallel_loop3A_479 : vector<1x16xf32> to vector<16xf32>
        %parallel_loop3A_481 = vector.shape_cast %parallel_loop3A_476 : vector<16xf32> to vector<1x16xf32>
        tpu.vector_store %arg17[%parallel_loop3A_477, %parallel_loop3A_478], %parallel_loop3A_481 {add = true, strides = array<i32>} : memref<128x128xf32, #tpu.memory_space<vmem>>, vector<1x16xf32>,
      } {sc.loop_unroll_factor = 1 : i64, sc.parallel_access}
      %mul3A_61 = arith.constant 128 : i32
      %mul3A_62 = arith.muli %add3A_42, %mul3A_61 : i32
      %add3A_63 = arith.addi %mul3A_2, %mul3A_62 : i32
      %add3A_64 = arith.constant 0 : i32
      %add3A_65 = arith.addi %add3A_63, %add3A_64 : i32
      %dma_start3A_66 = arith.constant 0 : i32
      %dma_start3A_67 = arith.constant 0 : i32
      %dma_start3A_68 = tpu.memref_slice %arg17[%dma_start3A_66, %dma_start3A_67] : memref<128x128xf32, #tpu.memory_space<vmem>> -> memref<16x128xf32, #tpu.memory_space<vmem>>
      %dma_start3A_69 = arith.constant 0 : i32
      %dma_start3A_70 = tpu.memref_slice %arg8[%add3A_65, %dma_start3A_69] : memref<819200x128xf32, #tpu.memory_space<hbm>> -> memref<16x128xf32, #tpu.memory_space<hbm>>
      %dma_start3A_71 = arith.constant 0 : i32
      %dma_start3A_72 = tpu.memref_slice %arg8[%add3A_65, %dma_start3A_71] : memref<819200x128xf32, #tpu.memory_space<hbm>> -> memref<16x128xf32, #tpu.memory_space<hbm>>
      %dma_start3A_73 = arith.constant 0 : i32
      %dma_start3A_74 = arith.constant 0 : i32
      %dma_start3A_75 = tpu.memref_slice %arg17[%dma_start3A_73, %dma_start3A_74] : memref<128x128xf32, #tpu.memory_space<vmem>> -> memref<16x128xf32, #tpu.memory_space<vmem>>
      tpu.enqueue_dma source(%dma_start3A_75 : memref<16x128xf32, #tpu.memory_space<vmem>>) target(%dma_start3A_72 : memref<16x128xf32, #tpu.memory_space<hbm>>) target_semaphore(%arg31 : memref<!tpu.dma_semaphore, #tpu.memory_space<semaphore_mem>>)
      %parallel_loop3A_76 = arith.constant 16 : i32
      %parallel_loop3A_77 = arith.constant 32 : i32
      %parallel_loop3A_78 = arith.constant 1 : i32
      scf.for %parallel_loop3A_369 = %parallel_loop3A_76 to %parallel_loop3A_77 step %parallel_loop3A_78  : i32 {
        %parallel_loop3A_370 = arith.index_cast %parallel_loop3A_369 : i32 to index
        %parallel_loop3A_371 = arith.constant 0 : index
        %parallel_loop3A_372 = tpu.vector_load %arg19[%parallel_loop3A_370, %parallel_loop3A_371] {strides = array<i32>} : memref<128x128xf32, #tpu.memory_space<vmem>>, vector<1x16xf32>,
        %parallel_loop3A_373 = vector.shape_cast %parallel_loop3A_372 : vector<1x16xf32> to vector<16xf32>
        %parallel_loop3A_374 = arith.index_cast %parallel_loop3A_369 : i32 to index
        %parallel_loop3A_375 = arith.constant 0 : index
        %parallel_loop3A_376 = tpu.vector_load %arg21[%parallel_loop3A_374, %parallel_loop3A_375] {strides = array<i32>} : memref<128x128xf32, #tpu.memory_space<vmem>>, vector<1x16xf32>,
        %parallel_loop3A_377 = vector.shape_cast %parallel_loop3A_376 : vector<1x16xf32> to vector<16xf32>
        %parallel_loop3A_378 = arith.addf %parallel_loop3A_373, %parallel_loop3A_377 : vector<16xf32>
        %parallel_loop3A_379 = arith.index_cast %parallel_loop3A_369 : i32 to index
        %parallel_loop3A_380 = arith.constant 0 : index
        %parallel_loop3A_381 = tpu.vector_load %arg17[%parallel_loop3A_379, %parallel_loop3A_380] {strides = array<i32>} : memref<128x128xf32, #tpu.memory_space<vmem>>, vector<1x16xf32>,
        %parallel_loop3A_382 = vector.shape_cast %parallel_loop3A_381 : vector<1x16xf32> to vector<16xf32>
        %parallel_loop3A_383 = vector.shape_cast %parallel_loop3A_378 : vector<16xf32> to vector<1x16xf32>
        tpu.vector_store %arg17[%parallel_loop3A_379, %parallel_loop3A_380], %parallel_loop3A_383 {add = true, strides = array<i32>} : memref<128x128xf32, #tpu.memory_space<vmem>>, vector<1x16xf32>,
        %parallel_loop3A_384 = arith.index_cast %parallel_loop3A_369 : i32 to index
        %parallel_loop3A_385 = arith.constant 16 : index
        %parallel_loop3A_386 = tpu.vector_load %arg19[%parallel_loop3A_384, %parallel_loop3A_385] {strides = array<i32>} : memref<128x128xf32, #tpu.memory_space<vmem>>, vector<1x16xf32>,
        %parallel_loop3A_387 = vector.shape_cast %parallel_loop3A_386 : vector<1x16xf32> to vector<16xf32>
        %parallel_loop3A_388 = arith.index_cast %parallel_loop3A_369 : i32 to index
        %parallel_loop3A_389 = arith.constant 16 : index
        %parallel_loop3A_390 = tpu.vector_load %arg21[%parallel_loop3A_388, %parallel_loop3A_389] {strides = array<i32>} : memref<128x128xf32, #tpu.memory_space<vmem>>, vector<1x16xf32>,
        %parallel_loop3A_391 = vector.shape_cast %parallel_loop3A_390 : vector<1x16xf32> to vector<16xf32>
        %parallel_loop3A_392 = arith.addf %parallel_loop3A_387, %parallel_loop3A_391 : vector<16xf32>
        %parallel_loop3A_393 = arith.index_cast %parallel_loop3A_369 : i32 to index
        %parallel_loop3A_394 = arith.constant 16 : index
        %parallel_loop3A_395 = tpu.vector_load %arg17[%parallel_loop3A_393, %parallel_loop3A_394] {strides = array<i32>} : memref<128x128xf32, #tpu.memory_space<vmem>>, vector<1x16xf32>,
        %parallel_loop3A_396 = vector.shape_cast %parallel_loop3A_395 : vector<1x16xf32> to vector<16xf32>
        %parallel_loop3A_397 = vector.shape_cast %parallel_loop3A_392 : vector<16xf32> to vector<1x16xf32>
        tpu.vector_store %arg17[%parallel_loop3A_393, %parallel_loop3A_394], %parallel_loop3A_397 {add = true, strides = array<i32>} : memref<128x128xf32, #tpu.memory_space<vmem>>, vector<1x16xf32>,
        %parallel_loop3A_398 = arith.index_cast %parallel_loop3A_369 : i32 to index
        %parallel_loop3A_399 = arith.constant 32 : index
        %parallel_loop3A_400 = tpu.vector_load %arg19[%parallel_loop3A_398, %parallel_loop3A_399] {strides = array<i32>} : memref<128x128xf32, #tpu.memory_space<vmem>>, vector<1x16xf32>,
        %parallel_loop3A_401 = vector.shape_cast %parallel_loop3A_400 : vector<1x16xf32> to vector<16xf32>
        %parallel_loop3A_402 = arith.index_cast %parallel_loop3A_369 : i32 to index
        %parallel_loop3A_403 = arith.constant 32 : index
        %parallel_loop3A_404 = tpu.vector_load %arg21[%parallel_loop3A_402, %parallel_loop3A_403] {strides = array<i32>} : memref<128x128xf32, #tpu.memory_space<vmem>>, vector<1x16xf32>,
        %parallel_loop3A_405 = vector.shape_cast %parallel_loop3A_404 : vector<1x16xf32> to vector<16xf32>
        %parallel_loop3A_406 = arith.addf %parallel_loop3A_401, %parallel_loop3A_405 : vector<16xf32>
        %parallel_loop3A_407 = arith.index_cast %parallel_loop3A_369 : i32 to index
        %parallel_loop3A_408 = arith.constant 32 : index
        %parallel_loop3A_409 = tpu.vector_load %arg17[%parallel_loop3A_407, %parallel_loop3A_408] {strides = array<i32>} : memref<128x128xf32, #tpu.memory_space<vmem>>, vector<1x16xf32>,
        %parallel_loop3A_410 = vector.shape_cast %parallel_loop3A_409 : vector<1x16xf32> to vector<16xf32>
        %parallel_loop3A_411 = vector.shape_cast %parallel_loop3A_406 : vector<16xf32> to vector<1x16xf32>
        tpu.vector_store %arg17[%parallel_loop3A_407, %parallel_loop3A_408], %parallel_loop3A_411 {add = true, strides = array<i32>} : memref<128x128xf32, #tpu.memory_space<vmem>>, vector<1x16xf32>,
        %parallel_loop3A_412 = arith.index_cast %parallel_loop3A_369 : i32 to index
        %parallel_loop3A_413 = arith.constant 48 : index
        %parallel_loop3A_414 = tpu.vector_load %arg19[%parallel_loop3A_412, %parallel_loop3A_413] {strides = array<i32>} : memref<128x128xf32, #tpu.memory_space<vmem>>, vector<1x16xf32>,
        %parallel_loop3A_415 = vector.shape_cast %parallel_loop3A_414 : vector<1x16xf32> to vector<16xf32>
        %parallel_loop3A_416 = arith.index_cast %parallel_loop3A_369 : i32 to index
        %parallel_loop3A_417 = arith.constant 48 : index
        %parallel_loop3A_418 = tpu.vector_load %arg21[%parallel_loop3A_416, %parallel_loop3A_417] {strides = array<i32>} : memref<128x128xf32, #tpu.memory_space<vmem>>, vector<1x16xf32>,
        %parallel_loop3A_419 = vector.shape_cast %parallel_loop3A_418 : vector<1x16xf32> to vector<16xf32>
        %parallel_loop3A_420 = arith.addf %parallel_loop3A_415, %parallel_loop3A_419 : vector<16xf32>
        %parallel_loop3A_421 = arith.index_cast %parallel_loop3A_369 : i32 to index
        %parallel_loop3A_422 = arith.constant 48 : index
        %parallel_loop3A_423 = tpu.vector_load %arg17[%parallel_loop3A_421, %parallel_loop3A_422] {strides = array<i32>} : memref<128x128xf32, #tpu.memory_space<vmem>>, vector<1x16xf32>,
        %parallel_loop3A_424 = vector.shape_cast %parallel_loop3A_423 : vector<1x16xf32> to vector<16xf32>
        %parallel_loop3A_425 = vector.shape_cast %parallel_loop3A_420 : vector<16xf32> to vector<1x16xf32>
        tpu.vector_store %arg17[%parallel_loop3A_421, %parallel_loop3A_422], %parallel_loop3A_425 {add = true, strides = array<i32>} : memref<128x128xf32, #tpu.memory_space<vmem>>, vector<1x16xf32>,
        %parallel_loop3A_426 = arith.index_cast %parallel_loop3A_369 : i32 to index
        %parallel_loop3A_427 = arith.constant 64 : index
        %parallel_loop3A_428 = tpu.vector_load %arg19[%parallel_loop3A_426, %parallel_loop3A_427] {strides = array<i32>} : memref<128x128xf32, #tpu.memory_space<vmem>>, vector<1x16xf32>,
        %parallel_loop3A_429 = vector.shape_cast %parallel_loop3A_428 : vector<1x16xf32> to vector<16xf32>
        %parallel_loop3A_430 = arith.index_cast %parallel_loop3A_369 : i32 to index
        %parallel_loop3A_431 = arith.constant 64 : index
        %parallel_loop3A_432 = tpu.vector_load %arg21[%parallel_loop3A_430, %parallel_loop3A_431] {strides = array<i32>} : memref<128x128xf32, #tpu.memory_space<vmem>>, vector<1x16xf32>,
        %parallel_loop3A_433 = vector.shape_cast %parallel_loop3A_432 : vector<1x16xf32> to vector<16xf32>
        %parallel_loop3A_434 = arith.addf %parallel_loop3A_429, %parallel_loop3A_433 : vector<16xf32>
        %parallel_loop3A_435 = arith.index_cast %parallel_loop3A_369 : i32 to index
        %parallel_loop3A_436 = arith.constant 64 : index
        %parallel_loop3A_437 = tpu.vector_load %arg17[%parallel_loop3A_435, %parallel_loop3A_436] {strides = array<i32>} : memref<128x128xf32, #tpu.memory_space<vmem>>, vector<1x16xf32>,
        %parallel_loop3A_438 = vector.shape_cast %parallel_loop3A_437 : vector<1x16xf32> to vector<16xf32>
        %parallel_loop3A_439 = vector.shape_cast %parallel_loop3A_434 : vector<16xf32> to vector<1x16xf32>
        tpu.vector_store %arg17[%parallel_loop3A_435, %parallel_loop3A_436], %parallel_loop3A_439 {add = true, strides = array<i32>} : memref<128x128xf32, #tpu.memory_space<vmem>>, vector<1x16xf32>,
        %parallel_loop3A_440 = arith.index_cast %parallel_loop3A_369 : i32 to index
        %parallel_loop3A_441 = arith.constant 80 : index
        %parallel_loop3A_442 = tpu.vector_load %arg19[%parallel_loop3A_440, %parallel_loop3A_441] {strides = array<i32>} : memref<128x128xf32, #tpu.memory_space<vmem>>, vector<1x16xf32>,
        %parallel_loop3A_443 = vector.shape_cast %parallel_loop3A_442 : vector<1x16xf32> to vector<16xf32>
        %parallel_loop3A_444 = arith.index_cast %parallel_loop3A_369 : i32 to index
        %parallel_loop3A_445 = arith.constant 80 : index
        %parallel_loop3A_446 = tpu.vector_load %arg21[%parallel_loop3A_444, %parallel_loop3A_445] {strides = array<i32>} : memref<128x128xf32, #tpu.memory_space<vmem>>, vector<1x16xf32>,
        %parallel_loop3A_447 = vector.shape_cast %parallel_loop3A_446 : vector<1x16xf32> to vector<16xf32>
        %parallel_loop3A_448 = arith.addf %parallel_loop3A_443, %parallel_loop3A_447 : vector<16xf32>
        %parallel_loop3A_449 = arith.index_cast %parallel_loop3A_369 : i32 to index
        %parallel_loop3A_450 = arith.constant 80 : index
        %parallel_loop3A_451 = tpu.vector_load %arg17[%parallel_loop3A_449, %parallel_loop3A_450] {strides = array<i32>} : memref<128x128xf32, #tpu.memory_space<vmem>>, vector<1x16xf32>,
        %parallel_loop3A_452 = vector.shape_cast %parallel_loop3A_451 : vector<1x16xf32> to vector<16xf32>
        %parallel_loop3A_453 = vector.shape_cast %parallel_loop3A_448 : vector<16xf32> to vector<1x16xf32>
        tpu.vector_store %arg17[%parallel_loop3A_449, %parallel_loop3A_450], %parallel_loop3A_453 {add = true, strides = array<i32>} : memref<128x128xf32, #tpu.memory_space<vmem>>, vector<1x16xf32>,
        %parallel_loop3A_454 = arith.index_cast %parallel_loop3A_369 : i32 to index
        %parallel_loop3A_455 = arith.constant 96 : index
        %parallel_loop3A_456 = tpu.vector_load %arg19[%parallel_loop3A_454, %parallel_loop3A_455] {strides = array<i32>} : memref<128x128xf32, #tpu.memory_space<vmem>>, vector<1x16xf32>,
        %parallel_loop3A_457 = vector.shape_cast %parallel_loop3A_456 : vector<1x16xf32> to vector<16xf32>
        %parallel_loop3A_458 = arith.index_cast %parallel_loop3A_369 : i32 to index
        %parallel_loop3A_459 = arith.constant 96 : index
        %parallel_loop3A_460 = tpu.vector_load %arg21[%parallel_loop3A_458, %parallel_loop3A_459] {strides = array<i32>} : memref<128x128xf32, #tpu.memory_space<vmem>>, vector<1x16xf32>,
        %parallel_loop3A_461 = vector.shape_cast %parallel_loop3A_460 : vector<1x16xf32> to vector<16xf32>
        %parallel_loop3A_462 = arith.addf %parallel_loop3A_457, %parallel_loop3A_461 : vector<16xf32>
        %parallel_loop3A_463 = arith.index_cast %parallel_loop3A_369 : i32 to index
        %parallel_loop3A_464 = arith.constant 96 : index
        %parallel_loop3A_465 = tpu.vector_load %arg17[%parallel_loop3A_463, %parallel_loop3A_464] {strides = array<i32>} : memref<128x128xf32, #tpu.memory_space<vmem>>, vector<1x16xf32>,
        %parallel_loop3A_466 = vector.shape_cast %parallel_loop3A_465 : vector<1x16xf32> to vector<16xf32>
        %parallel_loop3A_467 = vector.shape_cast %parallel_loop3A_462 : vector<16xf32> to vector<1x16xf32>
        tpu.vector_store %arg17[%parallel_loop3A_463, %parallel_loop3A_464], %parallel_loop3A_467 {add = true, strides = array<i32>} : memref<128x128xf32, #tpu.memory_space<vmem>>, vector<1x16xf32>,
        %parallel_loop3A_468 = arith.index_cast %parallel_loop3A_369 : i32 to index
        %parallel_loop3A_469 = arith.constant 112 : index
        %parallel_loop3A_470 = tpu.vector_load %arg19[%parallel_loop3A_468, %parallel_loop3A_469] {strides = array<i32>} : memref<128x128xf32, #tpu.memory_space<vmem>>, vector<1x16xf32>,
        %parallel_loop3A_471 = vector.shape_cast %parallel_loop3A_470 : vector<1x16xf32> to vector<16xf32>
        %parallel_loop3A_472 = arith.index_cast %parallel_loop3A_369 : i32 to index
        %parallel_loop3A_473 = arith.constant 112 : index
        %parallel_loop3A_474 = tpu.vector_load %arg21[%parallel_loop3A_472, %parallel_loop3A_473] {strides = array<i32>} : memref<128x128xf32, #tpu.memory_space<vmem>>, vector<1x16xf32>,
        %parallel_loop3A_475 = vector.shape_cast %parallel_loop3A_474 : vector<1x16xf32> to vector<16xf32>
        %parallel_loop3A_476 = arith.addf %parallel_loop3A_471, %parallel_loop3A_475 : vector<16xf32>
        %parallel_loop3A_477 = arith.index_cast %parallel_loop3A_369 : i32 to index
        %parallel_loop3A_478 = arith.constant 112 : index
        %parallel_loop3A_479 = tpu.vector_load %arg17[%parallel_loop3A_477, %parallel_loop3A_478] {strides = array<i32>} : memref<128x128xf32, #tpu.memory_space<vmem>>, vector<1x16xf32>,
        %parallel_loop3A_480 = vector.shape_cast %parallel_loop3A_479 : vector<1x16xf32> to vector<16xf32>
        %parallel_loop3A_481 = vector.shape_cast %parallel_loop3A_476 : vector<16xf32> to vector<1x16xf32>
        tpu.vector_store %arg17[%parallel_loop3A_477, %parallel_loop3A_478], %parallel_loop3A_481 {add = true, strides = array<i32>} : memref<128x128xf32, #tpu.memory_space<vmem>>, vector<1x16xf32>,
      } {sc.loop_unroll_factor = 1 : i64, sc.parallel_access}
      %mul3A_79 = arith.constant 128 : i32
      %mul3A_80 = arith.muli %add3A_42, %mul3A_79 : i32
      %add3A_81 = arith.addi %mul3A_2, %mul3A_80 : i32
      %add3A_82 = arith.constant 16 : i32
      %add3A_83 = arith.addi %add3A_81, %add3A_82 : i32
      %dma_start3A_84 = arith.constant 16 : i32
      %dma_start3A_85 = arith.constant 0 : i32
      %dma_start3A_86 = tpu.memref_slice %arg17[%dma_start3A_84, %dma_start3A_85] : memref<128x128xf32, #tpu.memory_space<vmem>> -> memref<16x128xf32, #tpu.memory_space<vmem>>
      %dma_start3A_87 = arith.constant 0 : i32
      %dma_start3A_88 = tpu.memref_slice %arg8[%add3A_83, %dma_start3A_87] : memref<819200x128xf32, #tpu.memory_space<hbm>> -> memref<16x128xf32, #tpu.memory_space<hbm>>
      %dma_start3A_89 = arith.constant 0 : i32
      %dma_start3A_90 = tpu.memref_slice %arg8[%add3A_83, %dma_start3A_89] : memref<819200x128xf32, #tpu.memory_space<hbm>> -> memref<16x128xf32, #tpu.memory_space<hbm>>
      %dma_start3A_91 = arith.constant 16 : i32
      %dma_start3A_92 = arith.constant 0 : i32
      %dma_start3A_93 = tpu.memref_slice %arg17[%dma_start3A_91, %dma_start3A_92] : memref<128x128xf32, #tpu.memory_space<vmem>> -> memref<16x128xf32, #tpu.memory_space<vmem>>
      tpu.enqueue_dma source(%dma_start3A_93 : memref<16x128xf32, #tpu.memory_space<vmem>>) target(%dma_start3A_90 : memref<16x128xf32, #tpu.memory_space<hbm>>) target_semaphore(%arg31 : memref<!tpu.dma_semaphore, #tpu.memory_space<semaphore_mem>>)
      %parallel_loop3A_94 = arith.constant 32 : i32
      %parallel_loop3A_95 = arith.constant 48 : i32
      %parallel_loop3A_96 = arith.constant 1 : i32
      scf.for %parallel_loop3A_369 = %parallel_loop3A_94 to %parallel_loop3A_95 step %parallel_loop3A_96  : i32 {
        %parallel_loop3A_370 = arith.index_cast %parallel_loop3A_369 : i32 to index
        %parallel_loop3A_371 = arith.constant 0 : index
        %parallel_loop3A_372 = tpu.vector_load %arg19[%parallel_loop3A_370, %parallel_loop3A_371] {strides = array<i32>} : memref<128x128xf32, #tpu.memory_space<vmem>>, vector<1x16xf32>,
        %parallel_loop3A_373 = vector.shape_cast %parallel_loop3A_372 : vector<1x16xf32> to vector<16xf32>
        %parallel_loop3A_374 = arith.index_cast %parallel_loop3A_369 : i32 to index
        %parallel_loop3A_375 = arith.constant 0 : index
        %parallel_loop3A_376 = tpu.vector_load %arg21[%parallel_loop3A_374, %parallel_loop3A_375] {strides = array<i32>} : memref<128x128xf32, #tpu.memory_space<vmem>>, vector<1x16xf32>,
        %parallel_loop3A_377 = vector.shape_cast %parallel_loop3A_376 : vector<1x16xf32> to vector<16xf32>
        %parallel_loop3A_378 = arith.addf %parallel_loop3A_373, %parallel_loop3A_377 : vector<16xf32>
        %parallel_loop3A_379 = arith.index_cast %parallel_loop3A_369 : i32 to index
        %parallel_loop3A_380 = arith.constant 0 : index
        %parallel_loop3A_381 = tpu.vector_load %arg17[%parallel_loop3A_379, %parallel_loop3A_380] {strides = array<i32>} : memref<128x128xf32, #tpu.memory_space<vmem>>, vector<1x16xf32>,
        %parallel_loop3A_382 = vector.shape_cast %parallel_loop3A_381 : vector<1x16xf32> to vector<16xf32>
        %parallel_loop3A_383 = vector.shape_cast %parallel_loop3A_378 : vector<16xf32> to vector<1x16xf32>
        tpu.vector_store %arg17[%parallel_loop3A_379, %parallel_loop3A_380], %parallel_loop3A_383 {add = true, strides = array<i32>} : memref<128x128xf32, #tpu.memory_space<vmem>>, vector<1x16xf32>,
        %parallel_loop3A_384 = arith.index_cast %parallel_loop3A_369 : i32 to index
        %parallel_loop3A_385 = arith.constant 16 : index
        %parallel_loop3A_386 = tpu.vector_load %arg19[%parallel_loop3A_384, %parallel_loop3A_385] {strides = array<i32>} : memref<128x128xf32, #tpu.memory_space<vmem>>, vector<1x16xf32>,
        %parallel_loop3A_387 = vector.shape_cast %parallel_loop3A_386 : vector<1x16xf32> to vector<16xf32>
        %parallel_loop3A_388 = arith.index_cast %parallel_loop3A_369 : i32 to index
        %parallel_loop3A_389 = arith.constant 16 : index
        %parallel_loop3A_390 = tpu.vector_load %arg21[%parallel_loop3A_388, %parallel_loop3A_389] {strides = array<i32>} : memref<128x128xf32, #tpu.memory_space<vmem>>, vector<1x16xf32>,
        %parallel_loop3A_391 = vector.shape_cast %parallel_loop3A_390 : vector<1x16xf32> to vector<16xf32>
        %parallel_loop3A_392 = arith.addf %parallel_loop3A_387, %parallel_loop3A_391 : vector<16xf32>
        %parallel_loop3A_393 = arith.index_cast %parallel_loop3A_369 : i32 to index
        %parallel_loop3A_394 = arith.constant 16 : index
        %parallel_loop3A_395 = tpu.vector_load %arg17[%parallel_loop3A_393, %parallel_loop3A_394] {strides = array<i32>} : memref<128x128xf32, #tpu.memory_space<vmem>>, vector<1x16xf32>,
        %parallel_loop3A_396 = vector.shape_cast %parallel_loop3A_395 : vector<1x16xf32> to vector<16xf32>
        %parallel_loop3A_397 = vector.shape_cast %parallel_loop3A_392 : vector<16xf32> to vector<1x16xf32>
        tpu.vector_store %arg17[%parallel_loop3A_393, %parallel_loop3A_394], %parallel_loop3A_397 {add = true, strides = array<i32>} : memref<128x128xf32, #tpu.memory_space<vmem>>, vector<1x16xf32>,
        %parallel_loop3A_398 = arith.index_cast %parallel_loop3A_369 : i32 to index
        %parallel_loop3A_399 = arith.constant 32 : index
        %parallel_loop3A_400 = tpu.vector_load %arg19[%parallel_loop3A_398, %parallel_loop3A_399] {strides = array<i32>} : memref<128x128xf32, #tpu.memory_space<vmem>>, vector<1x16xf32>,
        %parallel_loop3A_401 = vector.shape_cast %parallel_loop3A_400 : vector<1x16xf32> to vector<16xf32>
        %parallel_loop3A_402 = arith.index_cast %parallel_loop3A_369 : i32 to index
        %parallel_loop3A_403 = arith.constant 32 : index
        %parallel_loop3A_404 = tpu.vector_load %arg21[%parallel_loop3A_402, %parallel_loop3A_403] {strides = array<i32>} : memref<128x128xf32, #tpu.memory_space<vmem>>, vector<1x16xf32>,
        %parallel_loop3A_405 = vector.shape_cast %parallel_loop3A_404 : vector<1x16xf32> to vector<16xf32>
        %parallel_loop3A_406 = arith.addf %parallel_loop3A_401, %parallel_loop3A_405 : vector<16xf32>
        %parallel_loop3A_407 = arith.index_cast %parallel_loop3A_369 : i32 to index
        %parallel_loop3A_408 = arith.constant 32 : index
        %parallel_loop3A_409 = tpu.vector_load %arg17[%parallel_loop3A_407, %parallel_loop3A_408] {strides = array<i32>} : memref<128x128xf32, #tpu.memory_space<vmem>>, vector<1x16xf32>,
        %parallel_loop3A_410 = vector.shape_cast %parallel_loop3A_409 : vector<1x16xf32> to vector<16xf32>
        %parallel_loop3A_411 = vector.shape_cast %parallel_loop3A_406 : vector<16xf32> to vector<1x16xf32>
        tpu.vector_store %arg17[%parallel_loop3A_407, %parallel_loop3A_408], %parallel_loop3A_411 {add = true, strides = array<i32>} : memref<128x128xf32, #tpu.memory_space<vmem>>, vector<1x16xf32>,
        %parallel_loop3A_412 = arith.index_cast %parallel_loop3A_369 : i32 to index
        %parallel_loop3A_413 = arith.constant 48 : index
        %parallel_loop3A_414 = tpu.vector_load %arg19[%parallel_loop3A_412, %parallel_loop3A_413] {strides = array<i32>} : memref<128x128xf32, #tpu.memory_space<vmem>>, vector<1x16xf32>,
        %parallel_loop3A_415 = vector.shape_cast %parallel_loop3A_414 : vector<1x16xf32> to vector<16xf32>
        %parallel_loop3A_416 = arith.index_cast %parallel_loop3A_369 : i32 to index
        %parallel_loop3A_417 = arith.constant 48 : index
        %parallel_loop3A_418 = tpu.vector_load %arg21[%parallel_loop3A_416, %parallel_loop3A_417] {strides = array<i32>} : memref<128x128xf32, #tpu.memory_space<vmem>>, vector<1x16xf32>,
        %parallel_loop3A_419 = vector.shape_cast %parallel_loop3A_418 : vector<1x16xf32> to vector<16xf32>
        %parallel_loop3A_420 = arith.addf %parallel_loop3A_415, %parallel_loop3A_419 : vector<16xf32>
        %parallel_loop3A_421 = arith.index_cast %parallel_loop3A_369 : i32 to index
        %parallel_loop3A_422 = arith.constant 48 : index
        %parallel_loop3A_423 = tpu.vector_load %arg17[%parallel_loop3A_421, %parallel_loop3A_422] {strides = array<i32>} : memref<128x128xf32, #tpu.memory_space<vmem>>, vector<1x16xf32>,
        %parallel_loop3A_424 = vector.shape_cast %parallel_loop3A_423 : vector<1x16xf32> to vector<16xf32>
        %parallel_loop3A_425 = vector.shape_cast %parallel_loop3A_420 : vector<16xf32> to vector<1x16xf32>
        tpu.vector_store %arg17[%parallel_loop3A_421, %parallel_loop3A_422], %parallel_loop3A_425 {add = true, strides = array<i32>} : memref<128x128xf32, #tpu.memory_space<vmem>>, vector<1x16xf32>,
        %parallel_loop3A_426 = arith.index_cast %parallel_loop3A_369 : i32 to index
        %parallel_loop3A_427 = arith.constant 64 : index
        %parallel_loop3A_428 = tpu.vector_load %arg19[%parallel_loop3A_426, %parallel_loop3A_427] {strides = array<i32>} : memref<128x128xf32, #tpu.memory_space<vmem>>, vector<1x16xf32>,
        %parallel_loop3A_429 = vector.shape_cast %parallel_loop3A_428 : vector<1x16xf32> to vector<16xf32>
        %parallel_loop3A_430 = arith.index_cast %parallel_loop3A_369 : i32 to index
        %parallel_loop3A_431 = arith.constant 64 : index
        %parallel_loop3A_432 = tpu.vector_load %arg21[%parallel_loop3A_430, %parallel_loop3A_431] {strides = array<i32>} : memref<128x128xf32, #tpu.memory_space<vmem>>, vector<1x16xf32>,
        %parallel_loop3A_433 = vector.shape_cast %parallel_loop3A_432 : vector<1x16xf32> to vector<16xf32>
        %parallel_loop3A_434 = arith.addf %parallel_loop3A_429, %parallel_loop3A_433 : vector<16xf32>
        %parallel_loop3A_435 = arith.index_cast %parallel_loop3A_369 : i32 to index
        %parallel_loop3A_436 = arith.constant 64 : index
        %parallel_loop3A_437 = tpu.vector_load %arg17[%parallel_loop3A_435, %parallel_loop3A_436] {strides = array<i32>} : memref<128x128xf32, #tpu.memory_space<vmem>>, vector<1x16xf32>,
        %parallel_loop3A_438 = vector.shape_cast %parallel_loop3A_437 : vector<1x16xf32> to vector<16xf32>
        %parallel_loop3A_439 = vector.shape_cast %parallel_loop3A_434 : vector<16xf32> to vector<1x16xf32>
        tpu.vector_store %arg17[%parallel_loop3A_435, %parallel_loop3A_436], %parallel_loop3A_439 {add = true, strides = array<i32>} : memref<128x128xf32, #tpu.memory_space<vmem>>, vector<1x16xf32>,
        %parallel_loop3A_440 = arith.index_cast %parallel_loop3A_369 : i32 to index
        %parallel_loop3A_441 = arith.constant 80 : index
        %parallel_loop3A_442 = tpu.vector_load %arg19[%parallel_loop3A_440, %parallel_loop3A_441] {strides = array<i32>} : memref<128x128xf32, #tpu.memory_space<vmem>>, vector<1x16xf32>,
        %parallel_loop3A_443 = vector.shape_cast %parallel_loop3A_442 : vector<1x16xf32> to vector<16xf32>
        %parallel_loop3A_444 = arith.index_cast %parallel_loop3A_369 : i32 to index
        %parallel_loop3A_445 = arith.constant 80 : index
        %parallel_loop3A_446 = tpu.vector_load %arg21[%parallel_loop3A_444, %parallel_loop3A_445] {strides = array<i32>} : memref<128x128xf32, #tpu.memory_space<vmem>>, vector<1x16xf32>,
        %parallel_loop3A_447 = vector.shape_cast %parallel_loop3A_446 : vector<1x16xf32> to vector<16xf32>
        %parallel_loop3A_448 = arith.addf %parallel_loop3A_443, %parallel_loop3A_447 : vector<16xf32>
        %parallel_loop3A_449 = arith.index_cast %parallel_loop3A_369 : i32 to index
        %parallel_loop3A_450 = arith.constant 80 : index
        %parallel_loop3A_451 = tpu.vector_load %arg17[%parallel_loop3A_449, %parallel_loop3A_450] {strides = array<i32>} : memref<128x128xf32, #tpu.memory_space<vmem>>, vector<1x16xf32>,
        %parallel_loop3A_452 = vector.shape_cast %parallel_loop3A_451 : vector<1x16xf32> to vector<16xf32>
        %parallel_loop3A_453 = vector.shape_cast %parallel_loop3A_448 : vector<16xf32> to vector<1x16xf32>
        tpu.vector_store %arg17[%parallel_loop3A_449, %parallel_loop3A_450], %parallel_loop3A_453 {add = true, strides = array<i32>} : memref<128x128xf32, #tpu.memory_space<vmem>>, vector<1x16xf32>,
        %parallel_loop3A_454 = arith.index_cast %parallel_loop3A_369 : i32 to index
        %parallel_loop3A_455 = arith.constant 96 : index
        %parallel_loop3A_456 = tpu.vector_load %arg19[%parallel_loop3A_454, %parallel_loop3A_455] {strides = array<i32>} : memref<128x128xf32, #tpu.memory_space<vmem>>, vector<1x16xf32>,
        %parallel_loop3A_457 = vector.shape_cast %parallel_loop3A_456 : vector<1x16xf32> to vector<16xf32>
        %parallel_loop3A_458 = arith.index_cast %parallel_loop3A_369 : i32 to index
        %parallel_loop3A_459 = arith.constant 96 : index
        %parallel_loop3A_460 = tpu.vector_load %arg21[%parallel_loop3A_458, %parallel_loop3A_459] {strides = array<i32>} : memref<128x128xf32, #tpu.memory_space<vmem>>, vector<1x16xf32>,
        %parallel_loop3A_461 = vector.shape_cast %parallel_loop3A_460 : vector<1x16xf32> to vector<16xf32>
        %parallel_loop3A_462 = arith.addf %parallel_loop3A_457, %parallel_loop3A_461 : vector<16xf32>
        %parallel_loop3A_463 = arith.index_cast %parallel_loop3A_369 : i32 to index
        %parallel_loop3A_464 = arith.constant 96 : index
        %parallel_loop3A_465 = tpu.vector_load %arg17[%parallel_loop3A_463, %parallel_loop3A_464] {strides = array<i32>} : memref<128x128xf32, #tpu.memory_space<vmem>>, vector<1x16xf32>,
        %parallel_loop3A_466 = vector.shape_cast %parallel_loop3A_465 : vector<1x16xf32> to vector<16xf32>
        %parallel_loop3A_467 = vector.shape_cast %parallel_loop3A_462 : vector<16xf32> to vector<1x16xf32>
        tpu.vector_store %arg17[%parallel_loop3A_463, %parallel_loop3A_464], %parallel_loop3A_467 {add = true, strides = array<i32>} : memref<128x128xf32, #tpu.memory_space<vmem>>, vector<1x16xf32>,
        %parallel_loop3A_468 = arith.index_cast %parallel_loop3A_369 : i32 to index
        %parallel_loop3A_469 = arith.constant 112 : index
        %parallel_loop3A_470 = tpu.vector_load %arg19[%parallel_loop3A_468, %parallel_loop3A_469] {strides = array<i32>} : memref<128x128xf32, #tpu.memory_space<vmem>>, vector<1x16xf32>,
        %parallel_loop3A_471 = vector.shape_cast %parallel_loop3A_470 : vector<1x16xf32> to vector<16xf32>
        %parallel_loop3A_472 = arith.index_cast %parallel_loop3A_369 : i32 to index
        %parallel_loop3A_473 = arith.constant 112 : index
        %parallel_loop3A_474 = tpu.vector_load %arg21[%parallel_loop3A_472, %parallel_loop3A_473] {strides = array<i32>} : memref<128x128xf32, #tpu.memory_space<vmem>>, vector<1x16xf32>,
        %parallel_loop3A_475 = vector.shape_cast %parallel_loop3A_474 : vector<1x16xf32> to vector<16xf32>
        %parallel_loop3A_476 = arith.addf %parallel_loop3A_471, %parallel_loop3A_475 : vector<16xf32>
        %parallel_loop3A_477 = arith.index_cast %parallel_loop3A_369 : i32 to index
        %parallel_loop3A_478 = arith.constant 112 : index
        %parallel_loop3A_479 = tpu.vector_load %arg17[%parallel_loop3A_477, %parallel_loop3A_478] {strides = array<i32>} : memref<128x128xf32, #tpu.memory_space<vmem>>, vector<1x16xf32>,
        %parallel_loop3A_480 = vector.shape_cast %parallel_loop3A_479 : vector<1x16xf32> to vector<16xf32>
        %parallel_loop3A_481 = vector.shape_cast %parallel_loop3A_476 : vector<16xf32> to vector<1x16xf32>
        tpu.vector_store %arg17[%parallel_loop3A_477, %parallel_loop3A_478], %parallel_loop3A_481 {add = true, strides = array<i32>} : memref<128x128xf32, #tpu.memory_space<vmem>>, vector<1x16xf32>,
      } {sc.loop_unroll_factor = 1 : i64, sc.parallel_access}
      %mul3A_97 = arith.constant 128 : i32
      %mul3A_98 = arith.muli %add3A_42, %mul3A_97 : i32
      %add3A_99 = arith.addi %mul3A_2, %mul3A_98 : i32
      %add3A_100 = arith.constant 32 : i32
      %add3A_101 = arith.addi %add3A_99, %add3A_100 : i32
      %dma_start3A_102 = arith.constant 32 : i32
      %dma_start3A_103 = arith.constant 0 : i32
      %dma_start3A_104 = tpu.memref_slice %arg17[%dma_start3A_102, %dma_start3A_103] : memref<128x128xf32, #tpu.memory_space<vmem>> -> memref<16x128xf32, #tpu.memory_space<vmem>>
      %dma_start3A_105 = arith.constant 0 : i32
      %dma_start3A_106 = tpu.memref_slice %arg8[%add3A_101, %dma_start3A_105] : memref<819200x128xf32, #tpu.memory_space<hbm>> -> memref<16x128xf32, #tpu.memory_space<hbm>>
      %dma_start3A_107 = arith.constant 0 : i32
      %dma_start3A_108 = tpu.memref_slice %arg8[%add3A_101, %dma_start3A_107] : memref<819200x128xf32, #tpu.memory_space<hbm>> -> memref<16x128xf32, #tpu.memory_space<hbm>>
      %dma_start3A_109 = arith.constant 32 : i32
      %dma_start3A_110 = arith.constant 0 : i32
      %dma_start3A_111 = tpu.memref_slice %arg17[%dma_start3A_109, %dma_start3A_110] : memref<128x128xf32, #tpu.memory_space<vmem>> -> memref<16x128xf32, #tpu.memory_space<vmem>>
      tpu.enqueue_dma source(%dma_start3A_111 : memref<16x128xf32, #tpu.memory_space<vmem>>) target(%dma_start3A_108 : memref<16x128xf32, #tpu.memory_space<hbm>>) target_semaphore(%arg31 : memref<!tpu.dma_semaphore, #tpu.memory_space<semaphore_mem>>)
      %parallel_loop3A_112 = arith.constant 48 : i32
      %parallel_loop3A_113 = arith.constant 64 : i32
      %parallel_loop3A_114 = arith.constant 1 : i32
      scf.for %parallel_loop3A_369 = %parallel_loop3A_112 to %parallel_loop3A_113 step %parallel_loop3A_114  : i32 {
        %parallel_loop3A_370 = arith.index_cast %parallel_loop3A_369 : i32 to index
        %parallel_loop3A_371 = arith.constant 0 : index
        %parallel_loop3A_372 = tpu.vector_load %arg19[%parallel_loop3A_370, %parallel_loop3A_371] {strides = array<i32>} : memref<128x128xf32, #tpu.memory_space<vmem>>, vector<1x16xf32>,
        %parallel_loop3A_373 = vector.shape_cast %parallel_loop3A_372 : vector<1x16xf32> to vector<16xf32>
        %parallel_loop3A_374 = arith.index_cast %parallel_loop3A_369 : i32 to index
        %parallel_loop3A_375 = arith.constant 0 : index
        %parallel_loop3A_376 = tpu.vector_load %arg21[%parallel_loop3A_374, %parallel_loop3A_375] {strides = array<i32>} : memref<128x128xf32, #tpu.memory_space<vmem>>, vector<1x16xf32>,
        %parallel_loop3A_377 = vector.shape_cast %parallel_loop3A_376 : vector<1x16xf32> to vector<16xf32>
        %parallel_loop3A_378 = arith.addf %parallel_loop3A_373, %parallel_loop3A_377 : vector<16xf32>
        %parallel_loop3A_379 = arith.index_cast %parallel_loop3A_369 : i32 to index
        %parallel_loop3A_380 = arith.constant 0 : index
        %parallel_loop3A_381 = tpu.vector_load %arg17[%parallel_loop3A_379, %parallel_loop3A_380] {strides = array<i32>} : memref<128x128xf32, #tpu.memory_space<vmem>>, vector<1x16xf32>,
        %parallel_loop3A_382 = vector.shape_cast %parallel_loop3A_381 : vector<1x16xf32> to vector<16xf32>
        %parallel_loop3A_383 = vector.shape_cast %parallel_loop3A_378 : vector<16xf32> to vector<1x16xf32>
        tpu.vector_store %arg17[%parallel_loop3A_379, %parallel_loop3A_380], %parallel_loop3A_383 {add = true, strides = array<i32>} : memref<128x128xf32, #tpu.memory_space<vmem>>, vector<1x16xf32>,
        %parallel_loop3A_384 = arith.index_cast %parallel_loop3A_369 : i32 to index
        %parallel_loop3A_385 = arith.constant 16 : index
        %parallel_loop3A_386 = tpu.vector_load %arg19[%parallel_loop3A_384, %parallel_loop3A_385] {strides = array<i32>} : memref<128x128xf32, #tpu.memory_space<vmem>>, vector<1x16xf32>,
        %parallel_loop3A_387 = vector.shape_cast %parallel_loop3A_386 : vector<1x16xf32> to vector<16xf32>
        %parallel_loop3A_388 = arith.index_cast %parallel_loop3A_369 : i32 to index
        %parallel_loop3A_389 = arith.constant 16 : index
        %parallel_loop3A_390 = tpu.vector_load %arg21[%parallel_loop3A_388, %parallel_loop3A_389] {strides = array<i32>} : memref<128x128xf32, #tpu.memory_space<vmem>>, vector<1x16xf32>,
        %parallel_loop3A_391 = vector.shape_cast %parallel_loop3A_390 : vector<1x16xf32> to vector<16xf32>
        %parallel_loop3A_392 = arith.addf %parallel_loop3A_387, %parallel_loop3A_391 : vector<16xf32>
        %parallel_loop3A_393 = arith.index_cast %parallel_loop3A_369 : i32 to index
        %parallel_loop3A_394 = arith.constant 16 : index
        %parallel_loop3A_395 = tpu.vector_load %arg17[%parallel_loop3A_393, %parallel_loop3A_394] {strides = array<i32>} : memref<128x128xf32, #tpu.memory_space<vmem>>, vector<1x16xf32>,
        %parallel_loop3A_396 = vector.shape_cast %parallel_loop3A_395 : vector<1x16xf32> to vector<16xf32>
        %parallel_loop3A_397 = vector.shape_cast %parallel_loop3A_392 : vector<16xf32> to vector<1x16xf32>
        tpu.vector_store %arg17[%parallel_loop3A_393, %parallel_loop3A_394], %parallel_loop3A_397 {add = true, strides = array<i32>} : memref<128x128xf32, #tpu.memory_space<vmem>>, vector<1x16xf32>,
        %parallel_loop3A_398 = arith.index_cast %parallel_loop3A_369 : i32 to index
        %parallel_loop3A_399 = arith.constant 32 : index
        %parallel_loop3A_400 = tpu.vector_load %arg19[%parallel_loop3A_398, %parallel_loop3A_399] {strides = array<i32>} : memref<128x128xf32, #tpu.memory_space<vmem>>, vector<1x16xf32>,
        %parallel_loop3A_401 = vector.shape_cast %parallel_loop3A_400 : vector<1x16xf32> to vector<16xf32>
        %parallel_loop3A_402 = arith.index_cast %parallel_loop3A_369 : i32 to index
        %parallel_loop3A_403 = arith.constant 32 : index
        %parallel_loop3A_404 = tpu.vector_load %arg21[%parallel_loop3A_402, %parallel_loop3A_403] {strides = array<i32>} : memref<128x128xf32, #tpu.memory_space<vmem>>, vector<1x16xf32>,
        %parallel_loop3A_405 = vector.shape_cast %parallel_loop3A_404 : vector<1x16xf32> to vector<16xf32>
        %parallel_loop3A_406 = arith.addf %parallel_loop3A_401, %parallel_loop3A_405 : vector<16xf32>
        %parallel_loop3A_407 = arith.index_cast %parallel_loop3A_369 : i32 to index
        %parallel_loop3A_408 = arith.constant 32 : index
        %parallel_loop3A_409 = tpu.vector_load %arg17[%parallel_loop3A_407, %parallel_loop3A_408] {strides = array<i32>} : memref<128x128xf32, #tpu.memory_space<vmem>>, vector<1x16xf32>,
        %parallel_loop3A_410 = vector.shape_cast %parallel_loop3A_409 : vector<1x16xf32> to vector<16xf32>
        %parallel_loop3A_411 = vector.shape_cast %parallel_loop3A_406 : vector<16xf32> to vector<1x16xf32>
        tpu.vector_store %arg17[%parallel_loop3A_407, %parallel_loop3A_408], %parallel_loop3A_411 {add = true, strides = array<i32>} : memref<128x128xf32, #tpu.memory_space<vmem>>, vector<1x16xf32>,
        %parallel_loop3A_412 = arith.index_cast %parallel_loop3A_369 : i32 to index
        %parallel_loop3A_413 = arith.constant 48 : index
        %parallel_loop3A_414 = tpu.vector_load %arg19[%parallel_loop3A_412, %parallel_loop3A_413] {strides = array<i32>} : memref<128x128xf32, #tpu.memory_space<vmem>>, vector<1x16xf32>,
        %parallel_loop3A_415 = vector.shape_cast %parallel_loop3A_414 : vector<1x16xf32> to vector<16xf32>
        %parallel_loop3A_416 = arith.index_cast %parallel_loop3A_369 : i32 to index
        %parallel_loop3A_417 = arith.constant 48 : index
        %parallel_loop3A_418 = tpu.vector_load %arg21[%parallel_loop3A_416, %parallel_loop3A_417] {strides = array<i32>} : memref<128x128xf32, #tpu.memory_space<vmem>>, vector<1x16xf32>,
        %parallel_loop3A_419 = vector.shape_cast %parallel_loop3A_418 : vector<1x16xf32> to vector<16xf32>
        %parallel_loop3A_420 = arith.addf %parallel_loop3A_415, %parallel_loop3A_419 : vector<16xf32>
        %parallel_loop3A_421 = arith.index_cast %parallel_loop3A_369 : i32 to index
        %parallel_loop3A_422 = arith.constant 48 : index
        %parallel_loop3A_423 = tpu.vector_load %arg17[%parallel_loop3A_421, %parallel_loop3A_422] {strides = array<i32>} : memref<128x128xf32, #tpu.memory_space<vmem>>, vector<1x16xf32>,
        %parallel_loop3A_424 = vector.shape_cast %parallel_loop3A_423 : vector<1x16xf32> to vector<16xf32>
        %parallel_loop3A_425 = vector.shape_cast %parallel_loop3A_420 : vector<16xf32> to vector<1x16xf32>
        tpu.vector_store %arg17[%parallel_loop3A_421, %parallel_loop3A_422], %parallel_loop3A_425 {add = true, strides = array<i32>} : memref<128x128xf32, #tpu.memory_space<vmem>>, vector<1x16xf32>,
        %parallel_loop3A_426 = arith.index_cast %parallel_loop3A_369 : i32 to index
        %parallel_loop3A_427 = arith.constant 64 : index
        %parallel_loop3A_428 = tpu.vector_load %arg19[%parallel_loop3A_426, %parallel_loop3A_427] {strides = array<i32>} : memref<128x128xf32, #tpu.memory_space<vmem>>, vector<1x16xf32>,
        %parallel_loop3A_429 = vector.shape_cast %parallel_loop3A_428 : vector<1x16xf32> to vector<16xf32>
        %parallel_loop3A_430 = arith.index_cast %parallel_loop3A_369 : i32 to index
        %parallel_loop3A_431 = arith.constant 64 : index
        %parallel_loop3A_432 = tpu.vector_load %arg21[%parallel_loop3A_430, %parallel_loop3A_431] {strides = array<i32>} : memref<128x128xf32, #tpu.memory_space<vmem>>, vector<1x16xf32>,
        %parallel_loop3A_433 = vector.shape_cast %parallel_loop3A_432 : vector<1x16xf32> to vector<16xf32>
        %parallel_loop3A_434 = arith.addf %parallel_loop3A_429, %parallel_loop3A_433 : vector<16xf32>
        %parallel_loop3A_435 = arith.index_cast %parallel_loop3A_369 : i32 to index
        %parallel_loop3A_436 = arith.constant 64 : index
        %parallel_loop3A_437 = tpu.vector_load %arg17[%parallel_loop3A_435, %parallel_loop3A_436] {strides = array<i32>} : memref<128x128xf32, #tpu.memory_space<vmem>>, vector<1x16xf32>,
        %parallel_loop3A_438 = vector.shape_cast %parallel_loop3A_437 : vector<1x16xf32> to vector<16xf32>
        %parallel_loop3A_439 = vector.shape_cast %parallel_loop3A_434 : vector<16xf32> to vector<1x16xf32>
        tpu.vector_store %arg17[%parallel_loop3A_435, %parallel_loop3A_436], %parallel_loop3A_439 {add = true, strides = array<i32>} : memref<128x128xf32, #tpu.memory_space<vmem>>, vector<1x16xf32>,
        %parallel_loop3A_440 = arith.index_cast %parallel_loop3A_369 : i32 to index
        %parallel_loop3A_441 = arith.constant 80 : index
        %parallel_loop3A_442 = tpu.vector_load %arg19[%parallel_loop3A_440, %parallel_loop3A_441] {strides = array<i32>} : memref<128x128xf32, #tpu.memory_space<vmem>>, vector<1x16xf32>,
        %parallel_loop3A_443 = vector.shape_cast %parallel_loop3A_442 : vector<1x16xf32> to vector<16xf32>
        %parallel_loop3A_444 = arith.index_cast %parallel_loop3A_369 : i32 to index
        %parallel_loop3A_445 = arith.constant 80 : index
        %parallel_loop3A_446 = tpu.vector_load %arg21[%parallel_loop3A_444, %parallel_loop3A_445] {strides = array<i32>} : memref<128x128xf32, #tpu.memory_space<vmem>>, vector<1x16xf32>,
        %parallel_loop3A_447 = vector.shape_cast %parallel_loop3A_446 : vector<1x16xf32> to vector<16xf32>
        %parallel_loop3A_448 = arith.addf %parallel_loop3A_443, %parallel_loop3A_447 : vector<16xf32>
        %parallel_loop3A_449 = arith.index_cast %parallel_loop3A_369 : i32 to index
        %parallel_loop3A_450 = arith.constant 80 : index
        %parallel_loop3A_451 = tpu.vector_load %arg17[%parallel_loop3A_449, %parallel_loop3A_450] {strides = array<i32>} : memref<128x128xf32, #tpu.memory_space<vmem>>, vector<1x16xf32>,
        %parallel_loop3A_452 = vector.shape_cast %parallel_loop3A_451 : vector<1x16xf32> to vector<16xf32>
        %parallel_loop3A_453 = vector.shape_cast %parallel_loop3A_448 : vector<16xf32> to vector<1x16xf32>
        tpu.vector_store %arg17[%parallel_loop3A_449, %parallel_loop3A_450], %parallel_loop3A_453 {add = true, strides = array<i32>} : memref<128x128xf32, #tpu.memory_space<vmem>>, vector<1x16xf32>,
        %parallel_loop3A_454 = arith.index_cast %parallel_loop3A_369 : i32 to index
        %parallel_loop3A_455 = arith.constant 96 : index
        %parallel_loop3A_456 = tpu.vector_load %arg19[%parallel_loop3A_454, %parallel_loop3A_455] {strides = array<i32>} : memref<128x128xf32, #tpu.memory_space<vmem>>, vector<1x16xf32>,
        %parallel_loop3A_457 = vector.shape_cast %parallel_loop3A_456 : vector<1x16xf32> to vector<16xf32>
        %parallel_loop3A_458 = arith.index_cast %parallel_loop3A_369 : i32 to index
        %parallel_loop3A_459 = arith.constant 96 : index
        %parallel_loop3A_460 = tpu.vector_load %arg21[%parallel_loop3A_458, %parallel_loop3A_459] {strides = array<i32>} : memref<128x128xf32, #tpu.memory_space<vmem>>, vector<1x16xf32>,
        %parallel_loop3A_461 = vector.shape_cast %parallel_loop3A_460 : vector<1x16xf32> to vector<16xf32>
        %parallel_loop3A_462 = arith.addf %parallel_loop3A_457, %parallel_loop3A_461 : vector<16xf32>
        %parallel_loop3A_463 = arith.index_cast %parallel_loop3A_369 : i32 to index
        %parallel_loop3A_464 = arith.constant 96 : index
        %parallel_loop3A_465 = tpu.vector_load %arg17[%parallel_loop3A_463, %parallel_loop3A_464] {strides = array<i32>} : memref<128x128xf32, #tpu.memory_space<vmem>>, vector<1x16xf32>,
        %parallel_loop3A_466 = vector.shape_cast %parallel_loop3A_465 : vector<1x16xf32> to vector<16xf32>
        %parallel_loop3A_467 = vector.shape_cast %parallel_loop3A_462 : vector<16xf32> to vector<1x16xf32>
        tpu.vector_store %arg17[%parallel_loop3A_463, %parallel_loop3A_464], %parallel_loop3A_467 {add = true, strides = array<i32>} : memref<128x128xf32, #tpu.memory_space<vmem>>, vector<1x16xf32>,
        %parallel_loop3A_468 = arith.index_cast %parallel_loop3A_369 : i32 to index
        %parallel_loop3A_469 = arith.constant 112 : index
        %parallel_loop3A_470 = tpu.vector_load %arg19[%parallel_loop3A_468, %parallel_loop3A_469] {strides = array<i32>} : memref<128x128xf32, #tpu.memory_space<vmem>>, vector<1x16xf32>,
        %parallel_loop3A_471 = vector.shape_cast %parallel_loop3A_470 : vector<1x16xf32> to vector<16xf32>
        %parallel_loop3A_472 = arith.index_cast %parallel_loop3A_369 : i32 to index
        %parallel_loop3A_473 = arith.constant 112 : index
        %parallel_loop3A_474 = tpu.vector_load %arg21[%parallel_loop3A_472, %parallel_loop3A_473] {strides = array<i32>} : memref<128x128xf32, #tpu.memory_space<vmem>>, vector<1x16xf32>,
        %parallel_loop3A_475 = vector.shape_cast %parallel_loop3A_474 : vector<1x16xf32> to vector<16xf32>
        %parallel_loop3A_476 = arith.addf %parallel_loop3A_471, %parallel_loop3A_475 : vector<16xf32>
        %parallel_loop3A_477 = arith.index_cast %parallel_loop3A_369 : i32 to index
        %parallel_loop3A_478 = arith.constant 112 : index
        %parallel_loop3A_479 = tpu.vector_load %arg17[%parallel_loop3A_477, %parallel_loop3A_478] {strides = array<i32>} : memref<128x128xf32, #tpu.memory_space<vmem>>, vector<1x16xf32>,
        %parallel_loop3A_480 = vector.shape_cast %parallel_loop3A_479 : vector<1x16xf32> to vector<16xf32>
        %parallel_loop3A_481 = vector.shape_cast %parallel_loop3A_476 : vector<16xf32> to vector<1x16xf32>
        tpu.vector_store %arg17[%parallel_loop3A_477, %parallel_loop3A_478], %parallel_loop3A_481 {add = true, strides = array<i32>} : memref<128x128xf32, #tpu.memory_space<vmem>>, vector<1x16xf32>,
      } {sc.loop_unroll_factor = 1 : i64, sc.parallel_access}
      %mul3A_115 = arith.constant 128 : i32
      %mul3A_116 = arith.muli %add3A_42, %mul3A_115 : i32
      %add3A_117 = arith.addi %mul3A_2, %mul3A_116 : i32
      %add3A_118 = arith.constant 48 : i32
      %add3A_119 = arith.addi %add3A_117, %add3A_118 : i32
      %dma_start3A_120 = arith.constant 48 : i32
      %dma_start3A_121 = arith.constant 0 : i32
      %dma_start3A_122 = tpu.memref_slice %arg17[%dma_start3A_120, %dma_start3A_121] : memref<128x128xf32, #tpu.memory_space<vmem>> -> memref<16x128xf32, #tpu.memory_space<vmem>>
      %dma_start3A_123 = arith.constant 0 : i32
      %dma_start3A_124 = tpu.memref_slice %arg8[%add3A_119, %dma_start3A_123] : memref<819200x128xf32, #tpu.memory_space<hbm>> -> memref<16x128xf32, #tpu.memory_space<hbm>>
      %dma_start3A_125 = arith.constant 0 : i32
      %dma_start3A_126 = tpu.memref_slice %arg8[%add3A_119, %dma_start3A_125] : memref<819200x128xf32, #tpu.memory_space<hbm>> -> memref<16x128xf32, #tpu.memory_space<hbm>>
      %dma_start3A_127 = arith.constant 48 : i32
      %dma_start3A_128 = arith.constant 0 : i32
      %dma_start3A_129 = tpu.memref_slice %arg17[%dma_start3A_127, %dma_start3A_128] : memref<128x128xf32, #tpu.memory_space<vmem>> -> memref<16x128xf32, #tpu.memory_space<vmem>>
      tpu.enqueue_dma source(%dma_start3A_129 : memref<16x128xf32, #tpu.memory_space<vmem>>) target(%dma_start3A_126 : memref<16x128xf32, #tpu.memory_space<hbm>>) target_semaphore(%arg31 : memref<!tpu.dma_semaphore, #tpu.memory_space<semaphore_mem>>)
      %parallel_loop3A_130 = arith.constant 64 : i32
      %parallel_loop3A_131 = arith.constant 80 : i32
      %parallel_loop3A_132 = arith.constant 1 : i32
      scf.for %parallel_loop3A_369 = %parallel_loop3A_130 to %parallel_loop3A_131 step %parallel_loop3A_132  : i32 {
        %parallel_loop3A_370 = arith.index_cast %parallel_loop3A_369 : i32 to index
        %parallel_loop3A_371 = arith.constant 0 : index
        %parallel_loop3A_372 = tpu.vector_load %arg19[%parallel_loop3A_370, %parallel_loop3A_371] {strides = array<i32>} : memref<128x128xf32, #tpu.memory_space<vmem>>, vector<1x16xf32>,
        %parallel_loop3A_373 = vector.shape_cast %parallel_loop3A_372 : vector<1x16xf32> to vector<16xf32>
        %parallel_loop3A_374 = arith.index_cast %parallel_loop3A_369 : i32 to index
        %parallel_loop3A_375 = arith.constant 0 : index
        %parallel_loop3A_376 = tpu.vector_load %arg21[%parallel_loop3A_374, %parallel_loop3A_375] {strides = array<i32>} : memref<128x128xf32, #tpu.memory_space<vmem>>, vector<1x16xf32>,
        %parallel_loop3A_377 = vector.shape_cast %parallel_loop3A_376 : vector<1x16xf32> to vector<16xf32>
        %parallel_loop3A_378 = arith.addf %parallel_loop3A_373, %parallel_loop3A_377 : vector<16xf32>
        %parallel_loop3A_379 = arith.index_cast %parallel_loop3A_369 : i32 to index
        %parallel_loop3A_380 = arith.constant 0 : index
        %parallel_loop3A_381 = tpu.vector_load %arg17[%parallel_loop3A_379, %parallel_loop3A_380] {strides = array<i32>} : memref<128x128xf32, #tpu.memory_space<vmem>>, vector<1x16xf32>,
        %parallel_loop3A_382 = vector.shape_cast %parallel_loop3A_381 : vector<1x16xf32> to vector<16xf32>
        %parallel_loop3A_383 = vector.shape_cast %parallel_loop3A_378 : vector<16xf32> to vector<1x16xf32>
        tpu.vector_store %arg17[%parallel_loop3A_379, %parallel_loop3A_380], %parallel_loop3A_383 {add = true, strides = array<i32>} : memref<128x128xf32, #tpu.memory_space<vmem>>, vector<1x16xf32>,
        %parallel_loop3A_384 = arith.index_cast %parallel_loop3A_369 : i32 to index
        %parallel_loop3A_385 = arith.constant 16 : index
        %parallel_loop3A_386 = tpu.vector_load %arg19[%parallel_loop3A_384, %parallel_loop3A_385] {strides = array<i32>} : memref<128x128xf32, #tpu.memory_space<vmem>>, vector<1x16xf32>,
        %parallel_loop3A_387 = vector.shape_cast %parallel_loop3A_386 : vector<1x16xf32> to vector<16xf32>
        %parallel_loop3A_388 = arith.index_cast %parallel_loop3A_369 : i32 to index
        %parallel_loop3A_389 = arith.constant 16 : index
        %parallel_loop3A_390 = tpu.vector_load %arg21[%parallel_loop3A_388, %parallel_loop3A_389] {strides = array<i32>} : memref<128x128xf32, #tpu.memory_space<vmem>>, vector<1x16xf32>,
        %parallel_loop3A_391 = vector.shape_cast %parallel_loop3A_390 : vector<1x16xf32> to vector<16xf32>
        %parallel_loop3A_392 = arith.addf %parallel_loop3A_387, %parallel_loop3A_391 : vector<16xf32>
        %parallel_loop3A_393 = arith.index_cast %parallel_loop3A_369 : i32 to index
        %parallel_loop3A_394 = arith.constant 16 : index
        %parallel_loop3A_395 = tpu.vector_load %arg17[%parallel_loop3A_393, %parallel_loop3A_394] {strides = array<i32>} : memref<128x128xf32, #tpu.memory_space<vmem>>, vector<1x16xf32>,
        %parallel_loop3A_396 = vector.shape_cast %parallel_loop3A_395 : vector<1x16xf32> to vector<16xf32>
        %parallel_loop3A_397 = vector.shape_cast %parallel_loop3A_392 : vector<16xf32> to vector<1x16xf32>
        tpu.vector_store %arg17[%parallel_loop3A_393, %parallel_loop3A_394], %parallel_loop3A_397 {add = true, strides = array<i32>} : memref<128x128xf32, #tpu.memory_space<vmem>>, vector<1x16xf32>,
        %parallel_loop3A_398 = arith.index_cast %parallel_loop3A_369 : i32 to index
        %parallel_loop3A_399 = arith.constant 32 : index
        %parallel_loop3A_400 = tpu.vector_load %arg19[%parallel_loop3A_398, %parallel_loop3A_399] {strides = array<i32>} : memref<128x128xf32, #tpu.memory_space<vmem>>, vector<1x16xf32>,
        %parallel_loop3A_401 = vector.shape_cast %parallel_loop3A_400 : vector<1x16xf32> to vector<16xf32>
        %parallel_loop3A_402 = arith.index_cast %parallel_loop3A_369 : i32 to index
        %parallel_loop3A_403 = arith.constant 32 : index
        %parallel_loop3A_404 = tpu.vector_load %arg21[%parallel_loop3A_402, %parallel_loop3A_403] {strides = array<i32>} : memref<128x128xf32, #tpu.memory_space<vmem>>, vector<1x16xf32>,
        %parallel_loop3A_405 = vector.shape_cast %parallel_loop3A_404 : vector<1x16xf32> to vector<16xf32>
        %parallel_loop3A_406 = arith.addf %parallel_loop3A_401, %parallel_loop3A_405 : vector<16xf32>
        %parallel_loop3A_407 = arith.index_cast %parallel_loop3A_369 : i32 to index
        %parallel_loop3A_408 = arith.constant 32 : index
        %parallel_loop3A_409 = tpu.vector_load %arg17[%parallel_loop3A_407, %parallel_loop3A_408] {strides = array<i32>} : memref<128x128xf32, #tpu.memory_space<vmem>>, vector<1x16xf32>,
        %parallel_loop3A_410 = vector.shape_cast %parallel_loop3A_409 : vector<1x16xf32> to vector<16xf32>
        %parallel_loop3A_411 = vector.shape_cast %parallel_loop3A_406 : vector<16xf32> to vector<1x16xf32>
        tpu.vector_store %arg17[%parallel_loop3A_407, %parallel_loop3A_408], %parallel_loop3A_411 {add = true, strides = array<i32>} : memref<128x128xf32, #tpu.memory_space<vmem>>, vector<1x16xf32>,
        %parallel_loop3A_412 = arith.index_cast %parallel_loop3A_369 : i32 to index
        %parallel_loop3A_413 = arith.constant 48 : index
        %parallel_loop3A_414 = tpu.vector_load %arg19[%parallel_loop3A_412, %parallel_loop3A_413] {strides = array<i32>} : memref<128x128xf32, #tpu.memory_space<vmem>>, vector<1x16xf32>,
        %parallel_loop3A_415 = vector.shape_cast %parallel_loop3A_414 : vector<1x16xf32> to vector<16xf32>
        %parallel_loop3A_416 = arith.index_cast %parallel_loop3A_369 : i32 to index
        %parallel_loop3A_417 = arith.constant 48 : index
        %parallel_loop3A_418 = tpu.vector_load %arg21[%parallel_loop3A_416, %parallel_loop3A_417] {strides = array<i32>} : memref<128x128xf32, #tpu.memory_space<vmem>>, vector<1x16xf32>,
        %parallel_loop3A_419 = vector.shape_cast %parallel_loop3A_418 : vector<1x16xf32> to vector<16xf32>
        %parallel_loop3A_420 = arith.addf %parallel_loop3A_415, %parallel_loop3A_419 : vector<16xf32>
        %parallel_loop3A_421 = arith.index_cast %parallel_loop3A_369 : i32 to index
        %parallel_loop3A_422 = arith.constant 48 : index
        %parallel_loop3A_423 = tpu.vector_load %arg17[%parallel_loop3A_421, %parallel_loop3A_422] {strides = array<i32>} : memref<128x128xf32, #tpu.memory_space<vmem>>, vector<1x16xf32>,
        %parallel_loop3A_424 = vector.shape_cast %parallel_loop3A_423 : vector<1x16xf32> to vector<16xf32>
        %parallel_loop3A_425 = vector.shape_cast %parallel_loop3A_420 : vector<16xf32> to vector<1x16xf32>
        tpu.vector_store %arg17[%parallel_loop3A_421, %parallel_loop3A_422], %parallel_loop3A_425 {add = true, strides = array<i32>} : memref<128x128xf32, #tpu.memory_space<vmem>>, vector<1x16xf32>,
        %parallel_loop3A_426 = arith.index_cast %parallel_loop3A_369 : i32 to index
        %parallel_loop3A_427 = arith.constant 64 : index
        %parallel_loop3A_428 = tpu.vector_load %arg19[%parallel_loop3A_426, %parallel_loop3A_427] {strides = array<i32>} : memref<128x128xf32, #tpu.memory_space<vmem>>, vector<1x16xf32>,
        %parallel_loop3A_429 = vector.shape_cast %parallel_loop3A_428 : vector<1x16xf32> to vector<16xf32>
        %parallel_loop3A_430 = arith.index_cast %parallel_loop3A_369 : i32 to index
        %parallel_loop3A_431 = arith.constant 64 : index
        %parallel_loop3A_432 = tpu.vector_load %arg21[%parallel_loop3A_430, %parallel_loop3A_431] {strides = array<i32>} : memref<128x128xf32, #tpu.memory_space<vmem>>, vector<1x16xf32>,
        %parallel_loop3A_433 = vector.shape_cast %parallel_loop3A_432 : vector<1x16xf32> to vector<16xf32>
        %parallel_loop3A_434 = arith.addf %parallel_loop3A_429, %parallel_loop3A_433 : vector<16xf32>
        %parallel_loop3A_435 = arith.index_cast %parallel_loop3A_369 : i32 to index
        %parallel_loop3A_436 = arith.constant 64 : index
        %parallel_loop3A_437 = tpu.vector_load %arg17[%parallel_loop3A_435, %parallel_loop3A_436] {strides = array<i32>} : memref<128x128xf32, #tpu.memory_space<vmem>>, vector<1x16xf32>,
        %parallel_loop3A_438 = vector.shape_cast %parallel_loop3A_437 : vector<1x16xf32> to vector<16xf32>
        %parallel_loop3A_439 = vector.shape_cast %parallel_loop3A_434 : vector<16xf32> to vector<1x16xf32>
        tpu.vector_store %arg17[%parallel_loop3A_435, %parallel_loop3A_436], %parallel_loop3A_439 {add = true, strides = array<i32>} : memref<128x128xf32, #tpu.memory_space<vmem>>, vector<1x16xf32>,
        %parallel_loop3A_440 = arith.index_cast %parallel_loop3A_369 : i32 to index
        %parallel_loop3A_441 = arith.constant 80 : index
        %parallel_loop3A_442 = tpu.vector_load %arg19[%parallel_loop3A_440, %parallel_loop3A_441] {strides = array<i32>} : memref<128x128xf32, #tpu.memory_space<vmem>>, vector<1x16xf32>,
        %parallel_loop3A_443 = vector.shape_cast %parallel_loop3A_442 : vector<1x16xf32> to vector<16xf32>
        %parallel_loop3A_444 = arith.index_cast %parallel_loop3A_369 : i32 to index
        %parallel_loop3A_445 = arith.constant 80 : index
        %parallel_loop3A_446 = tpu.vector_load %arg21[%parallel_loop3A_444, %parallel_loop3A_445] {strides = array<i32>} : memref<128x128xf32, #tpu.memory_space<vmem>>, vector<1x16xf32>,
        %parallel_loop3A_447 = vector.shape_cast %parallel_loop3A_446 : vector<1x16xf32> to vector<16xf32>
        %parallel_loop3A_448 = arith.addf %parallel_loop3A_443, %parallel_loop3A_447 : vector<16xf32>
        %parallel_loop3A_449 = arith.index_cast %parallel_loop3A_369 : i32 to index
        %parallel_loop3A_450 = arith.constant 80 : index
        %parallel_loop3A_451 = tpu.vector_load %arg17[%parallel_loop3A_449, %parallel_loop3A_450] {strides = array<i32>} : memref<128x128xf32, #tpu.memory_space<vmem>>, vector<1x16xf32>,
        %parallel_loop3A_452 = vector.shape_cast %parallel_loop3A_451 : vector<1x16xf32> to vector<16xf32>
        %parallel_loop3A_453 = vector.shape_cast %parallel_loop3A_448 : vector<16xf32> to vector<1x16xf32>
        tpu.vector_store %arg17[%parallel_loop3A_449, %parallel_loop3A_450], %parallel_loop3A_453 {add = true, strides = array<i32>} : memref<128x128xf32, #tpu.memory_space<vmem>>, vector<1x16xf32>,
        %parallel_loop3A_454 = arith.index_cast %parallel_loop3A_369 : i32 to index
        %parallel_loop3A_455 = arith.constant 96 : index
        %parallel_loop3A_456 = tpu.vector_load %arg19[%parallel_loop3A_454, %parallel_loop3A_455] {strides = array<i32>} : memref<128x128xf32, #tpu.memory_space<vmem>>, vector<1x16xf32>,
        %parallel_loop3A_457 = vector.shape_cast %parallel_loop3A_456 : vector<1x16xf32> to vector<16xf32>
        %parallel_loop3A_458 = arith.index_cast %parallel_loop3A_369 : i32 to index
        %parallel_loop3A_459 = arith.constant 96 : index
        %parallel_loop3A_460 = tpu.vector_load %arg21[%parallel_loop3A_458, %parallel_loop3A_459] {strides = array<i32>} : memref<128x128xf32, #tpu.memory_space<vmem>>, vector<1x16xf32>,
        %parallel_loop3A_461 = vector.shape_cast %parallel_loop3A_460 : vector<1x16xf32> to vector<16xf32>
        %parallel_loop3A_462 = arith.addf %parallel_loop3A_457, %parallel_loop3A_461 : vector<16xf32>
        %parallel_loop3A_463 = arith.index_cast %parallel_loop3A_369 : i32 to index
        %parallel_loop3A_464 = arith.constant 96 : index
        %parallel_loop3A_465 = tpu.vector_load %arg17[%parallel_loop3A_463, %parallel_loop3A_464] {strides = array<i32>} : memref<128x128xf32, #tpu.memory_space<vmem>>, vector<1x16xf32>,
        %parallel_loop3A_466 = vector.shape_cast %parallel_loop3A_465 : vector<1x16xf32> to vector<16xf32>
        %parallel_loop3A_467 = vector.shape_cast %parallel_loop3A_462 : vector<16xf32> to vector<1x16xf32>
        tpu.vector_store %arg17[%parallel_loop3A_463, %parallel_loop3A_464], %parallel_loop3A_467 {add = true, strides = array<i32>} : memref<128x128xf32, #tpu.memory_space<vmem>>, vector<1x16xf32>,
        %parallel_loop3A_468 = arith.index_cast %parallel_loop3A_369 : i32 to index
        %parallel_loop3A_469 = arith.constant 112 : index
        %parallel_loop3A_470 = tpu.vector_load %arg19[%parallel_loop3A_468, %parallel_loop3A_469] {strides = array<i32>} : memref<128x128xf32, #tpu.memory_space<vmem>>, vector<1x16xf32>,
        %parallel_loop3A_471 = vector.shape_cast %parallel_loop3A_470 : vector<1x16xf32> to vector<16xf32>
        %parallel_loop3A_472 = arith.index_cast %parallel_loop3A_369 : i32 to index
        %parallel_loop3A_473 = arith.constant 112 : index
        %parallel_loop3A_474 = tpu.vector_load %arg21[%parallel_loop3A_472, %parallel_loop3A_473] {strides = array<i32>} : memref<128x128xf32, #tpu.memory_space<vmem>>, vector<1x16xf32>,
        %parallel_loop3A_475 = vector.shape_cast %parallel_loop3A_474 : vector<1x16xf32> to vector<16xf32>
        %parallel_loop3A_476 = arith.addf %parallel_loop3A_471, %parallel_loop3A_475 : vector<16xf32>
        %parallel_loop3A_477 = arith.index_cast %parallel_loop3A_369 : i32 to index
        %parallel_loop3A_478 = arith.constant 112 : index
        %parallel_loop3A_479 = tpu.vector_load %arg17[%parallel_loop3A_477, %parallel_loop3A_478] {strides = array<i32>} : memref<128x128xf32, #tpu.memory_space<vmem>>, vector<1x16xf32>,
        %parallel_loop3A_480 = vector.shape_cast %parallel_loop3A_479 : vector<1x16xf32> to vector<16xf32>
        %parallel_loop3A_481 = vector.shape_cast %parallel_loop3A_476 : vector<16xf32> to vector<1x16xf32>
        tpu.vector_store %arg17[%parallel_loop3A_477, %parallel_loop3A_478], %parallel_loop3A_481 {add = true, strides = array<i32>} : memref<128x128xf32, #tpu.memory_space<vmem>>, vector<1x16xf32>,
      } {sc.loop_unroll_factor = 1 : i64, sc.parallel_access}
      %mul3A_133 = arith.constant 128 : i32
      %mul3A_134 = arith.muli %add3A_42, %mul3A_133 : i32
      %add3A_135 = arith.addi %mul3A_2, %mul3A_134 : i32
      %add3A_136 = arith.constant 64 : i32
      %add3A_137 = arith.addi %add3A_135, %add3A_136 : i32
      %dma_start3A_138 = arith.constant 64 : i32
      %dma_start3A_139 = arith.constant 0 : i32
      %dma_start3A_140 = tpu.memref_slice %arg17[%dma_start3A_138, %dma_start3A_139] : memref<128x128xf32, #tpu.memory_space<vmem>> -> memref<16x128xf32, #tpu.memory_space<vmem>>
      %dma_start3A_141 = arith.constant 0 : i32
      %dma_start3A_142 = tpu.memref_slice %arg8[%add3A_137, %dma_start3A_141] : memref<819200x128xf32, #tpu.memory_space<hbm>> -> memref<16x128xf32, #tpu.memory_space<hbm>>
      %dma_start3A_143 = arith.constant 0 : i32
      %dma_start3A_144 = tpu.memref_slice %arg8[%add3A_137, %dma_start3A_143] : memref<819200x128xf32, #tpu.memory_space<hbm>> -> memref<16x128xf32, #tpu.memory_space<hbm>>
      %dma_start3A_145 = arith.constant 64 : i32
      %dma_start3A_146 = arith.constant 0 : i32
      %dma_start3A_147 = tpu.memref_slice %arg17[%dma_start3A_145, %dma_start3A_146] : memref<128x128xf32, #tpu.memory_space<vmem>> -> memref<16x128xf32, #tpu.memory_space<vmem>>
      tpu.enqueue_dma source(%dma_start3A_147 : memref<16x128xf32, #tpu.memory_space<vmem>>) target(%dma_start3A_144 : memref<16x128xf32, #tpu.memory_space<hbm>>) target_semaphore(%arg31 : memref<!tpu.dma_semaphore, #tpu.memory_space<semaphore_mem>>)
      %parallel_loop3A_148 = arith.constant 80 : i32
      %parallel_loop3A_149 = arith.constant 96 : i32
      %parallel_loop3A_150 = arith.constant 1 : i32
      scf.for %parallel_loop3A_369 = %parallel_loop3A_148 to %parallel_loop3A_149 step %parallel_loop3A_150  : i32 {
        %parallel_loop3A_370 = arith.index_cast %parallel_loop3A_369 : i32 to index
        %parallel_loop3A_371 = arith.constant 0 : index
        %parallel_loop3A_372 = tpu.vector_load %arg19[%parallel_loop3A_370, %parallel_loop3A_371] {strides = array<i32>} : memref<128x128xf32, #tpu.memory_space<vmem>>, vector<1x16xf32>,
        %parallel_loop3A_373 = vector.shape_cast %parallel_loop3A_372 : vector<1x16xf32> to vector<16xf32>
        %parallel_loop3A_374 = arith.index_cast %parallel_loop3A_369 : i32 to index
        %parallel_loop3A_375 = arith.constant 0 : index
        %parallel_loop3A_376 = tpu.vector_load %arg21[%parallel_loop3A_374, %parallel_loop3A_375] {strides = array<i32>} : memref<128x128xf32, #tpu.memory_space<vmem>>, vector<1x16xf32>,
        %parallel_loop3A_377 = vector.shape_cast %parallel_loop3A_376 : vector<1x16xf32> to vector<16xf32>
        %parallel_loop3A_378 = arith.addf %parallel_loop3A_373, %parallel_loop3A_377 : vector<16xf32>
        %parallel_loop3A_379 = arith.index_cast %parallel_loop3A_369 : i32 to index
        %parallel_loop3A_380 = arith.constant 0 : index
        %parallel_loop3A_381 = tpu.vector_load %arg17[%parallel_loop3A_379, %parallel_loop3A_380] {strides = array<i32>} : memref<128x128xf32, #tpu.memory_space<vmem>>, vector<1x16xf32>,
        %parallel_loop3A_382 = vector.shape_cast %parallel_loop3A_381 : vector<1x16xf32> to vector<16xf32>
        %parallel_loop3A_383 = vector.shape_cast %parallel_loop3A_378 : vector<16xf32> to vector<1x16xf32>
        tpu.vector_store %arg17[%parallel_loop3A_379, %parallel_loop3A_380], %parallel_loop3A_383 {add = true, strides = array<i32>} : memref<128x128xf32, #tpu.memory_space<vmem>>, vector<1x16xf32>,
        %parallel_loop3A_384 = arith.index_cast %parallel_loop3A_369 : i32 to index
        %parallel_loop3A_385 = arith.constant 16 : index
        %parallel_loop3A_386 = tpu.vector_load %arg19[%parallel_loop3A_384, %parallel_loop3A_385] {strides = array<i32>} : memref<128x128xf32, #tpu.memory_space<vmem>>, vector<1x16xf32>,
        %parallel_loop3A_387 = vector.shape_cast %parallel_loop3A_386 : vector<1x16xf32> to vector<16xf32>
        %parallel_loop3A_388 = arith.index_cast %parallel_loop3A_369 : i32 to index
        %parallel_loop3A_389 = arith.constant 16 : index
        %parallel_loop3A_390 = tpu.vector_load %arg21[%parallel_loop3A_388, %parallel_loop3A_389] {strides = array<i32>} : memref<128x128xf32, #tpu.memory_space<vmem>>, vector<1x16xf32>,
        %parallel_loop3A_391 = vector.shape_cast %parallel_loop3A_390 : vector<1x16xf32> to vector<16xf32>
        %parallel_loop3A_392 = arith.addf %parallel_loop3A_387, %parallel_loop3A_391 : vector<16xf32>
        %parallel_loop3A_393 = arith.index_cast %parallel_loop3A_369 : i32 to index
        %parallel_loop3A_394 = arith.constant 16 : index
        %parallel_loop3A_395 = tpu.vector_load %arg17[%parallel_loop3A_393, %parallel_loop3A_394] {strides = array<i32>} : memref<128x128xf32, #tpu.memory_space<vmem>>, vector<1x16xf32>,
        %parallel_loop3A_396 = vector.shape_cast %parallel_loop3A_395 : vector<1x16xf32> to vector<16xf32>
        %parallel_loop3A_397 = vector.shape_cast %parallel_loop3A_392 : vector<16xf32> to vector<1x16xf32>
        tpu.vector_store %arg17[%parallel_loop3A_393, %parallel_loop3A_394], %parallel_loop3A_397 {add = true, strides = array<i32>} : memref<128x128xf32, #tpu.memory_space<vmem>>, vector<1x16xf32>,
        %parallel_loop3A_398 = arith.index_cast %parallel_loop3A_369 : i32 to index
        %parallel_loop3A_399 = arith.constant 32 : index
        %parallel_loop3A_400 = tpu.vector_load %arg19[%parallel_loop3A_398, %parallel_loop3A_399] {strides = array<i32>} : memref<128x128xf32, #tpu.memory_space<vmem>>, vector<1x16xf32>,
        %parallel_loop3A_401 = vector.shape_cast %parallel_loop3A_400 : vector<1x16xf32> to vector<16xf32>
        %parallel_loop3A_402 = arith.index_cast %parallel_loop3A_369 : i32 to index
        %parallel_loop3A_403 = arith.constant 32 : index
        %parallel_loop3A_404 = tpu.vector_load %arg21[%parallel_loop3A_402, %parallel_loop3A_403] {strides = array<i32>} : memref<128x128xf32, #tpu.memory_space<vmem>>, vector<1x16xf32>,
        %parallel_loop3A_405 = vector.shape_cast %parallel_loop3A_404 : vector<1x16xf32> to vector<16xf32>
        %parallel_loop3A_406 = arith.addf %parallel_loop3A_401, %parallel_loop3A_405 : vector<16xf32>
        %parallel_loop3A_407 = arith.index_cast %parallel_loop3A_369 : i32 to index
        %parallel_loop3A_408 = arith.constant 32 : index
        %parallel_loop3A_409 = tpu.vector_load %arg17[%parallel_loop3A_407, %parallel_loop3A_408] {strides = array<i32>} : memref<128x128xf32, #tpu.memory_space<vmem>>, vector<1x16xf32>,
        %parallel_loop3A_410 = vector.shape_cast %parallel_loop3A_409 : vector<1x16xf32> to vector<16xf32>
        %parallel_loop3A_411 = vector.shape_cast %parallel_loop3A_406 : vector<16xf32> to vector<1x16xf32>
        tpu.vector_store %arg17[%parallel_loop3A_407, %parallel_loop3A_408], %parallel_loop3A_411 {add = true, strides = array<i32>} : memref<128x128xf32, #tpu.memory_space<vmem>>, vector<1x16xf32>,
        %parallel_loop3A_412 = arith.index_cast %parallel_loop3A_369 : i32 to index
        %parallel_loop3A_413 = arith.constant 48 : index
        %parallel_loop3A_414 = tpu.vector_load %arg19[%parallel_loop3A_412, %parallel_loop3A_413] {strides = array<i32>} : memref<128x128xf32, #tpu.memory_space<vmem>>, vector<1x16xf32>,
        %parallel_loop3A_415 = vector.shape_cast %parallel_loop3A_414 : vector<1x16xf32> to vector<16xf32>
        %parallel_loop3A_416 = arith.index_cast %parallel_loop3A_369 : i32 to index
        %parallel_loop3A_417 = arith.constant 48 : index
        %parallel_loop3A_418 = tpu.vector_load %arg21[%parallel_loop3A_416, %parallel_loop3A_417] {strides = array<i32>} : memref<128x128xf32, #tpu.memory_space<vmem>>, vector<1x16xf32>,
        %parallel_loop3A_419 = vector.shape_cast %parallel_loop3A_418 : vector<1x16xf32> to vector<16xf32>
        %parallel_loop3A_420 = arith.addf %parallel_loop3A_415, %parallel_loop3A_419 : vector<16xf32>
        %parallel_loop3A_421 = arith.index_cast %parallel_loop3A_369 : i32 to index
        %parallel_loop3A_422 = arith.constant 48 : index
        %parallel_loop3A_423 = tpu.vector_load %arg17[%parallel_loop3A_421, %parallel_loop3A_422] {strides = array<i32>} : memref<128x128xf32, #tpu.memory_space<vmem>>, vector<1x16xf32>,
        %parallel_loop3A_424 = vector.shape_cast %parallel_loop3A_423 : vector<1x16xf32> to vector<16xf32>
        %parallel_loop3A_425 = vector.shape_cast %parallel_loop3A_420 : vector<16xf32> to vector<1x16xf32>
        tpu.vector_store %arg17[%parallel_loop3A_421, %parallel_loop3A_422], %parallel_loop3A_425 {add = true, strides = array<i32>} : memref<128x128xf32, #tpu.memory_space<vmem>>, vector<1x16xf32>,
        %parallel_loop3A_426 = arith.index_cast %parallel_loop3A_369 : i32 to index
        %parallel_loop3A_427 = arith.constant 64 : index
        %parallel_loop3A_428 = tpu.vector_load %arg19[%parallel_loop3A_426, %parallel_loop3A_427] {strides = array<i32>} : memref<128x128xf32, #tpu.memory_space<vmem>>, vector<1x16xf32>,
        %parallel_loop3A_429 = vector.shape_cast %parallel_loop3A_428 : vector<1x16xf32> to vector<16xf32>
        %parallel_loop3A_430 = arith.index_cast %parallel_loop3A_369 : i32 to index
        %parallel_loop3A_431 = arith.constant 64 : index
        %parallel_loop3A_432 = tpu.vector_load %arg21[%parallel_loop3A_430, %parallel_loop3A_431] {strides = array<i32>} : memref<128x128xf32, #tpu.memory_space<vmem>>, vector<1x16xf32>,
        %parallel_loop3A_433 = vector.shape_cast %parallel_loop3A_432 : vector<1x16xf32> to vector<16xf32>
        %parallel_loop3A_434 = arith.addf %parallel_loop3A_429, %parallel_loop3A_433 : vector<16xf32>
        %parallel_loop3A_435 = arith.index_cast %parallel_loop3A_369 : i32 to index
        %parallel_loop3A_436 = arith.constant 64 : index
        %parallel_loop3A_437 = tpu.vector_load %arg17[%parallel_loop3A_435, %parallel_loop3A_436] {strides = array<i32>} : memref<128x128xf32, #tpu.memory_space<vmem>>, vector<1x16xf32>,
        %parallel_loop3A_438 = vector.shape_cast %parallel_loop3A_437 : vector<1x16xf32> to vector<16xf32>
        %parallel_loop3A_439 = vector.shape_cast %parallel_loop3A_434 : vector<16xf32> to vector<1x16xf32>
        tpu.vector_store %arg17[%parallel_loop3A_435, %parallel_loop3A_436], %parallel_loop3A_439 {add = true, strides = array<i32>} : memref<128x128xf32, #tpu.memory_space<vmem>>, vector<1x16xf32>,
        %parallel_loop3A_440 = arith.index_cast %parallel_loop3A_369 : i32 to index
        %parallel_loop3A_441 = arith.constant 80 : index
        %parallel_loop3A_442 = tpu.vector_load %arg19[%parallel_loop3A_440, %parallel_loop3A_441] {strides = array<i32>} : memref<128x128xf32, #tpu.memory_space<vmem>>, vector<1x16xf32>,
        %parallel_loop3A_443 = vector.shape_cast %parallel_loop3A_442 : vector<1x16xf32> to vector<16xf32>
        %parallel_loop3A_444 = arith.index_cast %parallel_loop3A_369 : i32 to index
        %parallel_loop3A_445 = arith.constant 80 : index
        %parallel_loop3A_446 = tpu.vector_load %arg21[%parallel_loop3A_444, %parallel_loop3A_445] {strides = array<i32>} : memref<128x128xf32, #tpu.memory_space<vmem>>, vector<1x16xf32>,
        %parallel_loop3A_447 = vector.shape_cast %parallel_loop3A_446 : vector<1x16xf32> to vector<16xf32>
        %parallel_loop3A_448 = arith.addf %parallel_loop3A_443, %parallel_loop3A_447 : vector<16xf32>
        %parallel_loop3A_449 = arith.index_cast %parallel_loop3A_369 : i32 to index
        %parallel_loop3A_450 = arith.constant 80 : index
        %parallel_loop3A_451 = tpu.vector_load %arg17[%parallel_loop3A_449, %parallel_loop3A_450] {strides = array<i32>} : memref<128x128xf32, #tpu.memory_space<vmem>>, vector<1x16xf32>,
        %parallel_loop3A_452 = vector.shape_cast %parallel_loop3A_451 : vector<1x16xf32> to vector<16xf32>
        %parallel_loop3A_453 = vector.shape_cast %parallel_loop3A_448 : vector<16xf32> to vector<1x16xf32>
        tpu.vector_store %arg17[%parallel_loop3A_449, %parallel_loop3A_450], %parallel_loop3A_453 {add = true, strides = array<i32>} : memref<128x128xf32, #tpu.memory_space<vmem>>, vector<1x16xf32>,
        %parallel_loop3A_454 = arith.index_cast %parallel_loop3A_369 : i32 to index
        %parallel_loop3A_455 = arith.constant 96 : index
        %parallel_loop3A_456 = tpu.vector_load %arg19[%parallel_loop3A_454, %parallel_loop3A_455] {strides = array<i32>} : memref<128x128xf32, #tpu.memory_space<vmem>>, vector<1x16xf32>,
        %parallel_loop3A_457 = vector.shape_cast %parallel_loop3A_456 : vector<1x16xf32> to vector<16xf32>
        %parallel_loop3A_458 = arith.index_cast %parallel_loop3A_369 : i32 to index
        %parallel_loop3A_459 = arith.constant 96 : index
        %parallel_loop3A_460 = tpu.vector_load %arg21[%parallel_loop3A_458, %parallel_loop3A_459] {strides = array<i32>} : memref<128x128xf32, #tpu.memory_space<vmem>>, vector<1x16xf32>,
        %parallel_loop3A_461 = vector.shape_cast %parallel_loop3A_460 : vector<1x16xf32> to vector<16xf32>
        %parallel_loop3A_462 = arith.addf %parallel_loop3A_457, %parallel_loop3A_461 : vector<16xf32>
        %parallel_loop3A_463 = arith.index_cast %parallel_loop3A_369 : i32 to index
        %parallel_loop3A_464 = arith.constant 96 : index
        %parallel_loop3A_465 = tpu.vector_load %arg17[%parallel_loop3A_463, %parallel_loop3A_464] {strides = array<i32>} : memref<128x128xf32, #tpu.memory_space<vmem>>, vector<1x16xf32>,
        %parallel_loop3A_466 = vector.shape_cast %parallel_loop3A_465 : vector<1x16xf32> to vector<16xf32>
        %parallel_loop3A_467 = vector.shape_cast %parallel_loop3A_462 : vector<16xf32> to vector<1x16xf32>
        tpu.vector_store %arg17[%parallel_loop3A_463, %parallel_loop3A_464], %parallel_loop3A_467 {add = true, strides = array<i32>} : memref<128x128xf32, #tpu.memory_space<vmem>>, vector<1x16xf32>,
        %parallel_loop3A_468 = arith.index_cast %parallel_loop3A_369 : i32 to index
        %parallel_loop3A_469 = arith.constant 112 : index
        %parallel_loop3A_470 = tpu.vector_load %arg19[%parallel_loop3A_468, %parallel_loop3A_469] {strides = array<i32>} : memref<128x128xf32, #tpu.memory_space<vmem>>, vector<1x16xf32>,
        %parallel_loop3A_471 = vector.shape_cast %parallel_loop3A_470 : vector<1x16xf32> to vector<16xf32>
        %parallel_loop3A_472 = arith.index_cast %parallel_loop3A_369 : i32 to index
        %parallel_loop3A_473 = arith.constant 112 : index
        %parallel_loop3A_474 = tpu.vector_load %arg21[%parallel_loop3A_472, %parallel_loop3A_473] {strides = array<i32>} : memref<128x128xf32, #tpu.memory_space<vmem>>, vector<1x16xf32>,
        %parallel_loop3A_475 = vector.shape_cast %parallel_loop3A_474 : vector<1x16xf32> to vector<16xf32>
        %parallel_loop3A_476 = arith.addf %parallel_loop3A_471, %parallel_loop3A_475 : vector<16xf32>
        %parallel_loop3A_477 = arith.index_cast %parallel_loop3A_369 : i32 to index
        %parallel_loop3A_478 = arith.constant 112 : index
        %parallel_loop3A_479 = tpu.vector_load %arg17[%parallel_loop3A_477, %parallel_loop3A_478] {strides = array<i32>} : memref<128x128xf32, #tpu.memory_space<vmem>>, vector<1x16xf32>,
        %parallel_loop3A_480 = vector.shape_cast %parallel_loop3A_479 : vector<1x16xf32> to vector<16xf32>
        %parallel_loop3A_481 = vector.shape_cast %parallel_loop3A_476 : vector<16xf32> to vector<1x16xf32>
        tpu.vector_store %arg17[%parallel_loop3A_477, %parallel_loop3A_478], %parallel_loop3A_481 {add = true, strides = array<i32>} : memref<128x128xf32, #tpu.memory_space<vmem>>, vector<1x16xf32>,
      } {sc.loop_unroll_factor = 1 : i64, sc.parallel_access}
      %mul3A_151 = arith.constant 128 : i32
      %mul3A_152 = arith.muli %add3A_42, %mul3A_151 : i32
      %add3A_153 = arith.addi %mul3A_2, %mul3A_152 : i32
      %add3A_154 = arith.constant 80 : i32
      %add3A_155 = arith.addi %add3A_153, %add3A_154 : i32
      %dma_start3A_156 = arith.constant 80 : i32
      %dma_start3A_157 = arith.constant 0 : i32
      %dma_start3A_158 = tpu.memref_slice %arg17[%dma_start3A_156, %dma_start3A_157] : memref<128x128xf32, #tpu.memory_space<vmem>> -> memref<16x128xf32, #tpu.memory_space<vmem>>
      %dma_start3A_159 = arith.constant 0 : i32
      %dma_start3A_160 = tpu.memref_slice %arg8[%add3A_155, %dma_start3A_159] : memref<819200x128xf32, #tpu.memory_space<hbm>> -> memref<16x128xf32, #tpu.memory_space<hbm>>
      %dma_start3A_161 = arith.constant 0 : i32
      %dma_start3A_162 = tpu.memref_slice %arg8[%add3A_155, %dma_start3A_161] : memref<819200x128xf32, #tpu.memory_space<hbm>> -> memref<16x128xf32, #tpu.memory_space<hbm>>
      %dma_start3A_163 = arith.constant 80 : i32
      %dma_start3A_164 = arith.constant 0 : i32
      %dma_start3A_165 = tpu.memref_slice %arg17[%dma_start3A_163, %dma_start3A_164] : memref<128x128xf32, #tpu.memory_space<vmem>> -> memref<16x128xf32, #tpu.memory_space<vmem>>
      tpu.enqueue_dma source(%dma_start3A_165 : memref<16x128xf32, #tpu.memory_space<vmem>>) target(%dma_start3A_162 : memref<16x128xf32, #tpu.memory_space<hbm>>) target_semaphore(%arg31 : memref<!tpu.dma_semaphore, #tpu.memory_space<semaphore_mem>>)
      %parallel_loop3A_166 = arith.constant 96 : i32
      %parallel_loop3A_167 = arith.constant 112 : i32
      %parallel_loop3A_168 = arith.constant 1 : i32
      scf.for %parallel_loop3A_369 = %parallel_loop3A_166 to %parallel_loop3A_167 step %parallel_loop3A_168  : i32 {
        %parallel_loop3A_370 = arith.index_cast %parallel_loop3A_369 : i32 to index
        %parallel_loop3A_371 = arith.constant 0 : index
        %parallel_loop3A_372 = tpu.vector_load %arg19[%parallel_loop3A_370, %parallel_loop3A_371] {strides = array<i32>} : memref<128x128xf32, #tpu.memory_space<vmem>>, vector<1x16xf32>,
        %parallel_loop3A_373 = vector.shape_cast %parallel_loop3A_372 : vector<1x16xf32> to vector<16xf32>
        %parallel_loop3A_374 = arith.index_cast %parallel_loop3A_369 : i32 to index
        %parallel_loop3A_375 = arith.constant 0 : index
        %parallel_loop3A_376 = tpu.vector_load %arg21[%parallel_loop3A_374, %parallel_loop3A_375] {strides = array<i32>} : memref<128x128xf32, #tpu.memory_space<vmem>>, vector<1x16xf32>,
        %parallel_loop3A_377 = vector.shape_cast %parallel_loop3A_376 : vector<1x16xf32> to vector<16xf32>
        %parallel_loop3A_378 = arith.addf %parallel_loop3A_373, %parallel_loop3A_377 : vector<16xf32>
        %parallel_loop3A_379 = arith.index_cast %parallel_loop3A_369 : i32 to index
        %parallel_loop3A_380 = arith.constant 0 : index
        %parallel_loop3A_381 = tpu.vector_load %arg17[%parallel_loop3A_379, %parallel_loop3A_380] {strides = array<i32>} : memref<128x128xf32, #tpu.memory_space<vmem>>, vector<1x16xf32>,
        %parallel_loop3A_382 = vector.shape_cast %parallel_loop3A_381 : vector<1x16xf32> to vector<16xf32>
        %parallel_loop3A_383 = vector.shape_cast %parallel_loop3A_378 : vector<16xf32> to vector<1x16xf32>
        tpu.vector_store %arg17[%parallel_loop3A_379, %parallel_loop3A_380], %parallel_loop3A_383 {add = true, strides = array<i32>} : memref<128x128xf32, #tpu.memory_space<vmem>>, vector<1x16xf32>,
        %parallel_loop3A_384 = arith.index_cast %parallel_loop3A_369 : i32 to index
        %parallel_loop3A_385 = arith.constant 16 : index
        %parallel_loop3A_386 = tpu.vector_load %arg19[%parallel_loop3A_384, %parallel_loop3A_385] {strides = array<i32>} : memref<128x128xf32, #tpu.memory_space<vmem>>, vector<1x16xf32>,
        %parallel_loop3A_387 = vector.shape_cast %parallel_loop3A_386 : vector<1x16xf32> to vector<16xf32>
        %parallel_loop3A_388 = arith.index_cast %parallel_loop3A_369 : i32 to index
        %parallel_loop3A_389 = arith.constant 16 : index
        %parallel_loop3A_390 = tpu.vector_load %arg21[%parallel_loop3A_388, %parallel_loop3A_389] {strides = array<i32>} : memref<128x128xf32, #tpu.memory_space<vmem>>, vector<1x16xf32>,
        %parallel_loop3A_391 = vector.shape_cast %parallel_loop3A_390 : vector<1x16xf32> to vector<16xf32>
        %parallel_loop3A_392 = arith.addf %parallel_loop3A_387, %parallel_loop3A_391 : vector<16xf32>
        %parallel_loop3A_393 = arith.index_cast %parallel_loop3A_369 : i32 to index
        %parallel_loop3A_394 = arith.constant 16 : index
        %parallel_loop3A_395 = tpu.vector_load %arg17[%parallel_loop3A_393, %parallel_loop3A_394] {strides = array<i32>} : memref<128x128xf32, #tpu.memory_space<vmem>>, vector<1x16xf32>,
        %parallel_loop3A_396 = vector.shape_cast %parallel_loop3A_395 : vector<1x16xf32> to vector<16xf32>
        %parallel_loop3A_397 = vector.shape_cast %parallel_loop3A_392 : vector<16xf32> to vector<1x16xf32>
        tpu.vector_store %arg17[%parallel_loop3A_393, %parallel_loop3A_394], %parallel_loop3A_397 {add = true, strides = array<i32>} : memref<128x128xf32, #tpu.memory_space<vmem>>, vector<1x16xf32>,
        %parallel_loop3A_398 = arith.index_cast %parallel_loop3A_369 : i32 to index
        %parallel_loop3A_399 = arith.constant 32 : index
        %parallel_loop3A_400 = tpu.vector_load %arg19[%parallel_loop3A_398, %parallel_loop3A_399] {strides = array<i32>} : memref<128x128xf32, #tpu.memory_space<vmem>>, vector<1x16xf32>,
        %parallel_loop3A_401 = vector.shape_cast %parallel_loop3A_400 : vector<1x16xf32> to vector<16xf32>
        %parallel_loop3A_402 = arith.index_cast %parallel_loop3A_369 : i32 to index
        %parallel_loop3A_403 = arith.constant 32 : index
        %parallel_loop3A_404 = tpu.vector_load %arg21[%parallel_loop3A_402, %parallel_loop3A_403] {strides = array<i32>} : memref<128x128xf32, #tpu.memory_space<vmem>>, vector<1x16xf32>,
        %parallel_loop3A_405 = vector.shape_cast %parallel_loop3A_404 : vector<1x16xf32> to vector<16xf32>
        %parallel_loop3A_406 = arith.addf %parallel_loop3A_401, %parallel_loop3A_405 : vector<16xf32>
        %parallel_loop3A_407 = arith.index_cast %parallel_loop3A_369 : i32 to index
        %parallel_loop3A_408 = arith.constant 32 : index
        %parallel_loop3A_409 = tpu.vector_load %arg17[%parallel_loop3A_407, %parallel_loop3A_408] {strides = array<i32>} : memref<128x128xf32, #tpu.memory_space<vmem>>, vector<1x16xf32>,
        %parallel_loop3A_410 = vector.shape_cast %parallel_loop3A_409 : vector<1x16xf32> to vector<16xf32>
        %parallel_loop3A_411 = vector.shape_cast %parallel_loop3A_406 : vector<16xf32> to vector<1x16xf32>
        tpu.vector_store %arg17[%parallel_loop3A_407, %parallel_loop3A_408], %parallel_loop3A_411 {add = true, strides = array<i32>} : memref<128x128xf32, #tpu.memory_space<vmem>>, vector<1x16xf32>,
        %parallel_loop3A_412 = arith.index_cast %parallel_loop3A_369 : i32 to index
        %parallel_loop3A_413 = arith.constant 48 : index
        %parallel_loop3A_414 = tpu.vector_load %arg19[%parallel_loop3A_412, %parallel_loop3A_413] {strides = array<i32>} : memref<128x128xf32, #tpu.memory_space<vmem>>, vector<1x16xf32>,
        %parallel_loop3A_415 = vector.shape_cast %parallel_loop3A_414 : vector<1x16xf32> to vector<16xf32>
        %parallel_loop3A_416 = arith.index_cast %parallel_loop3A_369 : i32 to index
        %parallel_loop3A_417 = arith.constant 48 : index
        %parallel_loop3A_418 = tpu.vector_load %arg21[%parallel_loop3A_416, %parallel_loop3A_417] {strides = array<i32>} : memref<128x128xf32, #tpu.memory_space<vmem>>, vector<1x16xf32>,
        %parallel_loop3A_419 = vector.shape_cast %parallel_loop3A_418 : vector<1x16xf32> to vector<16xf32>
        %parallel_loop3A_420 = arith.addf %parallel_loop3A_415, %parallel_loop3A_419 : vector<16xf32>
        %parallel_loop3A_421 = arith.index_cast %parallel_loop3A_369 : i32 to index
        %parallel_loop3A_422 = arith.constant 48 : index
        %parallel_loop3A_423 = tpu.vector_load %arg17[%parallel_loop3A_421, %parallel_loop3A_422] {strides = array<i32>} : memref<128x128xf32, #tpu.memory_space<vmem>>, vector<1x16xf32>,
        %parallel_loop3A_424 = vector.shape_cast %parallel_loop3A_423 : vector<1x16xf32> to vector<16xf32>
        %parallel_loop3A_425 = vector.shape_cast %parallel_loop3A_420 : vector<16xf32> to vector<1x16xf32>
        tpu.vector_store %arg17[%parallel_loop3A_421, %parallel_loop3A_422], %parallel_loop3A_425 {add = true, strides = array<i32>} : memref<128x128xf32, #tpu.memory_space<vmem>>, vector<1x16xf32>,
        %parallel_loop3A_426 = arith.index_cast %parallel_loop3A_369 : i32 to index
        %parallel_loop3A_427 = arith.constant 64 : index
        %parallel_loop3A_428 = tpu.vector_load %arg19[%parallel_loop3A_426, %parallel_loop3A_427] {strides = array<i32>} : memref<128x128xf32, #tpu.memory_space<vmem>>, vector<1x16xf32>,
        %parallel_loop3A_429 = vector.shape_cast %parallel_loop3A_428 : vector<1x16xf32> to vector<16xf32>
        %parallel_loop3A_430 = arith.index_cast %parallel_loop3A_369 : i32 to index
        %parallel_loop3A_431 = arith.constant 64 : index
        %parallel_loop3A_432 = tpu.vector_load %arg21[%parallel_loop3A_430, %parallel_loop3A_431] {strides = array<i32>} : memref<128x128xf32, #tpu.memory_space<vmem>>, vector<1x16xf32>,
        %parallel_loop3A_433 = vector.shape_cast %parallel_loop3A_432 : vector<1x16xf32> to vector<16xf32>
        %parallel_loop3A_434 = arith.addf %parallel_loop3A_429, %parallel_loop3A_433 : vector<16xf32>
        %parallel_loop3A_435 = arith.index_cast %parallel_loop3A_369 : i32 to index
        %parallel_loop3A_436 = arith.constant 64 : index
        %parallel_loop3A_437 = tpu.vector_load %arg17[%parallel_loop3A_435, %parallel_loop3A_436] {strides = array<i32>} : memref<128x128xf32, #tpu.memory_space<vmem>>, vector<1x16xf32>,
        %parallel_loop3A_438 = vector.shape_cast %parallel_loop3A_437 : vector<1x16xf32> to vector<16xf32>
        %parallel_loop3A_439 = vector.shape_cast %parallel_loop3A_434 : vector<16xf32> to vector<1x16xf32>
        tpu.vector_store %arg17[%parallel_loop3A_435, %parallel_loop3A_436], %parallel_loop3A_439 {add = true, strides = array<i32>} : memref<128x128xf32, #tpu.memory_space<vmem>>, vector<1x16xf32>,
        %parallel_loop3A_440 = arith.index_cast %parallel_loop3A_369 : i32 to index
        %parallel_loop3A_441 = arith.constant 80 : index
        %parallel_loop3A_442 = tpu.vector_load %arg19[%parallel_loop3A_440, %parallel_loop3A_441] {strides = array<i32>} : memref<128x128xf32, #tpu.memory_space<vmem>>, vector<1x16xf32>,
        %parallel_loop3A_443 = vector.shape_cast %parallel_loop3A_442 : vector<1x16xf32> to vector<16xf32>
        %parallel_loop3A_444 = arith.index_cast %parallel_loop3A_369 : i32 to index
        %parallel_loop3A_445 = arith.constant 80 : index
        %parallel_loop3A_446 = tpu.vector_load %arg21[%parallel_loop3A_444, %parallel_loop3A_445] {strides = array<i32>} : memref<128x128xf32, #tpu.memory_space<vmem>>, vector<1x16xf32>,
        %parallel_loop3A_447 = vector.shape_cast %parallel_loop3A_446 : vector<1x16xf32> to vector<16xf32>
        %parallel_loop3A_448 = arith.addf %parallel_loop3A_443, %parallel_loop3A_447 : vector<16xf32>
        %parallel_loop3A_449 = arith.index_cast %parallel_loop3A_369 : i32 to index
        %parallel_loop3A_450 = arith.constant 80 : index
        %parallel_loop3A_451 = tpu.vector_load %arg17[%parallel_loop3A_449, %parallel_loop3A_450] {strides = array<i32>} : memref<128x128xf32, #tpu.memory_space<vmem>>, vector<1x16xf32>,
        %parallel_loop3A_452 = vector.shape_cast %parallel_loop3A_451 : vector<1x16xf32> to vector<16xf32>
        %parallel_loop3A_453 = vector.shape_cast %parallel_loop3A_448 : vector<16xf32> to vector<1x16xf32>
        tpu.vector_store %arg17[%parallel_loop3A_449, %parallel_loop3A_450], %parallel_loop3A_453 {add = true, strides = array<i32>} : memref<128x128xf32, #tpu.memory_space<vmem>>, vector<1x16xf32>,
        %parallel_loop3A_454 = arith.index_cast %parallel_loop3A_369 : i32 to index
        %parallel_loop3A_455 = arith.constant 96 : index
        %parallel_loop3A_456 = tpu.vector_load %arg19[%parallel_loop3A_454, %parallel_loop3A_455] {strides = array<i32>} : memref<128x128xf32, #tpu.memory_space<vmem>>, vector<1x16xf32>,
        %parallel_loop3A_457 = vector.shape_cast %parallel_loop3A_456 : vector<1x16xf32> to vector<16xf32>
        %parallel_loop3A_458 = arith.index_cast %parallel_loop3A_369 : i32 to index
        %parallel_loop3A_459 = arith.constant 96 : index
        %parallel_loop3A_460 = tpu.vector_load %arg21[%parallel_loop3A_458, %parallel_loop3A_459] {strides = array<i32>} : memref<128x128xf32, #tpu.memory_space<vmem>>, vector<1x16xf32>,
        %parallel_loop3A_461 = vector.shape_cast %parallel_loop3A_460 : vector<1x16xf32> to vector<16xf32>
        %parallel_loop3A_462 = arith.addf %parallel_loop3A_457, %parallel_loop3A_461 : vector<16xf32>
        %parallel_loop3A_463 = arith.index_cast %parallel_loop3A_369 : i32 to index
        %parallel_loop3A_464 = arith.constant 96 : index
        %parallel_loop3A_465 = tpu.vector_load %arg17[%parallel_loop3A_463, %parallel_loop3A_464] {strides = array<i32>} : memref<128x128xf32, #tpu.memory_space<vmem>>, vector<1x16xf32>,
        %parallel_loop3A_466 = vector.shape_cast %parallel_loop3A_465 : vector<1x16xf32> to vector<16xf32>
        %parallel_loop3A_467 = vector.shape_cast %parallel_loop3A_462 : vector<16xf32> to vector<1x16xf32>
        tpu.vector_store %arg17[%parallel_loop3A_463, %parallel_loop3A_464], %parallel_loop3A_467 {add = true, strides = array<i32>} : memref<128x128xf32, #tpu.memory_space<vmem>>, vector<1x16xf32>,
        %parallel_loop3A_468 = arith.index_cast %parallel_loop3A_369 : i32 to index
        %parallel_loop3A_469 = arith.constant 112 : index
        %parallel_loop3A_470 = tpu.vector_load %arg19[%parallel_loop3A_468, %parallel_loop3A_469] {strides = array<i32>} : memref<128x128xf32, #tpu.memory_space<vmem>>, vector<1x16xf32>,
        %parallel_loop3A_471 = vector.shape_cast %parallel_loop3A_470 : vector<1x16xf32> to vector<16xf32>
        %parallel_loop3A_472 = arith.index_cast %parallel_loop3A_369 : i32 to index
        %parallel_loop3A_473 = arith.constant 112 : index
        %parallel_loop3A_474 = tpu.vector_load %arg21[%parallel_loop3A_472, %parallel_loop3A_473] {strides = array<i32>} : memref<128x128xf32, #tpu.memory_space<vmem>>, vector<1x16xf32>,
        %parallel_loop3A_475 = vector.shape_cast %parallel_loop3A_474 : vector<1x16xf32> to vector<16xf32>
        %parallel_loop3A_476 = arith.addf %parallel_loop3A_471, %parallel_loop3A_475 : vector<16xf32>
        %parallel_loop3A_477 = arith.index_cast %parallel_loop3A_369 : i32 to index
        %parallel_loop3A_478 = arith.constant 112 : index
        %parallel_loop3A_479 = tpu.vector_load %arg17[%parallel_loop3A_477, %parallel_loop3A_478] {strides = array<i32>} : memref<128x128xf32, #tpu.memory_space<vmem>>, vector<1x16xf32>,
        %parallel_loop3A_480 = vector.shape_cast %parallel_loop3A_479 : vector<1x16xf32> to vector<16xf32>
        %parallel_loop3A_481 = vector.shape_cast %parallel_loop3A_476 : vector<16xf32> to vector<1x16xf32>
        tpu.vector_store %arg17[%parallel_loop3A_477, %parallel_loop3A_478], %parallel_loop3A_481 {add = true, strides = array<i32>} : memref<128x128xf32, #tpu.memory_space<vmem>>, vector<1x16xf32>,
      } {sc.loop_unroll_factor = 1 : i64, sc.parallel_access}
      %mul3A_169 = arith.constant 128 : i32
      %mul3A_170 = arith.muli %add3A_42, %mul3A_169 : i32
      %add3A_171 = arith.addi %mul3A_2, %mul3A_170 : i32
      %add3A_172 = arith.constant 96 : i32
      %add3A_173 = arith.addi %add3A_171, %add3A_172 : i32
      %dma_start3A_174 = arith.constant 96 : i32
      %dma_start3A_175 = arith.constant 0 : i32
      %dma_start3A_176 = tpu.memref_slice %arg17[%dma_start3A_174, %dma_start3A_175] : memref<128x128xf32, #tpu.memory_space<vmem>> -> memref<16x128xf32, #tpu.memory_space<vmem>>
      %dma_start3A_177 = arith.constant 0 : i32
      %dma_start3A_178 = tpu.memref_slice %arg8[%add3A_173, %dma_start3A_177] : memref<819200x128xf32, #tpu.memory_space<hbm>> -> memref<16x128xf32, #tpu.memory_space<hbm>>
      %dma_start3A_179 = arith.constant 0 : i32
      %dma_start3A_180 = tpu.memref_slice %arg8[%add3A_173, %dma_start3A_179] : memref<819200x128xf32, #tpu.memory_space<hbm>> -> memref<16x128xf32, #tpu.memory_space<hbm>>
      %dma_start3A_181 = arith.constant 96 : i32
      %dma_start3A_182 = arith.constant 0 : i32
      %dma_start3A_183 = tpu.memref_slice %arg17[%dma_start3A_181, %dma_start3A_182] : memref<128x128xf32, #tpu.memory_space<vmem>> -> memref<16x128xf32, #tpu.memory_space<vmem>>
      tpu.enqueue_dma source(%dma_start3A_183 : memref<16x128xf32, #tpu.memory_space<vmem>>) target(%dma_start3A_180 : memref<16x128xf32, #tpu.memory_space<hbm>>) target_semaphore(%arg31 : memref<!tpu.dma_semaphore, #tpu.memory_space<semaphore_mem>>)
      %parallel_loop3A_184 = arith.constant 112 : i32
      %parallel_loop3A_185 = arith.constant 128 : i32
      %parallel_loop3A_186 = arith.constant 1 : i32
      scf.for %parallel_loop3A_369 = %parallel_loop3A_184 to %parallel_loop3A_185 step %parallel_loop3A_186  : i32 {
        %parallel_loop3A_370 = arith.index_cast %parallel_loop3A_369 : i32 to index
        %parallel_loop3A_371 = arith.constant 0 : index
        %parallel_loop3A_372 = tpu.vector_load %arg19[%parallel_loop3A_370, %parallel_loop3A_371] {strides = array<i32>} : memref<128x128xf32, #tpu.memory_space<vmem>>, vector<1x16xf32>,
        %parallel_loop3A_373 = vector.shape_cast %parallel_loop3A_372 : vector<1x16xf32> to vector<16xf32>
        %parallel_loop3A_374 = arith.index_cast %parallel_loop3A_369 : i32 to index
        %parallel_loop3A_375 = arith.constant 0 : index
        %parallel_loop3A_376 = tpu.vector_load %arg21[%parallel_loop3A_374, %parallel_loop3A_375] {strides = array<i32>} : memref<128x128xf32, #tpu.memory_space<vmem>>, vector<1x16xf32>,
        %parallel_loop3A_377 = vector.shape_cast %parallel_loop3A_376 : vector<1x16xf32> to vector<16xf32>
        %parallel_loop3A_378 = arith.addf %parallel_loop3A_373, %parallel_loop3A_377 : vector<16xf32>
        %parallel_loop3A_379 = arith.index_cast %parallel_loop3A_369 : i32 to index
        %parallel_loop3A_380 = arith.constant 0 : index
        %parallel_loop3A_381 = tpu.vector_load %arg17[%parallel_loop3A_379, %parallel_loop3A_380] {strides = array<i32>} : memref<128x128xf32, #tpu.memory_space<vmem>>, vector<1x16xf32>,
        %parallel_loop3A_382 = vector.shape_cast %parallel_loop3A_381 : vector<1x16xf32> to vector<16xf32>
        %parallel_loop3A_383 = vector.shape_cast %parallel_loop3A_378 : vector<16xf32> to vector<1x16xf32>
        tpu.vector_store %arg17[%parallel_loop3A_379, %parallel_loop3A_380], %parallel_loop3A_383 {add = true, strides = array<i32>} : memref<128x128xf32, #tpu.memory_space<vmem>>, vector<1x16xf32>,
        %parallel_loop3A_384 = arith.index_cast %parallel_loop3A_369 : i32 to index
        %parallel_loop3A_385 = arith.constant 16 : index
        %parallel_loop3A_386 = tpu.vector_load %arg19[%parallel_loop3A_384, %parallel_loop3A_385] {strides = array<i32>} : memref<128x128xf32, #tpu.memory_space<vmem>>, vector<1x16xf32>,
        %parallel_loop3A_387 = vector.shape_cast %parallel_loop3A_386 : vector<1x16xf32> to vector<16xf32>
        %parallel_loop3A_388 = arith.index_cast %parallel_loop3A_369 : i32 to index
        %parallel_loop3A_389 = arith.constant 16 : index
        %parallel_loop3A_390 = tpu.vector_load %arg21[%parallel_loop3A_388, %parallel_loop3A_389] {strides = array<i32>} : memref<128x128xf32, #tpu.memory_space<vmem>>, vector<1x16xf32>,
        %parallel_loop3A_391 = vector.shape_cast %parallel_loop3A_390 : vector<1x16xf32> to vector<16xf32>
        %parallel_loop3A_392 = arith.addf %parallel_loop3A_387, %parallel_loop3A_391 : vector<16xf32>
        %parallel_loop3A_393 = arith.index_cast %parallel_loop3A_369 : i32 to index
        %parallel_loop3A_394 = arith.constant 16 : index
        %parallel_loop3A_395 = tpu.vector_load %arg17[%parallel_loop3A_393, %parallel_loop3A_394] {strides = array<i32>} : memref<128x128xf32, #tpu.memory_space<vmem>>, vector<1x16xf32>,
        %parallel_loop3A_396 = vector.shape_cast %parallel_loop3A_395 : vector<1x16xf32> to vector<16xf32>
        %parallel_loop3A_397 = vector.shape_cast %parallel_loop3A_392 : vector<16xf32> to vector<1x16xf32>
        tpu.vector_store %arg17[%parallel_loop3A_393, %parallel_loop3A_394], %parallel_loop3A_397 {add = true, strides = array<i32>} : memref<128x128xf32, #tpu.memory_space<vmem>>, vector<1x16xf32>,
        %parallel_loop3A_398 = arith.index_cast %parallel_loop3A_369 : i32 to index
        %parallel_loop3A_399 = arith.constant 32 : index
        %parallel_loop3A_400 = tpu.vector_load %arg19[%parallel_loop3A_398, %parallel_loop3A_399] {strides = array<i32>} : memref<128x128xf32, #tpu.memory_space<vmem>>, vector<1x16xf32>,
        %parallel_loop3A_401 = vector.shape_cast %parallel_loop3A_400 : vector<1x16xf32> to vector<16xf32>
        %parallel_loop3A_402 = arith.index_cast %parallel_loop3A_369 : i32 to index
        %parallel_loop3A_403 = arith.constant 32 : index
        %parallel_loop3A_404 = tpu.vector_load %arg21[%parallel_loop3A_402, %parallel_loop3A_403] {strides = array<i32>} : memref<128x128xf32, #tpu.memory_space<vmem>>, vector<1x16xf32>,
        %parallel_loop3A_405 = vector.shape_cast %parallel_loop3A_404 : vector<1x16xf32> to vector<16xf32>
        %parallel_loop3A_406 = arith.addf %parallel_loop3A_401, %parallel_loop3A_405 : vector<16xf32>
        %parallel_loop3A_407 = arith.index_cast %parallel_loop3A_369 : i32 to index
        %parallel_loop3A_408 = arith.constant 32 : index
        %parallel_loop3A_409 = tpu.vector_load %arg17[%parallel_loop3A_407, %parallel_loop3A_408] {strides = array<i32>} : memref<128x128xf32, #tpu.memory_space<vmem>>, vector<1x16xf32>,
        %parallel_loop3A_410 = vector.shape_cast %parallel_loop3A_409 : vector<1x16xf32> to vector<16xf32>
        %parallel_loop3A_411 = vector.shape_cast %parallel_loop3A_406 : vector<16xf32> to vector<1x16xf32>
        tpu.vector_store %arg17[%parallel_loop3A_407, %parallel_loop3A_408], %parallel_loop3A_411 {add = true, strides = array<i32>} : memref<128x128xf32, #tpu.memory_space<vmem>>, vector<1x16xf32>,
        %parallel_loop3A_412 = arith.index_cast %parallel_loop3A_369 : i32 to index
        %parallel_loop3A_413 = arith.constant 48 : index
        %parallel_loop3A_414 = tpu.vector_load %arg19[%parallel_loop3A_412, %parallel_loop3A_413] {strides = array<i32>} : memref<128x128xf32, #tpu.memory_space<vmem>>, vector<1x16xf32>,
        %parallel_loop3A_415 = vector.shape_cast %parallel_loop3A_414 : vector<1x16xf32> to vector<16xf32>
        %parallel_loop3A_416 = arith.index_cast %parallel_loop3A_369 : i32 to index
        %parallel_loop3A_417 = arith.constant 48 : index
        %parallel_loop3A_418 = tpu.vector_load %arg21[%parallel_loop3A_416, %parallel_loop3A_417] {strides = array<i32>} : memref<128x128xf32, #tpu.memory_space<vmem>>, vector<1x16xf32>,
        %parallel_loop3A_419 = vector.shape_cast %parallel_loop3A_418 : vector<1x16xf32> to vector<16xf32>
        %parallel_loop3A_420 = arith.addf %parallel_loop3A_415, %parallel_loop3A_419 : vector<16xf32>
        %parallel_loop3A_421 = arith.index_cast %parallel_loop3A_369 : i32 to index
        %parallel_loop3A_422 = arith.constant 48 : index
        %parallel_loop3A_423 = tpu.vector_load %arg17[%parallel_loop3A_421, %parallel_loop3A_422] {strides = array<i32>} : memref<128x128xf32, #tpu.memory_space<vmem>>, vector<1x16xf32>,
        %parallel_loop3A_424 = vector.shape_cast %parallel_loop3A_423 : vector<1x16xf32> to vector<16xf32>
        %parallel_loop3A_425 = vector.shape_cast %parallel_loop3A_420 : vector<16xf32> to vector<1x16xf32>
        tpu.vector_store %arg17[%parallel_loop3A_421, %parallel_loop3A_422], %parallel_loop3A_425 {add = true, strides = array<i32>} : memref<128x128xf32, #tpu.memory_space<vmem>>, vector<1x16xf32>,
        %parallel_loop3A_426 = arith.index_cast %parallel_loop3A_369 : i32 to index
        %parallel_loop3A_427 = arith.constant 64 : index
        %parallel_loop3A_428 = tpu.vector_load %arg19[%parallel_loop3A_426, %parallel_loop3A_427] {strides = array<i32>} : memref<128x128xf32, #tpu.memory_space<vmem>>, vector<1x16xf32>,
        %parallel_loop3A_429 = vector.shape_cast %parallel_loop3A_428 : vector<1x16xf32> to vector<16xf32>
        %parallel_loop3A_430 = arith.index_cast %parallel_loop3A_369 : i32 to index
        %parallel_loop3A_431 = arith.constant 64 : index
        %parallel_loop3A_432 = tpu.vector_load %arg21[%parallel_loop3A_430, %parallel_loop3A_431] {strides = array<i32>} : memref<128x128xf32, #tpu.memory_space<vmem>>, vector<1x16xf32>,
        %parallel_loop3A_433 = vector.shape_cast %parallel_loop3A_432 : vector<1x16xf32> to vector<16xf32>
        %parallel_loop3A_434 = arith.addf %parallel_loop3A_429, %parallel_loop3A_433 : vector<16xf32>
        %parallel_loop3A_435 = arith.index_cast %parallel_loop3A_369 : i32 to index
        %parallel_loop3A_436 = arith.constant 64 : index
        %parallel_loop3A_437 = tpu.vector_load %arg17[%parallel_loop3A_435, %parallel_loop3A_436] {strides = array<i32>} : memref<128x128xf32, #tpu.memory_space<vmem>>, vector<1x16xf32>,
        %parallel_loop3A_438 = vector.shape_cast %parallel_loop3A_437 : vector<1x16xf32> to vector<16xf32>
        %parallel_loop3A_439 = vector.shape_cast %parallel_loop3A_434 : vector<16xf32> to vector<1x16xf32>
        tpu.vector_store %arg17[%parallel_loop3A_435, %parallel_loop3A_436], %parallel_loop3A_439 {add = true, strides = array<i32>} : memref<128x128xf32, #tpu.memory_space<vmem>>, vector<1x16xf32>,
        %parallel_loop3A_440 = arith.index_cast %parallel_loop3A_369 : i32 to index
        %parallel_loop3A_441 = arith.constant 80 : index
        %parallel_loop3A_442 = tpu.vector_load %arg19[%parallel_loop3A_440, %parallel_loop3A_441] {strides = array<i32>} : memref<128x128xf32, #tpu.memory_space<vmem>>, vector<1x16xf32>,
        %parallel_loop3A_443 = vector.shape_cast %parallel_loop3A_442 : vector<1x16xf32> to vector<16xf32>
        %parallel_loop3A_444 = arith.index_cast %parallel_loop3A_369 : i32 to index
        %parallel_loop3A_445 = arith.constant 80 : index
        %parallel_loop3A_446 = tpu.vector_load %arg21[%parallel_loop3A_444, %parallel_loop3A_445] {strides = array<i32>} : memref<128x128xf32, #tpu.memory_space<vmem>>, vector<1x16xf32>,
        %parallel_loop3A_447 = vector.shape_cast %parallel_loop3A_446 : vector<1x16xf32> to vector<16xf32>
        %parallel_loop3A_448 = arith.addf %parallel_loop3A_443, %parallel_loop3A_447 : vector<16xf32>
        %parallel_loop3A_449 = arith.index_cast %parallel_loop3A_369 : i32 to index
        %parallel_loop3A_450 = arith.constant 80 : index
        %parallel_loop3A_451 = tpu.vector_load %arg17[%parallel_loop3A_449, %parallel_loop3A_450] {strides = array<i32>} : memref<128x128xf32, #tpu.memory_space<vmem>>, vector<1x16xf32>,
        %parallel_loop3A_452 = vector.shape_cast %parallel_loop3A_451 : vector<1x16xf32> to vector<16xf32>
        %parallel_loop3A_453 = vector.shape_cast %parallel_loop3A_448 : vector<16xf32> to vector<1x16xf32>
        tpu.vector_store %arg17[%parallel_loop3A_449, %parallel_loop3A_450], %parallel_loop3A_453 {add = true, strides = array<i32>} : memref<128x128xf32, #tpu.memory_space<vmem>>, vector<1x16xf32>,
        %parallel_loop3A_454 = arith.index_cast %parallel_loop3A_369 : i32 to index
        %parallel_loop3A_455 = arith.constant 96 : index
        %parallel_loop3A_456 = tpu.vector_load %arg19[%parallel_loop3A_454, %parallel_loop3A_455] {strides = array<i32>} : memref<128x128xf32, #tpu.memory_space<vmem>>, vector<1x16xf32>,
        %parallel_loop3A_457 = vector.shape_cast %parallel_loop3A_456 : vector<1x16xf32> to vector<16xf32>
        %parallel_loop3A_458 = arith.index_cast %parallel_loop3A_369 : i32 to index
        %parallel_loop3A_459 = arith.constant 96 : index
        %parallel_loop3A_460 = tpu.vector_load %arg21[%parallel_loop3A_458, %parallel_loop3A_459] {strides = array<i32>} : memref<128x128xf32, #tpu.memory_space<vmem>>, vector<1x16xf32>,
        %parallel_loop3A_461 = vector.shape_cast %parallel_loop3A_460 : vector<1x16xf32> to vector<16xf32>
        %parallel_loop3A_462 = arith.addf %parallel_loop3A_457, %parallel_loop3A_461 : vector<16xf32>
        %parallel_loop3A_463 = arith.index_cast %parallel_loop3A_369 : i32 to index
        %parallel_loop3A_464 = arith.constant 96 : index
        %parallel_loop3A_465 = tpu.vector_load %arg17[%parallel_loop3A_463, %parallel_loop3A_464] {strides = array<i32>} : memref<128x128xf32, #tpu.memory_space<vmem>>, vector<1x16xf32>,
        %parallel_loop3A_466 = vector.shape_cast %parallel_loop3A_465 : vector<1x16xf32> to vector<16xf32>
        %parallel_loop3A_467 = vector.shape_cast %parallel_loop3A_462 : vector<16xf32> to vector<1x16xf32>
        tpu.vector_store %arg17[%parallel_loop3A_463, %parallel_loop3A_464], %parallel_loop3A_467 {add = true, strides = array<i32>} : memref<128x128xf32, #tpu.memory_space<vmem>>, vector<1x16xf32>,
        %parallel_loop3A_468 = arith.index_cast %parallel_loop3A_369 : i32 to index
        %parallel_loop3A_469 = arith.constant 112 : index
        %parallel_loop3A_470 = tpu.vector_load %arg19[%parallel_loop3A_468, %parallel_loop3A_469] {strides = array<i32>} : memref<128x128xf32, #tpu.memory_space<vmem>>, vector<1x16xf32>,
        %parallel_loop3A_471 = vector.shape_cast %parallel_loop3A_470 : vector<1x16xf32> to vector<16xf32>
        %parallel_loop3A_472 = arith.index_cast %parallel_loop3A_369 : i32 to index
        %parallel_loop3A_473 = arith.constant 112 : index
        %parallel_loop3A_474 = tpu.vector_load %arg21[%parallel_loop3A_472, %parallel_loop3A_473] {strides = array<i32>} : memref<128x128xf32, #tpu.memory_space<vmem>>, vector<1x16xf32>,
        %parallel_loop3A_475 = vector.shape_cast %parallel_loop3A_474 : vector<1x16xf32> to vector<16xf32>
        %parallel_loop3A_476 = arith.addf %parallel_loop3A_471, %parallel_loop3A_475 : vector<16xf32>
        %parallel_loop3A_477 = arith.index_cast %parallel_loop3A_369 : i32 to index
        %parallel_loop3A_478 = arith.constant 112 : index
        %parallel_loop3A_479 = tpu.vector_load %arg17[%parallel_loop3A_477, %parallel_loop3A_478] {strides = array<i32>} : memref<128x128xf32, #tpu.memory_space<vmem>>, vector<1x16xf32>,
        %parallel_loop3A_480 = vector.shape_cast %parallel_loop3A_479 : vector<1x16xf32> to vector<16xf32>
        %parallel_loop3A_481 = vector.shape_cast %parallel_loop3A_476 : vector<16xf32> to vector<1x16xf32>
        tpu.vector_store %arg17[%parallel_loop3A_477, %parallel_loop3A_478], %parallel_loop3A_481 {add = true, strides = array<i32>} : memref<128x128xf32, #tpu.memory_space<vmem>>, vector<1x16xf32>,
      } {sc.loop_unroll_factor = 1 : i64, sc.parallel_access}
      %mul3A_187 = arith.constant 128 : i32
      %mul3A_188 = arith.muli %add3A_42, %mul3A_187 : i32
      %add3A_189 = arith.addi %mul3A_2, %mul3A_188 : i32
      %add3A_190 = arith.constant 112 : i32
      %add3A_191 = arith.addi %add3A_189, %add3A_190 : i32
      %dma_start3A_192 = arith.constant 112 : i32
      %dma_start3A_193 = arith.constant 0 : i32
      %dma_start3A_194 = tpu.memref_slice %arg17[%dma_start3A_192, %dma_start3A_193] : memref<128x128xf32, #tpu.memory_space<vmem>> -> memref<16x128xf32, #tpu.memory_space<vmem>>
      %dma_start3A_195 = arith.constant 0 : i32
      %dma_start3A_196 = tpu.memref_slice %arg8[%add3A_191, %dma_start3A_195] : memref<819200x128xf32, #tpu.memory_space<hbm>> -> memref<16x128xf32, #tpu.memory_space<hbm>>
      %dma_start3A_197 = arith.constant 0 : i32
      %dma_start3A_198 = tpu.memref_slice %arg8[%add3A_191, %dma_start3A_197] : memref<819200x128xf32, #tpu.memory_space<hbm>> -> memref<16x128xf32, #tpu.memory_space<hbm>>
      %dma_start3A_199 = arith.constant 112 : i32
      %dma_start3A_200 = arith.constant 0 : i32
      %dma_start3A_201 = tpu.memref_slice %arg17[%dma_start3A_199, %dma_start3A_200] : memref<128x128xf32, #tpu.memory_space<vmem>> -> memref<16x128xf32, #tpu.memory_space<vmem>>
      tpu.enqueue_dma source(%dma_start3A_201 : memref<16x128xf32, #tpu.memory_space<vmem>>) target(%dma_start3A_198 : memref<16x128xf32, #tpu.memory_space<hbm>>) target_semaphore(%arg31 : memref<!tpu.dma_semaphore, #tpu.memory_space<semaphore_mem>>)
      %mul3A_202 = arith.constant 2 : i32
      %mul3A_203 = arith.muli %mul3A_202, %scan3A_38 : i32
      %add3A_204 = arith.constant 1 : i32
      %add3A_205 = arith.addi %mul3A_203, %add3A_204 : i32
      %dma_wait3A_206 = arith.constant 0 : i32
      %dma_wait3A_207 = arith.constant 0 : i32
      %dma_wait3A_208 = tpu.memref_slice %arg5[%dma_wait3A_206, %dma_wait3A_207] : memref<100000x128xf32, #tpu.memory_space<hbm>> -> memref<100000x128xf32, #tpu.memory_space<hbm>>
      tpu.wait_indirect_dma semaphore(%arg24 : memref<!tpu.dma_semaphore, #tpu.memory_space<semaphore_mem>>) src(%dma_wait3A_208 : memref<100000x128xf32, #tpu.memory_space<hbm>>) dst(%arg18 : memref<128x128xf32, #tpu.memory_space<vmem>>)
      %dma_wait3A_209 = arith.constant 0 : i32
      %dma_wait3A_210 = arith.constant 0 : i32
      %dma_wait3A_211 = tpu.memref_slice %arg9[%dma_wait3A_209, %dma_wait3A_210] : memref<2048x128xf32, #tpu.memory_space<vmem_shared>> -> memref<2048x128xf32, #tpu.memory_space<vmem_shared>>
      tpu.wait_indirect_dma semaphore(%arg26 : memref<!tpu.dma_semaphore, #tpu.memory_space<semaphore_mem>>) src(%dma_wait3A_211 : memref<2048x128xf32, #tpu.memory_space<vmem_shared>>) dst(%arg20 : memref<128x128xf32, #tpu.memory_space<vmem>>)
      %dma_wait3A_212 = arith.constant 0 : i32
      %dma_wait3A_213 = arith.constant 0 : i32
      %dma_wait3A_214 = tpu.memref_slice %arg10[%dma_wait3A_212, %dma_wait3A_213] : memref<256x128xf32, #tpu.memory_space<vmem_shared>> -> memref<256x128xf32, #tpu.memory_space<vmem_shared>>
      tpu.wait_indirect_dma semaphore(%arg28 : memref<!tpu.dma_semaphore, #tpu.memory_space<semaphore_mem>>) src(%dma_wait3A_214 : memref<256x128xf32, #tpu.memory_space<vmem_shared>>) dst(%arg22 : memref<128x128xf32, #tpu.memory_space<vmem>>)
      %lt3A_215 = arith.constant 198 : i32
      %lt3A_216 = arith.cmpi slt, %add3A_205, %lt3A_215 : i32
      %convert_element_type3A_217 = arith.extui %lt3A_216 : i1 to i32
      %cond3A_218 = arith.constant 0 : i32
      %cond3A_219 = arith.cmpi ne, %convert_element_type3A_217, %cond3A_218 : i32
      scf.if %cond3A_219 {
        %add3A_369 = arith.constant 2 : i32
        %add3A_370 = arith.addi %add3A_205, %add3A_369 : i32
        %mul3A_371 = arith.constant 128 : i32
        %mul3A_372 = arith.muli %add3A_370, %mul3A_371 : i32
        %add3A_373 = arith.addi %mul3A_2, %mul3A_372 : i32
        %dma_start3A_374 = tpu.memref_slice %arg2[%add3A_373] : memref<819200xi32, #tpu.memory_space<hbm>> -> memref<128xi32, #tpu.memory_space<hbm>>
        %dma_start3A_375 = tpu.memref_slice %arg2[%add3A_373] : memref<819200xi32, #tpu.memory_space<hbm>> -> memref<128xi32, #tpu.memory_space<hbm>>
        tpu.enqueue_dma source(%dma_start3A_375 : memref<128xi32, #tpu.memory_space<hbm>>) target(%arg12 : memref<128xi32, #tpu.memory_space<vmem>>) target_semaphore(%arg30 : memref<!tpu.dma_semaphore, #tpu.memory_space<semaphore_mem>>)
        %dma_start3A_376 = tpu.memref_slice %arg3[%add3A_373] : memref<819200xi32, #tpu.memory_space<hbm>> -> memref<128xi32, #tpu.memory_space<hbm>>
        %dma_start3A_377 = tpu.memref_slice %arg3[%add3A_373] : memref<819200xi32, #tpu.memory_space<hbm>> -> memref<128xi32, #tpu.memory_space<hbm>>
        tpu.enqueue_dma source(%dma_start3A_377 : memref<128xi32, #tpu.memory_space<hbm>>) target(%arg14 : memref<128xi32, #tpu.memory_space<vmem>>) target_semaphore(%arg30 : memref<!tpu.dma_semaphore, #tpu.memory_space<semaphore_mem>>)
        %dma_start3A_378 = tpu.memref_slice %arg4[%add3A_373] : memref<819200xi32, #tpu.memory_space<hbm>> -> memref<128xi32, #tpu.memory_space<hbm>>
        %dma_start3A_379 = tpu.memref_slice %arg4[%add3A_373] : memref<819200xi32, #tpu.memory_space<hbm>> -> memref<128xi32, #tpu.memory_space<hbm>>
        tpu.enqueue_dma source(%dma_start3A_379 : memref<128xi32, #tpu.memory_space<hbm>>) target(%arg16 : memref<128xi32, #tpu.memory_space<vmem>>) target_semaphore(%arg30 : memref<!tpu.dma_semaphore, #tpu.memory_space<semaphore_mem>>)
      } else {
      }
      %lt3A_220 = arith.constant 199 : i32
      %lt3A_221 = arith.cmpi slt, %add3A_205, %lt3A_220 : i32
      %convert_element_type3A_222 = arith.extui %lt3A_221 : i1 to i32
      %cond3A_223 = arith.constant 0 : i32
      %cond3A_224 = arith.cmpi ne, %convert_element_type3A_222, %cond3A_223 : i32
      scf.if %cond3A_224 {
        %dma_wait3A_369 = tpu.memref_slice %arg2[%mul3A_2] : memref<819200xi32, #tpu.memory_space<hbm>> -> memref<128xi32, #tpu.memory_space<hbm>>
        %dma_wait3A_370 = tpu.memref_slice %arg2[%mul3A_2] : memref<819200xi32, #tpu.memory_space<hbm>> -> memref<128xi32, #tpu.memory_space<hbm>>
        tpu.wait_dma2 semaphore(%arg29 : memref<!tpu.dma_semaphore, #tpu.memory_space<semaphore_mem>>) src(%dma_wait3A_370 : memref<128xi32, #tpu.memory_space<hbm>>) dst(%arg11 : memref<128xi32, #tpu.memory_space<vmem>>)
        %dma_wait3A_371 = tpu.memref_slice %arg3[%mul3A_2] : memref<819200xi32, #tpu.memory_space<hbm>> -> memref<128xi32, #tpu.memory_space<hbm>>
        %dma_wait3A_372 = tpu.memref_slice %arg3[%mul3A_2] : memref<819200xi32, #tpu.memory_space<hbm>> -> memref<128xi32, #tpu.memory_space<hbm>>
        tpu.wait_dma2 semaphore(%arg29 : memref<!tpu.dma_semaphore, #tpu.memory_space<semaphore_mem>>) src(%dma_wait3A_372 : memref<128xi32, #tpu.memory_space<hbm>>) dst(%arg13 : memref<128xi32, #tpu.memory_space<vmem>>)
        %dma_wait3A_373 = tpu.memref_slice %arg4[%mul3A_2] : memref<819200xi32, #tpu.memory_space<hbm>> -> memref<128xi32, #tpu.memory_space<hbm>>
        %dma_wait3A_374 = tpu.memref_slice %arg4[%mul3A_2] : memref<819200xi32, #tpu.memory_space<hbm>> -> memref<128xi32, #tpu.memory_space<hbm>>
        tpu.wait_dma2 semaphore(%arg29 : memref<!tpu.dma_semaphore, #tpu.memory_space<semaphore_mem>>) src(%dma_wait3A_374 : memref<128xi32, #tpu.memory_space<hbm>>) dst(%arg15 : memref<128xi32, #tpu.memory_space<vmem>>)
        %dma_start3A_375 = arith.constant 0 : i32
        %dma_start3A_376 = arith.constant 0 : i32
        %dma_start3A_377 = tpu.memref_slice %arg9[%dma_start3A_375, %dma_start3A_376] : memref<2048x128xf32, #tpu.memory_space<vmem_shared>> -> memref<2048x128xf32, #tpu.memory_space<vmem_shared>>
        tpu.enqueue_indirect_dma source(%dma_start3A_377 : memref<2048x128xf32, #tpu.memory_space<vmem_shared>>) target(%arg19 : memref<128x128xf32, #tpu.memory_space<vmem>>) offsets(%arg13 : memref<128xi32, #tpu.memory_space<vmem>>) semaphore(%arg25 : memref<!tpu.dma_semaphore, #tpu.memory_space<semaphore_mem>>)
        %dma_start3A_378 = arith.constant 0 : i32
        %dma_start3A_379 = arith.constant 0 : i32
        %dma_start3A_380 = tpu.memref_slice %arg10[%dma_start3A_378, %dma_start3A_379] : memref<256x128xf32, #tpu.memory_space<vmem_shared>> -> memref<256x128xf32, #tpu.memory_space<vmem_shared>>
        tpu.enqueue_indirect_dma source(%dma_start3A_380 : memref<256x128xf32, #tpu.memory_space<vmem_shared>>) target(%arg21 : memref<128x128xf32, #tpu.memory_space<vmem>>) offsets(%arg15 : memref<128xi32, #tpu.memory_space<vmem>>) semaphore(%arg27 : memref<!tpu.dma_semaphore, #tpu.memory_space<semaphore_mem>>)
        %ge3A = arith.constant 1 : i32
        %ge3A_381 = arith.cmpi sge, %add3A_205, %ge3A : i32
        %convert_element_type3A_382 = arith.extui %ge3A_381 : i1 to i32
        %cond3A_383 = arith.constant 0 : i32
        %cond3A_384 = arith.cmpi ne, %convert_element_type3A_382, %cond3A_383 : i32
        scf.if %cond3A_384 {
          %dma_wait3A_388 = arith.constant 0 : i32
          %dma_wait3A_389 = tpu.memref_slice %arg8[%mul3A_2, %dma_wait3A_388] : memref<819200x128xf32, #tpu.memory_space<hbm>> -> memref<128x128xf32, #tpu.memory_space<hbm>>
          %dma_wait3A_390 = arith.constant 0 : i32
          %dma_wait3A_391 = tpu.memref_slice %arg8[%mul3A_2, %dma_wait3A_390] : memref<819200x128xf32, #tpu.memory_space<hbm>> -> memref<128x128xf32, #tpu.memory_space<hbm>>
          tpu.wait_dma2 semaphore(%arg31 : memref<!tpu.dma_semaphore, #tpu.memory_space<semaphore_mem>>) src(%arg17 : memref<128x128xf32, #tpu.memory_space<vmem>>) dst(%dma_wait3A_391 : memref<128x128xf32, #tpu.memory_space<hbm>>)
        } else {
        }
        %dma_start3A_385 = arith.constant 0 : i32
        %dma_start3A_386 = arith.constant 0 : i32
        %dma_start3A_387 = tpu.memref_slice %arg5[%dma_start3A_385, %dma_start3A_386] : memref<100000x128xf32, #tpu.memory_space<hbm>> -> memref<100000x128xf32, #tpu.memory_space<hbm>>
        tpu.enqueue_indirect_dma source(%dma_start3A_387 : memref<100000x128xf32, #tpu.memory_space<hbm>>) target(%arg17 : memref<128x128xf32, #tpu.memory_space<vmem>>) offsets(%arg11 : memref<128xi32, #tpu.memory_space<vmem>>) semaphore(%arg23 : memref<!tpu.dma_semaphore, #tpu.memory_space<semaphore_mem>>)
      } else {
      }
      %parallel_loop3A_225 = arith.constant 0 : i32
      %parallel_loop3A_226 = arith.constant 16 : i32
      %parallel_loop3A_227 = arith.constant 1 : i32
      scf.for %parallel_loop3A_369 = %parallel_loop3A_225 to %parallel_loop3A_226 step %parallel_loop3A_227  : i32 {
        %parallel_loop3A_370 = arith.index_cast %parallel_loop3A_369 : i32 to index
        %parallel_loop3A_371 = arith.constant 0 : index
        %parallel_loop3A_372 = tpu.vector_load %arg20[%parallel_loop3A_370, %parallel_loop3A_371] {strides = array<i32>} : memref<128x128xf32, #tpu.memory_space<vmem>>, vector<1x16xf32>,
        %parallel_loop3A_373 = vector.shape_cast %parallel_loop3A_372 : vector<1x16xf32> to vector<16xf32>
        %parallel_loop3A_374 = arith.index_cast %parallel_loop3A_369 : i32 to index
        %parallel_loop3A_375 = arith.constant 0 : index
        %parallel_loop3A_376 = tpu.vector_load %arg22[%parallel_loop3A_374, %parallel_loop3A_375] {strides = array<i32>} : memref<128x128xf32, #tpu.memory_space<vmem>>, vector<1x16xf32>,
        %parallel_loop3A_377 = vector.shape_cast %parallel_loop3A_376 : vector<1x16xf32> to vector<16xf32>
        %parallel_loop3A_378 = arith.addf %parallel_loop3A_373, %parallel_loop3A_377 : vector<16xf32>
        %parallel_loop3A_379 = arith.index_cast %parallel_loop3A_369 : i32 to index
        %parallel_loop3A_380 = arith.constant 0 : index
        %parallel_loop3A_381 = tpu.vector_load %arg18[%parallel_loop3A_379, %parallel_loop3A_380] {strides = array<i32>} : memref<128x128xf32, #tpu.memory_space<vmem>>, vector<1x16xf32>,
        %parallel_loop3A_382 = vector.shape_cast %parallel_loop3A_381 : vector<1x16xf32> to vector<16xf32>
        %parallel_loop3A_383 = vector.shape_cast %parallel_loop3A_378 : vector<16xf32> to vector<1x16xf32>
        tpu.vector_store %arg18[%parallel_loop3A_379, %parallel_loop3A_380], %parallel_loop3A_383 {add = true, strides = array<i32>} : memref<128x128xf32, #tpu.memory_space<vmem>>, vector<1x16xf32>,
        %parallel_loop3A_384 = arith.index_cast %parallel_loop3A_369 : i32 to index
        %parallel_loop3A_385 = arith.constant 16 : index
        %parallel_loop3A_386 = tpu.vector_load %arg20[%parallel_loop3A_384, %parallel_loop3A_385] {strides = array<i32>} : memref<128x128xf32, #tpu.memory_space<vmem>>, vector<1x16xf32>,
        %parallel_loop3A_387 = vector.shape_cast %parallel_loop3A_386 : vector<1x16xf32> to vector<16xf32>
        %parallel_loop3A_388 = arith.index_cast %parallel_loop3A_369 : i32 to index
        %parallel_loop3A_389 = arith.constant 16 : index
        %parallel_loop3A_390 = tpu.vector_load %arg22[%parallel_loop3A_388, %parallel_loop3A_389] {strides = array<i32>} : memref<128x128xf32, #tpu.memory_space<vmem>>, vector<1x16xf32>,
        %parallel_loop3A_391 = vector.shape_cast %parallel_loop3A_390 : vector<1x16xf32> to vector<16xf32>
        %parallel_loop3A_392 = arith.addf %parallel_loop3A_387, %parallel_loop3A_391 : vector<16xf32>
        %parallel_loop3A_393 = arith.index_cast %parallel_loop3A_369 : i32 to index
        %parallel_loop3A_394 = arith.constant 16 : index
        %parallel_loop3A_395 = tpu.vector_load %arg18[%parallel_loop3A_393, %parallel_loop3A_394] {strides = array<i32>} : memref<128x128xf32, #tpu.memory_space<vmem>>, vector<1x16xf32>,
        %parallel_loop3A_396 = vector.shape_cast %parallel_loop3A_395 : vector<1x16xf32> to vector<16xf32>
        %parallel_loop3A_397 = vector.shape_cast %parallel_loop3A_392 : vector<16xf32> to vector<1x16xf32>
        tpu.vector_store %arg18[%parallel_loop3A_393, %parallel_loop3A_394], %parallel_loop3A_397 {add = true, strides = array<i32>} : memref<128x128xf32, #tpu.memory_space<vmem>>, vector<1x16xf32>,
        %parallel_loop3A_398 = arith.index_cast %parallel_loop3A_369 : i32 to index
        %parallel_loop3A_399 = arith.constant 32 : index
        %parallel_loop3A_400 = tpu.vector_load %arg20[%parallel_loop3A_398, %parallel_loop3A_399] {strides = array<i32>} : memref<128x128xf32, #tpu.memory_space<vmem>>, vector<1x16xf32>,
        %parallel_loop3A_401 = vector.shape_cast %parallel_loop3A_400 : vector<1x16xf32> to vector<16xf32>
        %parallel_loop3A_402 = arith.index_cast %parallel_loop3A_369 : i32 to index
        %parallel_loop3A_403 = arith.constant 32 : index
        %parallel_loop3A_404 = tpu.vector_load %arg22[%parallel_loop3A_402, %parallel_loop3A_403] {strides = array<i32>} : memref<128x128xf32, #tpu.memory_space<vmem>>, vector<1x16xf32>,
        %parallel_loop3A_405 = vector.shape_cast %parallel_loop3A_404 : vector<1x16xf32> to vector<16xf32>
        %parallel_loop3A_406 = arith.addf %parallel_loop3A_401, %parallel_loop3A_405 : vector<16xf32>
        %parallel_loop3A_407 = arith.index_cast %parallel_loop3A_369 : i32 to index
        %parallel_loop3A_408 = arith.constant 32 : index
        %parallel_loop3A_409 = tpu.vector_load %arg18[%parallel_loop3A_407, %parallel_loop3A_408] {strides = array<i32>} : memref<128x128xf32, #tpu.memory_space<vmem>>, vector<1x16xf32>,
        %parallel_loop3A_410 = vector.shape_cast %parallel_loop3A_409 : vector<1x16xf32> to vector<16xf32>
        %parallel_loop3A_411 = vector.shape_cast %parallel_loop3A_406 : vector<16xf32> to vector<1x16xf32>
        tpu.vector_store %arg18[%parallel_loop3A_407, %parallel_loop3A_408], %parallel_loop3A_411 {add = true, strides = array<i32>} : memref<128x128xf32, #tpu.memory_space<vmem>>, vector<1x16xf32>,
        %parallel_loop3A_412 = arith.index_cast %parallel_loop3A_369 : i32 to index
        %parallel_loop3A_413 = arith.constant 48 : index
        %parallel_loop3A_414 = tpu.vector_load %arg20[%parallel_loop3A_412, %parallel_loop3A_413] {strides = array<i32>} : memref<128x128xf32, #tpu.memory_space<vmem>>, vector<1x16xf32>,
        %parallel_loop3A_415 = vector.shape_cast %parallel_loop3A_414 : vector<1x16xf32> to vector<16xf32>
        %parallel_loop3A_416 = arith.index_cast %parallel_loop3A_369 : i32 to index
        %parallel_loop3A_417 = arith.constant 48 : index
        %parallel_loop3A_418 = tpu.vector_load %arg22[%parallel_loop3A_416, %parallel_loop3A_417] {strides = array<i32>} : memref<128x128xf32, #tpu.memory_space<vmem>>, vector<1x16xf32>,
        %parallel_loop3A_419 = vector.shape_cast %parallel_loop3A_418 : vector<1x16xf32> to vector<16xf32>
        %parallel_loop3A_420 = arith.addf %parallel_loop3A_415, %parallel_loop3A_419 : vector<16xf32>
        %parallel_loop3A_421 = arith.index_cast %parallel_loop3A_369 : i32 to index
        %parallel_loop3A_422 = arith.constant 48 : index
        %parallel_loop3A_423 = tpu.vector_load %arg18[%parallel_loop3A_421, %parallel_loop3A_422] {strides = array<i32>} : memref<128x128xf32, #tpu.memory_space<vmem>>, vector<1x16xf32>,
        %parallel_loop3A_424 = vector.shape_cast %parallel_loop3A_423 : vector<1x16xf32> to vector<16xf32>
        %parallel_loop3A_425 = vector.shape_cast %parallel_loop3A_420 : vector<16xf32> to vector<1x16xf32>
        tpu.vector_store %arg18[%parallel_loop3A_421, %parallel_loop3A_422], %parallel_loop3A_425 {add = true, strides = array<i32>} : memref<128x128xf32, #tpu.memory_space<vmem>>, vector<1x16xf32>,
        %parallel_loop3A_426 = arith.index_cast %parallel_loop3A_369 : i32 to index
        %parallel_loop3A_427 = arith.constant 64 : index
        %parallel_loop3A_428 = tpu.vector_load %arg20[%parallel_loop3A_426, %parallel_loop3A_427] {strides = array<i32>} : memref<128x128xf32, #tpu.memory_space<vmem>>, vector<1x16xf32>,
        %parallel_loop3A_429 = vector.shape_cast %parallel_loop3A_428 : vector<1x16xf32> to vector<16xf32>
        %parallel_loop3A_430 = arith.index_cast %parallel_loop3A_369 : i32 to index
        %parallel_loop3A_431 = arith.constant 64 : index
        %parallel_loop3A_432 = tpu.vector_load %arg22[%parallel_loop3A_430, %parallel_loop3A_431] {strides = array<i32>} : memref<128x128xf32, #tpu.memory_space<vmem>>, vector<1x16xf32>,
        %parallel_loop3A_433 = vector.shape_cast %parallel_loop3A_432 : vector<1x16xf32> to vector<16xf32>
        %parallel_loop3A_434 = arith.addf %parallel_loop3A_429, %parallel_loop3A_433 : vector<16xf32>
        %parallel_loop3A_435 = arith.index_cast %parallel_loop3A_369 : i32 to index
        %parallel_loop3A_436 = arith.constant 64 : index
        %parallel_loop3A_437 = tpu.vector_load %arg18[%parallel_loop3A_435, %parallel_loop3A_436] {strides = array<i32>} : memref<128x128xf32, #tpu.memory_space<vmem>>, vector<1x16xf32>,
        %parallel_loop3A_438 = vector.shape_cast %parallel_loop3A_437 : vector<1x16xf32> to vector<16xf32>
        %parallel_loop3A_439 = vector.shape_cast %parallel_loop3A_434 : vector<16xf32> to vector<1x16xf32>
        tpu.vector_store %arg18[%parallel_loop3A_435, %parallel_loop3A_436], %parallel_loop3A_439 {add = true, strides = array<i32>} : memref<128x128xf32, #tpu.memory_space<vmem>>, vector<1x16xf32>,
        %parallel_loop3A_440 = arith.index_cast %parallel_loop3A_369 : i32 to index
        %parallel_loop3A_441 = arith.constant 80 : index
        %parallel_loop3A_442 = tpu.vector_load %arg20[%parallel_loop3A_440, %parallel_loop3A_441] {strides = array<i32>} : memref<128x128xf32, #tpu.memory_space<vmem>>, vector<1x16xf32>,
        %parallel_loop3A_443 = vector.shape_cast %parallel_loop3A_442 : vector<1x16xf32> to vector<16xf32>
        %parallel_loop3A_444 = arith.index_cast %parallel_loop3A_369 : i32 to index
        %parallel_loop3A_445 = arith.constant 80 : index
        %parallel_loop3A_446 = tpu.vector_load %arg22[%parallel_loop3A_444, %parallel_loop3A_445] {strides = array<i32>} : memref<128x128xf32, #tpu.memory_space<vmem>>, vector<1x16xf32>,
        %parallel_loop3A_447 = vector.shape_cast %parallel_loop3A_446 : vector<1x16xf32> to vector<16xf32>
        %parallel_loop3A_448 = arith.addf %parallel_loop3A_443, %parallel_loop3A_447 : vector<16xf32>
        %parallel_loop3A_449 = arith.index_cast %parallel_loop3A_369 : i32 to index
        %parallel_loop3A_450 = arith.constant 80 : index
        %parallel_loop3A_451 = tpu.vector_load %arg18[%parallel_loop3A_449, %parallel_loop3A_450] {strides = array<i32>} : memref<128x128xf32, #tpu.memory_space<vmem>>, vector<1x16xf32>,
        %parallel_loop3A_452 = vector.shape_cast %parallel_loop3A_451 : vector<1x16xf32> to vector<16xf32>
        %parallel_loop3A_453 = vector.shape_cast %parallel_loop3A_448 : vector<16xf32> to vector<1x16xf32>
        tpu.vector_store %arg18[%parallel_loop3A_449, %parallel_loop3A_450], %parallel_loop3A_453 {add = true, strides = array<i32>} : memref<128x128xf32, #tpu.memory_space<vmem>>, vector<1x16xf32>,
        %parallel_loop3A_454 = arith.index_cast %parallel_loop3A_369 : i32 to index
        %parallel_loop3A_455 = arith.constant 96 : index
        %parallel_loop3A_456 = tpu.vector_load %arg20[%parallel_loop3A_454, %parallel_loop3A_455] {strides = array<i32>} : memref<128x128xf32, #tpu.memory_space<vmem>>, vector<1x16xf32>,
        %parallel_loop3A_457 = vector.shape_cast %parallel_loop3A_456 : vector<1x16xf32> to vector<16xf32>
        %parallel_loop3A_458 = arith.index_cast %parallel_loop3A_369 : i32 to index
        %parallel_loop3A_459 = arith.constant 96 : index
        %parallel_loop3A_460 = tpu.vector_load %arg22[%parallel_loop3A_458, %parallel_loop3A_459] {strides = array<i32>} : memref<128x128xf32, #tpu.memory_space<vmem>>, vector<1x16xf32>,
        %parallel_loop3A_461 = vector.shape_cast %parallel_loop3A_460 : vector<1x16xf32> to vector<16xf32>
        %parallel_loop3A_462 = arith.addf %parallel_loop3A_457, %parallel_loop3A_461 : vector<16xf32>
        %parallel_loop3A_463 = arith.index_cast %parallel_loop3A_369 : i32 to index
        %parallel_loop3A_464 = arith.constant 96 : index
        %parallel_loop3A_465 = tpu.vector_load %arg18[%parallel_loop3A_463, %parallel_loop3A_464] {strides = array<i32>} : memref<128x128xf32, #tpu.memory_space<vmem>>, vector<1x16xf32>,
        %parallel_loop3A_466 = vector.shape_cast %parallel_loop3A_465 : vector<1x16xf32> to vector<16xf32>
        %parallel_loop3A_467 = vector.shape_cast %parallel_loop3A_462 : vector<16xf32> to vector<1x16xf32>
        tpu.vector_store %arg18[%parallel_loop3A_463, %parallel_loop3A_464], %parallel_loop3A_467 {add = true, strides = array<i32>} : memref<128x128xf32, #tpu.memory_space<vmem>>, vector<1x16xf32>,
        %parallel_loop3A_468 = arith.index_cast %parallel_loop3A_369 : i32 to index
        %parallel_loop3A_469 = arith.constant 112 : index
        %parallel_loop3A_470 = tpu.vector_load %arg20[%parallel_loop3A_468, %parallel_loop3A_469] {strides = array<i32>} : memref<128x128xf32, #tpu.memory_space<vmem>>, vector<1x16xf32>,
        %parallel_loop3A_471 = vector.shape_cast %parallel_loop3A_470 : vector<1x16xf32> to vector<16xf32>
        %parallel_loop3A_472 = arith.index_cast %parallel_loop3A_369 : i32 to index
        %parallel_loop3A_473 = arith.constant 112 : index
        %parallel_loop3A_474 = tpu.vector_load %arg22[%parallel_loop3A_472, %parallel_loop3A_473] {strides = array<i32>} : memref<128x128xf32, #tpu.memory_space<vmem>>, vector<1x16xf32>,
        %parallel_loop3A_475 = vector.shape_cast %parallel_loop3A_474 : vector<1x16xf32> to vector<16xf32>
        %parallel_loop3A_476 = arith.addf %parallel_loop3A_471, %parallel_loop3A_475 : vector<16xf32>
        %parallel_loop3A_477 = arith.index_cast %parallel_loop3A_369 : i32 to index
        %parallel_loop3A_478 = arith.constant 112 : index
        %parallel_loop3A_479 = tpu.vector_load %arg18[%parallel_loop3A_477, %parallel_loop3A_478] {strides = array<i32>} : memref<128x128xf32, #tpu.memory_space<vmem>>, vector<1x16xf32>,
        %parallel_loop3A_480 = vector.shape_cast %parallel_loop3A_479 : vector<1x16xf32> to vector<16xf32>
        %parallel_loop3A_481 = vector.shape_cast %parallel_loop3A_476 : vector<16xf32> to vector<1x16xf32>
        tpu.vector_store %arg18[%parallel_loop3A_477, %parallel_loop3A_478], %parallel_loop3A_481 {add = true, strides = array<i32>} : memref<128x128xf32, #tpu.memory_space<vmem>>, vector<1x16xf32>,
      } {sc.loop_unroll_factor = 1 : i64, sc.parallel_access}
      %mul3A_228 = arith.constant 128 : i32
      %mul3A_229 = arith.muli %add3A_205, %mul3A_228 : i32
      %add3A_230 = arith.addi %mul3A_2, %mul3A_229 : i32
      %add3A_231 = arith.constant 0 : i32
      %add3A_232 = arith.addi %add3A_230, %add3A_231 : i32
      %dma_start3A_233 = arith.constant 0 : i32
      %dma_start3A_234 = arith.constant 0 : i32
      %dma_start3A_235 = tpu.memref_slice %arg18[%dma_start3A_233, %dma_start3A_234] : memref<128x128xf32, #tpu.memory_space<vmem>> -> memref<16x128xf32, #tpu.memory_space<vmem>>
      %dma_start3A_236 = arith.constant 0 : i32
      %dma_start3A_237 = tpu.memref_slice %arg8[%add3A_232, %dma_start3A_236] : memref<819200x128xf32, #tpu.memory_space<hbm>> -> memref<16x128xf32, #tpu.memory_space<hbm>>
      %dma_start3A_238 = arith.constant 0 : i32
      %dma_start3A_239 = tpu.memref_slice %arg8[%add3A_232, %dma_start3A_238] : memref<819200x128xf32, #tpu.memory_space<hbm>> -> memref<16x128xf32, #tpu.memory_space<hbm>>
      %dma_start3A_240 = arith.constant 0 : i32
      %dma_start3A_241 = arith.constant 0 : i32
      %dma_start3A_242 = tpu.memref_slice %arg18[%dma_start3A_240, %dma_start3A_241] : memref<128x128xf32, #tpu.memory_space<vmem>> -> memref<16x128xf32, #tpu.memory_space<vmem>>
      tpu.enqueue_dma source(%dma_start3A_242 : memref<16x128xf32, #tpu.memory_space<vmem>>) target(%dma_start3A_239 : memref<16x128xf32, #tpu.memory_space<hbm>>) target_semaphore(%arg32 : memref<!tpu.dma_semaphore, #tpu.memory_space<semaphore_mem>>)
      %parallel_loop3A_243 = arith.constant 16 : i32
      %parallel_loop3A_244 = arith.constant 32 : i32
      %parallel_loop3A_245 = arith.constant 1 : i32
      scf.for %parallel_loop3A_369 = %parallel_loop3A_243 to %parallel_loop3A_244 step %parallel_loop3A_245  : i32 {
        %parallel_loop3A_370 = arith.index_cast %parallel_loop3A_369 : i32 to index
        %parallel_loop3A_371 = arith.constant 0 : index
        %parallel_loop3A_372 = tpu.vector_load %arg20[%parallel_loop3A_370, %parallel_loop3A_371] {strides = array<i32>} : memref<128x128xf32, #tpu.memory_space<vmem>>, vector<1x16xf32>,
        %parallel_loop3A_373 = vector.shape_cast %parallel_loop3A_372 : vector<1x16xf32> to vector<16xf32>
        %parallel_loop3A_374 = arith.index_cast %parallel_loop3A_369 : i32 to index
        %parallel_loop3A_375 = arith.constant 0 : index
        %parallel_loop3A_376 = tpu.vector_load %arg22[%parallel_loop3A_374, %parallel_loop3A_375] {strides = array<i32>} : memref<128x128xf32, #tpu.memory_space<vmem>>, vector<1x16xf32>,
        %parallel_loop3A_377 = vector.shape_cast %parallel_loop3A_376 : vector<1x16xf32> to vector<16xf32>
        %parallel_loop3A_378 = arith.addf %parallel_loop3A_373, %parallel_loop3A_377 : vector<16xf32>
        %parallel_loop3A_379 = arith.index_cast %parallel_loop3A_369 : i32 to index
        %parallel_loop3A_380 = arith.constant 0 : index
        %parallel_loop3A_381 = tpu.vector_load %arg18[%parallel_loop3A_379, %parallel_loop3A_380] {strides = array<i32>} : memref<128x128xf32, #tpu.memory_space<vmem>>, vector<1x16xf32>,
        %parallel_loop3A_382 = vector.shape_cast %parallel_loop3A_381 : vector<1x16xf32> to vector<16xf32>
        %parallel_loop3A_383 = vector.shape_cast %parallel_loop3A_378 : vector<16xf32> to vector<1x16xf32>
        tpu.vector_store %arg18[%parallel_loop3A_379, %parallel_loop3A_380], %parallel_loop3A_383 {add = true, strides = array<i32>} : memref<128x128xf32, #tpu.memory_space<vmem>>, vector<1x16xf32>,
        %parallel_loop3A_384 = arith.index_cast %parallel_loop3A_369 : i32 to index
        %parallel_loop3A_385 = arith.constant 16 : index
        %parallel_loop3A_386 = tpu.vector_load %arg20[%parallel_loop3A_384, %parallel_loop3A_385] {strides = array<i32>} : memref<128x128xf32, #tpu.memory_space<vmem>>, vector<1x16xf32>,
        %parallel_loop3A_387 = vector.shape_cast %parallel_loop3A_386 : vector<1x16xf32> to vector<16xf32>
        %parallel_loop3A_388 = arith.index_cast %parallel_loop3A_369 : i32 to index
        %parallel_loop3A_389 = arith.constant 16 : index
        %parallel_loop3A_390 = tpu.vector_load %arg22[%parallel_loop3A_388, %parallel_loop3A_389] {strides = array<i32>} : memref<128x128xf32, #tpu.memory_space<vmem>>, vector<1x16xf32>,
        %parallel_loop3A_391 = vector.shape_cast %parallel_loop3A_390 : vector<1x16xf32> to vector<16xf32>
        %parallel_loop3A_392 = arith.addf %parallel_loop3A_387, %parallel_loop3A_391 : vector<16xf32>
        %parallel_loop3A_393 = arith.index_cast %parallel_loop3A_369 : i32 to index
        %parallel_loop3A_394 = arith.constant 16 : index
        %parallel_loop3A_395 = tpu.vector_load %arg18[%parallel_loop3A_393, %parallel_loop3A_394] {strides = array<i32>} : memref<128x128xf32, #tpu.memory_space<vmem>>, vector<1x16xf32>,
        %parallel_loop3A_396 = vector.shape_cast %parallel_loop3A_395 : vector<1x16xf32> to vector<16xf32>
        %parallel_loop3A_397 = vector.shape_cast %parallel_loop3A_392 : vector<16xf32> to vector<1x16xf32>
        tpu.vector_store %arg18[%parallel_loop3A_393, %parallel_loop3A_394], %parallel_loop3A_397 {add = true, strides = array<i32>} : memref<128x128xf32, #tpu.memory_space<vmem>>, vector<1x16xf32>,
        %parallel_loop3A_398 = arith.index_cast %parallel_loop3A_369 : i32 to index
        %parallel_loop3A_399 = arith.constant 32 : index
        %parallel_loop3A_400 = tpu.vector_load %arg20[%parallel_loop3A_398, %parallel_loop3A_399] {strides = array<i32>} : memref<128x128xf32, #tpu.memory_space<vmem>>, vector<1x16xf32>,
        %parallel_loop3A_401 = vector.shape_cast %parallel_loop3A_400 : vector<1x16xf32> to vector<16xf32>
        %parallel_loop3A_402 = arith.index_cast %parallel_loop3A_369 : i32 to index
        %parallel_loop3A_403 = arith.constant 32 : index
        %parallel_loop3A_404 = tpu.vector_load %arg22[%parallel_loop3A_402, %parallel_loop3A_403] {strides = array<i32>} : memref<128x128xf32, #tpu.memory_space<vmem>>, vector<1x16xf32>,
        %parallel_loop3A_405 = vector.shape_cast %parallel_loop3A_404 : vector<1x16xf32> to vector<16xf32>
        %parallel_loop3A_406 = arith.addf %parallel_loop3A_401, %parallel_loop3A_405 : vector<16xf32>
        %parallel_loop3A_407 = arith.index_cast %parallel_loop3A_369 : i32 to index
        %parallel_loop3A_408 = arith.constant 32 : index
        %parallel_loop3A_409 = tpu.vector_load %arg18[%parallel_loop3A_407, %parallel_loop3A_408] {strides = array<i32>} : memref<128x128xf32, #tpu.memory_space<vmem>>, vector<1x16xf32>,
        %parallel_loop3A_410 = vector.shape_cast %parallel_loop3A_409 : vector<1x16xf32> to vector<16xf32>
        %parallel_loop3A_411 = vector.shape_cast %parallel_loop3A_406 : vector<16xf32> to vector<1x16xf32>
        tpu.vector_store %arg18[%parallel_loop3A_407, %parallel_loop3A_408], %parallel_loop3A_411 {add = true, strides = array<i32>} : memref<128x128xf32, #tpu.memory_space<vmem>>, vector<1x16xf32>,
        %parallel_loop3A_412 = arith.index_cast %parallel_loop3A_369 : i32 to index
        %parallel_loop3A_413 = arith.constant 48 : index
        %parallel_loop3A_414 = tpu.vector_load %arg20[%parallel_loop3A_412, %parallel_loop3A_413] {strides = array<i32>} : memref<128x128xf32, #tpu.memory_space<vmem>>, vector<1x16xf32>,
        %parallel_loop3A_415 = vector.shape_cast %parallel_loop3A_414 : vector<1x16xf32> to vector<16xf32>
        %parallel_loop3A_416 = arith.index_cast %parallel_loop3A_369 : i32 to index
        %parallel_loop3A_417 = arith.constant 48 : index
        %parallel_loop3A_418 = tpu.vector_load %arg22[%parallel_loop3A_416, %parallel_loop3A_417] {strides = array<i32>} : memref<128x128xf32, #tpu.memory_space<vmem>>, vector<1x16xf32>,
        %parallel_loop3A_419 = vector.shape_cast %parallel_loop3A_418 : vector<1x16xf32> to vector<16xf32>
        %parallel_loop3A_420 = arith.addf %parallel_loop3A_415, %parallel_loop3A_419 : vector<16xf32>
        %parallel_loop3A_421 = arith.index_cast %parallel_loop3A_369 : i32 to index
        %parallel_loop3A_422 = arith.constant 48 : index
        %parallel_loop3A_423 = tpu.vector_load %arg18[%parallel_loop3A_421, %parallel_loop3A_422] {strides = array<i32>} : memref<128x128xf32, #tpu.memory_space<vmem>>, vector<1x16xf32>,
        %parallel_loop3A_424 = vector.shape_cast %parallel_loop3A_423 : vector<1x16xf32> to vector<16xf32>
        %parallel_loop3A_425 = vector.shape_cast %parallel_loop3A_420 : vector<16xf32> to vector<1x16xf32>
        tpu.vector_store %arg18[%parallel_loop3A_421, %parallel_loop3A_422], %parallel_loop3A_425 {add = true, strides = array<i32>} : memref<128x128xf32, #tpu.memory_space<vmem>>, vector<1x16xf32>,
        %parallel_loop3A_426 = arith.index_cast %parallel_loop3A_369 : i32 to index
        %parallel_loop3A_427 = arith.constant 64 : index
        %parallel_loop3A_428 = tpu.vector_load %arg20[%parallel_loop3A_426, %parallel_loop3A_427] {strides = array<i32>} : memref<128x128xf32, #tpu.memory_space<vmem>>, vector<1x16xf32>,
        %parallel_loop3A_429 = vector.shape_cast %parallel_loop3A_428 : vector<1x16xf32> to vector<16xf32>
        %parallel_loop3A_430 = arith.index_cast %parallel_loop3A_369 : i32 to index
        %parallel_loop3A_431 = arith.constant 64 : index
        %parallel_loop3A_432 = tpu.vector_load %arg22[%parallel_loop3A_430, %parallel_loop3A_431] {strides = array<i32>} : memref<128x128xf32, #tpu.memory_space<vmem>>, vector<1x16xf32>,
        %parallel_loop3A_433 = vector.shape_cast %parallel_loop3A_432 : vector<1x16xf32> to vector<16xf32>
        %parallel_loop3A_434 = arith.addf %parallel_loop3A_429, %parallel_loop3A_433 : vector<16xf32>
        %parallel_loop3A_435 = arith.index_cast %parallel_loop3A_369 : i32 to index
        %parallel_loop3A_436 = arith.constant 64 : index
        %parallel_loop3A_437 = tpu.vector_load %arg18[%parallel_loop3A_435, %parallel_loop3A_436] {strides = array<i32>} : memref<128x128xf32, #tpu.memory_space<vmem>>, vector<1x16xf32>,
        %parallel_loop3A_438 = vector.shape_cast %parallel_loop3A_437 : vector<1x16xf32> to vector<16xf32>
        %parallel_loop3A_439 = vector.shape_cast %parallel_loop3A_434 : vector<16xf32> to vector<1x16xf32>
        tpu.vector_store %arg18[%parallel_loop3A_435, %parallel_loop3A_436], %parallel_loop3A_439 {add = true, strides = array<i32>} : memref<128x128xf32, #tpu.memory_space<vmem>>, vector<1x16xf32>,
        %parallel_loop3A_440 = arith.index_cast %parallel_loop3A_369 : i32 to index
        %parallel_loop3A_441 = arith.constant 80 : index
        %parallel_loop3A_442 = tpu.vector_load %arg20[%parallel_loop3A_440, %parallel_loop3A_441] {strides = array<i32>} : memref<128x128xf32, #tpu.memory_space<vmem>>, vector<1x16xf32>,
        %parallel_loop3A_443 = vector.shape_cast %parallel_loop3A_442 : vector<1x16xf32> to vector<16xf32>
        %parallel_loop3A_444 = arith.index_cast %parallel_loop3A_369 : i32 to index
        %parallel_loop3A_445 = arith.constant 80 : index
        %parallel_loop3A_446 = tpu.vector_load %arg22[%parallel_loop3A_444, %parallel_loop3A_445] {strides = array<i32>} : memref<128x128xf32, #tpu.memory_space<vmem>>, vector<1x16xf32>,
        %parallel_loop3A_447 = vector.shape_cast %parallel_loop3A_446 : vector<1x16xf32> to vector<16xf32>
        %parallel_loop3A_448 = arith.addf %parallel_loop3A_443, %parallel_loop3A_447 : vector<16xf32>
        %parallel_loop3A_449 = arith.index_cast %parallel_loop3A_369 : i32 to index
        %parallel_loop3A_450 = arith.constant 80 : index
        %parallel_loop3A_451 = tpu.vector_load %arg18[%parallel_loop3A_449, %parallel_loop3A_450] {strides = array<i32>} : memref<128x128xf32, #tpu.memory_space<vmem>>, vector<1x16xf32>,
        %parallel_loop3A_452 = vector.shape_cast %parallel_loop3A_451 : vector<1x16xf32> to vector<16xf32>
        %parallel_loop3A_453 = vector.shape_cast %parallel_loop3A_448 : vector<16xf32> to vector<1x16xf32>
        tpu.vector_store %arg18[%parallel_loop3A_449, %parallel_loop3A_450], %parallel_loop3A_453 {add = true, strides = array<i32>} : memref<128x128xf32, #tpu.memory_space<vmem>>, vector<1x16xf32>,
        %parallel_loop3A_454 = arith.index_cast %parallel_loop3A_369 : i32 to index
        %parallel_loop3A_455 = arith.constant 96 : index
        %parallel_loop3A_456 = tpu.vector_load %arg20[%parallel_loop3A_454, %parallel_loop3A_455] {strides = array<i32>} : memref<128x128xf32, #tpu.memory_space<vmem>>, vector<1x16xf32>,
        %parallel_loop3A_457 = vector.shape_cast %parallel_loop3A_456 : vector<1x16xf32> to vector<16xf32>
        %parallel_loop3A_458 = arith.index_cast %parallel_loop3A_369 : i32 to index
        %parallel_loop3A_459 = arith.constant 96 : index
        %parallel_loop3A_460 = tpu.vector_load %arg22[%parallel_loop3A_458, %parallel_loop3A_459] {strides = array<i32>} : memref<128x128xf32, #tpu.memory_space<vmem>>, vector<1x16xf32>,
        %parallel_loop3A_461 = vector.shape_cast %parallel_loop3A_460 : vector<1x16xf32> to vector<16xf32>
        %parallel_loop3A_462 = arith.addf %parallel_loop3A_457, %parallel_loop3A_461 : vector<16xf32>
        %parallel_loop3A_463 = arith.index_cast %parallel_loop3A_369 : i32 to index
        %parallel_loop3A_464 = arith.constant 96 : index
        %parallel_loop3A_465 = tpu.vector_load %arg18[%parallel_loop3A_463, %parallel_loop3A_464] {strides = array<i32>} : memref<128x128xf32, #tpu.memory_space<vmem>>, vector<1x16xf32>,
        %parallel_loop3A_466 = vector.shape_cast %parallel_loop3A_465 : vector<1x16xf32> to vector<16xf32>
        %parallel_loop3A_467 = vector.shape_cast %parallel_loop3A_462 : vector<16xf32> to vector<1x16xf32>
        tpu.vector_store %arg18[%parallel_loop3A_463, %parallel_loop3A_464], %parallel_loop3A_467 {add = true, strides = array<i32>} : memref<128x128xf32, #tpu.memory_space<vmem>>, vector<1x16xf32>,
        %parallel_loop3A_468 = arith.index_cast %parallel_loop3A_369 : i32 to index
        %parallel_loop3A_469 = arith.constant 112 : index
        %parallel_loop3A_470 = tpu.vector_load %arg20[%parallel_loop3A_468, %parallel_loop3A_469] {strides = array<i32>} : memref<128x128xf32, #tpu.memory_space<vmem>>, vector<1x16xf32>,
        %parallel_loop3A_471 = vector.shape_cast %parallel_loop3A_470 : vector<1x16xf32> to vector<16xf32>
        %parallel_loop3A_472 = arith.index_cast %parallel_loop3A_369 : i32 to index
        %parallel_loop3A_473 = arith.constant 112 : index
        %parallel_loop3A_474 = tpu.vector_load %arg22[%parallel_loop3A_472, %parallel_loop3A_473] {strides = array<i32>} : memref<128x128xf32, #tpu.memory_space<vmem>>, vector<1x16xf32>,
        %parallel_loop3A_475 = vector.shape_cast %parallel_loop3A_474 : vector<1x16xf32> to vector<16xf32>
        %parallel_loop3A_476 = arith.addf %parallel_loop3A_471, %parallel_loop3A_475 : vector<16xf32>
        %parallel_loop3A_477 = arith.index_cast %parallel_loop3A_369 : i32 to index
        %parallel_loop3A_478 = arith.constant 112 : index
        %parallel_loop3A_479 = tpu.vector_load %arg18[%parallel_loop3A_477, %parallel_loop3A_478] {strides = array<i32>} : memref<128x128xf32, #tpu.memory_space<vmem>>, vector<1x16xf32>,
        %parallel_loop3A_480 = vector.shape_cast %parallel_loop3A_479 : vector<1x16xf32> to vector<16xf32>
        %parallel_loop3A_481 = vector.shape_cast %parallel_loop3A_476 : vector<16xf32> to vector<1x16xf32>
        tpu.vector_store %arg18[%parallel_loop3A_477, %parallel_loop3A_478], %parallel_loop3A_481 {add = true, strides = array<i32>} : memref<128x128xf32, #tpu.memory_space<vmem>>, vector<1x16xf32>,
      } {sc.loop_unroll_factor = 1 : i64, sc.parallel_access}
      %mul3A_246 = arith.constant 128 : i32
      %mul3A_247 = arith.muli %add3A_205, %mul3A_246 : i32
      %add3A_248 = arith.addi %mul3A_2, %mul3A_247 : i32
      %add3A_249 = arith.constant 16 : i32
      %add3A_250 = arith.addi %add3A_248, %add3A_249 : i32
      %dma_start3A_251 = arith.constant 16 : i32
      %dma_start3A_252 = arith.constant 0 : i32
      %dma_start3A_253 = tpu.memref_slice %arg18[%dma_start3A_251, %dma_start3A_252] : memref<128x128xf32, #tpu.memory_space<vmem>> -> memref<16x128xf32, #tpu.memory_space<vmem>>
      %dma_start3A_254 = arith.constant 0 : i32
      %dma_start3A_255 = tpu.memref_slice %arg8[%add3A_250, %dma_start3A_254] : memref<819200x128xf32, #tpu.memory_space<hbm>> -> memref<16x128xf32, #tpu.memory_space<hbm>>
      %dma_start3A_256 = arith.constant 0 : i32
      %dma_start3A_257 = tpu.memref_slice %arg8[%add3A_250, %dma_start3A_256] : memref<819200x128xf32, #tpu.memory_space<hbm>> -> memref<16x128xf32, #tpu.memory_space<hbm>>
      %dma_start3A_258 = arith.constant 16 : i32
      %dma_start3A_259 = arith.constant 0 : i32
      %dma_start3A_260 = tpu.memref_slice %arg18[%dma_start3A_258, %dma_start3A_259] : memref<128x128xf32, #tpu.memory_space<vmem>> -> memref<16x128xf32, #tpu.memory_space<vmem>>
      tpu.enqueue_dma source(%dma_start3A_260 : memref<16x128xf32, #tpu.memory_space<vmem>>) target(%dma_start3A_257 : memref<16x128xf32, #tpu.memory_space<hbm>>) target_semaphore(%arg32 : memref<!tpu.dma_semaphore, #tpu.memory_space<semaphore_mem>>)
      %parallel_loop3A_261 = arith.constant 32 : i32
      %parallel_loop3A_262 = arith.constant 48 : i32
      %parallel_loop3A_263 = arith.constant 1 : i32
      scf.for %parallel_loop3A_369 = %parallel_loop3A_261 to %parallel_loop3A_262 step %parallel_loop3A_263  : i32 {
        %parallel_loop3A_370 = arith.index_cast %parallel_loop3A_369 : i32 to index
        %parallel_loop3A_371 = arith.constant 0 : index
        %parallel_loop3A_372 = tpu.vector_load %arg20[%parallel_loop3A_370, %parallel_loop3A_371] {strides = array<i32>} : memref<128x128xf32, #tpu.memory_space<vmem>>, vector<1x16xf32>,
        %parallel_loop3A_373 = vector.shape_cast %parallel_loop3A_372 : vector<1x16xf32> to vector<16xf32>
        %parallel_loop3A_374 = arith.index_cast %parallel_loop3A_369 : i32 to index
        %parallel_loop3A_375 = arith.constant 0 : index
        %parallel_loop3A_376 = tpu.vector_load %arg22[%parallel_loop3A_374, %parallel_loop3A_375] {strides = array<i32>} : memref<128x128xf32, #tpu.memory_space<vmem>>, vector<1x16xf32>,
        %parallel_loop3A_377 = vector.shape_cast %parallel_loop3A_376 : vector<1x16xf32> to vector<16xf32>
        %parallel_loop3A_378 = arith.addf %parallel_loop3A_373, %parallel_loop3A_377 : vector<16xf32>
        %parallel_loop3A_379 = arith.index_cast %parallel_loop3A_369 : i32 to index
        %parallel_loop3A_380 = arith.constant 0 : index
        %parallel_loop3A_381 = tpu.vector_load %arg18[%parallel_loop3A_379, %parallel_loop3A_380] {strides = array<i32>} : memref<128x128xf32, #tpu.memory_space<vmem>>, vector<1x16xf32>,
        %parallel_loop3A_382 = vector.shape_cast %parallel_loop3A_381 : vector<1x16xf32> to vector<16xf32>
        %parallel_loop3A_383 = vector.shape_cast %parallel_loop3A_378 : vector<16xf32> to vector<1x16xf32>
        tpu.vector_store %arg18[%parallel_loop3A_379, %parallel_loop3A_380], %parallel_loop3A_383 {add = true, strides = array<i32>} : memref<128x128xf32, #tpu.memory_space<vmem>>, vector<1x16xf32>,
        %parallel_loop3A_384 = arith.index_cast %parallel_loop3A_369 : i32 to index
        %parallel_loop3A_385 = arith.constant 16 : index
        %parallel_loop3A_386 = tpu.vector_load %arg20[%parallel_loop3A_384, %parallel_loop3A_385] {strides = array<i32>} : memref<128x128xf32, #tpu.memory_space<vmem>>, vector<1x16xf32>,
        %parallel_loop3A_387 = vector.shape_cast %parallel_loop3A_386 : vector<1x16xf32> to vector<16xf32>
        %parallel_loop3A_388 = arith.index_cast %parallel_loop3A_369 : i32 to index
        %parallel_loop3A_389 = arith.constant 16 : index
        %parallel_loop3A_390 = tpu.vector_load %arg22[%parallel_loop3A_388, %parallel_loop3A_389] {strides = array<i32>} : memref<128x128xf32, #tpu.memory_space<vmem>>, vector<1x16xf32>,
        %parallel_loop3A_391 = vector.shape_cast %parallel_loop3A_390 : vector<1x16xf32> to vector<16xf32>
        %parallel_loop3A_392 = arith.addf %parallel_loop3A_387, %parallel_loop3A_391 : vector<16xf32>
        %parallel_loop3A_393 = arith.index_cast %parallel_loop3A_369 : i32 to index
        %parallel_loop3A_394 = arith.constant 16 : index
        %parallel_loop3A_395 = tpu.vector_load %arg18[%parallel_loop3A_393, %parallel_loop3A_394] {strides = array<i32>} : memref<128x128xf32, #tpu.memory_space<vmem>>, vector<1x16xf32>,
        %parallel_loop3A_396 = vector.shape_cast %parallel_loop3A_395 : vector<1x16xf32> to vector<16xf32>
        %parallel_loop3A_397 = vector.shape_cast %parallel_loop3A_392 : vector<16xf32> to vector<1x16xf32>
        tpu.vector_store %arg18[%parallel_loop3A_393, %parallel_loop3A_394], %parallel_loop3A_397 {add = true, strides = array<i32>} : memref<128x128xf32, #tpu.memory_space<vmem>>, vector<1x16xf32>,
        %parallel_loop3A_398 = arith.index_cast %parallel_loop3A_369 : i32 to index
        %parallel_loop3A_399 = arith.constant 32 : index
        %parallel_loop3A_400 = tpu.vector_load %arg20[%parallel_loop3A_398, %parallel_loop3A_399] {strides = array<i32>} : memref<128x128xf32, #tpu.memory_space<vmem>>, vector<1x16xf32>,
        %parallel_loop3A_401 = vector.shape_cast %parallel_loop3A_400 : vector<1x16xf32> to vector<16xf32>
        %parallel_loop3A_402 = arith.index_cast %parallel_loop3A_369 : i32 to index
        %parallel_loop3A_403 = arith.constant 32 : index
        %parallel_loop3A_404 = tpu.vector_load %arg22[%parallel_loop3A_402, %parallel_loop3A_403] {strides = array<i32>} : memref<128x128xf32, #tpu.memory_space<vmem>>, vector<1x16xf32>,
        %parallel_loop3A_405 = vector.shape_cast %parallel_loop3A_404 : vector<1x16xf32> to vector<16xf32>
        %parallel_loop3A_406 = arith.addf %parallel_loop3A_401, %parallel_loop3A_405 : vector<16xf32>
        %parallel_loop3A_407 = arith.index_cast %parallel_loop3A_369 : i32 to index
        %parallel_loop3A_408 = arith.constant 32 : index
        %parallel_loop3A_409 = tpu.vector_load %arg18[%parallel_loop3A_407, %parallel_loop3A_408] {strides = array<i32>} : memref<128x128xf32, #tpu.memory_space<vmem>>, vector<1x16xf32>,
        %parallel_loop3A_410 = vector.shape_cast %parallel_loop3A_409 : vector<1x16xf32> to vector<16xf32>
        %parallel_loop3A_411 = vector.shape_cast %parallel_loop3A_406 : vector<16xf32> to vector<1x16xf32>
        tpu.vector_store %arg18[%parallel_loop3A_407, %parallel_loop3A_408], %parallel_loop3A_411 {add = true, strides = array<i32>} : memref<128x128xf32, #tpu.memory_space<vmem>>, vector<1x16xf32>,
        %parallel_loop3A_412 = arith.index_cast %parallel_loop3A_369 : i32 to index
        %parallel_loop3A_413 = arith.constant 48 : index
        %parallel_loop3A_414 = tpu.vector_load %arg20[%parallel_loop3A_412, %parallel_loop3A_413] {strides = array<i32>} : memref<128x128xf32, #tpu.memory_space<vmem>>, vector<1x16xf32>,
        %parallel_loop3A_415 = vector.shape_cast %parallel_loop3A_414 : vector<1x16xf32> to vector<16xf32>
        %parallel_loop3A_416 = arith.index_cast %parallel_loop3A_369 : i32 to index
        %parallel_loop3A_417 = arith.constant 48 : index
        %parallel_loop3A_418 = tpu.vector_load %arg22[%parallel_loop3A_416, %parallel_loop3A_417] {strides = array<i32>} : memref<128x128xf32, #tpu.memory_space<vmem>>, vector<1x16xf32>,
        %parallel_loop3A_419 = vector.shape_cast %parallel_loop3A_418 : vector<1x16xf32> to vector<16xf32>
        %parallel_loop3A_420 = arith.addf %parallel_loop3A_415, %parallel_loop3A_419 : vector<16xf32>
        %parallel_loop3A_421 = arith.index_cast %parallel_loop3A_369 : i32 to index
        %parallel_loop3A_422 = arith.constant 48 : index
        %parallel_loop3A_423 = tpu.vector_load %arg18[%parallel_loop3A_421, %parallel_loop3A_422] {strides = array<i32>} : memref<128x128xf32, #tpu.memory_space<vmem>>, vector<1x16xf32>,
        %parallel_loop3A_424 = vector.shape_cast %parallel_loop3A_423 : vector<1x16xf32> to vector<16xf32>
        %parallel_loop3A_425 = vector.shape_cast %parallel_loop3A_420 : vector<16xf32> to vector<1x16xf32>
        tpu.vector_store %arg18[%parallel_loop3A_421, %parallel_loop3A_422], %parallel_loop3A_425 {add = true, strides = array<i32>} : memref<128x128xf32, #tpu.memory_space<vmem>>, vector<1x16xf32>,
        %parallel_loop3A_426 = arith.index_cast %parallel_loop3A_369 : i32 to index
        %parallel_loop3A_427 = arith.constant 64 : index
        %parallel_loop3A_428 = tpu.vector_load %arg20[%parallel_loop3A_426, %parallel_loop3A_427] {strides = array<i32>} : memref<128x128xf32, #tpu.memory_space<vmem>>, vector<1x16xf32>,
        %parallel_loop3A_429 = vector.shape_cast %parallel_loop3A_428 : vector<1x16xf32> to vector<16xf32>
        %parallel_loop3A_430 = arith.index_cast %parallel_loop3A_369 : i32 to index
        %parallel_loop3A_431 = arith.constant 64 : index
        %parallel_loop3A_432 = tpu.vector_load %arg22[%parallel_loop3A_430, %parallel_loop3A_431] {strides = array<i32>} : memref<128x128xf32, #tpu.memory_space<vmem>>, vector<1x16xf32>,
        %parallel_loop3A_433 = vector.shape_cast %parallel_loop3A_432 : vector<1x16xf32> to vector<16xf32>
        %parallel_loop3A_434 = arith.addf %parallel_loop3A_429, %parallel_loop3A_433 : vector<16xf32>
        %parallel_loop3A_435 = arith.index_cast %parallel_loop3A_369 : i32 to index
        %parallel_loop3A_436 = arith.constant 64 : index
        %parallel_loop3A_437 = tpu.vector_load %arg18[%parallel_loop3A_435, %parallel_loop3A_436] {strides = array<i32>} : memref<128x128xf32, #tpu.memory_space<vmem>>, vector<1x16xf32>,
        %parallel_loop3A_438 = vector.shape_cast %parallel_loop3A_437 : vector<1x16xf32> to vector<16xf32>
        %parallel_loop3A_439 = vector.shape_cast %parallel_loop3A_434 : vector<16xf32> to vector<1x16xf32>
        tpu.vector_store %arg18[%parallel_loop3A_435, %parallel_loop3A_436], %parallel_loop3A_439 {add = true, strides = array<i32>} : memref<128x128xf32, #tpu.memory_space<vmem>>, vector<1x16xf32>,
        %parallel_loop3A_440 = arith.index_cast %parallel_loop3A_369 : i32 to index
        %parallel_loop3A_441 = arith.constant 80 : index
        %parallel_loop3A_442 = tpu.vector_load %arg20[%parallel_loop3A_440, %parallel_loop3A_441] {strides = array<i32>} : memref<128x128xf32, #tpu.memory_space<vmem>>, vector<1x16xf32>,
        %parallel_loop3A_443 = vector.shape_cast %parallel_loop3A_442 : vector<1x16xf32> to vector<16xf32>
        %parallel_loop3A_444 = arith.index_cast %parallel_loop3A_369 : i32 to index
        %parallel_loop3A_445 = arith.constant 80 : index
        %parallel_loop3A_446 = tpu.vector_load %arg22[%parallel_loop3A_444, %parallel_loop3A_445] {strides = array<i32>} : memref<128x128xf32, #tpu.memory_space<vmem>>, vector<1x16xf32>,
        %parallel_loop3A_447 = vector.shape_cast %parallel_loop3A_446 : vector<1x16xf32> to vector<16xf32>
        %parallel_loop3A_448 = arith.addf %parallel_loop3A_443, %parallel_loop3A_447 : vector<16xf32>
        %parallel_loop3A_449 = arith.index_cast %parallel_loop3A_369 : i32 to index
        %parallel_loop3A_450 = arith.constant 80 : index
        %parallel_loop3A_451 = tpu.vector_load %arg18[%parallel_loop3A_449, %parallel_loop3A_450] {strides = array<i32>} : memref<128x128xf32, #tpu.memory_space<vmem>>, vector<1x16xf32>,
        %parallel_loop3A_452 = vector.shape_cast %parallel_loop3A_451 : vector<1x16xf32> to vector<16xf32>
        %parallel_loop3A_453 = vector.shape_cast %parallel_loop3A_448 : vector<16xf32> to vector<1x16xf32>
        tpu.vector_store %arg18[%parallel_loop3A_449, %parallel_loop3A_450], %parallel_loop3A_453 {add = true, strides = array<i32>} : memref<128x128xf32, #tpu.memory_space<vmem>>, vector<1x16xf32>,
        %parallel_loop3A_454 = arith.index_cast %parallel_loop3A_369 : i32 to index
        %parallel_loop3A_455 = arith.constant 96 : index
        %parallel_loop3A_456 = tpu.vector_load %arg20[%parallel_loop3A_454, %parallel_loop3A_455] {strides = array<i32>} : memref<128x128xf32, #tpu.memory_space<vmem>>, vector<1x16xf32>,
        %parallel_loop3A_457 = vector.shape_cast %parallel_loop3A_456 : vector<1x16xf32> to vector<16xf32>
        %parallel_loop3A_458 = arith.index_cast %parallel_loop3A_369 : i32 to index
        %parallel_loop3A_459 = arith.constant 96 : index
        %parallel_loop3A_460 = tpu.vector_load %arg22[%parallel_loop3A_458, %parallel_loop3A_459] {strides = array<i32>} : memref<128x128xf32, #tpu.memory_space<vmem>>, vector<1x16xf32>,
        %parallel_loop3A_461 = vector.shape_cast %parallel_loop3A_460 : vector<1x16xf32> to vector<16xf32>
        %parallel_loop3A_462 = arith.addf %parallel_loop3A_457, %parallel_loop3A_461 : vector<16xf32>
        %parallel_loop3A_463 = arith.index_cast %parallel_loop3A_369 : i32 to index
        %parallel_loop3A_464 = arith.constant 96 : index
        %parallel_loop3A_465 = tpu.vector_load %arg18[%parallel_loop3A_463, %parallel_loop3A_464] {strides = array<i32>} : memref<128x128xf32, #tpu.memory_space<vmem>>, vector<1x16xf32>,
        %parallel_loop3A_466 = vector.shape_cast %parallel_loop3A_465 : vector<1x16xf32> to vector<16xf32>
        %parallel_loop3A_467 = vector.shape_cast %parallel_loop3A_462 : vector<16xf32> to vector<1x16xf32>
        tpu.vector_store %arg18[%parallel_loop3A_463, %parallel_loop3A_464], %parallel_loop3A_467 {add = true, strides = array<i32>} : memref<128x128xf32, #tpu.memory_space<vmem>>, vector<1x16xf32>,
        %parallel_loop3A_468 = arith.index_cast %parallel_loop3A_369 : i32 to index
        %parallel_loop3A_469 = arith.constant 112 : index
        %parallel_loop3A_470 = tpu.vector_load %arg20[%parallel_loop3A_468, %parallel_loop3A_469] {strides = array<i32>} : memref<128x128xf32, #tpu.memory_space<vmem>>, vector<1x16xf32>,
        %parallel_loop3A_471 = vector.shape_cast %parallel_loop3A_470 : vector<1x16xf32> to vector<16xf32>
        %parallel_loop3A_472 = arith.index_cast %parallel_loop3A_369 : i32 to index
        %parallel_loop3A_473 = arith.constant 112 : index
        %parallel_loop3A_474 = tpu.vector_load %arg22[%parallel_loop3A_472, %parallel_loop3A_473] {strides = array<i32>} : memref<128x128xf32, #tpu.memory_space<vmem>>, vector<1x16xf32>,
        %parallel_loop3A_475 = vector.shape_cast %parallel_loop3A_474 : vector<1x16xf32> to vector<16xf32>
        %parallel_loop3A_476 = arith.addf %parallel_loop3A_471, %parallel_loop3A_475 : vector<16xf32>
        %parallel_loop3A_477 = arith.index_cast %parallel_loop3A_369 : i32 to index
        %parallel_loop3A_478 = arith.constant 112 : index
        %parallel_loop3A_479 = tpu.vector_load %arg18[%parallel_loop3A_477, %parallel_loop3A_478] {strides = array<i32>} : memref<128x128xf32, #tpu.memory_space<vmem>>, vector<1x16xf32>,
        %parallel_loop3A_480 = vector.shape_cast %parallel_loop3A_479 : vector<1x16xf32> to vector<16xf32>
        %parallel_loop3A_481 = vector.shape_cast %parallel_loop3A_476 : vector<16xf32> to vector<1x16xf32>
        tpu.vector_store %arg18[%parallel_loop3A_477, %parallel_loop3A_478], %parallel_loop3A_481 {add = true, strides = array<i32>} : memref<128x128xf32, #tpu.memory_space<vmem>>, vector<1x16xf32>,
      } {sc.loop_unroll_factor = 1 : i64, sc.parallel_access}
      %mul3A_264 = arith.constant 128 : i32
      %mul3A_265 = arith.muli %add3A_205, %mul3A_264 : i32
      %add3A_266 = arith.addi %mul3A_2, %mul3A_265 : i32
      %add3A_267 = arith.constant 32 : i32
      %add3A_268 = arith.addi %add3A_266, %add3A_267 : i32
      %dma_start3A_269 = arith.constant 32 : i32
      %dma_start3A_270 = arith.constant 0 : i32
      %dma_start3A_271 = tpu.memref_slice %arg18[%dma_start3A_269, %dma_start3A_270] : memref<128x128xf32, #tpu.memory_space<vmem>> -> memref<16x128xf32, #tpu.memory_space<vmem>>
      %dma_start3A_272 = arith.constant 0 : i32
      %dma_start3A_273 = tpu.memref_slice %arg8[%add3A_268, %dma_start3A_272] : memref<819200x128xf32, #tpu.memory_space<hbm>> -> memref<16x128xf32, #tpu.memory_space<hbm>>
      %dma_start3A_274 = arith.constant 0 : i32
      %dma_start3A_275 = tpu.memref_slice %arg8[%add3A_268, %dma_start3A_274] : memref<819200x128xf32, #tpu.memory_space<hbm>> -> memref<16x128xf32, #tpu.memory_space<hbm>>
      %dma_start3A_276 = arith.constant 32 : i32
      %dma_start3A_277 = arith.constant 0 : i32
      %dma_start3A_278 = tpu.memref_slice %arg18[%dma_start3A_276, %dma_start3A_277] : memref<128x128xf32, #tpu.memory_space<vmem>> -> memref<16x128xf32, #tpu.memory_space<vmem>>
      tpu.enqueue_dma source(%dma_start3A_278 : memref<16x128xf32, #tpu.memory_space<vmem>>) target(%dma_start3A_275 : memref<16x128xf32, #tpu.memory_space<hbm>>) target_semaphore(%arg32 : memref<!tpu.dma_semaphore, #tpu.memory_space<semaphore_mem>>)
      %parallel_loop3A_279 = arith.constant 48 : i32
      %parallel_loop3A_280 = arith.constant 64 : i32
      %parallel_loop3A_281 = arith.constant 1 : i32
      scf.for %parallel_loop3A_369 = %parallel_loop3A_279 to %parallel_loop3A_280 step %parallel_loop3A_281  : i32 {
        %parallel_loop3A_370 = arith.index_cast %parallel_loop3A_369 : i32 to index
        %parallel_loop3A_371 = arith.constant 0 : index
        %parallel_loop3A_372 = tpu.vector_load %arg20[%parallel_loop3A_370, %parallel_loop3A_371] {strides = array<i32>} : memref<128x128xf32, #tpu.memory_space<vmem>>, vector<1x16xf32>,
        %parallel_loop3A_373 = vector.shape_cast %parallel_loop3A_372 : vector<1x16xf32> to vector<16xf32>
        %parallel_loop3A_374 = arith.index_cast %parallel_loop3A_369 : i32 to index
        %parallel_loop3A_375 = arith.constant 0 : index
        %parallel_loop3A_376 = tpu.vector_load %arg22[%parallel_loop3A_374, %parallel_loop3A_375] {strides = array<i32>} : memref<128x128xf32, #tpu.memory_space<vmem>>, vector<1x16xf32>,
        %parallel_loop3A_377 = vector.shape_cast %parallel_loop3A_376 : vector<1x16xf32> to vector<16xf32>
        %parallel_loop3A_378 = arith.addf %parallel_loop3A_373, %parallel_loop3A_377 : vector<16xf32>
        %parallel_loop3A_379 = arith.index_cast %parallel_loop3A_369 : i32 to index
        %parallel_loop3A_380 = arith.constant 0 : index
        %parallel_loop3A_381 = tpu.vector_load %arg18[%parallel_loop3A_379, %parallel_loop3A_380] {strides = array<i32>} : memref<128x128xf32, #tpu.memory_space<vmem>>, vector<1x16xf32>,
        %parallel_loop3A_382 = vector.shape_cast %parallel_loop3A_381 : vector<1x16xf32> to vector<16xf32>
        %parallel_loop3A_383 = vector.shape_cast %parallel_loop3A_378 : vector<16xf32> to vector<1x16xf32>
        tpu.vector_store %arg18[%parallel_loop3A_379, %parallel_loop3A_380], %parallel_loop3A_383 {add = true, strides = array<i32>} : memref<128x128xf32, #tpu.memory_space<vmem>>, vector<1x16xf32>,
        %parallel_loop3A_384 = arith.index_cast %parallel_loop3A_369 : i32 to index
        %parallel_loop3A_385 = arith.constant 16 : index
        %parallel_loop3A_386 = tpu.vector_load %arg20[%parallel_loop3A_384, %parallel_loop3A_385] {strides = array<i32>} : memref<128x128xf32, #tpu.memory_space<vmem>>, vector<1x16xf32>,
        %parallel_loop3A_387 = vector.shape_cast %parallel_loop3A_386 : vector<1x16xf32> to vector<16xf32>
        %parallel_loop3A_388 = arith.index_cast %parallel_loop3A_369 : i32 to index
        %parallel_loop3A_389 = arith.constant 16 : index
        %parallel_loop3A_390 = tpu.vector_load %arg22[%parallel_loop3A_388, %parallel_loop3A_389] {strides = array<i32>} : memref<128x128xf32, #tpu.memory_space<vmem>>, vector<1x16xf32>,
        %parallel_loop3A_391 = vector.shape_cast %parallel_loop3A_390 : vector<1x16xf32> to vector<16xf32>
        %parallel_loop3A_392 = arith.addf %parallel_loop3A_387, %parallel_loop3A_391 : vector<16xf32>
        %parallel_loop3A_393 = arith.index_cast %parallel_loop3A_369 : i32 to index
        %parallel_loop3A_394 = arith.constant 16 : index
        %parallel_loop3A_395 = tpu.vector_load %arg18[%parallel_loop3A_393, %parallel_loop3A_394] {strides = array<i32>} : memref<128x128xf32, #tpu.memory_space<vmem>>, vector<1x16xf32>,
        %parallel_loop3A_396 = vector.shape_cast %parallel_loop3A_395 : vector<1x16xf32> to vector<16xf32>
        %parallel_loop3A_397 = vector.shape_cast %parallel_loop3A_392 : vector<16xf32> to vector<1x16xf32>
        tpu.vector_store %arg18[%parallel_loop3A_393, %parallel_loop3A_394], %parallel_loop3A_397 {add = true, strides = array<i32>} : memref<128x128xf32, #tpu.memory_space<vmem>>, vector<1x16xf32>,
        %parallel_loop3A_398 = arith.index_cast %parallel_loop3A_369 : i32 to index
        %parallel_loop3A_399 = arith.constant 32 : index
        %parallel_loop3A_400 = tpu.vector_load %arg20[%parallel_loop3A_398, %parallel_loop3A_399] {strides = array<i32>} : memref<128x128xf32, #tpu.memory_space<vmem>>, vector<1x16xf32>,
        %parallel_loop3A_401 = vector.shape_cast %parallel_loop3A_400 : vector<1x16xf32> to vector<16xf32>
        %parallel_loop3A_402 = arith.index_cast %parallel_loop3A_369 : i32 to index
        %parallel_loop3A_403 = arith.constant 32 : index
        %parallel_loop3A_404 = tpu.vector_load %arg22[%parallel_loop3A_402, %parallel_loop3A_403] {strides = array<i32>} : memref<128x128xf32, #tpu.memory_space<vmem>>, vector<1x16xf32>,
        %parallel_loop3A_405 = vector.shape_cast %parallel_loop3A_404 : vector<1x16xf32> to vector<16xf32>
        %parallel_loop3A_406 = arith.addf %parallel_loop3A_401, %parallel_loop3A_405 : vector<16xf32>
        %parallel_loop3A_407 = arith.index_cast %parallel_loop3A_369 : i32 to index
        %parallel_loop3A_408 = arith.constant 32 : index
        %parallel_loop3A_409 = tpu.vector_load %arg18[%parallel_loop3A_407, %parallel_loop3A_408] {strides = array<i32>} : memref<128x128xf32, #tpu.memory_space<vmem>>, vector<1x16xf32>,
        %parallel_loop3A_410 = vector.shape_cast %parallel_loop3A_409 : vector<1x16xf32> to vector<16xf32>
        %parallel_loop3A_411 = vector.shape_cast %parallel_loop3A_406 : vector<16xf32> to vector<1x16xf32>
        tpu.vector_store %arg18[%parallel_loop3A_407, %parallel_loop3A_408], %parallel_loop3A_411 {add = true, strides = array<i32>} : memref<128x128xf32, #tpu.memory_space<vmem>>, vector<1x16xf32>,
        %parallel_loop3A_412 = arith.index_cast %parallel_loop3A_369 : i32 to index
        %parallel_loop3A_413 = arith.constant 48 : index
        %parallel_loop3A_414 = tpu.vector_load %arg20[%parallel_loop3A_412, %parallel_loop3A_413] {strides = array<i32>} : memref<128x128xf32, #tpu.memory_space<vmem>>, vector<1x16xf32>,
        %parallel_loop3A_415 = vector.shape_cast %parallel_loop3A_414 : vector<1x16xf32> to vector<16xf32>
        %parallel_loop3A_416 = arith.index_cast %parallel_loop3A_369 : i32 to index
        %parallel_loop3A_417 = arith.constant 48 : index
        %parallel_loop3A_418 = tpu.vector_load %arg22[%parallel_loop3A_416, %parallel_loop3A_417] {strides = array<i32>} : memref<128x128xf32, #tpu.memory_space<vmem>>, vector<1x16xf32>,
        %parallel_loop3A_419 = vector.shape_cast %parallel_loop3A_418 : vector<1x16xf32> to vector<16xf32>
        %parallel_loop3A_420 = arith.addf %parallel_loop3A_415, %parallel_loop3A_419 : vector<16xf32>
        %parallel_loop3A_421 = arith.index_cast %parallel_loop3A_369 : i32 to index
        %parallel_loop3A_422 = arith.constant 48 : index
        %parallel_loop3A_423 = tpu.vector_load %arg18[%parallel_loop3A_421, %parallel_loop3A_422] {strides = array<i32>} : memref<128x128xf32, #tpu.memory_space<vmem>>, vector<1x16xf32>,
        %parallel_loop3A_424 = vector.shape_cast %parallel_loop3A_423 : vector<1x16xf32> to vector<16xf32>
        %parallel_loop3A_425 = vector.shape_cast %parallel_loop3A_420 : vector<16xf32> to vector<1x16xf32>
        tpu.vector_store %arg18[%parallel_loop3A_421, %parallel_loop3A_422], %parallel_loop3A_425 {add = true, strides = array<i32>} : memref<128x128xf32, #tpu.memory_space<vmem>>, vector<1x16xf32>,
        %parallel_loop3A_426 = arith.index_cast %parallel_loop3A_369 : i32 to index
        %parallel_loop3A_427 = arith.constant 64 : index
        %parallel_loop3A_428 = tpu.vector_load %arg20[%parallel_loop3A_426, %parallel_loop3A_427] {strides = array<i32>} : memref<128x128xf32, #tpu.memory_space<vmem>>, vector<1x16xf32>,
        %parallel_loop3A_429 = vector.shape_cast %parallel_loop3A_428 : vector<1x16xf32> to vector<16xf32>
        %parallel_loop3A_430 = arith.index_cast %parallel_loop3A_369 : i32 to index
        %parallel_loop3A_431 = arith.constant 64 : index
        %parallel_loop3A_432 = tpu.vector_load %arg22[%parallel_loop3A_430, %parallel_loop3A_431] {strides = array<i32>} : memref<128x128xf32, #tpu.memory_space<vmem>>, vector<1x16xf32>,
        %parallel_loop3A_433 = vector.shape_cast %parallel_loop3A_432 : vector<1x16xf32> to vector<16xf32>
        %parallel_loop3A_434 = arith.addf %parallel_loop3A_429, %parallel_loop3A_433 : vector<16xf32>
        %parallel_loop3A_435 = arith.index_cast %parallel_loop3A_369 : i32 to index
        %parallel_loop3A_436 = arith.constant 64 : index
        %parallel_loop3A_437 = tpu.vector_load %arg18[%parallel_loop3A_435, %parallel_loop3A_436] {strides = array<i32>} : memref<128x128xf32, #tpu.memory_space<vmem>>, vector<1x16xf32>,
        %parallel_loop3A_438 = vector.shape_cast %parallel_loop3A_437 : vector<1x16xf32> to vector<16xf32>
        %parallel_loop3A_439 = vector.shape_cast %parallel_loop3A_434 : vector<16xf32> to vector<1x16xf32>
        tpu.vector_store %arg18[%parallel_loop3A_435, %parallel_loop3A_436], %parallel_loop3A_439 {add = true, strides = array<i32>} : memref<128x128xf32, #tpu.memory_space<vmem>>, vector<1x16xf32>,
        %parallel_loop3A_440 = arith.index_cast %parallel_loop3A_369 : i32 to index
        %parallel_loop3A_441 = arith.constant 80 : index
        %parallel_loop3A_442 = tpu.vector_load %arg20[%parallel_loop3A_440, %parallel_loop3A_441] {strides = array<i32>} : memref<128x128xf32, #tpu.memory_space<vmem>>, vector<1x16xf32>,
        %parallel_loop3A_443 = vector.shape_cast %parallel_loop3A_442 : vector<1x16xf32> to vector<16xf32>
        %parallel_loop3A_444 = arith.index_cast %parallel_loop3A_369 : i32 to index
        %parallel_loop3A_445 = arith.constant 80 : index
        %parallel_loop3A_446 = tpu.vector_load %arg22[%parallel_loop3A_444, %parallel_loop3A_445] {strides = array<i32>} : memref<128x128xf32, #tpu.memory_space<vmem>>, vector<1x16xf32>,
        %parallel_loop3A_447 = vector.shape_cast %parallel_loop3A_446 : vector<1x16xf32> to vector<16xf32>
        %parallel_loop3A_448 = arith.addf %parallel_loop3A_443, %parallel_loop3A_447 : vector<16xf32>
        %parallel_loop3A_449 = arith.index_cast %parallel_loop3A_369 : i32 to index
        %parallel_loop3A_450 = arith.constant 80 : index
        %parallel_loop3A_451 = tpu.vector_load %arg18[%parallel_loop3A_449, %parallel_loop3A_450] {strides = array<i32>} : memref<128x128xf32, #tpu.memory_space<vmem>>, vector<1x16xf32>,
        %parallel_loop3A_452 = vector.shape_cast %parallel_loop3A_451 : vector<1x16xf32> to vector<16xf32>
        %parallel_loop3A_453 = vector.shape_cast %parallel_loop3A_448 : vector<16xf32> to vector<1x16xf32>
        tpu.vector_store %arg18[%parallel_loop3A_449, %parallel_loop3A_450], %parallel_loop3A_453 {add = true, strides = array<i32>} : memref<128x128xf32, #tpu.memory_space<vmem>>, vector<1x16xf32>,
        %parallel_loop3A_454 = arith.index_cast %parallel_loop3A_369 : i32 to index
        %parallel_loop3A_455 = arith.constant 96 : index
        %parallel_loop3A_456 = tpu.vector_load %arg20[%parallel_loop3A_454, %parallel_loop3A_455] {strides = array<i32>} : memref<128x128xf32, #tpu.memory_space<vmem>>, vector<1x16xf32>,
        %parallel_loop3A_457 = vector.shape_cast %parallel_loop3A_456 : vector<1x16xf32> to vector<16xf32>
        %parallel_loop3A_458 = arith.index_cast %parallel_loop3A_369 : i32 to index
        %parallel_loop3A_459 = arith.constant 96 : index
        %parallel_loop3A_460 = tpu.vector_load %arg22[%parallel_loop3A_458, %parallel_loop3A_459] {strides = array<i32>} : memref<128x128xf32, #tpu.memory_space<vmem>>, vector<1x16xf32>,
        %parallel_loop3A_461 = vector.shape_cast %parallel_loop3A_460 : vector<1x16xf32> to vector<16xf32>
        %parallel_loop3A_462 = arith.addf %parallel_loop3A_457, %parallel_loop3A_461 : vector<16xf32>
        %parallel_loop3A_463 = arith.index_cast %parallel_loop3A_369 : i32 to index
        %parallel_loop3A_464 = arith.constant 96 : index
        %parallel_loop3A_465 = tpu.vector_load %arg18[%parallel_loop3A_463, %parallel_loop3A_464] {strides = array<i32>} : memref<128x128xf32, #tpu.memory_space<vmem>>, vector<1x16xf32>,
        %parallel_loop3A_466 = vector.shape_cast %parallel_loop3A_465 : vector<1x16xf32> to vector<16xf32>
        %parallel_loop3A_467 = vector.shape_cast %parallel_loop3A_462 : vector<16xf32> to vector<1x16xf32>
        tpu.vector_store %arg18[%parallel_loop3A_463, %parallel_loop3A_464], %parallel_loop3A_467 {add = true, strides = array<i32>} : memref<128x128xf32, #tpu.memory_space<vmem>>, vector<1x16xf32>,
        %parallel_loop3A_468 = arith.index_cast %parallel_loop3A_369 : i32 to index
        %parallel_loop3A_469 = arith.constant 112 : index
        %parallel_loop3A_470 = tpu.vector_load %arg20[%parallel_loop3A_468, %parallel_loop3A_469] {strides = array<i32>} : memref<128x128xf32, #tpu.memory_space<vmem>>, vector<1x16xf32>,
        %parallel_loop3A_471 = vector.shape_cast %parallel_loop3A_470 : vector<1x16xf32> to vector<16xf32>
        %parallel_loop3A_472 = arith.index_cast %parallel_loop3A_369 : i32 to index
        %parallel_loop3A_473 = arith.constant 112 : index
        %parallel_loop3A_474 = tpu.vector_load %arg22[%parallel_loop3A_472, %parallel_loop3A_473] {strides = array<i32>} : memref<128x128xf32, #tpu.memory_space<vmem>>, vector<1x16xf32>,
        %parallel_loop3A_475 = vector.shape_cast %parallel_loop3A_474 : vector<1x16xf32> to vector<16xf32>
        %parallel_loop3A_476 = arith.addf %parallel_loop3A_471, %parallel_loop3A_475 : vector<16xf32>
        %parallel_loop3A_477 = arith.index_cast %parallel_loop3A_369 : i32 to index
        %parallel_loop3A_478 = arith.constant 112 : index
        %parallel_loop3A_479 = tpu.vector_load %arg18[%parallel_loop3A_477, %parallel_loop3A_478] {strides = array<i32>} : memref<128x128xf32, #tpu.memory_space<vmem>>, vector<1x16xf32>,
        %parallel_loop3A_480 = vector.shape_cast %parallel_loop3A_479 : vector<1x16xf32> to vector<16xf32>
        %parallel_loop3A_481 = vector.shape_cast %parallel_loop3A_476 : vector<16xf32> to vector<1x16xf32>
        tpu.vector_store %arg18[%parallel_loop3A_477, %parallel_loop3A_478], %parallel_loop3A_481 {add = true, strides = array<i32>} : memref<128x128xf32, #tpu.memory_space<vmem>>, vector<1x16xf32>,
      } {sc.loop_unroll_factor = 1 : i64, sc.parallel_access}
      %mul3A_282 = arith.constant 128 : i32
      %mul3A_283 = arith.muli %add3A_205, %mul3A_282 : i32
      %add3A_284 = arith.addi %mul3A_2, %mul3A_283 : i32
      %add3A_285 = arith.constant 48 : i32
      %add3A_286 = arith.addi %add3A_284, %add3A_285 : i32
      %dma_start3A_287 = arith.constant 48 : i32
      %dma_start3A_288 = arith.constant 0 : i32
      %dma_start3A_289 = tpu.memref_slice %arg18[%dma_start3A_287, %dma_start3A_288] : memref<128x128xf32, #tpu.memory_space<vmem>> -> memref<16x128xf32, #tpu.memory_space<vmem>>
      %dma_start3A_290 = arith.constant 0 : i32
      %dma_start3A_291 = tpu.memref_slice %arg8[%add3A_286, %dma_start3A_290] : memref<819200x128xf32, #tpu.memory_space<hbm>> -> memref<16x128xf32, #tpu.memory_space<hbm>>
      %dma_start3A_292 = arith.constant 0 : i32
      %dma_start3A_293 = tpu.memref_slice %arg8[%add3A_286, %dma_start3A_292] : memref<819200x128xf32, #tpu.memory_space<hbm>> -> memref<16x128xf32, #tpu.memory_space<hbm>>
      %dma_start3A_294 = arith.constant 48 : i32
      %dma_start3A_295 = arith.constant 0 : i32
      %dma_start3A_296 = tpu.memref_slice %arg18[%dma_start3A_294, %dma_start3A_295] : memref<128x128xf32, #tpu.memory_space<vmem>> -> memref<16x128xf32, #tpu.memory_space<vmem>>
      tpu.enqueue_dma source(%dma_start3A_296 : memref<16x128xf32, #tpu.memory_space<vmem>>) target(%dma_start3A_293 : memref<16x128xf32, #tpu.memory_space<hbm>>) target_semaphore(%arg32 : memref<!tpu.dma_semaphore, #tpu.memory_space<semaphore_mem>>)
      %parallel_loop3A_297 = arith.constant 64 : i32
      %parallel_loop3A_298 = arith.constant 80 : i32
      %parallel_loop3A_299 = arith.constant 1 : i32
      scf.for %parallel_loop3A_369 = %parallel_loop3A_297 to %parallel_loop3A_298 step %parallel_loop3A_299  : i32 {
        %parallel_loop3A_370 = arith.index_cast %parallel_loop3A_369 : i32 to index
        %parallel_loop3A_371 = arith.constant 0 : index
        %parallel_loop3A_372 = tpu.vector_load %arg20[%parallel_loop3A_370, %parallel_loop3A_371] {strides = array<i32>} : memref<128x128xf32, #tpu.memory_space<vmem>>, vector<1x16xf32>,
        %parallel_loop3A_373 = vector.shape_cast %parallel_loop3A_372 : vector<1x16xf32> to vector<16xf32>
        %parallel_loop3A_374 = arith.index_cast %parallel_loop3A_369 : i32 to index
        %parallel_loop3A_375 = arith.constant 0 : index
        %parallel_loop3A_376 = tpu.vector_load %arg22[%parallel_loop3A_374, %parallel_loop3A_375] {strides = array<i32>} : memref<128x128xf32, #tpu.memory_space<vmem>>, vector<1x16xf32>,
        %parallel_loop3A_377 = vector.shape_cast %parallel_loop3A_376 : vector<1x16xf32> to vector<16xf32>
        %parallel_loop3A_378 = arith.addf %parallel_loop3A_373, %parallel_loop3A_377 : vector<16xf32>
        %parallel_loop3A_379 = arith.index_cast %parallel_loop3A_369 : i32 to index
        %parallel_loop3A_380 = arith.constant 0 : index
        %parallel_loop3A_381 = tpu.vector_load %arg18[%parallel_loop3A_379, %parallel_loop3A_380] {strides = array<i32>} : memref<128x128xf32, #tpu.memory_space<vmem>>, vector<1x16xf32>,
        %parallel_loop3A_382 = vector.shape_cast %parallel_loop3A_381 : vector<1x16xf32> to vector<16xf32>
        %parallel_loop3A_383 = vector.shape_cast %parallel_loop3A_378 : vector<16xf32> to vector<1x16xf32>
        tpu.vector_store %arg18[%parallel_loop3A_379, %parallel_loop3A_380], %parallel_loop3A_383 {add = true, strides = array<i32>} : memref<128x128xf32, #tpu.memory_space<vmem>>, vector<1x16xf32>,
        %parallel_loop3A_384 = arith.index_cast %parallel_loop3A_369 : i32 to index
        %parallel_loop3A_385 = arith.constant 16 : index
        %parallel_loop3A_386 = tpu.vector_load %arg20[%parallel_loop3A_384, %parallel_loop3A_385] {strides = array<i32>} : memref<128x128xf32, #tpu.memory_space<vmem>>, vector<1x16xf32>,
        %parallel_loop3A_387 = vector.shape_cast %parallel_loop3A_386 : vector<1x16xf32> to vector<16xf32>
        %parallel_loop3A_388 = arith.index_cast %parallel_loop3A_369 : i32 to index
        %parallel_loop3A_389 = arith.constant 16 : index
        %parallel_loop3A_390 = tpu.vector_load %arg22[%parallel_loop3A_388, %parallel_loop3A_389] {strides = array<i32>} : memref<128x128xf32, #tpu.memory_space<vmem>>, vector<1x16xf32>,
        %parallel_loop3A_391 = vector.shape_cast %parallel_loop3A_390 : vector<1x16xf32> to vector<16xf32>
        %parallel_loop3A_392 = arith.addf %parallel_loop3A_387, %parallel_loop3A_391 : vector<16xf32>
        %parallel_loop3A_393 = arith.index_cast %parallel_loop3A_369 : i32 to index
        %parallel_loop3A_394 = arith.constant 16 : index
        %parallel_loop3A_395 = tpu.vector_load %arg18[%parallel_loop3A_393, %parallel_loop3A_394] {strides = array<i32>} : memref<128x128xf32, #tpu.memory_space<vmem>>, vector<1x16xf32>,
        %parallel_loop3A_396 = vector.shape_cast %parallel_loop3A_395 : vector<1x16xf32> to vector<16xf32>
        %parallel_loop3A_397 = vector.shape_cast %parallel_loop3A_392 : vector<16xf32> to vector<1x16xf32>
        tpu.vector_store %arg18[%parallel_loop3A_393, %parallel_loop3A_394], %parallel_loop3A_397 {add = true, strides = array<i32>} : memref<128x128xf32, #tpu.memory_space<vmem>>, vector<1x16xf32>,
        %parallel_loop3A_398 = arith.index_cast %parallel_loop3A_369 : i32 to index
        %parallel_loop3A_399 = arith.constant 32 : index
        %parallel_loop3A_400 = tpu.vector_load %arg20[%parallel_loop3A_398, %parallel_loop3A_399] {strides = array<i32>} : memref<128x128xf32, #tpu.memory_space<vmem>>, vector<1x16xf32>,
        %parallel_loop3A_401 = vector.shape_cast %parallel_loop3A_400 : vector<1x16xf32> to vector<16xf32>
        %parallel_loop3A_402 = arith.index_cast %parallel_loop3A_369 : i32 to index
        %parallel_loop3A_403 = arith.constant 32 : index
        %parallel_loop3A_404 = tpu.vector_load %arg22[%parallel_loop3A_402, %parallel_loop3A_403] {strides = array<i32>} : memref<128x128xf32, #tpu.memory_space<vmem>>, vector<1x16xf32>,
        %parallel_loop3A_405 = vector.shape_cast %parallel_loop3A_404 : vector<1x16xf32> to vector<16xf32>
        %parallel_loop3A_406 = arith.addf %parallel_loop3A_401, %parallel_loop3A_405 : vector<16xf32>
        %parallel_loop3A_407 = arith.index_cast %parallel_loop3A_369 : i32 to index
        %parallel_loop3A_408 = arith.constant 32 : index
        %parallel_loop3A_409 = tpu.vector_load %arg18[%parallel_loop3A_407, %parallel_loop3A_408] {strides = array<i32>} : memref<128x128xf32, #tpu.memory_space<vmem>>, vector<1x16xf32>,
        %parallel_loop3A_410 = vector.shape_cast %parallel_loop3A_409 : vector<1x16xf32> to vector<16xf32>
        %parallel_loop3A_411 = vector.shape_cast %parallel_loop3A_406 : vector<16xf32> to vector<1x16xf32>
        tpu.vector_store %arg18[%parallel_loop3A_407, %parallel_loop3A_408], %parallel_loop3A_411 {add = true, strides = array<i32>} : memref<128x128xf32, #tpu.memory_space<vmem>>, vector<1x16xf32>,
        %parallel_loop3A_412 = arith.index_cast %parallel_loop3A_369 : i32 to index
        %parallel_loop3A_413 = arith.constant 48 : index
        %parallel_loop3A_414 = tpu.vector_load %arg20[%parallel_loop3A_412, %parallel_loop3A_413] {strides = array<i32>} : memref<128x128xf32, #tpu.memory_space<vmem>>, vector<1x16xf32>,
        %parallel_loop3A_415 = vector.shape_cast %parallel_loop3A_414 : vector<1x16xf32> to vector<16xf32>
        %parallel_loop3A_416 = arith.index_cast %parallel_loop3A_369 : i32 to index
        %parallel_loop3A_417 = arith.constant 48 : index
        %parallel_loop3A_418 = tpu.vector_load %arg22[%parallel_loop3A_416, %parallel_loop3A_417] {strides = array<i32>} : memref<128x128xf32, #tpu.memory_space<vmem>>, vector<1x16xf32>,
        %parallel_loop3A_419 = vector.shape_cast %parallel_loop3A_418 : vector<1x16xf32> to vector<16xf32>
        %parallel_loop3A_420 = arith.addf %parallel_loop3A_415, %parallel_loop3A_419 : vector<16xf32>
        %parallel_loop3A_421 = arith.index_cast %parallel_loop3A_369 : i32 to index
        %parallel_loop3A_422 = arith.constant 48 : index
        %parallel_loop3A_423 = tpu.vector_load %arg18[%parallel_loop3A_421, %parallel_loop3A_422] {strides = array<i32>} : memref<128x128xf32, #tpu.memory_space<vmem>>, vector<1x16xf32>,
        %parallel_loop3A_424 = vector.shape_cast %parallel_loop3A_423 : vector<1x16xf32> to vector<16xf32>
        %parallel_loop3A_425 = vector.shape_cast %parallel_loop3A_420 : vector<16xf32> to vector<1x16xf32>
        tpu.vector_store %arg18[%parallel_loop3A_421, %parallel_loop3A_422], %parallel_loop3A_425 {add = true, strides = array<i32>} : memref<128x128xf32, #tpu.memory_space<vmem>>, vector<1x16xf32>,
        %parallel_loop3A_426 = arith.index_cast %parallel_loop3A_369 : i32 to index
        %parallel_loop3A_427 = arith.constant 64 : index
        %parallel_loop3A_428 = tpu.vector_load %arg20[%parallel_loop3A_426, %parallel_loop3A_427] {strides = array<i32>} : memref<128x128xf32, #tpu.memory_space<vmem>>, vector<1x16xf32>,
        %parallel_loop3A_429 = vector.shape_cast %parallel_loop3A_428 : vector<1x16xf32> to vector<16xf32>
        %parallel_loop3A_430 = arith.index_cast %parallel_loop3A_369 : i32 to index
        %parallel_loop3A_431 = arith.constant 64 : index
        %parallel_loop3A_432 = tpu.vector_load %arg22[%parallel_loop3A_430, %parallel_loop3A_431] {strides = array<i32>} : memref<128x128xf32, #tpu.memory_space<vmem>>, vector<1x16xf32>,
        %parallel_loop3A_433 = vector.shape_cast %parallel_loop3A_432 : vector<1x16xf32> to vector<16xf32>
        %parallel_loop3A_434 = arith.addf %parallel_loop3A_429, %parallel_loop3A_433 : vector<16xf32>
        %parallel_loop3A_435 = arith.index_cast %parallel_loop3A_369 : i32 to index
        %parallel_loop3A_436 = arith.constant 64 : index
        %parallel_loop3A_437 = tpu.vector_load %arg18[%parallel_loop3A_435, %parallel_loop3A_436] {strides = array<i32>} : memref<128x128xf32, #tpu.memory_space<vmem>>, vector<1x16xf32>,
        %parallel_loop3A_438 = vector.shape_cast %parallel_loop3A_437 : vector<1x16xf32> to vector<16xf32>
        %parallel_loop3A_439 = vector.shape_cast %parallel_loop3A_434 : vector<16xf32> to vector<1x16xf32>
        tpu.vector_store %arg18[%parallel_loop3A_435, %parallel_loop3A_436], %parallel_loop3A_439 {add = true, strides = array<i32>} : memref<128x128xf32, #tpu.memory_space<vmem>>, vector<1x16xf32>,
        %parallel_loop3A_440 = arith.index_cast %parallel_loop3A_369 : i32 to index
        %parallel_loop3A_441 = arith.constant 80 : index
        %parallel_loop3A_442 = tpu.vector_load %arg20[%parallel_loop3A_440, %parallel_loop3A_441] {strides = array<i32>} : memref<128x128xf32, #tpu.memory_space<vmem>>, vector<1x16xf32>,
        %parallel_loop3A_443 = vector.shape_cast %parallel_loop3A_442 : vector<1x16xf32> to vector<16xf32>
        %parallel_loop3A_444 = arith.index_cast %parallel_loop3A_369 : i32 to index
        %parallel_loop3A_445 = arith.constant 80 : index
        %parallel_loop3A_446 = tpu.vector_load %arg22[%parallel_loop3A_444, %parallel_loop3A_445] {strides = array<i32>} : memref<128x128xf32, #tpu.memory_space<vmem>>, vector<1x16xf32>,
        %parallel_loop3A_447 = vector.shape_cast %parallel_loop3A_446 : vector<1x16xf32> to vector<16xf32>
        %parallel_loop3A_448 = arith.addf %parallel_loop3A_443, %parallel_loop3A_447 : vector<16xf32>
        %parallel_loop3A_449 = arith.index_cast %parallel_loop3A_369 : i32 to index
        %parallel_loop3A_450 = arith.constant 80 : index
        %parallel_loop3A_451 = tpu.vector_load %arg18[%parallel_loop3A_449, %parallel_loop3A_450] {strides = array<i32>} : memref<128x128xf32, #tpu.memory_space<vmem>>, vector<1x16xf32>,
        %parallel_loop3A_452 = vector.shape_cast %parallel_loop3A_451 : vector<1x16xf32> to vector<16xf32>
        %parallel_loop3A_453 = vector.shape_cast %parallel_loop3A_448 : vector<16xf32> to vector<1x16xf32>
        tpu.vector_store %arg18[%parallel_loop3A_449, %parallel_loop3A_450], %parallel_loop3A_453 {add = true, strides = array<i32>} : memref<128x128xf32, #tpu.memory_space<vmem>>, vector<1x16xf32>,
        %parallel_loop3A_454 = arith.index_cast %parallel_loop3A_369 : i32 to index
        %parallel_loop3A_455 = arith.constant 96 : index
        %parallel_loop3A_456 = tpu.vector_load %arg20[%parallel_loop3A_454, %parallel_loop3A_455] {strides = array<i32>} : memref<128x128xf32, #tpu.memory_space<vmem>>, vector<1x16xf32>,
        %parallel_loop3A_457 = vector.shape_cast %parallel_loop3A_456 : vector<1x16xf32> to vector<16xf32>
        %parallel_loop3A_458 = arith.index_cast %parallel_loop3A_369 : i32 to index
        %parallel_loop3A_459 = arith.constant 96 : index
        %parallel_loop3A_460 = tpu.vector_load %arg22[%parallel_loop3A_458, %parallel_loop3A_459] {strides = array<i32>} : memref<128x128xf32, #tpu.memory_space<vmem>>, vector<1x16xf32>,
        %parallel_loop3A_461 = vector.shape_cast %parallel_loop3A_460 : vector<1x16xf32> to vector<16xf32>
        %parallel_loop3A_462 = arith.addf %parallel_loop3A_457, %parallel_loop3A_461 : vector<16xf32>
        %parallel_loop3A_463 = arith.index_cast %parallel_loop3A_369 : i32 to index
        %parallel_loop3A_464 = arith.constant 96 : index
        %parallel_loop3A_465 = tpu.vector_load %arg18[%parallel_loop3A_463, %parallel_loop3A_464] {strides = array<i32>} : memref<128x128xf32, #tpu.memory_space<vmem>>, vector<1x16xf32>,
        %parallel_loop3A_466 = vector.shape_cast %parallel_loop3A_465 : vector<1x16xf32> to vector<16xf32>
        %parallel_loop3A_467 = vector.shape_cast %parallel_loop3A_462 : vector<16xf32> to vector<1x16xf32>
        tpu.vector_store %arg18[%parallel_loop3A_463, %parallel_loop3A_464], %parallel_loop3A_467 {add = true, strides = array<i32>} : memref<128x128xf32, #tpu.memory_space<vmem>>, vector<1x16xf32>,
        %parallel_loop3A_468 = arith.index_cast %parallel_loop3A_369 : i32 to index
        %parallel_loop3A_469 = arith.constant 112 : index
        %parallel_loop3A_470 = tpu.vector_load %arg20[%parallel_loop3A_468, %parallel_loop3A_469] {strides = array<i32>} : memref<128x128xf32, #tpu.memory_space<vmem>>, vector<1x16xf32>,
        %parallel_loop3A_471 = vector.shape_cast %parallel_loop3A_470 : vector<1x16xf32> to vector<16xf32>
        %parallel_loop3A_472 = arith.index_cast %parallel_loop3A_369 : i32 to index
        %parallel_loop3A_473 = arith.constant 112 : index
        %parallel_loop3A_474 = tpu.vector_load %arg22[%parallel_loop3A_472, %parallel_loop3A_473] {strides = array<i32>} : memref<128x128xf32, #tpu.memory_space<vmem>>, vector<1x16xf32>,
        %parallel_loop3A_475 = vector.shape_cast %parallel_loop3A_474 : vector<1x16xf32> to vector<16xf32>
        %parallel_loop3A_476 = arith.addf %parallel_loop3A_471, %parallel_loop3A_475 : vector<16xf32>
        %parallel_loop3A_477 = arith.index_cast %parallel_loop3A_369 : i32 to index
        %parallel_loop3A_478 = arith.constant 112 : index
        %parallel_loop3A_479 = tpu.vector_load %arg18[%parallel_loop3A_477, %parallel_loop3A_478] {strides = array<i32>} : memref<128x128xf32, #tpu.memory_space<vmem>>, vector<1x16xf32>,
        %parallel_loop3A_480 = vector.shape_cast %parallel_loop3A_479 : vector<1x16xf32> to vector<16xf32>
        %parallel_loop3A_481 = vector.shape_cast %parallel_loop3A_476 : vector<16xf32> to vector<1x16xf32>
        tpu.vector_store %arg18[%parallel_loop3A_477, %parallel_loop3A_478], %parallel_loop3A_481 {add = true, strides = array<i32>} : memref<128x128xf32, #tpu.memory_space<vmem>>, vector<1x16xf32>,
      } {sc.loop_unroll_factor = 1 : i64, sc.parallel_access}
      %mul3A_300 = arith.constant 128 : i32
      %mul3A_301 = arith.muli %add3A_205, %mul3A_300 : i32
      %add3A_302 = arith.addi %mul3A_2, %mul3A_301 : i32
      %add3A_303 = arith.constant 64 : i32
      %add3A_304 = arith.addi %add3A_302, %add3A_303 : i32
      %dma_start3A_305 = arith.constant 64 : i32
      %dma_start3A_306 = arith.constant 0 : i32
      %dma_start3A_307 = tpu.memref_slice %arg18[%dma_start3A_305, %dma_start3A_306] : memref<128x128xf32, #tpu.memory_space<vmem>> -> memref<16x128xf32, #tpu.memory_space<vmem>>
      %dma_start3A_308 = arith.constant 0 : i32
      %dma_start3A_309 = tpu.memref_slice %arg8[%add3A_304, %dma_start3A_308] : memref<819200x128xf32, #tpu.memory_space<hbm>> -> memref<16x128xf32, #tpu.memory_space<hbm>>
      %dma_start3A_310 = arith.constant 0 : i32
      %dma_start3A_311 = tpu.memref_slice %arg8[%add3A_304, %dma_start3A_310] : memref<819200x128xf32, #tpu.memory_space<hbm>> -> memref<16x128xf32, #tpu.memory_space<hbm>>
      %dma_start3A_312 = arith.constant 64 : i32
      %dma_start3A_313 = arith.constant 0 : i32
      %dma_start3A_314 = tpu.memref_slice %arg18[%dma_start3A_312, %dma_start3A_313] : memref<128x128xf32, #tpu.memory_space<vmem>> -> memref<16x128xf32, #tpu.memory_space<vmem>>
      tpu.enqueue_dma source(%dma_start3A_314 : memref<16x128xf32, #tpu.memory_space<vmem>>) target(%dma_start3A_311 : memref<16x128xf32, #tpu.memory_space<hbm>>) target_semaphore(%arg32 : memref<!tpu.dma_semaphore, #tpu.memory_space<semaphore_mem>>)
      %parallel_loop3A_315 = arith.constant 80 : i32
      %parallel_loop3A_316 = arith.constant 96 : i32
      %parallel_loop3A_317 = arith.constant 1 : i32
      scf.for %parallel_loop3A_369 = %parallel_loop3A_315 to %parallel_loop3A_316 step %parallel_loop3A_317  : i32 {
        %parallel_loop3A_370 = arith.index_cast %parallel_loop3A_369 : i32 to index
        %parallel_loop3A_371 = arith.constant 0 : index
        %parallel_loop3A_372 = tpu.vector_load %arg20[%parallel_loop3A_370, %parallel_loop3A_371] {strides = array<i32>} : memref<128x128xf32, #tpu.memory_space<vmem>>, vector<1x16xf32>,
        %parallel_loop3A_373 = vector.shape_cast %parallel_loop3A_372 : vector<1x16xf32> to vector<16xf32>
        %parallel_loop3A_374 = arith.index_cast %parallel_loop3A_369 : i32 to index
        %parallel_loop3A_375 = arith.constant 0 : index
        %parallel_loop3A_376 = tpu.vector_load %arg22[%parallel_loop3A_374, %parallel_loop3A_375] {strides = array<i32>} : memref<128x128xf32, #tpu.memory_space<vmem>>, vector<1x16xf32>,
        %parallel_loop3A_377 = vector.shape_cast %parallel_loop3A_376 : vector<1x16xf32> to vector<16xf32>
        %parallel_loop3A_378 = arith.addf %parallel_loop3A_373, %parallel_loop3A_377 : vector<16xf32>
        %parallel_loop3A_379 = arith.index_cast %parallel_loop3A_369 : i32 to index
        %parallel_loop3A_380 = arith.constant 0 : index
        %parallel_loop3A_381 = tpu.vector_load %arg18[%parallel_loop3A_379, %parallel_loop3A_380] {strides = array<i32>} : memref<128x128xf32, #tpu.memory_space<vmem>>, vector<1x16xf32>,
        %parallel_loop3A_382 = vector.shape_cast %parallel_loop3A_381 : vector<1x16xf32> to vector<16xf32>
        %parallel_loop3A_383 = vector.shape_cast %parallel_loop3A_378 : vector<16xf32> to vector<1x16xf32>
        tpu.vector_store %arg18[%parallel_loop3A_379, %parallel_loop3A_380], %parallel_loop3A_383 {add = true, strides = array<i32>} : memref<128x128xf32, #tpu.memory_space<vmem>>, vector<1x16xf32>,
        %parallel_loop3A_384 = arith.index_cast %parallel_loop3A_369 : i32 to index
        %parallel_loop3A_385 = arith.constant 16 : index
        %parallel_loop3A_386 = tpu.vector_load %arg20[%parallel_loop3A_384, %parallel_loop3A_385] {strides = array<i32>} : memref<128x128xf32, #tpu.memory_space<vmem>>, vector<1x16xf32>,
        %parallel_loop3A_387 = vector.shape_cast %parallel_loop3A_386 : vector<1x16xf32> to vector<16xf32>
        %parallel_loop3A_388 = arith.index_cast %parallel_loop3A_369 : i32 to index
        %parallel_loop3A_389 = arith.constant 16 : index
        %parallel_loop3A_390 = tpu.vector_load %arg22[%parallel_loop3A_388, %parallel_loop3A_389] {strides = array<i32>} : memref<128x128xf32, #tpu.memory_space<vmem>>, vector<1x16xf32>,
        %parallel_loop3A_391 = vector.shape_cast %parallel_loop3A_390 : vector<1x16xf32> to vector<16xf32>
        %parallel_loop3A_392 = arith.addf %parallel_loop3A_387, %parallel_loop3A_391 : vector<16xf32>
        %parallel_loop3A_393 = arith.index_cast %parallel_loop3A_369 : i32 to index
        %parallel_loop3A_394 = arith.constant 16 : index
        %parallel_loop3A_395 = tpu.vector_load %arg18[%parallel_loop3A_393, %parallel_loop3A_394] {strides = array<i32>} : memref<128x128xf32, #tpu.memory_space<vmem>>, vector<1x16xf32>,
        %parallel_loop3A_396 = vector.shape_cast %parallel_loop3A_395 : vector<1x16xf32> to vector<16xf32>
        %parallel_loop3A_397 = vector.shape_cast %parallel_loop3A_392 : vector<16xf32> to vector<1x16xf32>
        tpu.vector_store %arg18[%parallel_loop3A_393, %parallel_loop3A_394], %parallel_loop3A_397 {add = true, strides = array<i32>} : memref<128x128xf32, #tpu.memory_space<vmem>>, vector<1x16xf32>,
        %parallel_loop3A_398 = arith.index_cast %parallel_loop3A_369 : i32 to index
        %parallel_loop3A_399 = arith.constant 32 : index
        %parallel_loop3A_400 = tpu.vector_load %arg20[%parallel_loop3A_398, %parallel_loop3A_399] {strides = array<i32>} : memref<128x128xf32, #tpu.memory_space<vmem>>, vector<1x16xf32>,
        %parallel_loop3A_401 = vector.shape_cast %parallel_loop3A_400 : vector<1x16xf32> to vector<16xf32>
        %parallel_loop3A_402 = arith.index_cast %parallel_loop3A_369 : i32 to index
        %parallel_loop3A_403 = arith.constant 32 : index
        %parallel_loop3A_404 = tpu.vector_load %arg22[%parallel_loop3A_402, %parallel_loop3A_403] {strides = array<i32>} : memref<128x128xf32, #tpu.memory_space<vmem>>, vector<1x16xf32>,
        %parallel_loop3A_405 = vector.shape_cast %parallel_loop3A_404 : vector<1x16xf32> to vector<16xf32>
        %parallel_loop3A_406 = arith.addf %parallel_loop3A_401, %parallel_loop3A_405 : vector<16xf32>
        %parallel_loop3A_407 = arith.index_cast %parallel_loop3A_369 : i32 to index
        %parallel_loop3A_408 = arith.constant 32 : index
        %parallel_loop3A_409 = tpu.vector_load %arg18[%parallel_loop3A_407, %parallel_loop3A_408] {strides = array<i32>} : memref<128x128xf32, #tpu.memory_space<vmem>>, vector<1x16xf32>,
        %parallel_loop3A_410 = vector.shape_cast %parallel_loop3A_409 : vector<1x16xf32> to vector<16xf32>
        %parallel_loop3A_411 = vector.shape_cast %parallel_loop3A_406 : vector<16xf32> to vector<1x16xf32>
        tpu.vector_store %arg18[%parallel_loop3A_407, %parallel_loop3A_408], %parallel_loop3A_411 {add = true, strides = array<i32>} : memref<128x128xf32, #tpu.memory_space<vmem>>, vector<1x16xf32>,
        %parallel_loop3A_412 = arith.index_cast %parallel_loop3A_369 : i32 to index
        %parallel_loop3A_413 = arith.constant 48 : index
        %parallel_loop3A_414 = tpu.vector_load %arg20[%parallel_loop3A_412, %parallel_loop3A_413] {strides = array<i32>} : memref<128x128xf32, #tpu.memory_space<vmem>>, vector<1x16xf32>,
        %parallel_loop3A_415 = vector.shape_cast %parallel_loop3A_414 : vector<1x16xf32> to vector<16xf32>
        %parallel_loop3A_416 = arith.index_cast %parallel_loop3A_369 : i32 to index
        %parallel_loop3A_417 = arith.constant 48 : index
        %parallel_loop3A_418 = tpu.vector_load %arg22[%parallel_loop3A_416, %parallel_loop3A_417] {strides = array<i32>} : memref<128x128xf32, #tpu.memory_space<vmem>>, vector<1x16xf32>,
        %parallel_loop3A_419 = vector.shape_cast %parallel_loop3A_418 : vector<1x16xf32> to vector<16xf32>
        %parallel_loop3A_420 = arith.addf %parallel_loop3A_415, %parallel_loop3A_419 : vector<16xf32>
        %parallel_loop3A_421 = arith.index_cast %parallel_loop3A_369 : i32 to index
        %parallel_loop3A_422 = arith.constant 48 : index
        %parallel_loop3A_423 = tpu.vector_load %arg18[%parallel_loop3A_421, %parallel_loop3A_422] {strides = array<i32>} : memref<128x128xf32, #tpu.memory_space<vmem>>, vector<1x16xf32>,
        %parallel_loop3A_424 = vector.shape_cast %parallel_loop3A_423 : vector<1x16xf32> to vector<16xf32>
        %parallel_loop3A_425 = vector.shape_cast %parallel_loop3A_420 : vector<16xf32> to vector<1x16xf32>
        tpu.vector_store %arg18[%parallel_loop3A_421, %parallel_loop3A_422], %parallel_loop3A_425 {add = true, strides = array<i32>} : memref<128x128xf32, #tpu.memory_space<vmem>>, vector<1x16xf32>,
        %parallel_loop3A_426 = arith.index_cast %parallel_loop3A_369 : i32 to index
        %parallel_loop3A_427 = arith.constant 64 : index
        %parallel_loop3A_428 = tpu.vector_load %arg20[%parallel_loop3A_426, %parallel_loop3A_427] {strides = array<i32>} : memref<128x128xf32, #tpu.memory_space<vmem>>, vector<1x16xf32>,
        %parallel_loop3A_429 = vector.shape_cast %parallel_loop3A_428 : vector<1x16xf32> to vector<16xf32>
        %parallel_loop3A_430 = arith.index_cast %parallel_loop3A_369 : i32 to index
        %parallel_loop3A_431 = arith.constant 64 : index
        %parallel_loop3A_432 = tpu.vector_load %arg22[%parallel_loop3A_430, %parallel_loop3A_431] {strides = array<i32>} : memref<128x128xf32, #tpu.memory_space<vmem>>, vector<1x16xf32>,
        %parallel_loop3A_433 = vector.shape_cast %parallel_loop3A_432 : vector<1x16xf32> to vector<16xf32>
        %parallel_loop3A_434 = arith.addf %parallel_loop3A_429, %parallel_loop3A_433 : vector<16xf32>
        %parallel_loop3A_435 = arith.index_cast %parallel_loop3A_369 : i32 to index
        %parallel_loop3A_436 = arith.constant 64 : index
        %parallel_loop3A_437 = tpu.vector_load %arg18[%parallel_loop3A_435, %parallel_loop3A_436] {strides = array<i32>} : memref<128x128xf32, #tpu.memory_space<vmem>>, vector<1x16xf32>,
        %parallel_loop3A_438 = vector.shape_cast %parallel_loop3A_437 : vector<1x16xf32> to vector<16xf32>
        %parallel_loop3A_439 = vector.shape_cast %parallel_loop3A_434 : vector<16xf32> to vector<1x16xf32>
        tpu.vector_store %arg18[%parallel_loop3A_435, %parallel_loop3A_436], %parallel_loop3A_439 {add = true, strides = array<i32>} : memref<128x128xf32, #tpu.memory_space<vmem>>, vector<1x16xf32>,
        %parallel_loop3A_440 = arith.index_cast %parallel_loop3A_369 : i32 to index
        %parallel_loop3A_441 = arith.constant 80 : index
        %parallel_loop3A_442 = tpu.vector_load %arg20[%parallel_loop3A_440, %parallel_loop3A_441] {strides = array<i32>} : memref<128x128xf32, #tpu.memory_space<vmem>>, vector<1x16xf32>,
        %parallel_loop3A_443 = vector.shape_cast %parallel_loop3A_442 : vector<1x16xf32> to vector<16xf32>
        %parallel_loop3A_444 = arith.index_cast %parallel_loop3A_369 : i32 to index
        %parallel_loop3A_445 = arith.constant 80 : index
        %parallel_loop3A_446 = tpu.vector_load %arg22[%parallel_loop3A_444, %parallel_loop3A_445] {strides = array<i32>} : memref<128x128xf32, #tpu.memory_space<vmem>>, vector<1x16xf32>,
        %parallel_loop3A_447 = vector.shape_cast %parallel_loop3A_446 : vector<1x16xf32> to vector<16xf32>
        %parallel_loop3A_448 = arith.addf %parallel_loop3A_443, %parallel_loop3A_447 : vector<16xf32>
        %parallel_loop3A_449 = arith.index_cast %parallel_loop3A_369 : i32 to index
        %parallel_loop3A_450 = arith.constant 80 : index
        %parallel_loop3A_451 = tpu.vector_load %arg18[%parallel_loop3A_449, %parallel_loop3A_450] {strides = array<i32>} : memref<128x128xf32, #tpu.memory_space<vmem>>, vector<1x16xf32>,
        %parallel_loop3A_452 = vector.shape_cast %parallel_loop3A_451 : vector<1x16xf32> to vector<16xf32>
        %parallel_loop3A_453 = vector.shape_cast %parallel_loop3A_448 : vector<16xf32> to vector<1x16xf32>
        tpu.vector_store %arg18[%parallel_loop3A_449, %parallel_loop3A_450], %parallel_loop3A_453 {add = true, strides = array<i32>} : memref<128x128xf32, #tpu.memory_space<vmem>>, vector<1x16xf32>,
        %parallel_loop3A_454 = arith.index_cast %parallel_loop3A_369 : i32 to index
        %parallel_loop3A_455 = arith.constant 96 : index
        %parallel_loop3A_456 = tpu.vector_load %arg20[%parallel_loop3A_454, %parallel_loop3A_455] {strides = array<i32>} : memref<128x128xf32, #tpu.memory_space<vmem>>, vector<1x16xf32>,
        %parallel_loop3A_457 = vector.shape_cast %parallel_loop3A_456 : vector<1x16xf32> to vector<16xf32>
        %parallel_loop3A_458 = arith.index_cast %parallel_loop3A_369 : i32 to index
        %parallel_loop3A_459 = arith.constant 96 : index
        %parallel_loop3A_460 = tpu.vector_load %arg22[%parallel_loop3A_458, %parallel_loop3A_459] {strides = array<i32>} : memref<128x128xf32, #tpu.memory_space<vmem>>, vector<1x16xf32>,
        %parallel_loop3A_461 = vector.shape_cast %parallel_loop3A_460 : vector<1x16xf32> to vector<16xf32>
        %parallel_loop3A_462 = arith.addf %parallel_loop3A_457, %parallel_loop3A_461 : vector<16xf32>
        %parallel_loop3A_463 = arith.index_cast %parallel_loop3A_369 : i32 to index
        %parallel_loop3A_464 = arith.constant 96 : index
        %parallel_loop3A_465 = tpu.vector_load %arg18[%parallel_loop3A_463, %parallel_loop3A_464] {strides = array<i32>} : memref<128x128xf32, #tpu.memory_space<vmem>>, vector<1x16xf32>,
        %parallel_loop3A_466 = vector.shape_cast %parallel_loop3A_465 : vector<1x16xf32> to vector<16xf32>
        %parallel_loop3A_467 = vector.shape_cast %parallel_loop3A_462 : vector<16xf32> to vector<1x16xf32>
        tpu.vector_store %arg18[%parallel_loop3A_463, %parallel_loop3A_464], %parallel_loop3A_467 {add = true, strides = array<i32>} : memref<128x128xf32, #tpu.memory_space<vmem>>, vector<1x16xf32>,
        %parallel_loop3A_468 = arith.index_cast %parallel_loop3A_369 : i32 to index
        %parallel_loop3A_469 = arith.constant 112 : index
        %parallel_loop3A_470 = tpu.vector_load %arg20[%parallel_loop3A_468, %parallel_loop3A_469] {strides = array<i32>} : memref<128x128xf32, #tpu.memory_space<vmem>>, vector<1x16xf32>,
        %parallel_loop3A_471 = vector.shape_cast %parallel_loop3A_470 : vector<1x16xf32> to vector<16xf32>
        %parallel_loop3A_472 = arith.index_cast %parallel_loop3A_369 : i32 to index
        %parallel_loop3A_473 = arith.constant 112 : index
        %parallel_loop3A_474 = tpu.vector_load %arg22[%parallel_loop3A_472, %parallel_loop3A_473] {strides = array<i32>} : memref<128x128xf32, #tpu.memory_space<vmem>>, vector<1x16xf32>,
        %parallel_loop3A_475 = vector.shape_cast %parallel_loop3A_474 : vector<1x16xf32> to vector<16xf32>
        %parallel_loop3A_476 = arith.addf %parallel_loop3A_471, %parallel_loop3A_475 : vector<16xf32>
        %parallel_loop3A_477 = arith.index_cast %parallel_loop3A_369 : i32 to index
        %parallel_loop3A_478 = arith.constant 112 : index
        %parallel_loop3A_479 = tpu.vector_load %arg18[%parallel_loop3A_477, %parallel_loop3A_478] {strides = array<i32>} : memref<128x128xf32, #tpu.memory_space<vmem>>, vector<1x16xf32>,
        %parallel_loop3A_480 = vector.shape_cast %parallel_loop3A_479 : vector<1x16xf32> to vector<16xf32>
        %parallel_loop3A_481 = vector.shape_cast %parallel_loop3A_476 : vector<16xf32> to vector<1x16xf32>
        tpu.vector_store %arg18[%parallel_loop3A_477, %parallel_loop3A_478], %parallel_loop3A_481 {add = true, strides = array<i32>} : memref<128x128xf32, #tpu.memory_space<vmem>>, vector<1x16xf32>,
      } {sc.loop_unroll_factor = 1 : i64, sc.parallel_access}
      %mul3A_318 = arith.constant 128 : i32
      %mul3A_319 = arith.muli %add3A_205, %mul3A_318 : i32
      %add3A_320 = arith.addi %mul3A_2, %mul3A_319 : i32
      %add3A_321 = arith.constant 80 : i32
      %add3A_322 = arith.addi %add3A_320, %add3A_321 : i32
      %dma_start3A_323 = arith.constant 80 : i32
      %dma_start3A_324 = arith.constant 0 : i32
      %dma_start3A_325 = tpu.memref_slice %arg18[%dma_start3A_323, %dma_start3A_324] : memref<128x128xf32, #tpu.memory_space<vmem>> -> memref<16x128xf32, #tpu.memory_space<vmem>>
      %dma_start3A_326 = arith.constant 0 : i32
      %dma_start3A_327 = tpu.memref_slice %arg8[%add3A_322, %dma_start3A_326] : memref<819200x128xf32, #tpu.memory_space<hbm>> -> memref<16x128xf32, #tpu.memory_space<hbm>>
      %dma_start3A_328 = arith.constant 0 : i32
      %dma_start3A_329 = tpu.memref_slice %arg8[%add3A_322, %dma_start3A_328] : memref<819200x128xf32, #tpu.memory_space<hbm>> -> memref<16x128xf32, #tpu.memory_space<hbm>>
      %dma_start3A_330 = arith.constant 80 : i32
      %dma_start3A_331 = arith.constant 0 : i32
      %dma_start3A_332 = tpu.memref_slice %arg18[%dma_start3A_330, %dma_start3A_331] : memref<128x128xf32, #tpu.memory_space<vmem>> -> memref<16x128xf32, #tpu.memory_space<vmem>>
      tpu.enqueue_dma source(%dma_start3A_332 : memref<16x128xf32, #tpu.memory_space<vmem>>) target(%dma_start3A_329 : memref<16x128xf32, #tpu.memory_space<hbm>>) target_semaphore(%arg32 : memref<!tpu.dma_semaphore, #tpu.memory_space<semaphore_mem>>)
      %parallel_loop3A_333 = arith.constant 96 : i32
      %parallel_loop3A_334 = arith.constant 112 : i32
      %parallel_loop3A_335 = arith.constant 1 : i32
      scf.for %parallel_loop3A_369 = %parallel_loop3A_333 to %parallel_loop3A_334 step %parallel_loop3A_335  : i32 {
        %parallel_loop3A_370 = arith.index_cast %parallel_loop3A_369 : i32 to index
        %parallel_loop3A_371 = arith.constant 0 : index
        %parallel_loop3A_372 = tpu.vector_load %arg20[%parallel_loop3A_370, %parallel_loop3A_371] {strides = array<i32>} : memref<128x128xf32, #tpu.memory_space<vmem>>, vector<1x16xf32>,
        %parallel_loop3A_373 = vector.shape_cast %parallel_loop3A_372 : vector<1x16xf32> to vector<16xf32>
        %parallel_loop3A_374 = arith.index_cast %parallel_loop3A_369 : i32 to index
        %parallel_loop3A_375 = arith.constant 0 : index
        %parallel_loop3A_376 = tpu.vector_load %arg22[%parallel_loop3A_374, %parallel_loop3A_375] {strides = array<i32>} : memref<128x128xf32, #tpu.memory_space<vmem>>, vector<1x16xf32>,
        %parallel_loop3A_377 = vector.shape_cast %parallel_loop3A_376 : vector<1x16xf32> to vector<16xf32>
        %parallel_loop3A_378 = arith.addf %parallel_loop3A_373, %parallel_loop3A_377 : vector<16xf32>
        %parallel_loop3A_379 = arith.index_cast %parallel_loop3A_369 : i32 to index
        %parallel_loop3A_380 = arith.constant 0 : index
        %parallel_loop3A_381 = tpu.vector_load %arg18[%parallel_loop3A_379, %parallel_loop3A_380] {strides = array<i32>} : memref<128x128xf32, #tpu.memory_space<vmem>>, vector<1x16xf32>,
        %parallel_loop3A_382 = vector.shape_cast %parallel_loop3A_381 : vector<1x16xf32> to vector<16xf32>
        %parallel_loop3A_383 = vector.shape_cast %parallel_loop3A_378 : vector<16xf32> to vector<1x16xf32>
        tpu.vector_store %arg18[%parallel_loop3A_379, %parallel_loop3A_380], %parallel_loop3A_383 {add = true, strides = array<i32>} : memref<128x128xf32, #tpu.memory_space<vmem>>, vector<1x16xf32>,
        %parallel_loop3A_384 = arith.index_cast %parallel_loop3A_369 : i32 to index
        %parallel_loop3A_385 = arith.constant 16 : index
        %parallel_loop3A_386 = tpu.vector_load %arg20[%parallel_loop3A_384, %parallel_loop3A_385] {strides = array<i32>} : memref<128x128xf32, #tpu.memory_space<vmem>>, vector<1x16xf32>,
        %parallel_loop3A_387 = vector.shape_cast %parallel_loop3A_386 : vector<1x16xf32> to vector<16xf32>
        %parallel_loop3A_388 = arith.index_cast %parallel_loop3A_369 : i32 to index
        %parallel_loop3A_389 = arith.constant 16 : index
        %parallel_loop3A_390 = tpu.vector_load %arg22[%parallel_loop3A_388, %parallel_loop3A_389] {strides = array<i32>} : memref<128x128xf32, #tpu.memory_space<vmem>>, vector<1x16xf32>,
        %parallel_loop3A_391 = vector.shape_cast %parallel_loop3A_390 : vector<1x16xf32> to vector<16xf32>
        %parallel_loop3A_392 = arith.addf %parallel_loop3A_387, %parallel_loop3A_391 : vector<16xf32>
        %parallel_loop3A_393 = arith.index_cast %parallel_loop3A_369 : i32 to index
        %parallel_loop3A_394 = arith.constant 16 : index
        %parallel_loop3A_395 = tpu.vector_load %arg18[%parallel_loop3A_393, %parallel_loop3A_394] {strides = array<i32>} : memref<128x128xf32, #tpu.memory_space<vmem>>, vector<1x16xf32>,
        %parallel_loop3A_396 = vector.shape_cast %parallel_loop3A_395 : vector<1x16xf32> to vector<16xf32>
        %parallel_loop3A_397 = vector.shape_cast %parallel_loop3A_392 : vector<16xf32> to vector<1x16xf32>
        tpu.vector_store %arg18[%parallel_loop3A_393, %parallel_loop3A_394], %parallel_loop3A_397 {add = true, strides = array<i32>} : memref<128x128xf32, #tpu.memory_space<vmem>>, vector<1x16xf32>,
        %parallel_loop3A_398 = arith.index_cast %parallel_loop3A_369 : i32 to index
        %parallel_loop3A_399 = arith.constant 32 : index
        %parallel_loop3A_400 = tpu.vector_load %arg20[%parallel_loop3A_398, %parallel_loop3A_399] {strides = array<i32>} : memref<128x128xf32, #tpu.memory_space<vmem>>, vector<1x16xf32>,
        %parallel_loop3A_401 = vector.shape_cast %parallel_loop3A_400 : vector<1x16xf32> to vector<16xf32>
        %parallel_loop3A_402 = arith.index_cast %parallel_loop3A_369 : i32 to index
        %parallel_loop3A_403 = arith.constant 32 : index
        %parallel_loop3A_404 = tpu.vector_load %arg22[%parallel_loop3A_402, %parallel_loop3A_403] {strides = array<i32>} : memref<128x128xf32, #tpu.memory_space<vmem>>, vector<1x16xf32>,
        %parallel_loop3A_405 = vector.shape_cast %parallel_loop3A_404 : vector<1x16xf32> to vector<16xf32>
        %parallel_loop3A_406 = arith.addf %parallel_loop3A_401, %parallel_loop3A_405 : vector<16xf32>
        %parallel_loop3A_407 = arith.index_cast %parallel_loop3A_369 : i32 to index
        %parallel_loop3A_408 = arith.constant 32 : index
        %parallel_loop3A_409 = tpu.vector_load %arg18[%parallel_loop3A_407, %parallel_loop3A_408] {strides = array<i32>} : memref<128x128xf32, #tpu.memory_space<vmem>>, vector<1x16xf32>,
        %parallel_loop3A_410 = vector.shape_cast %parallel_loop3A_409 : vector<1x16xf32> to vector<16xf32>
        %parallel_loop3A_411 = vector.shape_cast %parallel_loop3A_406 : vector<16xf32> to vector<1x16xf32>
        tpu.vector_store %arg18[%parallel_loop3A_407, %parallel_loop3A_408], %parallel_loop3A_411 {add = true, strides = array<i32>} : memref<128x128xf32, #tpu.memory_space<vmem>>, vector<1x16xf32>,
        %parallel_loop3A_412 = arith.index_cast %parallel_loop3A_369 : i32 to index
        %parallel_loop3A_413 = arith.constant 48 : index
        %parallel_loop3A_414 = tpu.vector_load %arg20[%parallel_loop3A_412, %parallel_loop3A_413] {strides = array<i32>} : memref<128x128xf32, #tpu.memory_space<vmem>>, vector<1x16xf32>,
        %parallel_loop3A_415 = vector.shape_cast %parallel_loop3A_414 : vector<1x16xf32> to vector<16xf32>
        %parallel_loop3A_416 = arith.index_cast %parallel_loop3A_369 : i32 to index
        %parallel_loop3A_417 = arith.constant 48 : index
        %parallel_loop3A_418 = tpu.vector_load %arg22[%parallel_loop3A_416, %parallel_loop3A_417] {strides = array<i32>} : memref<128x128xf32, #tpu.memory_space<vmem>>, vector<1x16xf32>,
        %parallel_loop3A_419 = vector.shape_cast %parallel_loop3A_418 : vector<1x16xf32> to vector<16xf32>
        %parallel_loop3A_420 = arith.addf %parallel_loop3A_415, %parallel_loop3A_419 : vector<16xf32>
        %parallel_loop3A_421 = arith.index_cast %parallel_loop3A_369 : i32 to index
        %parallel_loop3A_422 = arith.constant 48 : index
        %parallel_loop3A_423 = tpu.vector_load %arg18[%parallel_loop3A_421, %parallel_loop3A_422] {strides = array<i32>} : memref<128x128xf32, #tpu.memory_space<vmem>>, vector<1x16xf32>,
        %parallel_loop3A_424 = vector.shape_cast %parallel_loop3A_423 : vector<1x16xf32> to vector<16xf32>
        %parallel_loop3A_425 = vector.shape_cast %parallel_loop3A_420 : vector<16xf32> to vector<1x16xf32>
        tpu.vector_store %arg18[%parallel_loop3A_421, %parallel_loop3A_422], %parallel_loop3A_425 {add = true, strides = array<i32>} : memref<128x128xf32, #tpu.memory_space<vmem>>, vector<1x16xf32>,
        %parallel_loop3A_426 = arith.index_cast %parallel_loop3A_369 : i32 to index
        %parallel_loop3A_427 = arith.constant 64 : index
        %parallel_loop3A_428 = tpu.vector_load %arg20[%parallel_loop3A_426, %parallel_loop3A_427] {strides = array<i32>} : memref<128x128xf32, #tpu.memory_space<vmem>>, vector<1x16xf32>,
        %parallel_loop3A_429 = vector.shape_cast %parallel_loop3A_428 : vector<1x16xf32> to vector<16xf32>
        %parallel_loop3A_430 = arith.index_cast %parallel_loop3A_369 : i32 to index
        %parallel_loop3A_431 = arith.constant 64 : index
        %parallel_loop3A_432 = tpu.vector_load %arg22[%parallel_loop3A_430, %parallel_loop3A_431] {strides = array<i32>} : memref<128x128xf32, #tpu.memory_space<vmem>>, vector<1x16xf32>,
        %parallel_loop3A_433 = vector.shape_cast %parallel_loop3A_432 : vector<1x16xf32> to vector<16xf32>
        %parallel_loop3A_434 = arith.addf %parallel_loop3A_429, %parallel_loop3A_433 : vector<16xf32>
        %parallel_loop3A_435 = arith.index_cast %parallel_loop3A_369 : i32 to index
        %parallel_loop3A_436 = arith.constant 64 : index
        %parallel_loop3A_437 = tpu.vector_load %arg18[%parallel_loop3A_435, %parallel_loop3A_436] {strides = array<i32>} : memref<128x128xf32, #tpu.memory_space<vmem>>, vector<1x16xf32>,
        %parallel_loop3A_438 = vector.shape_cast %parallel_loop3A_437 : vector<1x16xf32> to vector<16xf32>
        %parallel_loop3A_439 = vector.shape_cast %parallel_loop3A_434 : vector<16xf32> to vector<1x16xf32>
        tpu.vector_store %arg18[%parallel_loop3A_435, %parallel_loop3A_436], %parallel_loop3A_439 {add = true, strides = array<i32>} : memref<128x128xf32, #tpu.memory_space<vmem>>, vector<1x16xf32>,
        %parallel_loop3A_440 = arith.index_cast %parallel_loop3A_369 : i32 to index
        %parallel_loop3A_441 = arith.constant 80 : index
        %parallel_loop3A_442 = tpu.vector_load %arg20[%parallel_loop3A_440, %parallel_loop3A_441] {strides = array<i32>} : memref<128x128xf32, #tpu.memory_space<vmem>>, vector<1x16xf32>,
        %parallel_loop3A_443 = vector.shape_cast %parallel_loop3A_442 : vector<1x16xf32> to vector<16xf32>
        %parallel_loop3A_444 = arith.index_cast %parallel_loop3A_369 : i32 to index
        %parallel_loop3A_445 = arith.constant 80 : index
        %parallel_loop3A_446 = tpu.vector_load %arg22[%parallel_loop3A_444, %parallel_loop3A_445] {strides = array<i32>} : memref<128x128xf32, #tpu.memory_space<vmem>>, vector<1x16xf32>,
        %parallel_loop3A_447 = vector.shape_cast %parallel_loop3A_446 : vector<1x16xf32> to vector<16xf32>
        %parallel_loop3A_448 = arith.addf %parallel_loop3A_443, %parallel_loop3A_447 : vector<16xf32>
        %parallel_loop3A_449 = arith.index_cast %parallel_loop3A_369 : i32 to index
        %parallel_loop3A_450 = arith.constant 80 : index
        %parallel_loop3A_451 = tpu.vector_load %arg18[%parallel_loop3A_449, %parallel_loop3A_450] {strides = array<i32>} : memref<128x128xf32, #tpu.memory_space<vmem>>, vector<1x16xf32>,
        %parallel_loop3A_452 = vector.shape_cast %parallel_loop3A_451 : vector<1x16xf32> to vector<16xf32>
        %parallel_loop3A_453 = vector.shape_cast %parallel_loop3A_448 : vector<16xf32> to vector<1x16xf32>
        tpu.vector_store %arg18[%parallel_loop3A_449, %parallel_loop3A_450], %parallel_loop3A_453 {add = true, strides = array<i32>} : memref<128x128xf32, #tpu.memory_space<vmem>>, vector<1x16xf32>,
        %parallel_loop3A_454 = arith.index_cast %parallel_loop3A_369 : i32 to index
        %parallel_loop3A_455 = arith.constant 96 : index
        %parallel_loop3A_456 = tpu.vector_load %arg20[%parallel_loop3A_454, %parallel_loop3A_455] {strides = array<i32>} : memref<128x128xf32, #tpu.memory_space<vmem>>, vector<1x16xf32>,
        %parallel_loop3A_457 = vector.shape_cast %parallel_loop3A_456 : vector<1x16xf32> to vector<16xf32>
        %parallel_loop3A_458 = arith.index_cast %parallel_loop3A_369 : i32 to index
        %parallel_loop3A_459 = arith.constant 96 : index
        %parallel_loop3A_460 = tpu.vector_load %arg22[%parallel_loop3A_458, %parallel_loop3A_459] {strides = array<i32>} : memref<128x128xf32, #tpu.memory_space<vmem>>, vector<1x16xf32>,
        %parallel_loop3A_461 = vector.shape_cast %parallel_loop3A_460 : vector<1x16xf32> to vector<16xf32>
        %parallel_loop3A_462 = arith.addf %parallel_loop3A_457, %parallel_loop3A_461 : vector<16xf32>
        %parallel_loop3A_463 = arith.index_cast %parallel_loop3A_369 : i32 to index
        %parallel_loop3A_464 = arith.constant 96 : index
        %parallel_loop3A_465 = tpu.vector_load %arg18[%parallel_loop3A_463, %parallel_loop3A_464] {strides = array<i32>} : memref<128x128xf32, #tpu.memory_space<vmem>>, vector<1x16xf32>,
        %parallel_loop3A_466 = vector.shape_cast %parallel_loop3A_465 : vector<1x16xf32> to vector<16xf32>
        %parallel_loop3A_467 = vector.shape_cast %parallel_loop3A_462 : vector<16xf32> to vector<1x16xf32>
        tpu.vector_store %arg18[%parallel_loop3A_463, %parallel_loop3A_464], %parallel_loop3A_467 {add = true, strides = array<i32>} : memref<128x128xf32, #tpu.memory_space<vmem>>, vector<1x16xf32>,
        %parallel_loop3A_468 = arith.index_cast %parallel_loop3A_369 : i32 to index
        %parallel_loop3A_469 = arith.constant 112 : index
        %parallel_loop3A_470 = tpu.vector_load %arg20[%parallel_loop3A_468, %parallel_loop3A_469] {strides = array<i32>} : memref<128x128xf32, #tpu.memory_space<vmem>>, vector<1x16xf32>,
        %parallel_loop3A_471 = vector.shape_cast %parallel_loop3A_470 : vector<1x16xf32> to vector<16xf32>
        %parallel_loop3A_472 = arith.index_cast %parallel_loop3A_369 : i32 to index
        %parallel_loop3A_473 = arith.constant 112 : index
        %parallel_loop3A_474 = tpu.vector_load %arg22[%parallel_loop3A_472, %parallel_loop3A_473] {strides = array<i32>} : memref<128x128xf32, #tpu.memory_space<vmem>>, vector<1x16xf32>,
        %parallel_loop3A_475 = vector.shape_cast %parallel_loop3A_474 : vector<1x16xf32> to vector<16xf32>
        %parallel_loop3A_476 = arith.addf %parallel_loop3A_471, %parallel_loop3A_475 : vector<16xf32>
        %parallel_loop3A_477 = arith.index_cast %parallel_loop3A_369 : i32 to index
        %parallel_loop3A_478 = arith.constant 112 : index
        %parallel_loop3A_479 = tpu.vector_load %arg18[%parallel_loop3A_477, %parallel_loop3A_478] {strides = array<i32>} : memref<128x128xf32, #tpu.memory_space<vmem>>, vector<1x16xf32>,
        %parallel_loop3A_480 = vector.shape_cast %parallel_loop3A_479 : vector<1x16xf32> to vector<16xf32>
        %parallel_loop3A_481 = vector.shape_cast %parallel_loop3A_476 : vector<16xf32> to vector<1x16xf32>
        tpu.vector_store %arg18[%parallel_loop3A_477, %parallel_loop3A_478], %parallel_loop3A_481 {add = true, strides = array<i32>} : memref<128x128xf32, #tpu.memory_space<vmem>>, vector<1x16xf32>,
      } {sc.loop_unroll_factor = 1 : i64, sc.parallel_access}
      %mul3A_336 = arith.constant 128 : i32
      %mul3A_337 = arith.muli %add3A_205, %mul3A_336 : i32
      %add3A_338 = arith.addi %mul3A_2, %mul3A_337 : i32
      %add3A_339 = arith.constant 96 : i32
      %add3A_340 = arith.addi %add3A_338, %add3A_339 : i32
      %dma_start3A_341 = arith.constant 96 : i32
      %dma_start3A_342 = arith.constant 0 : i32
      %dma_start3A_343 = tpu.memref_slice %arg18[%dma_start3A_341, %dma_start3A_342] : memref<128x128xf32, #tpu.memory_space<vmem>> -> memref<16x128xf32, #tpu.memory_space<vmem>>
      %dma_start3A_344 = arith.constant 0 : i32
      %dma_start3A_345 = tpu.memref_slice %arg8[%add3A_340, %dma_start3A_344] : memref<819200x128xf32, #tpu.memory_space<hbm>> -> memref<16x128xf32, #tpu.memory_space<hbm>>
      %dma_start3A_346 = arith.constant 0 : i32
      %dma_start3A_347 = tpu.memref_slice %arg8[%add3A_340, %dma_start3A_346] : memref<819200x128xf32, #tpu.memory_space<hbm>> -> memref<16x128xf32, #tpu.memory_space<hbm>>
      %dma_start3A_348 = arith.constant 96 : i32
      %dma_start3A_349 = arith.constant 0 : i32
      %dma_start3A_350 = tpu.memref_slice %arg18[%dma_start3A_348, %dma_start3A_349] : memref<128x128xf32, #tpu.memory_space<vmem>> -> memref<16x128xf32, #tpu.memory_space<vmem>>
      tpu.enqueue_dma source(%dma_start3A_350 : memref<16x128xf32, #tpu.memory_space<vmem>>) target(%dma_start3A_347 : memref<16x128xf32, #tpu.memory_space<hbm>>) target_semaphore(%arg32 : memref<!tpu.dma_semaphore, #tpu.memory_space<semaphore_mem>>)
      %parallel_loop3A_351 = arith.constant 112 : i32
      %parallel_loop3A_352 = arith.constant 128 : i32
      %parallel_loop3A_353 = arith.constant 1 : i32
      scf.for %parallel_loop3A_369 = %parallel_loop3A_351 to %parallel_loop3A_352 step %parallel_loop3A_353  : i32 {
        %parallel_loop3A_370 = arith.index_cast %parallel_loop3A_369 : i32 to index
        %parallel_loop3A_371 = arith.constant 0 : index
        %parallel_loop3A_372 = tpu.vector_load %arg20[%parallel_loop3A_370, %parallel_loop3A_371] {strides = array<i32>} : memref<128x128xf32, #tpu.memory_space<vmem>>, vector<1x16xf32>,
        %parallel_loop3A_373 = vector.shape_cast %parallel_loop3A_372 : vector<1x16xf32> to vector<16xf32>
        %parallel_loop3A_374 = arith.index_cast %parallel_loop3A_369 : i32 to index
        %parallel_loop3A_375 = arith.constant 0 : index
        %parallel_loop3A_376 = tpu.vector_load %arg22[%parallel_loop3A_374, %parallel_loop3A_375] {strides = array<i32>} : memref<128x128xf32, #tpu.memory_space<vmem>>, vector<1x16xf32>,
        %parallel_loop3A_377 = vector.shape_cast %parallel_loop3A_376 : vector<1x16xf32> to vector<16xf32>
        %parallel_loop3A_378 = arith.addf %parallel_loop3A_373, %parallel_loop3A_377 : vector<16xf32>
        %parallel_loop3A_379 = arith.index_cast %parallel_loop3A_369 : i32 to index
        %parallel_loop3A_380 = arith.constant 0 : index
        %parallel_loop3A_381 = tpu.vector_load %arg18[%parallel_loop3A_379, %parallel_loop3A_380] {strides = array<i32>} : memref<128x128xf32, #tpu.memory_space<vmem>>, vector<1x16xf32>,
        %parallel_loop3A_382 = vector.shape_cast %parallel_loop3A_381 : vector<1x16xf32> to vector<16xf32>
        %parallel_loop3A_383 = vector.shape_cast %parallel_loop3A_378 : vector<16xf32> to vector<1x16xf32>
        tpu.vector_store %arg18[%parallel_loop3A_379, %parallel_loop3A_380], %parallel_loop3A_383 {add = true, strides = array<i32>} : memref<128x128xf32, #tpu.memory_space<vmem>>, vector<1x16xf32>,
        %parallel_loop3A_384 = arith.index_cast %parallel_loop3A_369 : i32 to index
        %parallel_loop3A_385 = arith.constant 16 : index
        %parallel_loop3A_386 = tpu.vector_load %arg20[%parallel_loop3A_384, %parallel_loop3A_385] {strides = array<i32>} : memref<128x128xf32, #tpu.memory_space<vmem>>, vector<1x16xf32>,
        %parallel_loop3A_387 = vector.shape_cast %parallel_loop3A_386 : vector<1x16xf32> to vector<16xf32>
        %parallel_loop3A_388 = arith.index_cast %parallel_loop3A_369 : i32 to index
        %parallel_loop3A_389 = arith.constant 16 : index
        %parallel_loop3A_390 = tpu.vector_load %arg22[%parallel_loop3A_388, %parallel_loop3A_389] {strides = array<i32>} : memref<128x128xf32, #tpu.memory_space<vmem>>, vector<1x16xf32>,
        %parallel_loop3A_391 = vector.shape_cast %parallel_loop3A_390 : vector<1x16xf32> to vector<16xf32>
        %parallel_loop3A_392 = arith.addf %parallel_loop3A_387, %parallel_loop3A_391 : vector<16xf32>
        %parallel_loop3A_393 = arith.index_cast %parallel_loop3A_369 : i32 to index
        %parallel_loop3A_394 = arith.constant 16 : index
        %parallel_loop3A_395 = tpu.vector_load %arg18[%parallel_loop3A_393, %parallel_loop3A_394] {strides = array<i32>} : memref<128x128xf32, #tpu.memory_space<vmem>>, vector<1x16xf32>,
        %parallel_loop3A_396 = vector.shape_cast %parallel_loop3A_395 : vector<1x16xf32> to vector<16xf32>
        %parallel_loop3A_397 = vector.shape_cast %parallel_loop3A_392 : vector<16xf32> to vector<1x16xf32>
        tpu.vector_store %arg18[%parallel_loop3A_393, %parallel_loop3A_394], %parallel_loop3A_397 {add = true, strides = array<i32>} : memref<128x128xf32, #tpu.memory_space<vmem>>, vector<1x16xf32>,
        %parallel_loop3A_398 = arith.index_cast %parallel_loop3A_369 : i32 to index
        %parallel_loop3A_399 = arith.constant 32 : index
        %parallel_loop3A_400 = tpu.vector_load %arg20[%parallel_loop3A_398, %parallel_loop3A_399] {strides = array<i32>} : memref<128x128xf32, #tpu.memory_space<vmem>>, vector<1x16xf32>,
        %parallel_loop3A_401 = vector.shape_cast %parallel_loop3A_400 : vector<1x16xf32> to vector<16xf32>
        %parallel_loop3A_402 = arith.index_cast %parallel_loop3A_369 : i32 to index
        %parallel_loop3A_403 = arith.constant 32 : index
        %parallel_loop3A_404 = tpu.vector_load %arg22[%parallel_loop3A_402, %parallel_loop3A_403] {strides = array<i32>} : memref<128x128xf32, #tpu.memory_space<vmem>>, vector<1x16xf32>,
        %parallel_loop3A_405 = vector.shape_cast %parallel_loop3A_404 : vector<1x16xf32> to vector<16xf32>
        %parallel_loop3A_406 = arith.addf %parallel_loop3A_401, %parallel_loop3A_405 : vector<16xf32>
        %parallel_loop3A_407 = arith.index_cast %parallel_loop3A_369 : i32 to index
        %parallel_loop3A_408 = arith.constant 32 : index
        %parallel_loop3A_409 = tpu.vector_load %arg18[%parallel_loop3A_407, %parallel_loop3A_408] {strides = array<i32>} : memref<128x128xf32, #tpu.memory_space<vmem>>, vector<1x16xf32>,
        %parallel_loop3A_410 = vector.shape_cast %parallel_loop3A_409 : vector<1x16xf32> to vector<16xf32>
        %parallel_loop3A_411 = vector.shape_cast %parallel_loop3A_406 : vector<16xf32> to vector<1x16xf32>
        tpu.vector_store %arg18[%parallel_loop3A_407, %parallel_loop3A_408], %parallel_loop3A_411 {add = true, strides = array<i32>} : memref<128x128xf32, #tpu.memory_space<vmem>>, vector<1x16xf32>,
        %parallel_loop3A_412 = arith.index_cast %parallel_loop3A_369 : i32 to index
        %parallel_loop3A_413 = arith.constant 48 : index
        %parallel_loop3A_414 = tpu.vector_load %arg20[%parallel_loop3A_412, %parallel_loop3A_413] {strides = array<i32>} : memref<128x128xf32, #tpu.memory_space<vmem>>, vector<1x16xf32>,
        %parallel_loop3A_415 = vector.shape_cast %parallel_loop3A_414 : vector<1x16xf32> to vector<16xf32>
        %parallel_loop3A_416 = arith.index_cast %parallel_loop3A_369 : i32 to index
        %parallel_loop3A_417 = arith.constant 48 : index
        %parallel_loop3A_418 = tpu.vector_load %arg22[%parallel_loop3A_416, %parallel_loop3A_417] {strides = array<i32>} : memref<128x128xf32, #tpu.memory_space<vmem>>, vector<1x16xf32>,
        %parallel_loop3A_419 = vector.shape_cast %parallel_loop3A_418 : vector<1x16xf32> to vector<16xf32>
        %parallel_loop3A_420 = arith.addf %parallel_loop3A_415, %parallel_loop3A_419 : vector<16xf32>
        %parallel_loop3A_421 = arith.index_cast %parallel_loop3A_369 : i32 to index
        %parallel_loop3A_422 = arith.constant 48 : index
        %parallel_loop3A_423 = tpu.vector_load %arg18[%parallel_loop3A_421, %parallel_loop3A_422] {strides = array<i32>} : memref<128x128xf32, #tpu.memory_space<vmem>>, vector<1x16xf32>,
        %parallel_loop3A_424 = vector.shape_cast %parallel_loop3A_423 : vector<1x16xf32> to vector<16xf32>
        %parallel_loop3A_425 = vector.shape_cast %parallel_loop3A_420 : vector<16xf32> to vector<1x16xf32>
        tpu.vector_store %arg18[%parallel_loop3A_421, %parallel_loop3A_422], %parallel_loop3A_425 {add = true, strides = array<i32>} : memref<128x128xf32, #tpu.memory_space<vmem>>, vector<1x16xf32>,
        %parallel_loop3A_426 = arith.index_cast %parallel_loop3A_369 : i32 to index
        %parallel_loop3A_427 = arith.constant 64 : index
        %parallel_loop3A_428 = tpu.vector_load %arg20[%parallel_loop3A_426, %parallel_loop3A_427] {strides = array<i32>} : memref<128x128xf32, #tpu.memory_space<vmem>>, vector<1x16xf32>,
        %parallel_loop3A_429 = vector.shape_cast %parallel_loop3A_428 : vector<1x16xf32> to vector<16xf32>
        %parallel_loop3A_430 = arith.index_cast %parallel_loop3A_369 : i32 to index
        %parallel_loop3A_431 = arith.constant 64 : index
        %parallel_loop3A_432 = tpu.vector_load %arg22[%parallel_loop3A_430, %parallel_loop3A_431] {strides = array<i32>} : memref<128x128xf32, #tpu.memory_space<vmem>>, vector<1x16xf32>,
        %parallel_loop3A_433 = vector.shape_cast %parallel_loop3A_432 : vector<1x16xf32> to vector<16xf32>
        %parallel_loop3A_434 = arith.addf %parallel_loop3A_429, %parallel_loop3A_433 : vector<16xf32>
        %parallel_loop3A_435 = arith.index_cast %parallel_loop3A_369 : i32 to index
        %parallel_loop3A_436 = arith.constant 64 : index
        %parallel_loop3A_437 = tpu.vector_load %arg18[%parallel_loop3A_435, %parallel_loop3A_436] {strides = array<i32>} : memref<128x128xf32, #tpu.memory_space<vmem>>, vector<1x16xf32>,
        %parallel_loop3A_438 = vector.shape_cast %parallel_loop3A_437 : vector<1x16xf32> to vector<16xf32>
        %parallel_loop3A_439 = vector.shape_cast %parallel_loop3A_434 : vector<16xf32> to vector<1x16xf32>
        tpu.vector_store %arg18[%parallel_loop3A_435, %parallel_loop3A_436], %parallel_loop3A_439 {add = true, strides = array<i32>} : memref<128x128xf32, #tpu.memory_space<vmem>>, vector<1x16xf32>,
        %parallel_loop3A_440 = arith.index_cast %parallel_loop3A_369 : i32 to index
        %parallel_loop3A_441 = arith.constant 80 : index
        %parallel_loop3A_442 = tpu.vector_load %arg20[%parallel_loop3A_440, %parallel_loop3A_441] {strides = array<i32>} : memref<128x128xf32, #tpu.memory_space<vmem>>, vector<1x16xf32>,
        %parallel_loop3A_443 = vector.shape_cast %parallel_loop3A_442 : vector<1x16xf32> to vector<16xf32>
        %parallel_loop3A_444 = arith.index_cast %parallel_loop3A_369 : i32 to index
        %parallel_loop3A_445 = arith.constant 80 : index
        %parallel_loop3A_446 = tpu.vector_load %arg22[%parallel_loop3A_444, %parallel_loop3A_445] {strides = array<i32>} : memref<128x128xf32, #tpu.memory_space<vmem>>, vector<1x16xf32>,
        %parallel_loop3A_447 = vector.shape_cast %parallel_loop3A_446 : vector<1x16xf32> to vector<16xf32>
        %parallel_loop3A_448 = arith.addf %parallel_loop3A_443, %parallel_loop3A_447 : vector<16xf32>
        %parallel_loop3A_449 = arith.index_cast %parallel_loop3A_369 : i32 to index
        %parallel_loop3A_450 = arith.constant 80 : index
        %parallel_loop3A_451 = tpu.vector_load %arg18[%parallel_loop3A_449, %parallel_loop3A_450] {strides = array<i32>} : memref<128x128xf32, #tpu.memory_space<vmem>>, vector<1x16xf32>,
        %parallel_loop3A_452 = vector.shape_cast %parallel_loop3A_451 : vector<1x16xf32> to vector<16xf32>
        %parallel_loop3A_453 = vector.shape_cast %parallel_loop3A_448 : vector<16xf32> to vector<1x16xf32>
        tpu.vector_store %arg18[%parallel_loop3A_449, %parallel_loop3A_450], %parallel_loop3A_453 {add = true, strides = array<i32>} : memref<128x128xf32, #tpu.memory_space<vmem>>, vector<1x16xf32>,
        %parallel_loop3A_454 = arith.index_cast %parallel_loop3A_369 : i32 to index
        %parallel_loop3A_455 = arith.constant 96 : index
        %parallel_loop3A_456 = tpu.vector_load %arg20[%parallel_loop3A_454, %parallel_loop3A_455] {strides = array<i32>} : memref<128x128xf32, #tpu.memory_space<vmem>>, vector<1x16xf32>,
        %parallel_loop3A_457 = vector.shape_cast %parallel_loop3A_456 : vector<1x16xf32> to vector<16xf32>
        %parallel_loop3A_458 = arith.index_cast %parallel_loop3A_369 : i32 to index
        %parallel_loop3A_459 = arith.constant 96 : index
        %parallel_loop3A_460 = tpu.vector_load %arg22[%parallel_loop3A_458, %parallel_loop3A_459] {strides = array<i32>} : memref<128x128xf32, #tpu.memory_space<vmem>>, vector<1x16xf32>,
        %parallel_loop3A_461 = vector.shape_cast %parallel_loop3A_460 : vector<1x16xf32> to vector<16xf32>
        %parallel_loop3A_462 = arith.addf %parallel_loop3A_457, %parallel_loop3A_461 : vector<16xf32>
        %parallel_loop3A_463 = arith.index_cast %parallel_loop3A_369 : i32 to index
        %parallel_loop3A_464 = arith.constant 96 : index
        %parallel_loop3A_465 = tpu.vector_load %arg18[%parallel_loop3A_463, %parallel_loop3A_464] {strides = array<i32>} : memref<128x128xf32, #tpu.memory_space<vmem>>, vector<1x16xf32>,
        %parallel_loop3A_466 = vector.shape_cast %parallel_loop3A_465 : vector<1x16xf32> to vector<16xf32>
        %parallel_loop3A_467 = vector.shape_cast %parallel_loop3A_462 : vector<16xf32> to vector<1x16xf32>
        tpu.vector_store %arg18[%parallel_loop3A_463, %parallel_loop3A_464], %parallel_loop3A_467 {add = true, strides = array<i32>} : memref<128x128xf32, #tpu.memory_space<vmem>>, vector<1x16xf32>,
        %parallel_loop3A_468 = arith.index_cast %parallel_loop3A_369 : i32 to index
        %parallel_loop3A_469 = arith.constant 112 : index
        %parallel_loop3A_470 = tpu.vector_load %arg20[%parallel_loop3A_468, %parallel_loop3A_469] {strides = array<i32>} : memref<128x128xf32, #tpu.memory_space<vmem>>, vector<1x16xf32>,
        %parallel_loop3A_471 = vector.shape_cast %parallel_loop3A_470 : vector<1x16xf32> to vector<16xf32>
        %parallel_loop3A_472 = arith.index_cast %parallel_loop3A_369 : i32 to index
        %parallel_loop3A_473 = arith.constant 112 : index
        %parallel_loop3A_474 = tpu.vector_load %arg22[%parallel_loop3A_472, %parallel_loop3A_473] {strides = array<i32>} : memref<128x128xf32, #tpu.memory_space<vmem>>, vector<1x16xf32>,
        %parallel_loop3A_475 = vector.shape_cast %parallel_loop3A_474 : vector<1x16xf32> to vector<16xf32>
        %parallel_loop3A_476 = arith.addf %parallel_loop3A_471, %parallel_loop3A_475 : vector<16xf32>
        %parallel_loop3A_477 = arith.index_cast %parallel_loop3A_369 : i32 to index
        %parallel_loop3A_478 = arith.constant 112 : index
        %parallel_loop3A_479 = tpu.vector_load %arg18[%parallel_loop3A_477, %parallel_loop3A_478] {strides = array<i32>} : memref<128x128xf32, #tpu.memory_space<vmem>>, vector<1x16xf32>,
        %parallel_loop3A_480 = vector.shape_cast %parallel_loop3A_479 : vector<1x16xf32> to vector<16xf32>
        %parallel_loop3A_481 = vector.shape_cast %parallel_loop3A_476 : vector<16xf32> to vector<1x16xf32>
        tpu.vector_store %arg18[%parallel_loop3A_477, %parallel_loop3A_478], %parallel_loop3A_481 {add = true, strides = array<i32>} : memref<128x128xf32, #tpu.memory_space<vmem>>, vector<1x16xf32>,
      } {sc.loop_unroll_factor = 1 : i64, sc.parallel_access}
      %mul3A_354 = arith.constant 128 : i32
      %mul3A_355 = arith.muli %add3A_205, %mul3A_354 : i32
      %add3A_356 = arith.addi %mul3A_2, %mul3A_355 : i32
      %add3A_357 = arith.constant 112 : i32
      %add3A_358 = arith.addi %add3A_356, %add3A_357 : i32
      %dma_start3A_359 = arith.constant 112 : i32
      %dma_start3A_360 = arith.constant 0 : i32
      %dma_start3A_361 = tpu.memref_slice %arg18[%dma_start3A_359, %dma_start3A_360] : memref<128x128xf32, #tpu.memory_space<vmem>> -> memref<16x128xf32, #tpu.memory_space<vmem>>
      %dma_start3A_362 = arith.constant 0 : i32
      %dma_start3A_363 = tpu.memref_slice %arg8[%add3A_358, %dma_start3A_362] : memref<819200x128xf32, #tpu.memory_space<hbm>> -> memref<16x128xf32, #tpu.memory_space<hbm>>
      %dma_start3A_364 = arith.constant 0 : i32
      %dma_start3A_365 = tpu.memref_slice %arg8[%add3A_358, %dma_start3A_364] : memref<819200x128xf32, #tpu.memory_space<hbm>> -> memref<16x128xf32, #tpu.memory_space<hbm>>
      %dma_start3A_366 = arith.constant 112 : i32
      %dma_start3A_367 = arith.constant 0 : i32
      %dma_start3A_368 = tpu.memref_slice %arg18[%dma_start3A_366, %dma_start3A_367] : memref<128x128xf32, #tpu.memory_space<vmem>> -> memref<16x128xf32, #tpu.memory_space<vmem>>
      tpu.enqueue_dma source(%dma_start3A_368 : memref<16x128xf32, #tpu.memory_space<vmem>>) target(%dma_start3A_365 : memref<16x128xf32, #tpu.memory_space<hbm>>) target_semaphore(%arg32 : memref<!tpu.dma_semaphore, #tpu.memory_space<semaphore_mem>>)
    }
    %scan3A_30 = arith.constant 100 : i32
    %dma_wait3A = arith.constant 0 : i32
    %dma_wait3A_31 = tpu.memref_slice %arg8[%mul3A_2, %dma_wait3A] : memref<819200x128xf32, #tpu.memory_space<hbm>> -> memref<128x128xf32, #tpu.memory_space<hbm>>
    %dma_wait3A_32 = arith.constant 0 : i32
    %dma_wait3A_33 = tpu.memref_slice %arg8[%mul3A_2, %dma_wait3A_32] : memref<819200x128xf32, #tpu.memory_space<hbm>> -> memref<128x128xf32, #tpu.memory_space<hbm>>
    tpu.wait_dma2 semaphore(%arg31 : memref<!tpu.dma_semaphore, #tpu.memory_space<semaphore_mem>>) src(%arg17 : memref<128x128xf32, #tpu.memory_space<vmem>>) dst(%dma_wait3A_33 : memref<128x128xf32, #tpu.memory_space<hbm>>)
    %dma_wait3A_34 = arith.constant 0 : i32
    %dma_wait3A_35 = tpu.memref_slice %arg8[%mul3A_2, %dma_wait3A_34] : memref<819200x128xf32, #tpu.memory_space<hbm>> -> memref<128x128xf32, #tpu.memory_space<hbm>>
    %dma_wait3A_36 = arith.constant 0 : i32
    %dma_wait3A_37 = tpu.memref_slice %arg8[%mul3A_2, %dma_wait3A_36] : memref<819200x128xf32, #tpu.memory_space<hbm>> -> memref<128x128xf32, #tpu.memory_space<hbm>>
    tpu.wait_dma2 semaphore(%arg32 : memref<!tpu.dma_semaphore, #tpu.memory_space<semaphore_mem>>) src(%arg18 : memref<128x128xf32, #tpu.memory_space<vmem>>) dst(%dma_wait3A_37 : memref<128x128xf32, #tpu.memory_space<hbm>>)
    return
  }
}

</mosaic_0001>

<sc_bundles>
// kernel: kernel.3.cloned.1.call-start
scs
__scs_entry_jumppad:
0x0: {  	(pc) =	sbr.rel $0x88, $3  }
0x1: {  	(tag) =	ssettag $0x0;
	lr =	simm.s32 $0x1  }
0x2: {  	[smem:$0x3F9B] =	sst lr;
	_ =	strace $0xD0000000  }
0x3: {  	_ = 	snop  }
0x4: {  	_ = 	snop  }
0x5: {  	_ = 	snop  }
0x6: {  	_ = 	snop  }
0x7: {  	_ = 	snop  }
__scs_overlays_trampoline_lowered:
0x8: {  	[smem:$0x3FAA] =	sst s0  }
0x9: {  	[smem:$0x3FAB] =	sst s1  }
0xa: {  	[smem:$0x3FAC] =	sst s2  }
0xb: {  	[smem:$0x3FAD] =	sst s3  }
0xc: {  	[smem:$0x3FAE] =	sst s4  }
0xd: {  	[smem:$0x3FAF] =	sst s5  }
0xe: {  	[smem:$0x3FB0] =	sst s6  }
0xf: {  	[smem:$0x3FB1] =	sst s7  }
0x10: {  	[smem:$0x3FB2] =	sst s8  }
0x11: {  	[smem:$0x3FB3] =	sst s9;
	s0 =	simm.s32 @!p0 $0x0  }
0x12: {  	s1 =	sld [smem:$0x3F99];
	s0 =	simm.s32 @p0 $0x1  }
0x13: {  	[smem:$0x3FB4] =	sst s0;
	s0 =	simm.s32 @!p1 $0x0  }
0x14: {  	s2 =	sld [smem:$0x3F98];
	s0 =	simm.s32 @p1 $0x1  }
0x15: {  	[smem:$0x3FB5] =	sst s0;
	s0 =	simm.s32 @!p2 $0x0  }
0x16: {  	s3 =	sld [smem:$0x3FDB];
	s0 =	simm.s32 @p2 $0x1  }
0x17: {  	s4 =	simm.s32 $0x1BF5;
	[smem:$0x3FB7] =	sst s0  }
0x18: {  	s0 =	sld [smem:$0x3F9A];
	_ =	swait.ge [sflag:s4], $0x0  }
0x19: {  	s7 =	sld [smem:$0x3F9B]  }
0x1a: {  	s8 =	sadd.s32 $0xFFFFE003, lr  }
0x1b: {  	s9 =	sadd.s32 $0xFFFFFEF7, lr;
	s5 =	simm.s32 $0xFFFFFFFF;
	p2 =	slt.u32 s8, $0xFFFFF086  }
0x1c: {  	p1 =	slt.u32 s9, $0xF7A;
	s5 =	simm.s32 @!p2 $0x0  }
0x1d: {  	s5 =	simm.s32 @p1 $0x1;
	p0 =	seq.s32 s7, s2  }
0x1e: {  	s7 =	smul.u32 @!p0 $0xF7A, s2;
	p2 =	seq.s32 @!p0 s5, $0x0  }
0x1f: {  	s9 =	smul.u32 $0xF7A, s1;
	s8 =	simm.s32 @!p0 $0x1BF5;
	p2 =	por !p2, p0  }
0x20: {  	[sflag:s8] =	ssyncset.s32 @!p0 $0xFFFFF086;
	s6 =	sadd.s32 @!p0 s3, s7;
	s7 =	simm.s32 @!p0 $0x108  }
0x21: {  	s3 =	sadd.s32 s3, s9;
	s6 =	sadd.s32 @!p0 $0x88, s6;
	s7 =	simm.s32 @p2 $0x1082  }
0x22: {  	[simem:s7], [sflag:s8] =	dma.local @!p0 [hbm:s6], $0xF7A  }
0x23: {  	s9 =	sor.u32 $0xD0000000, s2;
	s6 =	simm.s32 $0x108;
	_ =	swait.ge @!p0 [sflag:s8], $0x0  }
0x24: {  	s3 =	sadd.s32 $0x88, s3;
	s6 =	simm.s32 @!p1 $0x1082;
	[sflag:s4] =	ssyncset.s32 $0xFFFFF086  }
0x25: {  	[simem:s6], [sflag:s4] =	dma.local [hbm:s3], $0xF7A  }
0x26: {  	[smem:$0x3F9B] =	sst s1;
	(tag) =	ssettag s2;
	_ =	strace s9  }
0x27: {  	s1 =	sld [smem:$0x3FAB]  }
0x28: {  	s2 =	sld [smem:$0x3FAC]  }
0x29: {  	s4 =	sld [smem:$0x3FAE]  }
0x2a: {  	p0 =	seq.s32 s5, $0x0;
	s5 =	sld [smem:$0x3FAF]  }
0x2b: {  	s6 =	sld [smem:$0x3FB0]  }
0x2c: {  	s7 =	sld [smem:$0x3FB1]  }
0x2d: {  	s3 =	simm.s32 $0x108;
	s8 =	sld [smem:$0x3FB2]  }
0x2e: {  	s3 =	simm.s32 @!p0 $0x1082;
	s9 =	sld [smem:$0x3FB3]  }
0x2f: {  	lr =	sadd.s32 s0, s3;
	s0 =	sld [smem:$0x3FAA]  }
0x30: {  	s3 =	sld [smem:$0x3FAD]  }
0x31: {  	[smem:$0x3FB6] =	sst s10  }
0x32: {  	s10 =	sld [smem:$0x3FB4];
	_ =	sdelay $0x3  }
0x33: {  	p0 =	seq.s32 s10, $0x1;
	s10 =	sld [smem:$0x3FB6];
	_ =	sdelay $0x3  }
0x34: {  	[smem:$0x3FB6] =	sst s10  }
0x35: {  	s10 =	sld [smem:$0x3FB5];
	_ =	sdelay $0x3  }
0x36: {  	p1 =	seq.s32 s10, $0x1;
	s10 =	sld [smem:$0x3FB6];
	_ =	sdelay $0x3  }
0x37: {  	[smem:$0x3FB6] =	sst s10  }
0x38: {  	s10 =	sld [smem:$0x3FB7]  }
0x39: {  	_ = 	snop;
	(pc) =	sbr.ind lr, $3  }
0x3a: {  	_ = 	snop  }
0x3b: {  	_ = 	snop  }
0x3c: {  	p2 =	seq.s32 s10, $0x1;
	s10 =	sld [smem:$0x3FB6]  }
0x3d: {  	_ =	shalt  }
0x3e: {  	_ =	shalt  }
0x3f: {  	_ =	shalt  }
0x40: {  	_ =	shalt  }
0x41: {  	_ =	shalt  }
0x42: {  	_ =	shalt  }
0x43: {  	_ =	shalt  }
0x44: {  	_ =	shalt  }
0x45: {  	_ =	shalt  }
0x46: {  	_ =	shalt  }
0x47: {  	_ =	shalt  }
0x48: {  	_ =	shalt  }
0x49: {  	_ =	shalt  }
0x4a: {  	_ =	shalt  }
0x4b: {  	_ =	shalt  }
0x4c: {  	_ =	shalt  }
0x4d: {  	_ =	shalt  }
0x4e: {  	_ =	shalt  }
0x4f: {  	_ =	shalt  }
0x50: {  	_ =	shalt  }
0x51: {  	_ =	shalt  }
0x52: {  	_ =	shalt  }
0x53: {  	_ =	shalt  }
0x54: {  	_ =	shalt  }
0x55: {  	_ =	shalt  }
0x56: {  	_ =	shalt  }
0x57: {  	_ =	shalt  }
0x58: {  	_ =	shalt  }
0x59: {  	_ =	shalt  }
0x5a: {  	_ =	shalt  }
0x5b: {  	_ =	shalt  }
0x5c: {  	_ =	shalt  }
0x5d: {  	_ =	shalt  }
0x5e: {  	_ =	shalt  }
0x5f: {  	_ =	shalt  }
0x60: {  	_ =	shalt  }
0x61: {  	_ =	shalt  }
0x62: {  	_ =	shalt  }
0x63: {  	_ =	shalt  }
0x64: {  	_ =	shalt  }
0x65: {  	_ =	shalt  }
0x66: {  	_ =	shalt  }
0x67: {  	_ =	shalt  }
0x68: {  	_ =	shalt  }
0x69: {  	_ =	shalt  }
0x6a: {  	_ =	shalt  }
0x6b: {  	_ =	shalt  }
0x6c: {  	_ =	shalt  }
0x6d: {  	_ =	shalt  }
0x6e: {  	_ =	shalt  }
0x6f: {  	_ =	shalt  }
0x70: {  	_ =	shalt  }
0x71: {  	_ =	shalt  }
0x72: {  	_ =	shalt  }
0x73: {  	_ =	shalt  }
0x74: {  	_ =	shalt  }
0x75: {  	_ =	shalt  }
0x76: {  	_ =	shalt  }
0x77: {  	_ =	shalt  }
0x78: {  	_ =	shalt  }
0x79: {  	_ =	shalt  }
0x7a: {  	_ =	shalt  }
0x7b: {  	_ =	shalt  }
0x7c: {  	_ =	shalt  }
0x7d: {  	_ =	shalt  }
0x7e: {  	_ =	shalt  }
0x7f: {  	_ =	shalt  }
0x80: {  	_ =	shalt  }
0x81: {  	_ =	shalt  }
0x82: {  	_ =	shalt  }
0x83: {  	_ =	shalt  }
0x84: {  	_ =	shalt  }
0x85: {  	_ =	shalt  }
0x86: {  	_ =	shalt  }
0x87: {  	_ =	shalt  }
.Lfunc_end0:
.L_simem_size_0:
called_computation_lowered:
.L_overlay_start_0:
0x88: {  	s2 =	sld [smem:$0x3FD9]  }
0x89: {  	s3 =	sld [smem:$0x3FFE];
	_ =	sdelay $0x1  }
0x8a: {  	s1 =	srdreg.scid  }
0x8b: {  	s0 =	sand.u32 $0x1, s1  }
0x8c: {  	s18 =	sshll.u32 s0, $0xA;
	s2 =	sadd.s32 s3, s2  }
0x8d: {  	s2 =	sadd.s32 s2, s18  }
0x8e: {  	[smem:$0x3FC2] =	sst s2  }
0x8f: {  	_ = 	snop  }
0x90: {  	s2 =	sld [smem:$0x3FC9]  }
0x91: {  	s19 =	sld [smem:$0x3FC8]  }
0x92: {  	s4 =	sld [smem:$0x3FC7]  }
0x93: {  	s5 =	sld [smem:$0x3FC6]  }
0x94: {  	s6 =	sld [smem:$0x3FC5]  }
0x95: {  	s7 =	sld [smem:$0x3FC4]  }
0x96: {  	s8 =	sld [smem:$0x3FD0];
	(tm) =	ssettm $0x1  }
0x97: {  	s9 =	sld [smem:$0x3FFB];
	_ =	sdelay $0x3  }
0x98: {  	_ =	strace s9  }
0x99: {  	s9 =	sld [smem:$0x3FFC];
	_ =	sdelay $0x3  }
0x9a: {  	_ =	strace s9  }
0x9b: {  	s9 =	sld [smem:$0x3FFD];
	_ =	sdelay $0x3  }
0x9c: {  	_ =	strace s9  }
0x9d: {  	_ =	strace $0x8FFFFFFF  }
0x9e: {  	s20 =	sld [smem:$0x3FDB];
	_ =	sdelay $0x1  }
0x9f: {  	s10 =	simm.s32 $_scs_section_size  }
0xa0: {  	s11 =	simm.s32 $_size__tile_overlayer_lowered;
	s12 =	simm.s32 $_tile_overlayer_lowered  }
0xa1: {  	s23 =	simm.s32 $0x1BFF;
	s22 =	sshll.u32 s12, $0x1;
	s9 =	sadd.s32 s10, s20  }
0xa2: {  	s13 =	simm.s32 $0x0;
	s21 =	sshll.u32 s11, $0x1;
	s11 =	sadd.s32 s22, s9  }
0xa3: {  	[timem:s13], [sflag:s23] =	dma.local [hbm:s11], s21  }
0xa4: {  	_ =	swait.ge [sflag:s23], s21  }
0xa5: {  	s10 =	ssub.s32 $0x0, s21;
	[sflag:s23] =	ssyncset.done $0x0  }
0xa6: {  	[sflag:s23] =	ssyncadd.s32 s10;
	_ =	sdelay $0x1  }
0xa7: {  	s24 =	simm.s32 $0x1B8B  }
0xa8: {  	_ =	swait.ge [sflag:s24], $0x1  }
0xa9: {  	[sflag:s24] =	ssyncset.done $0x0  }
0xaa: {  	s25 =	simm.s32 $0x1B8E;
	[sflag:s24] =	ssyncadd.s32 $0xFFFFFFFF  }
0xab: {  	s26 =	simm.s32 $execute0_lowered;
	[smem:$0x3FD2] =	sst s25  }
0xac: {  	s10 =	sshll.u32 s26, $0x1;
	_ =	strace $0x80000046;
	[dreg:$0x1] =	wrdreg $0xFFFFFFFF  }
0xad: {  	s28 =	simm.s32 $_size_execute0_lowered;
	s9 =	sadd.s32 s9, s10;
	[dreg:$0x0] =	wrdreg $0x0  }
0xae: {  	s10 =	sshll.u32 s28, $0x1;
	[dreg:$0x2] =	wrdreg s9  }
0xaf: {  	[dreg:$0x3] =	wrdreg s10  }
0xb0: {  	[dreg:$0x4] =	wrdreg $0xC0  }
0xb1: {  	_ =	task [dreg:s13], $0x5FFFF  }
0xb2: {  	[dreg:$0x1] =	wrdreg $0xFFFFFFFF  }
0xb3: {  	[dreg:$0x0] =	wrdreg $0x60  }
0xb4: {  	[dreg:$0x2] =	wrdreg s2  }
0xb5: {  	[dreg:$0x3] =	wrdreg s19  }
0xb6: {  	[dreg:$0x4] =	wrdreg s4  }
0xb7: {  	[dreg:$0x5] =	wrdreg s5  }
0xb8: {  	[dreg:$0x6] =	wrdreg s6  }
0xb9: {  	[dreg:$0x7] =	wrdreg s7  }
0xba: {  	[dreg:$0x8] =	wrdreg s8  }
0xbb: {  	[dreg:$0x9] =	wrdreg $0x0  }
0xbc: {  	[dreg:$0xa] =	wrdreg $0x40000  }
0xbd: {  	[dreg:$0xb] =	wrdreg $0x9  }
0xbe: {  	_ =	task.clear_ibuf [dreg:s13], $0xCFFFF;
	_ =	strace $0x90000046  }
0xbf: {  	s29 =	simm.s32 $0x9;
	_ =	strace $0x80000048  }
0xc0: {  	_ =	swait.ge [sflag:s29], $0x1  }
0xc1: {  	[sflag:s29] =	ssyncadd.s32 $0xFFFFFFFF  }
0xc2: {  	_ =	strace $0x90000048  }
0xc3: {  	_ =	sfence  }
0xc4: {  	s30 =	sld [smem:$0x0];
	_ =	sdelay $0x2  }
0xc5: {  	s31 =	sshll.u32 s1, $0xD;
	s1 =	sshrl.u32 s1, $0x2  }
0xc6: {  	s3 =	sand.u32 $0x4000, s31;
	s1 =	sadd.s32 s1, s30  }
0xc7: {  	s0 =	sor.u32 s3, s0;
	s1 =	sshll.u32 s1, $0x11  }
0xc8: {  	s0 =	sor.u32 s1, s0  }
0xc9: {  	s0 =	sadd.s32 $0x8F2B, s0  }
0xca: {  	[sflag:s0] =	ssyncadd.remote.s32 $0x1  }
0xcb: {  	_ =	sfence.sel $0xFFFF  }
0xcc: {  	[dreg:$0x0] =	wrdreg $0xFFFFFFFF;
	(pc) =	sbr.abs _section_cstart, $3  }
0xcd: {  	[dreg:$0x1] =	wrdreg $0xFFFFFFFF  }
0xce: {  	_ =	task.clear_ibuf [dreg:s13], $0x2FFFF;
	_ =	strace $0x9FFFFFFF  }
0xcf: {  	(tm) =	ssettm $0x7FFFFFFF  }
tec
execute0_lowered:
.L_overlay_start_1:
0x0: {  	(tag) =	ssettag $0x1  }
0x1: {  	s13 =	rddreg [dreg:$0x0]  }
0x2: {  	s14 =	rddreg [dreg:$0x1]  }
0x3: {  	s17 =	rddreg [dreg:$0x2]  }
0x4: {  	s0 =	rddreg [dreg:$0x4]  }
0x5: {  	s1 =	rddreg [dreg:$0x5]  }
0x6: {  	s3 =	rddreg [dreg:$0x6]  }
0x7: {  	s5 =	rddreg [dreg:$0x7]  }
0x8: {  	s6 =	rddreg [dreg:$0x8];
	s2 =	srdreg.scid  }
0x9: {  	s9 =	simm.s32 $0x0;
	s12 =	stileid.u32;
	s2 =	sand.u32 $0x1, s2  }
0xa: {  	[smem:$0x7FF] =	sst s9;
	s10 =	sshll.u32 s12, $0x1;
	s23 =	sshll.u32 s12, $0xE  }
0xb: {  	s11 =	sshll.u32 s12, $0xB;
	s7 =	smov.u32 s5;
	s24 =	sshll.u32 s12, $0x6  }
0xc: {  	s25 =	sshll.u32 s12, $0x8;
	s20 =	smov.u32 s6;
	s21 =	sadd.s32 $0x100, s3  }
0xd: {  	s28 =	sadd.s32 $0x300, s3;
	s29 =	sadd.s32 $0x400, s3;
	s30 =	sadd.s32 $0x500, s3  }
0xe: {  	s31 =	sadd.s32 $0x600, s3;
	s4 =	ssub.s32 $0x2, s2;
	_ =	strace $0x80000047  }
0xf: {  	s2 =	sor.u32 s2, s10;
	s0 =	sadd.s32 s0, s11;
	s11 =	sadd.s32 s11, s6  }
0x10: {  	s8 =	sshrl.u32 s4, $0x1;
	s15 =	smul.u32 $0x6400, s2;
	[dreg:$0xa] =	wrdreg s0  }
0x11: {  	s0 =	sor.u32 $0x1C0B, s24;
	s19 =	smul.u32 $0x64000, s2;
	s24 =	sshrl.u32 s11, $0x3  }
0x12: {  	s11 =	simm.s32 $0x8B00;
	s2 =	simm.s32 $0x0;
	[dreg:$0xb] =	wrdreg s0  }
0x13: {  	s4 =	ssub.s32 s4, s8;
	s0 =	sadd.s32 s1, s25;
	[dreg:$0x17] =	wrdreg s24  }
0x14: {  	s8 =	sadd.s32 s23, s5;
	s24 =	simm.s32 $0x8;
	[dreg:$0xc] =	wrdreg s0  }
0x15: {  	s26 =	sshrl.u32 s15, $0x3;
	s18 =	sor.u32 $0x100, s15;
	[dreg:$0x14] =	wrdreg s19  }
0x16: {  	s22 =	smax.u32 s4, $0x1;
	s23 =	sshrl.u32 s8, $0x3;
	[dreg:$0x13] =	wrdreg s18  }
0x17: {  	s4 =	sadd.s32 $0x700, s3;
	s25 =	sor.u32 $0x180, s15;
	[dreg:$0x15] =	wrdreg s22  }
0x18: {  	s19 =	simm.s32 $0x3;
	s5 =	sadd.s32 s13, s26;
	[dreg:$0x16] =	wrdreg s23  }
0x19: {  	s6 =	sadd.s32 s14, s26;
	s10 =	sadd.s32 s17, s26;
	[dreg:$0x18] =	wrdreg s25  }
0x1a: {  	s12 =	sor.u32 $0x10, s26;
	s26 =	sadd.s32 $0x200, s3;
	[dreg:$0xd] =	wrdreg s5  }
0x1b: {  	s22 =	smov.u32 s15;
	s18 =	simm.s32 $0x1;
	[dreg:$0xe] =	wrdreg s6  }
0x1c: {  	s23 =	simm.s32 $0x5;
	s25 =	simm.s32 $0x4;
	[dreg:$0xf] =	wrdreg s10  }
0x1d: {  	s5 =	smov.u32 s13;
	s13 =	sadd.s32 s13, s12;
	s10 =	smov.u32 s14  }
0x1e: {  	s16 =	sadd.s32 s14, s12;
	s0 =	sadd.s32 s17, s12;
	[dreg:$0x10] =	wrdreg s13  }
0x1f: {  	s6 =	smov.u32 s3;
	s12 =	simm.s32 $0x2;
	[dreg:$0x11] =	wrdreg s16  }
0x20: {  	s14 =	simm.s32 $0x6;
	[dreg:$0x12] =	wrdreg s0;
	s13 =	simm.s32 $0x80  }
.LBB2_1:
0x21: {  	[dreg:$0x19] =	wrdreg s2  }
0x22: {  	s0 =	rddreg [dreg:$0xa]  }
0x23: {  	s1 =	rddreg [dreg:$0xb]  }
0x24: {  	s8 =	rddreg [dreg:$0x16];
	s3 =	simm.s32 $0xB  }
0x25: {  	[spmem:s8], [sflag:s1] =	dma.local [hbm:s0], $0x800  }
0x26: {  	_ =	swait.ge [sflag:s3], $0x800  }
0x27: {  	[sflag:s3] =	ssyncset.done $0x0;
	s15 =	rddreg [dreg:$0xc]  }
0x28: {  	s16 =	rddreg [dreg:$0x17];
	[sflag:s3] =	ssyncadd.s32 $0xFFFFF800  }
0x29: {  	[spmem:s16], [sflag:s1] =	dma.local [hbm:s15], $0x100  }
0x2a: {  	_ =	swait.ge [sflag:s3], $0x100  }
0x2b: {  	[sflag:s3] =	ssyncset.done $0x0  }
0x2c: {  	[sflag:s3] =	ssyncadd.s32 $0xFFFFFF00  }
0x2d: {  	[bflag:$0x0] =	sbarrier.arrive $0xFFFF  }
0x2e: {  	s1 =	simm.s32 $0x4800;
	s8 =	rddreg [dreg:$0xd]  }
0x2f: {  	[tilespmem:s1], [sflag:$0xB] =	stream.linear.gather [hbm4b:s8+s9], $0x80, $0x38;
	[tilespmem:$0x1CB00] =	vst v63  }
0x30: {  	_ =	swait.ge [sflag:s3], $0x80  }
0x31: {  	[sflag:s3] =	ssyncset.done $0x0  }
0x32: {  	s2 =	simm.s32 $0x4900;
	s15 =	rddreg [dreg:$0xe];
	[sflag:s3] =	ssyncadd.s32 $0xFFFFFF80  }
0x33: {  	[tilespmem:s2], [sflag:$0xB] =	stream.linear.gather [hbm4b:s15+s9], $0x80, $0x38;
	[tilespmem:$0x1CB00] =	vst v63  }
0x34: {  	_ =	swait.ge [sflag:s3], $0x80  }
0x35: {  	[sflag:s3] =	ssyncset.done $0x0  }
0x36: {  	s15 =	simm.s32 $0x4A00;
	s16 =	rddreg [dreg:$0xf];
	[sflag:s3] =	ssyncadd.s32 $0xFFFFFF80  }
0x37: {  	[tilespmem:s15], [sflag:$0xB] =	stream.linear.gather [hbm4b:s16+s9], $0x80, $0x38;
	[tilespmem:$0x1CB00] =	vst v63  }
0x38: {  	_ =	swait.ge [sflag:s3], $0x80  }
0x39: {  	[sflag:s3] =	ssyncset.done $0x0  }
0x3a: {  	[sflag:s3] =	ssyncadd.s32 $0xFFFFFF80  }
0x3b: {  	s16 =	simm.s32 $0x4B00;
	s8 =	rddreg [dreg:$0x3]  }
0x3c: {  	[tilespmem:s16], [sflag:$0x1] =	stream.indirect.gather [hbm4b:s8+s13], $0x80, s1, s13, $0xb8;
	[tilespmem:$0x1CB00] =	vst v63  }
0x3d: {  	s8 =	simm.s32 $0xCB00  }
0x3e: {  	[tilespmem:s8], [sflag:$0x3] =	stream.indirect.gather [spmem:s7], $0x80, s2, s13, $0xb8;
	[tilespmem:$0x1CB00] =	vst v63  }
0x3f: {  	s16 =	simm.s32 $0x14B00  }
0x40: {  	[tilespmem:s16], [sflag:$0x5] =	stream.indirect.gather [spmem:s20], $0x80, s15, s13, $0xb8;
	[tilespmem:$0x1CB00] =	vst v63  }
0x41: {  	s1 =	rddreg [dreg:$0x10];
	s2 =	simm.s32 $0x4880  }
0x42: {  	[tilespmem:s2], [sflag:$0x8] =	stream.linear.gather [hbm4b:s1+s9], $0x80, $0x38;
	[tilespmem:$0x1CB00] =	vst v63  }
0x43: {  	s3 =	rddreg [dreg:$0x11];
	s8 =	simm.s32 $0x4980  }
0x44: {  	[tilespmem:s8], [sflag:$0x8] =	stream.linear.gather [hbm4b:s3+s9], $0x80, $0x38;
	[tilespmem:$0x1CB00] =	vst v63  }
0x45: {  	s15 =	rddreg [dreg:$0x12];
	s16 =	simm.s32 $0x4A80  }
0x46: {  	[tilespmem:s16], [sflag:$0x8] =	stream.linear.gather [hbm4b:s15+s9], $0x80, $0x38;
	[tilespmem:$0x1CB00] =	vst v63  }
0x47: {  	s15 =	simm.s32 $0x0  }
.LBB2_2:
0x48: {  	_ =	swait.ge [sflag:s18], $0x4000  }
0x49: {  	[sflag:s18] =	ssyncset.done $0x0  }
0x4a: {  	[sflag:s18] =	ssyncadd.s32 $0xFFFFC000  }
0x4b: {  	_ =	swait.ge [sflag:s19], $0x4000  }
0x4c: {  	[sflag:s19] =	ssyncset.done $0x0  }
0x4d: {  	[sflag:s19] =	ssyncadd.s32 $0xFFFFC000  }
0x4e: {  	p0 =	seq.s32 s15, $0x63;
	_ =	swait.ge [sflag:s23], $0x4000  }
0x4f: {  	s0 =	sshll.u32 @!p0 s15, $0x8;
	s1 =	rddreg [dreg:$0x13]  }
0x50: {  	s0 =	sadd.s32 @!p0 s0, s1  }
0x51: {  	s2 =	simm.s32 @!p0 $0x0;
	[sflag:s23] =	ssyncset.done $0x0;
	s0 =	sshrl.u32 @!p0 s0, $0x3  }
0x52: {  	s16 =	simm.s32 @!p0 $0x4800;
	[sflag:s23] =	ssyncadd.s32 $0xFFFFC000;
	s1 =	sadd.s32 @!p0 s5, s0  }
0x53: {  	[tilespmem:s16], [sflag:$0x7] =	stream.linear.gather @!p0 [hbm4b:s1+s2], $0x80, $0x38;
	[tilespmem:$0x1CB00] =	vst v63  }
0x54: {  	s1 =	sadd.s32 @!p0 s10, s0;
	s16 =	simm.s32 @!p0 $0x4900  }
0x55: {  	[tilespmem:s16], [sflag:$0x7] =	stream.linear.gather @!p0 [hbm4b:s1+s2], $0x80, $0x38;
	[tilespmem:$0x1CB00] =	vst v63  }
0x56: {  	s0 =	sadd.s32 @!p0 s17, s0;
	s1 =	simm.s32 @!p0 $0x4A00  }
0x57: {  	[tilespmem:s1], [sflag:$0x7] =	stream.linear.gather @!p0 [hbm4b:s0+s2], $0x80, $0x38;
	[tilespmem:$0x1CB00] =	vst v63  }
0x58: {  	_ =	swait.ge [sflag:s24], $0x80  }
0x59: {  	[sflag:s24] =	ssyncset.done $0x0  }
0x5a: {  	[sflag:s24] =	ssyncadd.s32 $0xFFFFFF80  }
0x5b: {  	_ =	swait.ge [sflag:s24], $0x80  }
0x5c: {  	[sflag:s24] =	ssyncset.done $0x0  }
0x5d: {  	[sflag:s24] =	ssyncadd.s32 $0xFFFFFF80  }
0x5e: {  	_ =	swait.ge [sflag:s24], $0x80  }
0x5f: {  	p1 =	seq.s32 s15, $0x0;
	[sflag:s24] =	ssyncset.done $0x0  }
0x60: {  	s1 =	simm.s32 $0x4980;
	s2 =	simm.s32 $0x10B00;
	[sflag:s24] =	ssyncadd.s32 $0xFFFFFF80  }
0x61: {  	[tilespmem:s2], [sflag:$0x4] =	stream.indirect.gather [spmem:s7], $0x80, s1, s13, $0xb8;
	[tilespmem:$0x1CB00] =	vst v63  }
0x62: {  	s8 =	simm.s32 $0x4A80;
	s16 =	simm.s32 $0x18B00;
	s0 =	simm.s32 @!p1 $0xA  }
0x63: {  	[tilespmem:s16], [sflag:$0x6] =	stream.indirect.gather [spmem:s20], $0x80, s8, s13, $0xb8;
	[tilespmem:$0x1CB00] =	vst v63  }
0x64: {  	_ =	swait.ge @!p1 [sflag:s0], $0x4000  }
0x65: {  	[sflag:s0] =	ssyncset.done @!p1 $0x0  }
0x66: {  	s3 =	smov.u32 s17;
	[sflag:s0] =	ssyncadd.s32 @!p1 $0xFFFFC000  }
0x67: {  	s17 =	simm.s32 $0x4880;
	s1 =	simm.s32 $0x0;
	s0 =	rddreg [dreg:$0x3]  }
0x68: {  	[tilespmem:s11], [sflag:$0x2] =	stream.indirect.gather [hbm4b:s0+s13], $0x80, s17, s13, $0xb8;
	[tilespmem:$0x1CB00] =	vst v63  }
0x69: {  	s16 =	sshll.u32 s15, $0x1;
	s0 =	simm.s32 $0x200;
	v0 =	vld [tilespmem:s1+$0xCB70]  }
.LBB2_3:
0x6a: {  	p1 =	sne.s32 s0, $0x1E00;
	v1 =	vld [tilespmem:s1+$0x14B70]  }
0x6b: {  	v2 =	vld [tilespmem:s1+$0xCB00]  }
0x6c: {  	v3 =	vld [tilespmem:s1+$0x14B00]  }
0x6d: {  	v4 =	vld [tilespmem:s1+$0xCB10]  }
0x6e: {  	v5 =	vld [tilespmem:s1+$0x14B10]  }
0x6f: {  	v6 =	vld [tilespmem:s1+$0xCB20];
	v0 =	vadd.f32 v1, v0  }
0x70: {  	v1 =	vld [tilespmem:s1+$0x14B20]  }
0x71: {  	v2 =	vadd.f32 v3, v2;
	[tilespmem:s1+$0x4B70] =	vst.add.f32.msk $0xffff, v0  }
0x72: {  	v0 =	vld [tilespmem:s1+$0xCB30]  }
0x73: {  	v3 =	vadd.f32 v5, v4;
	v4 =	vld [tilespmem:s1+$0x14B30]  }
0x74: {  	v5 =	vld [tilespmem:s1+$0xCB40]  }
0x75: {  	v1 =	vadd.f32 v1, v6;
	v6 =	vld [tilespmem:s1+$0x14B40]  }
0x76: {  	v7 =	vld [tilespmem:s1+$0xCB50]  }
0x77: {  	v8 =	vld [tilespmem:s1+$0x14B50]  }
0x78: {  	v0 =	vadd.f32 v4, v0;
	v4 =	vld [tilespmem:s1+$0xCB60]  }
0x79: {  	v9 =	vld [tilespmem:s1+$0x14B60]  }
0x7a: {  	[tilespmem:s1+$0x4B00] =	vst.add.f32.msk $0xffff, v2;
	v2 =	vadd.f32 v6, v5  }
0x7b: {  	[tilespmem:s1+$0x4B10] =	vst.add.f32.msk $0xffff, v3  }
0x7c: {  	[tilespmem:s1+$0x4B20] =	vst.add.f32.msk $0xffff, v1;
	v1 =	vadd.f32 v8, v7  }
.Ltmp0:
0x7d: {  	[tilespmem:s1+$0x4B30] =	vst.add.f32.msk $0xffff, v0;
	(pc) =	sbr.rel @p1 .LBB2_3-.Ltmp0, $4  }
0x7e: {  	[tilespmem:s1+$0x4B40] =	vst.add.f32.msk $0xffff, v2;
	v0 =	vadd.f32 v9, v4  }
0x7f: {  	[tilespmem:s1+$0x4B50] =	vst.add.f32.msk $0xffff, v1  }
0x80: {  	[tilespmem:s1+$0x4B60] =	vst.add.f32.msk $0xffff, v0;
	s1 =	sshra.s32 s0, $0x2  }
0x81: {  	s0 =	sadd.s32 $0x200, s0;
	v0 =	vld [tilespmem:s1+$0xCB70]  }
0x82: {  	v1 =	vld [tilespmem:s1+$0x14B70]  }
0x83: {  	v2 =	vld [tilespmem:s1+$0xCB00]  }
0x84: {  	v3 =	vld [tilespmem:s1+$0x14B00]  }
0x85: {  	v4 =	vld [tilespmem:s1+$0xCB10]  }
0x86: {  	v5 =	vld [tilespmem:s1+$0x14B10]  }
0x87: {  	v6 =	vld [tilespmem:s1+$0xCB20]  }
0x88: {  	v7 =	vld [tilespmem:s1+$0x14B30]  }
0x89: {  	v8 =	vld [tilespmem:s1+$0xCB40]  }
0x8a: {  	v9 =	vld [tilespmem:s1+$0x14B40]  }
0x8b: {  	v10 =	vld [tilespmem:s1+$0xCB50]  }
0x8c: {  	v11 =	vld [tilespmem:s1+$0x14B50];
	v0 =	vadd.f32 v1, v0  }
0x8d: {  	v1 =	vld [tilespmem:s1+$0x14B20]  }
0x8e: {  	[tilespmem:s1+$0x4B70] =	vst.add.f32.msk $0xffff, v0  }
0x8f: {  	v0 =	vld [tilespmem:s1+$0xCB30]  }
0x90: {  	v63 =	vld [tilespmem:s1+$0x14B60];
	v2 =	vadd.f32 v3, v2  }
0x91: {  	v3 =	vld [tilespmem:s1+$0xCB60];
	v4 =	vadd.f32 v5, v4  }
0x92: {  	[tilespmem:s1+$0x4B00] =	vst.add.f32.msk $0xffff, v2;
	v2 =	vadd.f32 v9, v8  }
0x93: {  	[tilespmem:s1+$0x4B10] =	vst.add.f32.msk $0xffff, v4;
	v1 =	vadd.f32 v1, v6  }
0x94: {  	[tilespmem:s1+$0x4B40] =	vst.add.f32.msk $0xffff, v2;
	v0 =	vadd.f32 v7, v0  }
0x95: {  	s17 =	sshll.u32 s15, $0x8;
	[tilespmem:s1+$0x4B20] =	vst.add.f32.msk $0xffff, v1;
	v1 =	vadd.f32 v11, v10  }
0x96: {  	s0 =	sadd.s32 s22, s17;
	[tilespmem:s1+$0x4B30] =	vst.add.f32.msk $0xffff, v0;
	v0 =	vadd.f32 v63, v3  }
0x97: {  	s0 =	sshll.u32 s0, $0x4;
	[tilespmem:s1+$0x4B50] =	vst.add.f32.msk $0xffff, v1  }
0x98: {  	s2 =	simm.s32 $0x0;
	s8 =	simm.s32 $0x4B00;
	[tilespmem:s1+$0x4B60] =	vst.add.f32.msk $0xffff, v0;
	s1 =	sadd.s32 s6, s0  }
0x99: {  	[hbm4b:s1+s2] =	stream.linear.scatter [tilespmem:s8], [sflag:$0x9], $0x800, $0x38;
	[tilespmem:$0x1CB00] =	vst v63  }
0x9a: {  	s1 =	simm.s32 $0x0  }
0x9b: {  	s2 =	simm.s32 $0x200;
	v0 =	vld [tilespmem:s1+$0xD370]  }
.LBB2_5:
0x9c: {  	p1 =	sne.s32 s2, $0x1E00;
	v1 =	vld [tilespmem:s1+$0x15370]  }
0x9d: {  	v2 =	vld [tilespmem:s1+$0xD300]  }
0x9e: {  	v3 =	vld [tilespmem:s1+$0x15300]  }
0x9f: {  	v4 =	vld [tilespmem:s1+$0xD310]  }
0xa0: {  	v5 =	vld [tilespmem:s1+$0x15310]  }
0xa1: {  	v6 =	vld [tilespmem:s1+$0xD320];
	v0 =	vadd.f32 v1, v0  }
0xa2: {  	v1 =	vld [tilespmem:s1+$0x15320]  }
0xa3: {  	v2 =	vadd.f32 v3, v2;
	[tilespmem:s1+$0x5370] =	vst.add.f32.msk $0xffff, v0  }
0xa4: {  	v0 =	vld [tilespmem:s1+$0xD330]  }
0xa5: {  	v3 =	vadd.f32 v5, v4;
	v4 =	vld [tilespmem:s1+$0x15330]  }
0xa6: {  	v5 =	vld [tilespmem:s1+$0xD340]  }
0xa7: {  	v1 =	vadd.f32 v1, v6;
	v6 =	vld [tilespmem:s1+$0x15340]  }
0xa8: {  	v7 =	vld [tilespmem:s1+$0xD350]  }
0xa9: {  	v8 =	vld [tilespmem:s1+$0x15350]  }
0xaa: {  	v0 =	vadd.f32 v4, v0;
	v4 =	vld [tilespmem:s1+$0xD360]  }
0xab: {  	v9 =	vld [tilespmem:s1+$0x15360]  }
0xac: {  	[tilespmem:s1+$0x5300] =	vst.add.f32.msk $0xffff, v2;
	v2 =	vadd.f32 v6, v5  }
0xad: {  	[tilespmem:s1+$0x5310] =	vst.add.f32.msk $0xffff, v3  }
0xae: {  	[tilespmem:s1+$0x5320] =	vst.add.f32.msk $0xffff, v1;
	v1 =	vadd.f32 v8, v7  }
.Ltmp1:
0xaf: {  	[tilespmem:s1+$0x5330] =	vst.add.f32.msk $0xffff, v0;
	(pc) =	sbr.rel @p1 .LBB2_5-.Ltmp1, $4  }
0xb0: {  	[tilespmem:s1+$0x5340] =	vst.add.f32.msk $0xffff, v2;
	v0 =	vadd.f32 v9, v4  }
0xb1: {  	[tilespmem:s1+$0x5350] =	vst.add.f32.msk $0xffff, v1  }
0xb2: {  	[tilespmem:s1+$0x5360] =	vst.add.f32.msk $0xffff, v0;
	s1 =	sshra.s32 s2, $0x2  }
0xb3: {  	s2 =	sadd.s32 $0x200, s2;
	v0 =	vld [tilespmem:s1+$0xD370]  }
0xb4: {  	v1 =	vld [tilespmem:s1+$0x15370]  }
0xb5: {  	v2 =	vld [tilespmem:s1+$0xD300]  }
0xb6: {  	v3 =	vld [tilespmem:s1+$0x15300]  }
0xb7: {  	v4 =	vld [tilespmem:s1+$0xD310]  }
0xb8: {  	v5 =	vld [tilespmem:s1+$0x15310]  }
0xb9: {  	v6 =	vld [tilespmem:s1+$0xD320]  }
0xba: {  	v7 =	vld [tilespmem:s1+$0x15330]  }
0xbb: {  	v8 =	vld [tilespmem:s1+$0xD340]  }
0xbc: {  	v9 =	vld [tilespmem:s1+$0x15340]  }
0xbd: {  	v10 =	vld [tilespmem:s1+$0xD350]  }
0xbe: {  	v11 =	vld [tilespmem:s1+$0x15350];
	v0 =	vadd.f32 v1, v0  }
0xbf: {  	v1 =	vld [tilespmem:s1+$0x15320]  }
0xc0: {  	[tilespmem:s1+$0x5370] =	vst.add.f32.msk $0xffff, v0  }
0xc1: {  	v0 =	vld [tilespmem:s1+$0xD330]  }
0xc2: {  	v63 =	vld [tilespmem:s1+$0x15360];
	v2 =	vadd.f32 v3, v2  }
0xc3: {  	v3 =	vld [tilespmem:s1+$0xD360];
	v4 =	vadd.f32 v5, v4  }
0xc4: {  	[tilespmem:s1+$0x5300] =	vst.add.f32.msk $0xffff, v2;
	v2 =	vadd.f32 v9, v8  }
0xc5: {  	[tilespmem:s1+$0x5310] =	vst.add.f32.msk $0xffff, v4;
	v1 =	vadd.f32 v1, v6  }
0xc6: {  	[tilespmem:s1+$0x5340] =	vst.add.f32.msk $0xffff, v2;
	v0 =	vadd.f32 v7, v0  }
0xc7: {  	[tilespmem:s1+$0x5320] =	vst.add.f32.msk $0xffff, v1;
	v1 =	vadd.f32 v11, v10  }
0xc8: {  	[tilespmem:s1+$0x5330] =	vst.add.f32.msk $0xffff, v0;
	v0 =	vadd.f32 v63, v3  }
0xc9: {  	[tilespmem:s1+$0x5350] =	vst.add.f32.msk $0xffff, v1  }
0xca: {  	s2 =	simm.s32 $0x0;
	s8 =	simm.s32 $0x5300;
	[tilespmem:s1+$0x5360] =	vst.add.f32.msk $0xffff, v0;
	s1 =	sadd.s32 s0, s21  }
0xcb: {  	[hbm4b:s1+s2] =	stream.linear.scatter [tilespmem:s8], [sflag:$0x9], $0x800, $0x38;
	[tilespmem:$0x1CB00] =	vst v63  }
0xcc: {  	s1 =	simm.s32 $0x0  }
0xcd: {  	s2 =	simm.s32 $0x200;
	v0 =	vld [tilespmem:s1+$0xDB70]  }
.LBB2_7:
0xce: {  	p1 =	sne.s32 s2, $0x1E00;
	v1 =	vld [tilespmem:s1+$0x15B70]  }
0xcf: {  	v2 =	vld [tilespmem:s1+$0xDB00]  }
0xd0: {  	v3 =	vld [tilespmem:s1+$0x15B00]  }
0xd1: {  	v4 =	vld [tilespmem:s1+$0xDB10]  }
0xd2: {  	v5 =	vld [tilespmem:s1+$0x15B10]  }
0xd3: {  	v6 =	vld [tilespmem:s1+$0xDB20];
	v0 =	vadd.f32 v1, v0  }
0xd4: {  	v1 =	vld [tilespmem:s1+$0x15B20]  }
0xd5: {  	v2 =	vadd.f32 v3, v2;
	[tilespmem:s1+$0x5B70] =	vst.add.f32.msk $0xffff, v0  }
0xd6: {  	v0 =	vld [tilespmem:s1+$0xDB30]  }
0xd7: {  	v3 =	vadd.f32 v5, v4;
	v4 =	vld [tilespmem:s1+$0x15B30]  }
0xd8: {  	v5 =	vld [tilespmem:s1+$0xDB40]  }
0xd9: {  	v1 =	vadd.f32 v1, v6;
	v6 =	vld [tilespmem:s1+$0x15B40]  }
0xda: {  	v7 =	vld [tilespmem:s1+$0xDB50]  }
0xdb: {  	v8 =	vld [tilespmem:s1+$0x15B50]  }
0xdc: {  	v0 =	vadd.f32 v4, v0;
	v4 =	vld [tilespmem:s1+$0xDB60]  }
0xdd: {  	v9 =	vld [tilespmem:s1+$0x15B60]  }
0xde: {  	[tilespmem:s1+$0x5B00] =	vst.add.f32.msk $0xffff, v2;
	v2 =	vadd.f32 v6, v5  }
0xdf: {  	[tilespmem:s1+$0x5B10] =	vst.add.f32.msk $0xffff, v3  }
0xe0: {  	[tilespmem:s1+$0x5B20] =	vst.add.f32.msk $0xffff, v1;
	v1 =	vadd.f32 v8, v7  }
.Ltmp2:
0xe1: {  	[tilespmem:s1+$0x5B30] =	vst.add.f32.msk $0xffff, v0;
	(pc) =	sbr.rel @p1 .LBB2_7-.Ltmp2, $4  }
0xe2: {  	[tilespmem:s1+$0x5B40] =	vst.add.f32.msk $0xffff, v2;
	v0 =	vadd.f32 v9, v4  }
0xe3: {  	[tilespmem:s1+$0x5B50] =	vst.add.f32.msk $0xffff, v1  }
0xe4: {  	[tilespmem:s1+$0x5B60] =	vst.add.f32.msk $0xffff, v0;
	s1 =	sshra.s32 s2, $0x2  }
0xe5: {  	s2 =	sadd.s32 $0x200, s2;
	v0 =	vld [tilespmem:s1+$0xDB70]  }
0xe6: {  	v1 =	vld [tilespmem:s1+$0x15B70]  }
0xe7: {  	v2 =	vld [tilespmem:s1+$0xDB00]  }
0xe8: {  	v3 =	vld [tilespmem:s1+$0x15B00]  }
0xe9: {  	v4 =	vld [tilespmem:s1+$0xDB10]  }
0xea: {  	v5 =	vld [tilespmem:s1+$0x15B10]  }
0xeb: {  	v6 =	vld [tilespmem:s1+$0xDB20]  }
0xec: {  	v7 =	vld [tilespmem:s1+$0x15B30]  }
0xed: {  	v8 =	vld [tilespmem:s1+$0xDB40]  }
0xee: {  	v9 =	vld [tilespmem:s1+$0x15B40]  }
0xef: {  	v10 =	vld [tilespmem:s1+$0xDB50]  }
0xf0: {  	v11 =	vld [tilespmem:s1+$0x15B50];
	v0 =	vadd.f32 v1, v0  }
0xf1: {  	v1 =	vld [tilespmem:s1+$0x15B20]  }
0xf2: {  	[tilespmem:s1+$0x5B70] =	vst.add.f32.msk $0xffff, v0  }
0xf3: {  	v0 =	vld [tilespmem:s1+$0xDB30]  }
0xf4: {  	v63 =	vld [tilespmem:s1+$0x15B60];
	v2 =	vadd.f32 v3, v2  }
0xf5: {  	v3 =	vld [tilespmem:s1+$0xDB60];
	v4 =	vadd.f32 v5, v4  }
0xf6: {  	[tilespmem:s1+$0x5B00] =	vst.add.f32.msk $0xffff, v2;
	v2 =	vadd.f32 v9, v8  }
0xf7: {  	[tilespmem:s1+$0x5B10] =	vst.add.f32.msk $0xffff, v4;
	v1 =	vadd.f32 v1, v6  }
0xf8: {  	[tilespmem:s1+$0x5B40] =	vst.add.f32.msk $0xffff, v2;
	v0 =	vadd.f32 v7, v0  }
0xf9: {  	[tilespmem:s1+$0x5B20] =	vst.add.f32.msk $0xffff, v1;
	v1 =	vadd.f32 v11, v10  }
0xfa: {  	[tilespmem:s1+$0x5B30] =	vst.add.f32.msk $0xffff, v0;
	v0 =	vadd.f32 v63, v3  }
0xfb: {  	[tilespmem:s1+$0x5B50] =	vst.add.f32.msk $0xffff, v1  }
0xfc: {  	s2 =	simm.s32 $0x0;
	s8 =	simm.s32 $0x5B00;
	[tilespmem:s1+$0x5B60] =	vst.add.f32.msk $0xffff, v0;
	s1 =	sadd.s32 s0, s26  }
0xfd: {  	[hbm4b:s1+s2] =	stream.linear.scatter [tilespmem:s8], [sflag:$0x9], $0x800, $0x38;
	[tilespmem:$0x1CB00] =	vst v63  }
0xfe: {  	s1 =	simm.s32 $0x0  }
0xff: {  	s2 =	simm.s32 $0x200;
	v0 =	vld [tilespmem:s1+$0xE370]  }
.LBB2_9:
0x100: {  	p1 =	sne.s32 s2, $0x1E00;
	v1 =	vld [tilespmem:s1+$0x16370]  }
0x101: {  	v2 =	vld [tilespmem:s1+$0xE300]  }
0x102: {  	v3 =	vld [tilespmem:s1+$0x16300]  }
0x103: {  	v4 =	vld [tilespmem:s1+$0xE310]  }
0x104: {  	v5 =	vld [tilespmem:s1+$0x16310]  }
0x105: {  	v6 =	vld [tilespmem:s1+$0xE320];
	v0 =	vadd.f32 v1, v0  }
0x106: {  	v1 =	vld [tilespmem:s1+$0x16320]  }
0x107: {  	v2 =	vadd.f32 v3, v2;
	[tilespmem:s1+$0x6370] =	vst.add.f32.msk $0xffff, v0  }
0x108: {  	v0 =	vld [tilespmem:s1+$0xE330]  }
0x109: {  	v3 =	vadd.f32 v5, v4;
	v4 =	vld [tilespmem:s1+$0x16330]  }
0x10a: {  	v5 =	vld [tilespmem:s1+$0xE340]  }
0x10b: {  	v1 =	vadd.f32 v1, v6;
	v6 =	vld [tilespmem:s1+$0x16340]  }
0x10c: {  	v7 =	vld [tilespmem:s1+$0xE350]  }
0x10d: {  	v8 =	vld [tilespmem:s1+$0x16350]  }
0x10e: {  	v0 =	vadd.f32 v4, v0;
	v4 =	vld [tilespmem:s1+$0xE360]  }
0x10f: {  	v9 =	vld [tilespmem:s1+$0x16360]  }
0x110: {  	[tilespmem:s1+$0x6300] =	vst.add.f32.msk $0xffff, v2;
	v2 =	vadd.f32 v6, v5  }
0x111: {  	[tilespmem:s1+$0x6310] =	vst.add.f32.msk $0xffff, v3  }
0x112: {  	[tilespmem:s1+$0x6320] =	vst.add.f32.msk $0xffff, v1;
	v1 =	vadd.f32 v8, v7  }
.Ltmp3:
0x113: {  	[tilespmem:s1+$0x6330] =	vst.add.f32.msk $0xffff, v0;
	(pc) =	sbr.rel @p1 .LBB2_9-.Ltmp3, $4  }
0x114: {  	[tilespmem:s1+$0x6340] =	vst.add.f32.msk $0xffff, v2;
	v0 =	vadd.f32 v9, v4  }
0x115: {  	[tilespmem:s1+$0x6350] =	vst.add.f32.msk $0xffff, v1  }
0x116: {  	[tilespmem:s1+$0x6360] =	vst.add.f32.msk $0xffff, v0;
	s1 =	sshra.s32 s2, $0x2  }
0x117: {  	s2 =	sadd.s32 $0x200, s2;
	v0 =	vld [tilespmem:s1+$0xE370]  }
0x118: {  	v1 =	vld [tilespmem:s1+$0x16370]  }
0x119: {  	v2 =	vld [tilespmem:s1+$0xE300]  }
0x11a: {  	v3 =	vld [tilespmem:s1+$0x16300]  }
0x11b: {  	v4 =	vld [tilespmem:s1+$0xE310]  }
0x11c: {  	v5 =	vld [tilespmem:s1+$0x16310]  }
0x11d: {  	v6 =	vld [tilespmem:s1+$0xE320]  }
0x11e: {  	v7 =	vld [tilespmem:s1+$0x16330]  }
0x11f: {  	v8 =	vld [tilespmem:s1+$0xE340]  }
0x120: {  	v9 =	vld [tilespmem:s1+$0x16340]  }
0x121: {  	v10 =	vld [tilespmem:s1+$0xE350]  }
0x122: {  	v11 =	vld [tilespmem:s1+$0x16350];
	v0 =	vadd.f32 v1, v0  }
0x123: {  	v1 =	vld [tilespmem:s1+$0x16320]  }
0x124: {  	[tilespmem:s1+$0x6370] =	vst.add.f32.msk $0xffff, v0  }
0x125: {  	v0 =	vld [tilespmem:s1+$0xE330]  }
0x126: {  	v63 =	vld [tilespmem:s1+$0x16360];
	v2 =	vadd.f32 v3, v2  }
0x127: {  	v3 =	vld [tilespmem:s1+$0xE360];
	v4 =	vadd.f32 v5, v4  }
0x128: {  	[tilespmem:s1+$0x6300] =	vst.add.f32.msk $0xffff, v2;
	v2 =	vadd.f32 v9, v8  }
0x129: {  	[tilespmem:s1+$0x6310] =	vst.add.f32.msk $0xffff, v4;
	v1 =	vadd.f32 v1, v6  }
0x12a: {  	[tilespmem:s1+$0x6340] =	vst.add.f32.msk $0xffff, v2;
	v0 =	vadd.f32 v7, v0  }
0x12b: {  	[tilespmem:s1+$0x6320] =	vst.add.f32.msk $0xffff, v1;
	v1 =	vadd.f32 v11, v10  }
0x12c: {  	[tilespmem:s1+$0x6330] =	vst.add.f32.msk $0xffff, v0;
	v0 =	vadd.f32 v63, v3  }
0x12d: {  	[tilespmem:s1+$0x6350] =	vst.add.f32.msk $0xffff, v1  }
0x12e: {  	s2 =	simm.s32 $0x0;
	s8 =	simm.s32 $0x6300;
	[tilespmem:s1+$0x6360] =	vst.add.f32.msk $0xffff, v0;
	s1 =	sadd.s32 s0, s28  }
0x12f: {  	[hbm4b:s1+s2] =	stream.linear.scatter [tilespmem:s8], [sflag:$0x9], $0x800, $0x38;
	[tilespmem:$0x1CB00] =	vst v63  }
0x130: {  	s1 =	simm.s32 $0x0  }
0x131: {  	s2 =	simm.s32 $0x200;
	v0 =	vld [tilespmem:s1+$0xEB70]  }
.LBB2_11:
0x132: {  	p1 =	sne.s32 s2, $0x1E00;
	v1 =	vld [tilespmem:s1+$0x16B70]  }
0x133: {  	v2 =	vld [tilespmem:s1+$0xEB00]  }
0x134: {  	v3 =	vld [tilespmem:s1+$0x16B00]  }
0x135: {  	v4 =	vld [tilespmem:s1+$0xEB10]  }
0x136: {  	v5 =	vld [tilespmem:s1+$0x16B10]  }
0x137: {  	v6 =	vld [tilespmem:s1+$0xEB20];
	v0 =	vadd.f32 v1, v0  }
0x138: {  	v1 =	vld [tilespmem:s1+$0x16B20]  }
0x139: {  	v2 =	vadd.f32 v3, v2;
	[tilespmem:s1+$0x6B70] =	vst.add.f32.msk $0xffff, v0  }
0x13a: {  	v0 =	vld [tilespmem:s1+$0xEB30]  }
0x13b: {  	v3 =	vadd.f32 v5, v4;
	v4 =	vld [tilespmem:s1+$0x16B30]  }
0x13c: {  	v5 =	vld [tilespmem:s1+$0xEB40]  }
0x13d: {  	v1 =	vadd.f32 v1, v6;
	v6 =	vld [tilespmem:s1+$0x16B40]  }
0x13e: {  	v7 =	vld [tilespmem:s1+$0xEB50]  }
0x13f: {  	v8 =	vld [tilespmem:s1+$0x16B50]  }
0x140: {  	v0 =	vadd.f32 v4, v0;
	v4 =	vld [tilespmem:s1+$0xEB60]  }
0x141: {  	v9 =	vld [tilespmem:s1+$0x16B60]  }
0x142: {  	[tilespmem:s1+$0x6B00] =	vst.add.f32.msk $0xffff, v2;
	v2 =	vadd.f32 v6, v5  }
0x143: {  	[tilespmem:s1+$0x6B10] =	vst.add.f32.msk $0xffff, v3  }
0x144: {  	[tilespmem:s1+$0x6B20] =	vst.add.f32.msk $0xffff, v1;
	v1 =	vadd.f32 v8, v7  }
.Ltmp4:
0x145: {  	[tilespmem:s1+$0x6B30] =	vst.add.f32.msk $0xffff, v0;
	(pc) =	sbr.rel @p1 .LBB2_11-.Ltmp4, $4  }
0x146: {  	[tilespmem:s1+$0x6B40] =	vst.add.f32.msk $0xffff, v2;
	v0 =	vadd.f32 v9, v4  }
0x147: {  	[tilespmem:s1+$0x6B50] =	vst.add.f32.msk $0xffff, v1  }
0x148: {  	[tilespmem:s1+$0x6B60] =	vst.add.f32.msk $0xffff, v0;
	s1 =	sshra.s32 s2, $0x2  }
0x149: {  	s2 =	sadd.s32 $0x200, s2;
	v0 =	vld [tilespmem:s1+$0xEB70]  }
0x14a: {  	v1 =	vld [tilespmem:s1+$0x16B70]  }
0x14b: {  	v2 =	vld [tilespmem:s1+$0xEB00]  }
0x14c: {  	v3 =	vld [tilespmem:s1+$0x16B00]  }
0x14d: {  	v4 =	vld [tilespmem:s1+$0xEB10]  }
0x14e: {  	v5 =	vld [tilespmem:s1+$0x16B10]  }
0x14f: {  	v6 =	vld [tilespmem:s1+$0xEB20]  }
0x150: {  	v7 =	vld [tilespmem:s1+$0x16B30]  }
0x151: {  	v8 =	vld [tilespmem:s1+$0xEB40]  }
0x152: {  	v9 =	vld [tilespmem:s1+$0x16B40]  }
0x153: {  	v10 =	vld [tilespmem:s1+$0xEB50]  }
0x154: {  	v11 =	vld [tilespmem:s1+$0x16B50];
	v0 =	vadd.f32 v1, v0  }
0x155: {  	v1 =	vld [tilespmem:s1+$0x16B20]  }
0x156: {  	[tilespmem:s1+$0x6B70] =	vst.add.f32.msk $0xffff, v0  }
0x157: {  	v0 =	vld [tilespmem:s1+$0xEB30]  }
0x158: {  	v63 =	vld [tilespmem:s1+$0x16B60];
	v2 =	vadd.f32 v3, v2  }
0x159: {  	v3 =	vld [tilespmem:s1+$0xEB60];
	v4 =	vadd.f32 v5, v4  }
0x15a: {  	[tilespmem:s1+$0x6B00] =	vst.add.f32.msk $0xffff, v2;
	v2 =	vadd.f32 v9, v8  }
0x15b: {  	[tilespmem:s1+$0x6B10] =	vst.add.f32.msk $0xffff, v4;
	v1 =	vadd.f32 v1, v6  }
0x15c: {  	[tilespmem:s1+$0x6B40] =	vst.add.f32.msk $0xffff, v2;
	v0 =	vadd.f32 v7, v0  }
0x15d: {  	[tilespmem:s1+$0x6B20] =	vst.add.f32.msk $0xffff, v1;
	v1 =	vadd.f32 v11, v10  }
0x15e: {  	[tilespmem:s1+$0x6B30] =	vst.add.f32.msk $0xffff, v0;
	v0 =	vadd.f32 v63, v3  }
0x15f: {  	[tilespmem:s1+$0x6B50] =	vst.add.f32.msk $0xffff, v1  }
0x160: {  	s2 =	simm.s32 $0x0;
	s8 =	simm.s32 $0x6B00;
	[tilespmem:s1+$0x6B60] =	vst.add.f32.msk $0xffff, v0;
	s1 =	sadd.s32 s0, s29  }
0x161: {  	[hbm4b:s1+s2] =	stream.linear.scatter [tilespmem:s8], [sflag:$0x9], $0x800, $0x38;
	[tilespmem:$0x1CB00] =	vst v63  }
0x162: {  	s1 =	simm.s32 $0x0  }
0x163: {  	s2 =	simm.s32 $0x200;
	v0 =	vld [tilespmem:s1+$0xF370]  }
.LBB2_13:
0x164: {  	p1 =	sne.s32 s2, $0x1E00;
	v1 =	vld [tilespmem:s1+$0x17370]  }
0x165: {  	v2 =	vld [tilespmem:s1+$0xF300]  }
0x166: {  	v3 =	vld [tilespmem:s1+$0x17300]  }
0x167: {  	v4 =	vld [tilespmem:s1+$0xF310]  }
0x168: {  	v5 =	vld [tilespmem:s1+$0x17310]  }
0x169: {  	v6 =	vld [tilespmem:s1+$0xF320];
	v0 =	vadd.f32 v1, v0  }
0x16a: {  	v1 =	vld [tilespmem:s1+$0x17320]  }
0x16b: {  	v2 =	vadd.f32 v3, v2;
	[tilespmem:s1+$0x7370] =	vst.add.f32.msk $0xffff, v0  }
0x16c: {  	v0 =	vld [tilespmem:s1+$0xF330]  }
0x16d: {  	v3 =	vadd.f32 v5, v4;
	v4 =	vld [tilespmem:s1+$0x17330]  }
0x16e: {  	v5 =	vld [tilespmem:s1+$0xF340]  }
0x16f: {  	v1 =	vadd.f32 v1, v6;
	v6 =	vld [tilespmem:s1+$0x17340]  }
0x170: {  	v7 =	vld [tilespmem:s1+$0xF350]  }
0x171: {  	v8 =	vld [tilespmem:s1+$0x17350]  }
0x172: {  	v0 =	vadd.f32 v4, v0;
	v4 =	vld [tilespmem:s1+$0xF360]  }
0x173: {  	v9 =	vld [tilespmem:s1+$0x17360]  }
0x174: {  	[tilespmem:s1+$0x7300] =	vst.add.f32.msk $0xffff, v2;
	v2 =	vadd.f32 v6, v5  }
0x175: {  	[tilespmem:s1+$0x7310] =	vst.add.f32.msk $0xffff, v3  }
0x176: {  	[tilespmem:s1+$0x7320] =	vst.add.f32.msk $0xffff, v1;
	v1 =	vadd.f32 v8, v7  }
.Ltmp5:
0x177: {  	[tilespmem:s1+$0x7330] =	vst.add.f32.msk $0xffff, v0;
	(pc) =	sbr.rel @p1 .LBB2_13-.Ltmp5, $4  }
0x178: {  	[tilespmem:s1+$0x7340] =	vst.add.f32.msk $0xffff, v2;
	v0 =	vadd.f32 v9, v4  }
0x179: {  	[tilespmem:s1+$0x7350] =	vst.add.f32.msk $0xffff, v1  }
0x17a: {  	[tilespmem:s1+$0x7360] =	vst.add.f32.msk $0xffff, v0;
	s1 =	sshra.s32 s2, $0x2  }
0x17b: {  	s2 =	sadd.s32 $0x200, s2;
	v0 =	vld [tilespmem:s1+$0xF370]  }
0x17c: {  	v1 =	vld [tilespmem:s1+$0x17370]  }
0x17d: {  	v2 =	vld [tilespmem:s1+$0xF300]  }
0x17e: {  	v3 =	vld [tilespmem:s1+$0x17300]  }
0x17f: {  	v4 =	vld [tilespmem:s1+$0xF310]  }
0x180: {  	v5 =	vld [tilespmem:s1+$0x17310]  }
0x181: {  	v6 =	vld [tilespmem:s1+$0xF320]  }
0x182: {  	v7 =	vld [tilespmem:s1+$0x17330]  }
0x183: {  	v8 =	vld [tilespmem:s1+$0xF340]  }
0x184: {  	v9 =	vld [tilespmem:s1+$0x17340]  }
0x185: {  	v10 =	vld [tilespmem:s1+$0xF350]  }
0x186: {  	v11 =	vld [tilespmem:s1+$0x17350];
	v0 =	vadd.f32 v1, v0  }
0x187: {  	v1 =	vld [tilespmem:s1+$0x17320]  }
0x188: {  	[tilespmem:s1+$0x7370] =	vst.add.f32.msk $0xffff, v0  }
0x189: {  	v0 =	vld [tilespmem:s1+$0xF330]  }
0x18a: {  	v63 =	vld [tilespmem:s1+$0x17360];
	v2 =	vadd.f32 v3, v2  }
0x18b: {  	v3 =	vld [tilespmem:s1+$0xF360];
	v4 =	vadd.f32 v5, v4  }
0x18c: {  	[tilespmem:s1+$0x7300] =	vst.add.f32.msk $0xffff, v2;
	v2 =	vadd.f32 v9, v8  }
0x18d: {  	[tilespmem:s1+$0x7310] =	vst.add.f32.msk $0xffff, v4;
	v1 =	vadd.f32 v1, v6  }
0x18e: {  	[tilespmem:s1+$0x7340] =	vst.add.f32.msk $0xffff, v2;
	v0 =	vadd.f32 v7, v0  }
0x18f: {  	[tilespmem:s1+$0x7320] =	vst.add.f32.msk $0xffff, v1;
	v1 =	vadd.f32 v11, v10  }
0x190: {  	[tilespmem:s1+$0x7330] =	vst.add.f32.msk $0xffff, v0;
	v0 =	vadd.f32 v63, v3  }
0x191: {  	[tilespmem:s1+$0x7350] =	vst.add.f32.msk $0xffff, v1  }
0x192: {  	s2 =	simm.s32 $0x0;
	s8 =	simm.s32 $0x7300;
	[tilespmem:s1+$0x7360] =	vst.add.f32.msk $0xffff, v0;
	s1 =	sadd.s32 s0, s30  }
0x193: {  	[hbm4b:s1+s2] =	stream.linear.scatter [tilespmem:s8], [sflag:$0x9], $0x800, $0x38;
	[tilespmem:$0x1CB00] =	vst v63  }
0x194: {  	s1 =	simm.s32 $0x0  }
0x195: {  	s2 =	simm.s32 $0x200;
	v0 =	vld [tilespmem:s1+$0xFB70]  }
.LBB2_15:
0x196: {  	p1 =	sne.s32 s2, $0x1E00;
	v1 =	vld [tilespmem:s1+$0x17B70]  }
0x197: {  	v2 =	vld [tilespmem:s1+$0xFB00]  }
0x198: {  	v3 =	vld [tilespmem:s1+$0x17B00]  }
0x199: {  	v4 =	vld [tilespmem:s1+$0xFB10]  }
0x19a: {  	v5 =	vld [tilespmem:s1+$0x17B10]  }
0x19b: {  	v6 =	vld [tilespmem:s1+$0xFB20];
	v0 =	vadd.f32 v1, v0  }
0x19c: {  	v1 =	vld [tilespmem:s1+$0x17B20]  }
0x19d: {  	v2 =	vadd.f32 v3, v2;
	[tilespmem:s1+$0x7B70] =	vst.add.f32.msk $0xffff, v0  }
0x19e: {  	v0 =	vld [tilespmem:s1+$0xFB30]  }
0x19f: {  	v3 =	vadd.f32 v5, v4;
	v4 =	vld [tilespmem:s1+$0x17B30]  }
0x1a0: {  	v5 =	vld [tilespmem:s1+$0xFB40]  }
0x1a1: {  	v1 =	vadd.f32 v1, v6;
	v6 =	vld [tilespmem:s1+$0x17B40]  }
0x1a2: {  	v7 =	vld [tilespmem:s1+$0xFB50]  }
0x1a3: {  	v8 =	vld [tilespmem:s1+$0x17B50]  }
0x1a4: {  	v0 =	vadd.f32 v4, v0;
	v4 =	vld [tilespmem:s1+$0xFB60]  }
0x1a5: {  	v9 =	vld [tilespmem:s1+$0x17B60]  }
0x1a6: {  	[tilespmem:s1+$0x7B00] =	vst.add.f32.msk $0xffff, v2;
	v2 =	vadd.f32 v6, v5  }
0x1a7: {  	[tilespmem:s1+$0x7B10] =	vst.add.f32.msk $0xffff, v3  }
0x1a8: {  	[tilespmem:s1+$0x7B20] =	vst.add.f32.msk $0xffff, v1;
	v1 =	vadd.f32 v8, v7  }
.Ltmp6:
0x1a9: {  	[tilespmem:s1+$0x7B30] =	vst.add.f32.msk $0xffff, v0;
	(pc) =	sbr.rel @p1 .LBB2_15-.Ltmp6, $4  }
0x1aa: {  	[tilespmem:s1+$0x7B40] =	vst.add.f32.msk $0xffff, v2;
	v0 =	vadd.f32 v9, v4  }
0x1ab: {  	[tilespmem:s1+$0x7B50] =	vst.add.f32.msk $0xffff, v1  }
0x1ac: {  	[tilespmem:s1+$0x7B60] =	vst.add.f32.msk $0xffff, v0;
	s1 =	sshra.s32 s2, $0x2  }
0x1ad: {  	s2 =	sadd.s32 $0x200, s2;
	v0 =	vld [tilespmem:s1+$0xFB70]  }
0x1ae: {  	v1 =	vld [tilespmem:s1+$0x17B70]  }
0x1af: {  	v2 =	vld [tilespmem:s1+$0xFB00]  }
0x1b0: {  	v3 =	vld [tilespmem:s1+$0x17B00]  }
0x1b1: {  	v4 =	vld [tilespmem:s1+$0xFB10]  }
0x1b2: {  	v5 =	vld [tilespmem:s1+$0x17B10]  }
0x1b3: {  	v6 =	vld [tilespmem:s1+$0xFB20]  }
0x1b4: {  	v7 =	vld [tilespmem:s1+$0x17B30]  }
0x1b5: {  	v8 =	vld [tilespmem:s1+$0xFB40]  }
0x1b6: {  	v9 =	vld [tilespmem:s1+$0x17B40]  }
0x1b7: {  	v10 =	vld [tilespmem:s1+$0xFB50]  }
0x1b8: {  	v11 =	vld [tilespmem:s1+$0x17B50];
	v0 =	vadd.f32 v1, v0  }
0x1b9: {  	v1 =	vld [tilespmem:s1+$0x17B20]  }
0x1ba: {  	[tilespmem:s1+$0x7B70] =	vst.add.f32.msk $0xffff, v0  }
0x1bb: {  	v0 =	vld [tilespmem:s1+$0xFB30]  }
0x1bc: {  	v63 =	vld [tilespmem:s1+$0x17B60];
	v2 =	vadd.f32 v3, v2  }
0x1bd: {  	v3 =	vld [tilespmem:s1+$0xFB60];
	v4 =	vadd.f32 v5, v4  }
0x1be: {  	[tilespmem:s1+$0x7B00] =	vst.add.f32.msk $0xffff, v2;
	v2 =	vadd.f32 v9, v8  }
0x1bf: {  	[tilespmem:s1+$0x7B10] =	vst.add.f32.msk $0xffff, v4;
	v1 =	vadd.f32 v1, v6  }
0x1c0: {  	[tilespmem:s1+$0x7B40] =	vst.add.f32.msk $0xffff, v2;
	v0 =	vadd.f32 v7, v0  }
0x1c1: {  	[tilespmem:s1+$0x7B20] =	vst.add.f32.msk $0xffff, v1;
	v1 =	vadd.f32 v11, v10  }
0x1c2: {  	[tilespmem:s1+$0x7B30] =	vst.add.f32.msk $0xffff, v0;
	v0 =	vadd.f32 v63, v3  }
0x1c3: {  	[tilespmem:s1+$0x7B50] =	vst.add.f32.msk $0xffff, v1  }
0x1c4: {  	s2 =	simm.s32 $0x0;
	s8 =	simm.s32 $0x7B00;
	[tilespmem:s1+$0x7B60] =	vst.add.f32.msk $0xffff, v0;
	s1 =	sadd.s32 s0, s31  }
0x1c5: {  	[hbm4b:s1+s2] =	stream.linear.scatter [tilespmem:s8], [sflag:$0x9], $0x800, $0x38;
	[tilespmem:$0x1CB00] =	vst v63  }
0x1c6: {  	s1 =	simm.s32 $0x0  }
0x1c7: {  	s2 =	simm.s32 $0x200;
	v0 =	vld [tilespmem:s1+$0x10370]  }
.LBB2_17:
0x1c8: {  	p1 =	sne.s32 s2, $0x1E00;
	v1 =	vld [tilespmem:s1+$0x18370]  }
0x1c9: {  	v2 =	vld [tilespmem:s1+$0x10300]  }
0x1ca: {  	v3 =	vld [tilespmem:s1+$0x18300]  }
0x1cb: {  	v4 =	vld [tilespmem:s1+$0x10310]  }
0x1cc: {  	v5 =	vld [tilespmem:s1+$0x18310]  }
0x1cd: {  	v6 =	vld [tilespmem:s1+$0x10320];
	v0 =	vadd.f32 v1, v0  }
0x1ce: {  	v1 =	vld [tilespmem:s1+$0x18320]  }
0x1cf: {  	v2 =	vadd.f32 v3, v2;
	[tilespmem:s1+$0x8370] =	vst.add.f32.msk $0xffff, v0  }
0x1d0: {  	v0 =	vld [tilespmem:s1+$0x10330]  }
0x1d1: {  	v3 =	vadd.f32 v5, v4;
	v4 =	vld [tilespmem:s1+$0x18330]  }
0x1d2: {  	v5 =	vld [tilespmem:s1+$0x10340]  }
0x1d3: {  	v1 =	vadd.f32 v1, v6;
	v6 =	vld [tilespmem:s1+$0x18340]  }
0x1d4: {  	v7 =	vld [tilespmem:s1+$0x10350]  }
0x1d5: {  	v8 =	vld [tilespmem:s1+$0x18350]  }
0x1d6: {  	v0 =	vadd.f32 v4, v0;
	v4 =	vld [tilespmem:s1+$0x10360]  }
0x1d7: {  	v9 =	vld [tilespmem:s1+$0x18360]  }
0x1d8: {  	[tilespmem:s1+$0x8300] =	vst.add.f32.msk $0xffff, v2;
	v2 =	vadd.f32 v6, v5  }
0x1d9: {  	[tilespmem:s1+$0x8310] =	vst.add.f32.msk $0xffff, v3  }
0x1da: {  	[tilespmem:s1+$0x8320] =	vst.add.f32.msk $0xffff, v1;
	v1 =	vadd.f32 v8, v7  }
.Ltmp7:
0x1db: {  	[tilespmem:s1+$0x8330] =	vst.add.f32.msk $0xffff, v0;
	(pc) =	sbr.rel @p1 .LBB2_17-.Ltmp7, $4  }
0x1dc: {  	[tilespmem:s1+$0x8340] =	vst.add.f32.msk $0xffff, v2;
	v0 =	vadd.f32 v9, v4  }
0x1dd: {  	[tilespmem:s1+$0x8350] =	vst.add.f32.msk $0xffff, v1  }
0x1de: {  	[tilespmem:s1+$0x8360] =	vst.add.f32.msk $0xffff, v0;
	s1 =	sshra.s32 s2, $0x2  }
0x1df: {  	s2 =	sadd.s32 $0x200, s2;
	v0 =	vld [tilespmem:s1+$0x10370]  }
0x1e0: {  	v1 =	vld [tilespmem:s1+$0x18370]  }
0x1e1: {  	v2 =	vld [tilespmem:s1+$0x10300]  }
0x1e2: {  	v3 =	vld [tilespmem:s1+$0x18300]  }
0x1e3: {  	v4 =	vld [tilespmem:s1+$0x10310]  }
0x1e4: {  	v5 =	vld [tilespmem:s1+$0x18310]  }
0x1e5: {  	v6 =	vld [tilespmem:s1+$0x10320]  }
0x1e6: {  	v7 =	vld [tilespmem:s1+$0x18330]  }
0x1e7: {  	v8 =	vld [tilespmem:s1+$0x10340]  }
0x1e8: {  	v9 =	vld [tilespmem:s1+$0x18340]  }
0x1e9: {  	v10 =	vld [tilespmem:s1+$0x10350]  }
0x1ea: {  	v11 =	vld [tilespmem:s1+$0x18350];
	v0 =	vadd.f32 v1, v0  }
0x1eb: {  	v1 =	vld [tilespmem:s1+$0x18320]  }
0x1ec: {  	[tilespmem:s1+$0x8370] =	vst.add.f32.msk $0xffff, v0  }
0x1ed: {  	v0 =	vld [tilespmem:s1+$0x10330]  }
0x1ee: {  	v63 =	vld [tilespmem:s1+$0x18360];
	v2 =	vadd.f32 v3, v2  }
0x1ef: {  	v3 =	vld [tilespmem:s1+$0x10360];
	v4 =	vadd.f32 v5, v4  }
0x1f0: {  	[tilespmem:s1+$0x8300] =	vst.add.f32.msk $0xffff, v2;
	v2 =	vadd.f32 v9, v8  }
0x1f1: {  	[tilespmem:s1+$0x8310] =	vst.add.f32.msk $0xffff, v4;
	v1 =	vadd.f32 v1, v6  }
0x1f2: {  	[tilespmem:s1+$0x8340] =	vst.add.f32.msk $0xffff, v2;
	v0 =	vadd.f32 v7, v0  }
0x1f3: {  	[tilespmem:s1+$0x8320] =	vst.add.f32.msk $0xffff, v1;
	v1 =	vadd.f32 v11, v10  }
0x1f4: {  	[tilespmem:s1+$0x8330] =	vst.add.f32.msk $0xffff, v0;
	v0 =	vadd.f32 v63, v3  }
0x1f5: {  	[tilespmem:s1+$0x8350] =	vst.add.f32.msk $0xffff, v1  }
0x1f6: {  	s0 =	sadd.s32 s0, s4;
	s8 =	simm.s32 $0x8300;
	[tilespmem:s1+$0x8360] =	vst.add.f32.msk $0xffff, v0  }
0x1f7: {  	[hbm4b:s0+s9] =	stream.linear.scatter [tilespmem:s8], [sflag:$0x9], $0x800, $0x38;
	[tilespmem:$0x1CB00] =	vst v63  }
0x1f8: {  	_ =	swait.ge [sflag:s12], $0x4000  }
0x1f9: {  	[sflag:s12] =	ssyncset.done $0x0  }
0x1fa: {  	[sflag:s12] =	ssyncadd.s32 $0xFFFFC000  }
0x1fb: {  	_ =	swait.ge [sflag:s25], $0x4000  }
0x1fc: {  	[sflag:s25] =	ssyncset.done $0x0  }
0x1fd: {  	[sflag:s25] =	ssyncadd.s32 $0xFFFFC000  }
0x1fe: {  	_ =	swait.ge [sflag:s14], $0x4000  }
0x1ff: {  	s0 =	rddreg [dreg:$0x18]  }
0x200: {  	s0 =	sadd.s32 @!p0 s17, s0  }
0x201: {  	s2 =	simm.s32 @!p0 $0x0;
	[sflag:s14] =	ssyncset.done $0x0;
	s1 =	sshrl.u32 @!p0 s0, $0x3  }
0x202: {  	[sflag:s14] =	ssyncadd.s32 $0xFFFFC000;
	s17 =	simm.s32 @!p0 $0x4880;
	s0 =	sadd.s32 @!p0 s5, s1  }
0x203: {  	[tilespmem:s17], [sflag:$0x8] =	stream.linear.gather @!p0 [hbm4b:s0+s2], $0x80, $0x38;
	[tilespmem:$0x1CB00] =	vst v63  }
0x204: {  	s0 =	sadd.s32 @!p0 s10, s1;
	s17 =	simm.s32 @!p0 $0x4980  }
0x205: {  	[tilespmem:s17], [sflag:$0x8] =	stream.linear.gather @!p0 [hbm4b:s0+s2], $0x80, $0x38;
	[tilespmem:$0x1CB00] =	vst v63  }
0x206: {  	s1 =	sadd.s32 @!p0 s3, s1;
	s0 =	sor.u32 $0x1, s16;
	s16 =	simm.s32 @!p0 $0x4A80  }
0x207: {  	[tilespmem:s16], [sflag:$0x8] =	stream.linear.gather @!p0 [hbm4b:s1+s2], $0x80, $0x38;
	[tilespmem:$0x1CB00] =	vst v63  }
0x208: {  	p0 =	sgt.u32 s0, $0xC6  }
0x209: {  	s1 =	simm.s32 @!p0 $0x7  }
0x20a: {  	_ =	swait.ge @!p0 [sflag:s1], $0x80  }
0x20b: {  	[sflag:s1] =	ssyncset.done @!p0 $0x0  }
0x20c: {  	[sflag:s1] =	ssyncadd.s32 @!p0 $0xFFFFFF80  }
0x20d: {  	_ =	swait.ge @!p0 [sflag:s1], $0x80  }
0x20e: {  	[sflag:s1] =	ssyncset.done @!p0 $0x0  }
0x20f: {  	[sflag:s1] =	ssyncadd.s32 @!p0 $0xFFFFFF80  }
0x210: {  	_ =	swait.ge @!p0 [sflag:s1], $0x80  }
0x211: {  	s2 =	simm.s32 @!p0 $0x4900;
	[sflag:s1] =	ssyncset.done @!p0 $0x0  }
0x212: {  	s16 =	simm.s32 @!p0 $0xCB00;
	[sflag:s1] =	ssyncadd.s32 @!p0 $0xFFFFFF80;
	s1 =	simm.s32 @!p0 $0x80  }
0x213: {  	[tilespmem:s16], [sflag:$0x3] =	stream.indirect.gather @!p0 [spmem:s7], $0x80, s2, s1, $0xb8;
	[tilespmem:$0x1CB00] =	vst v63  }
0x214: {  	s2 =	simm.s32 @!p0 $0x4A00;
	s16 =	simm.s32 @!p0 $0x14B00  }
0x215: {  	[tilespmem:s16], [sflag:$0x5] =	stream.indirect.gather @!p0 [spmem:s20], $0x80, s2, s1, $0xb8;
	[tilespmem:$0x1CB00] =	vst v63  }
0x216: {  	s2 =	simm.s32 @!p0 $0x9  }
0x217: {  	_ =	swait.ge @!p0 [sflag:s2], $0x4000  }
0x218: {  	[sflag:s2] =	ssyncset.done @!p0 $0x0  }
0x219: {  	s17 =	smov.u32 s3;
	[sflag:s2] =	ssyncadd.s32 @!p0 $0xFFFFC000  }
0x21a: {  	s16 =	simm.s32 @!p0 $0x4B00;
	s2 =	simm.s32 @!p0 $0x4800;
	s3 =	rddreg [dreg:$0x3]  }
0x21b: {  	[tilespmem:s16], [sflag:$0x1] =	stream.indirect.gather @!p0 [hbm4b:s3+s1], $0x80, s2, s1, $0xb8;
	[tilespmem:$0x1CB00] =	vst v63  }
0x21c: {  	s1 =	simm.s32 $0x0  }
0x21d: {  	s2 =	simm.s32 $0x200;
	v0 =	vld [tilespmem:s1+$0x10B70]  }
.LBB2_19:
0x21e: {  	p0 =	sne.s32 s2, $0x1E00;
	v1 =	vld [tilespmem:s1+$0x18B70]  }
0x21f: {  	v2 =	vld [tilespmem:s1+$0x10B00]  }
0x220: {  	v3 =	vld [tilespmem:s1+$0x18B00]  }
0x221: {  	v4 =	vld [tilespmem:s1+$0x10B10]  }
0x222: {  	v5 =	vld [tilespmem:s1+$0x18B10]  }
0x223: {  	v6 =	vld [tilespmem:s1+$0x10B20];
	v0 =	vadd.f32 v1, v0  }
0x224: {  	v1 =	vld [tilespmem:s1+$0x18B20]  }
0x225: {  	v2 =	vadd.f32 v3, v2;
	[tilespmem:s1+$0x8B70] =	vst.add.f32.msk $0xffff, v0  }
0x226: {  	v0 =	vld [tilespmem:s1+$0x10B30]  }
0x227: {  	v3 =	vadd.f32 v5, v4;
	v4 =	vld [tilespmem:s1+$0x18B30]  }
0x228: {  	v5 =	vld [tilespmem:s1+$0x10B40]  }
0x229: {  	v1 =	vadd.f32 v1, v6;
	v6 =	vld [tilespmem:s1+$0x18B40]  }
0x22a: {  	v7 =	vld [tilespmem:s1+$0x10B50]  }
0x22b: {  	v8 =	vld [tilespmem:s1+$0x18B50]  }
0x22c: {  	v0 =	vadd.f32 v4, v0;
	v4 =	vld [tilespmem:s1+$0x10B60]  }
0x22d: {  	v9 =	vld [tilespmem:s1+$0x18B60]  }
0x22e: {  	[tilespmem:s1+$0x8B00] =	vst.add.f32.msk $0xffff, v2;
	v2 =	vadd.f32 v6, v5  }
0x22f: {  	[tilespmem:s1+$0x8B10] =	vst.add.f32.msk $0xffff, v3  }
0x230: {  	[tilespmem:s1+$0x8B20] =	vst.add.f32.msk $0xffff, v1;
	v1 =	vadd.f32 v8, v7  }
.Ltmp8:
0x231: {  	[tilespmem:s1+$0x8B30] =	vst.add.f32.msk $0xffff, v0;
	(pc) =	sbr.rel @p0 .LBB2_19-.Ltmp8, $4  }
0x232: {  	[tilespmem:s1+$0x8B40] =	vst.add.f32.msk $0xffff, v2;
	v0 =	vadd.f32 v9, v4  }
0x233: {  	[tilespmem:s1+$0x8B50] =	vst.add.f32.msk $0xffff, v1  }
0x234: {  	[tilespmem:s1+$0x8B60] =	vst.add.f32.msk $0xffff, v0;
	s1 =	sshra.s32 s2, $0x2  }
0x235: {  	s2 =	sadd.s32 $0x200, s2;
	v0 =	vld [tilespmem:s1+$0x10B70]  }
0x236: {  	v1 =	vld [tilespmem:s1+$0x18B70]  }
0x237: {  	v2 =	vld [tilespmem:s1+$0x10B00]  }
0x238: {  	v3 =	vld [tilespmem:s1+$0x18B00]  }
0x239: {  	v4 =	vld [tilespmem:s1+$0x10B10]  }
0x23a: {  	v5 =	vld [tilespmem:s1+$0x18B10]  }
0x23b: {  	v6 =	vld [tilespmem:s1+$0x10B20]  }
0x23c: {  	v7 =	vld [tilespmem:s1+$0x18B30]  }
0x23d: {  	v8 =	vld [tilespmem:s1+$0x10B40]  }
0x23e: {  	v9 =	vld [tilespmem:s1+$0x18B40]  }
0x23f: {  	v10 =	vld [tilespmem:s1+$0x10B50]  }
0x240: {  	v11 =	vld [tilespmem:s1+$0x18B50];
	v0 =	vadd.f32 v1, v0  }
0x241: {  	v1 =	vld [tilespmem:s1+$0x18B20]  }
0x242: {  	[tilespmem:s1+$0x8B70] =	vst.add.f32.msk $0xffff, v0  }
0x243: {  	v0 =	vld [tilespmem:s1+$0x10B30]  }
0x244: {  	v63 =	vld [tilespmem:s1+$0x18B60];
	v2 =	vadd.f32 v3, v2  }
0x245: {  	v3 =	vld [tilespmem:s1+$0x10B60];
	v4 =	vadd.f32 v5, v4  }
0x246: {  	[tilespmem:s1+$0x8B00] =	vst.add.f32.msk $0xffff, v2;
	v2 =	vadd.f32 v9, v8  }
0x247: {  	[tilespmem:s1+$0x8B10] =	vst.add.f32.msk $0xffff, v4;
	v1 =	vadd.f32 v1, v6  }
0x248: {  	[tilespmem:s1+$0x8B40] =	vst.add.f32.msk $0xffff, v2;
	v0 =	vadd.f32 v7, v0  }
0x249: {  	[tilespmem:s1+$0x8B20] =	vst.add.f32.msk $0xffff, v1;
	v1 =	vadd.f32 v11, v10  }
0x24a: {  	[tilespmem:s1+$0x8B30] =	vst.add.f32.msk $0xffff, v0  }
0x24b: {  	[tilespmem:s1+$0x8B50] =	vst.add.f32.msk $0xffff, v1  }
0x24c: {  	s0 =	sshll.u32 s0, $0xB;
	v0 =	vadd.f32 v63, v3;
	s2 =	rddreg [dreg:$0x14]  }
0x24d: {  	s0 =	sadd.s32 s2, s0  }
0x24e: {  	s16 =	simm.s32 $0x0;
	[tilespmem:s1+$0x8B60] =	vst.add.f32.msk $0xffff, v0;
	s1 =	simm.s32 $0x0;
	s8 =	sadd.s32 s6, s0  }
0x24f: {  	[hbm4b:s8+s16] =	stream.linear.scatter [tilespmem:s11], [sflag:$0xA], $0x800, $0x38;
	[tilespmem:$0x1CB00] =	vst v63  }
0x250: {  	s2 =	simm.s32 $0x200;
	v0 =	vld [tilespmem:s1+$0x11370]  }
.LBB2_21:
0x251: {  	p0 =	sne.s32 s2, $0x1E00;
	v1 =	vld [tilespmem:s1+$0x19370]  }
0x252: {  	v2 =	vld [tilespmem:s1+$0x11300]  }
0x253: {  	v3 =	vld [tilespmem:s1+$0x19300]  }
0x254: {  	v4 =	vld [tilespmem:s1+$0x11310]  }
0x255: {  	v5 =	vld [tilespmem:s1+$0x19310]  }
0x256: {  	v6 =	vld [tilespmem:s1+$0x11320];
	v0 =	vadd.f32 v1, v0  }
0x257: {  	v1 =	vld [tilespmem:s1+$0x19320]  }
0x258: {  	v2 =	vadd.f32 v3, v2;
	[tilespmem:s1+$0x9370] =	vst.add.f32.msk $0xffff, v0  }
0x259: {  	v0 =	vld [tilespmem:s1+$0x11330]  }
0x25a: {  	v3 =	vadd.f32 v5, v4;
	v4 =	vld [tilespmem:s1+$0x19330]  }
0x25b: {  	v5 =	vld [tilespmem:s1+$0x11340]  }
0x25c: {  	v1 =	vadd.f32 v1, v6;
	v6 =	vld [tilespmem:s1+$0x19340]  }
0x25d: {  	v7 =	vld [tilespmem:s1+$0x11350]  }
0x25e: {  	v8 =	vld [tilespmem:s1+$0x19350]  }
0x25f: {  	v0 =	vadd.f32 v4, v0;
	v4 =	vld [tilespmem:s1+$0x11360]  }
0x260: {  	v9 =	vld [tilespmem:s1+$0x19360]  }
0x261: {  	[tilespmem:s1+$0x9300] =	vst.add.f32.msk $0xffff, v2;
	v2 =	vadd.f32 v6, v5  }
0x262: {  	[tilespmem:s1+$0x9310] =	vst.add.f32.msk $0xffff, v3  }
0x263: {  	[tilespmem:s1+$0x9320] =	vst.add.f32.msk $0xffff, v1;
	v1 =	vadd.f32 v8, v7  }
.Ltmp9:
0x264: {  	[tilespmem:s1+$0x9330] =	vst.add.f32.msk $0xffff, v0;
	(pc) =	sbr.rel @p0 .LBB2_21-.Ltmp9, $4  }
0x265: {  	[tilespmem:s1+$0x9340] =	vst.add.f32.msk $0xffff, v2;
	v0 =	vadd.f32 v9, v4  }
0x266: {  	[tilespmem:s1+$0x9350] =	vst.add.f32.msk $0xffff, v1  }
0x267: {  	[tilespmem:s1+$0x9360] =	vst.add.f32.msk $0xffff, v0;
	s1 =	sshra.s32 s2, $0x2  }
0x268: {  	s2 =	sadd.s32 $0x200, s2;
	v0 =	vld [tilespmem:s1+$0x11370]  }
0x269: {  	v1 =	vld [tilespmem:s1+$0x19370]  }
0x26a: {  	v2 =	vld [tilespmem:s1+$0x11300]  }
0x26b: {  	v3 =	vld [tilespmem:s1+$0x19300]  }
0x26c: {  	v4 =	vld [tilespmem:s1+$0x11310]  }
0x26d: {  	v5 =	vld [tilespmem:s1+$0x19310]  }
0x26e: {  	v6 =	vld [tilespmem:s1+$0x11320]  }
0x26f: {  	v7 =	vld [tilespmem:s1+$0x19330]  }
0x270: {  	v8 =	vld [tilespmem:s1+$0x11340]  }
0x271: {  	v9 =	vld [tilespmem:s1+$0x19340]  }
0x272: {  	v10 =	vld [tilespmem:s1+$0x11350]  }
0x273: {  	v11 =	vld [tilespmem:s1+$0x19350];
	v0 =	vadd.f32 v1, v0  }
0x274: {  	v1 =	vld [tilespmem:s1+$0x19320]  }
0x275: {  	[tilespmem:s1+$0x9370] =	vst.add.f32.msk $0xffff, v0  }
0x276: {  	v0 =	vld [tilespmem:s1+$0x11330]  }
0x277: {  	v63 =	vld [tilespmem:s1+$0x19360];
	v2 =	vadd.f32 v3, v2  }
0x278: {  	v3 =	vld [tilespmem:s1+$0x11360];
	v4 =	vadd.f32 v5, v4  }
0x279: {  	[tilespmem:s1+$0x9300] =	vst.add.f32.msk $0xffff, v2;
	v2 =	vadd.f32 v9, v8  }
0x27a: {  	[tilespmem:s1+$0x9310] =	vst.add.f32.msk $0xffff, v4;
	v1 =	vadd.f32 v1, v6  }
0x27b: {  	[tilespmem:s1+$0x9340] =	vst.add.f32.msk $0xffff, v2;
	v0 =	vadd.f32 v7, v0  }
0x27c: {  	[tilespmem:s1+$0x9320] =	vst.add.f32.msk $0xffff, v1;
	v1 =	vadd.f32 v11, v10  }
0x27d: {  	[tilespmem:s1+$0x9330] =	vst.add.f32.msk $0xffff, v0;
	v0 =	vadd.f32 v63, v3  }
0x27e: {  	s16 =	sadd.s32 s0, s21;
	[tilespmem:s1+$0x9350] =	vst.add.f32.msk $0xffff, v1  }
0x27f: {  	s2 =	simm.s32 $0x0;
	s3 =	simm.s32 $0x9300;
	[tilespmem:s1+$0x9360] =	vst.add.f32.msk $0xffff, v0;
	s1 =	simm.s32 $0x0  }
0x280: {  	[hbm4b:s16+s2] =	stream.linear.scatter [tilespmem:s3], [sflag:$0xA], $0x800, $0x38;
	[tilespmem:$0x1CB00] =	vst v63  }
0x281: {  	s2 =	simm.s32 $0x200;
	v0 =	vld [tilespmem:s1+$0x11B70]  }
.LBB2_23:
0x282: {  	p0 =	sne.s32 s2, $0x1E00;
	v1 =	vld [tilespmem:s1+$0x19B70]  }
0x283: {  	v2 =	vld [tilespmem:s1+$0x11B00]  }
0x284: {  	v3 =	vld [tilespmem:s1+$0x19B00]  }
0x285: {  	v4 =	vld [tilespmem:s1+$0x11B10]  }
0x286: {  	v5 =	vld [tilespmem:s1+$0x19B10]  }
0x287: {  	v6 =	vld [tilespmem:s1+$0x11B20];
	v0 =	vadd.f32 v1, v0  }
0x288: {  	v1 =	vld [tilespmem:s1+$0x19B20]  }
0x289: {  	v2 =	vadd.f32 v3, v2;
	[tilespmem:s1+$0x9B70] =	vst.add.f32.msk $0xffff, v0  }
0x28a: {  	v0 =	vld [tilespmem:s1+$0x11B30]  }
0x28b: {  	v3 =	vadd.f32 v5, v4;
	v4 =	vld [tilespmem:s1+$0x19B30]  }
0x28c: {  	v5 =	vld [tilespmem:s1+$0x11B40]  }
0x28d: {  	v1 =	vadd.f32 v1, v6;
	v6 =	vld [tilespmem:s1+$0x19B40]  }
0x28e: {  	v7 =	vld [tilespmem:s1+$0x11B50]  }
0x28f: {  	v8 =	vld [tilespmem:s1+$0x19B50]  }
0x290: {  	v0 =	vadd.f32 v4, v0;
	v4 =	vld [tilespmem:s1+$0x11B60]  }
0x291: {  	v9 =	vld [tilespmem:s1+$0x19B60]  }
0x292: {  	[tilespmem:s1+$0x9B00] =	vst.add.f32.msk $0xffff, v2;
	v2 =	vadd.f32 v6, v5  }
0x293: {  	[tilespmem:s1+$0x9B10] =	vst.add.f32.msk $0xffff, v3  }
0x294: {  	[tilespmem:s1+$0x9B20] =	vst.add.f32.msk $0xffff, v1;
	v1 =	vadd.f32 v8, v7  }
.Ltmp10:
0x295: {  	[tilespmem:s1+$0x9B30] =	vst.add.f32.msk $0xffff, v0;
	(pc) =	sbr.rel @p0 .LBB2_23-.Ltmp10, $4  }
0x296: {  	[tilespmem:s1+$0x9B40] =	vst.add.f32.msk $0xffff, v2;
	v0 =	vadd.f32 v9, v4  }
0x297: {  	[tilespmem:s1+$0x9B50] =	vst.add.f32.msk $0xffff, v1  }
0x298: {  	[tilespmem:s1+$0x9B60] =	vst.add.f32.msk $0xffff, v0;
	s1 =	sshra.s32 s2, $0x2  }
0x299: {  	s2 =	sadd.s32 $0x200, s2;
	v0 =	vld [tilespmem:s1+$0x11B70]  }
0x29a: {  	v1 =	vld [tilespmem:s1+$0x19B70]  }
0x29b: {  	v2 =	vld [tilespmem:s1+$0x11B00]  }
0x29c: {  	v3 =	vld [tilespmem:s1+$0x19B00]  }
0x29d: {  	v4 =	vld [tilespmem:s1+$0x11B10]  }
0x29e: {  	v5 =	vld [tilespmem:s1+$0x19B10]  }
0x29f: {  	v6 =	vld [tilespmem:s1+$0x11B20]  }
0x2a0: {  	v7 =	vld [tilespmem:s1+$0x19B30]  }
0x2a1: {  	v8 =	vld [tilespmem:s1+$0x11B40]  }
0x2a2: {  	v9 =	vld [tilespmem:s1+$0x19B40]  }
0x2a3: {  	v10 =	vld [tilespmem:s1+$0x11B50]  }
0x2a4: {  	v11 =	vld [tilespmem:s1+$0x19B50];
	v0 =	vadd.f32 v1, v0  }
0x2a5: {  	v1 =	vld [tilespmem:s1+$0x19B20]  }
0x2a6: {  	[tilespmem:s1+$0x9B70] =	vst.add.f32.msk $0xffff, v0  }
0x2a7: {  	v0 =	vld [tilespmem:s1+$0x11B30]  }
0x2a8: {  	v63 =	vld [tilespmem:s1+$0x19B60];
	v2 =	vadd.f32 v3, v2  }
0x2a9: {  	v3 =	vld [tilespmem:s1+$0x11B60];
	v4 =	vadd.f32 v5, v4  }
0x2aa: {  	[tilespmem:s1+$0x9B00] =	vst.add.f32.msk $0xffff, v2;
	v2 =	vadd.f32 v9, v8  }
0x2ab: {  	[tilespmem:s1+$0x9B10] =	vst.add.f32.msk $0xffff, v4;
	v1 =	vadd.f32 v1, v6  }
0x2ac: {  	[tilespmem:s1+$0x9B40] =	vst.add.f32.msk $0xffff, v2;
	v0 =	vadd.f32 v7, v0  }
0x2ad: {  	[tilespmem:s1+$0x9B20] =	vst.add.f32.msk $0xffff, v1;
	v1 =	vadd.f32 v11, v10  }
0x2ae: {  	[tilespmem:s1+$0x9B30] =	vst.add.f32.msk $0xffff, v0;
	v0 =	vadd.f32 v63, v3  }
0x2af: {  	s16 =	sadd.s32 s0, s26;
	[tilespmem:s1+$0x9B50] =	vst.add.f32.msk $0xffff, v1  }
0x2b0: {  	s2 =	simm.s32 $0x0;
	s3 =	simm.s32 $0x9B00;
	[tilespmem:s1+$0x9B60] =	vst.add.f32.msk $0xffff, v0;
	s1 =	simm.s32 $0x0  }
0x2b1: {  	[hbm4b:s16+s2] =	stream.linear.scatter [tilespmem:s3], [sflag:$0xA], $0x800, $0x38;
	[tilespmem:$0x1CB00] =	vst v63  }
0x2b2: {  	s2 =	simm.s32 $0x200;
	v0 =	vld [tilespmem:s1+$0x12370]  }
.LBB2_25:
0x2b3: {  	p0 =	sne.s32 s2, $0x1E00;
	v1 =	vld [tilespmem:s1+$0x1A370]  }
0x2b4: {  	v2 =	vld [tilespmem:s1+$0x12300]  }
0x2b5: {  	v3 =	vld [tilespmem:s1+$0x1A300]  }
0x2b6: {  	v4 =	vld [tilespmem:s1+$0x12310]  }
0x2b7: {  	v5 =	vld [tilespmem:s1+$0x1A310]  }
0x2b8: {  	v6 =	vld [tilespmem:s1+$0x12320];
	v0 =	vadd.f32 v1, v0  }
0x2b9: {  	v1 =	vld [tilespmem:s1+$0x1A320]  }
0x2ba: {  	v2 =	vadd.f32 v3, v2;
	[tilespmem:s1+$0xA370] =	vst.add.f32.msk $0xffff, v0  }
0x2bb: {  	v0 =	vld [tilespmem:s1+$0x12330]  }
0x2bc: {  	v3 =	vadd.f32 v5, v4;
	v4 =	vld [tilespmem:s1+$0x1A330]  }
0x2bd: {  	v5 =	vld [tilespmem:s1+$0x12340]  }
0x2be: {  	v1 =	vadd.f32 v1, v6;
	v6 =	vld [tilespmem:s1+$0x1A340]  }
0x2bf: {  	v7 =	vld [tilespmem:s1+$0x12350]  }
0x2c0: {  	v8 =	vld [tilespmem:s1+$0x1A350]  }
0x2c1: {  	v0 =	vadd.f32 v4, v0;
	v4 =	vld [tilespmem:s1+$0x12360]  }
0x2c2: {  	v9 =	vld [tilespmem:s1+$0x1A360]  }
0x2c3: {  	[tilespmem:s1+$0xA300] =	vst.add.f32.msk $0xffff, v2;
	v2 =	vadd.f32 v6, v5  }
0x2c4: {  	[tilespmem:s1+$0xA310] =	vst.add.f32.msk $0xffff, v3  }
0x2c5: {  	[tilespmem:s1+$0xA320] =	vst.add.f32.msk $0xffff, v1;
	v1 =	vadd.f32 v8, v7  }
.Ltmp11:
0x2c6: {  	[tilespmem:s1+$0xA330] =	vst.add.f32.msk $0xffff, v0;
	(pc) =	sbr.rel @p0 .LBB2_25-.Ltmp11, $4  }
0x2c7: {  	[tilespmem:s1+$0xA340] =	vst.add.f32.msk $0xffff, v2;
	v0 =	vadd.f32 v9, v4  }
0x2c8: {  	[tilespmem:s1+$0xA350] =	vst.add.f32.msk $0xffff, v1  }
0x2c9: {  	[tilespmem:s1+$0xA360] =	vst.add.f32.msk $0xffff, v0;
	s1 =	sshra.s32 s2, $0x2  }
0x2ca: {  	s2 =	sadd.s32 $0x200, s2;
	v0 =	vld [tilespmem:s1+$0x12370]  }
0x2cb: {  	v1 =	vld [tilespmem:s1+$0x1A370]  }
0x2cc: {  	v2 =	vld [tilespmem:s1+$0x12300]  }
0x2cd: {  	v3 =	vld [tilespmem:s1+$0x1A300]  }
0x2ce: {  	v4 =	vld [tilespmem:s1+$0x12310]  }
0x2cf: {  	v5 =	vld [tilespmem:s1+$0x1A310]  }
0x2d0: {  	v6 =	vld [tilespmem:s1+$0x12320]  }
0x2d1: {  	v7 =	vld [tilespmem:s1+$0x1A330]  }
0x2d2: {  	v8 =	vld [tilespmem:s1+$0x12340]  }
0x2d3: {  	v9 =	vld [tilespmem:s1+$0x1A340]  }
0x2d4: {  	v10 =	vld [tilespmem:s1+$0x12350]  }
0x2d5: {  	v11 =	vld [tilespmem:s1+$0x1A350];
	v0 =	vadd.f32 v1, v0  }
0x2d6: {  	v1 =	vld [tilespmem:s1+$0x1A320]  }
0x2d7: {  	[tilespmem:s1+$0xA370] =	vst.add.f32.msk $0xffff, v0  }
0x2d8: {  	v0 =	vld [tilespmem:s1+$0x12330]  }
0x2d9: {  	v63 =	vld [tilespmem:s1+$0x1A360];
	v2 =	vadd.f32 v3, v2  }
0x2da: {  	v3 =	vld [tilespmem:s1+$0x12360];
	v4 =	vadd.f32 v5, v4  }
0x2db: {  	[tilespmem:s1+$0xA300] =	vst.add.f32.msk $0xffff, v2;
	v2 =	vadd.f32 v9, v8  }
0x2dc: {  	[tilespmem:s1+$0xA310] =	vst.add.f32.msk $0xffff, v4;
	v1 =	vadd.f32 v1, v6  }
0x2dd: {  	[tilespmem:s1+$0xA340] =	vst.add.f32.msk $0xffff, v2;
	v0 =	vadd.f32 v7, v0  }
0x2de: {  	[tilespmem:s1+$0xA320] =	vst.add.f32.msk $0xffff, v1;
	v1 =	vadd.f32 v11, v10  }
0x2df: {  	[tilespmem:s1+$0xA330] =	vst.add.f32.msk $0xffff, v0;
	v0 =	vadd.f32 v63, v3  }
0x2e0: {  	s16 =	sadd.s32 s0, s28;
	[tilespmem:s1+$0xA350] =	vst.add.f32.msk $0xffff, v1  }
0x2e1: {  	s2 =	simm.s32 $0x0;
	s3 =	simm.s32 $0xA300;
	[tilespmem:s1+$0xA360] =	vst.add.f32.msk $0xffff, v0;
	s1 =	simm.s32 $0x0  }
0x2e2: {  	[hbm4b:s16+s2] =	stream.linear.scatter [tilespmem:s3], [sflag:$0xA], $0x800, $0x38;
	[tilespmem:$0x1CB00] =	vst v63  }
0x2e3: {  	s2 =	simm.s32 $0x200;
	v0 =	vld [tilespmem:s1+$0x12B70]  }
.LBB2_27:
0x2e4: {  	p0 =	sne.s32 s2, $0x1E00;
	v1 =	vld [tilespmem:s1+$0x1AB70]  }
0x2e5: {  	v2 =	vld [tilespmem:s1+$0x12B00]  }
0x2e6: {  	v3 =	vld [tilespmem:s1+$0x1AB00]  }
0x2e7: {  	v4 =	vld [tilespmem:s1+$0x12B10]  }
0x2e8: {  	v5 =	vld [tilespmem:s1+$0x1AB10]  }
0x2e9: {  	v6 =	vld [tilespmem:s1+$0x12B20];
	v0 =	vadd.f32 v1, v0  }
0x2ea: {  	v1 =	vld [tilespmem:s1+$0x1AB20]  }
0x2eb: {  	v2 =	vadd.f32 v3, v2;
	[tilespmem:s1+$0xAB70] =	vst.add.f32.msk $0xffff, v0  }
0x2ec: {  	v0 =	vld [tilespmem:s1+$0x12B30]  }
0x2ed: {  	v3 =	vadd.f32 v5, v4;
	v4 =	vld [tilespmem:s1+$0x1AB30]  }
0x2ee: {  	v5 =	vld [tilespmem:s1+$0x12B40]  }
0x2ef: {  	v1 =	vadd.f32 v1, v6;
	v6 =	vld [tilespmem:s1+$0x1AB40]  }
0x2f0: {  	v7 =	vld [tilespmem:s1+$0x12B50]  }
0x2f1: {  	v8 =	vld [tilespmem:s1+$0x1AB50]  }
0x2f2: {  	v0 =	vadd.f32 v4, v0;
	v4 =	vld [tilespmem:s1+$0x12B60]  }
0x2f3: {  	v9 =	vld [tilespmem:s1+$0x1AB60]  }
0x2f4: {  	[tilespmem:s1+$0xAB00] =	vst.add.f32.msk $0xffff, v2;
	v2 =	vadd.f32 v6, v5  }
0x2f5: {  	[tilespmem:s1+$0xAB10] =	vst.add.f32.msk $0xffff, v3  }
0x2f6: {  	[tilespmem:s1+$0xAB20] =	vst.add.f32.msk $0xffff, v1;
	v1 =	vadd.f32 v8, v7  }
.Ltmp12:
0x2f7: {  	[tilespmem:s1+$0xAB30] =	vst.add.f32.msk $0xffff, v0;
	(pc) =	sbr.rel @p0 .LBB2_27-.Ltmp12, $4  }
0x2f8: {  	[tilespmem:s1+$0xAB40] =	vst.add.f32.msk $0xffff, v2;
	v0 =	vadd.f32 v9, v4  }
0x2f9: {  	[tilespmem:s1+$0xAB50] =	vst.add.f32.msk $0xffff, v1  }
0x2fa: {  	[tilespmem:s1+$0xAB60] =	vst.add.f32.msk $0xffff, v0;
	s1 =	sshra.s32 s2, $0x2  }
0x2fb: {  	s2 =	sadd.s32 $0x200, s2;
	v0 =	vld [tilespmem:s1+$0x12B70]  }
0x2fc: {  	v1 =	vld [tilespmem:s1+$0x1AB70]  }
0x2fd: {  	v2 =	vld [tilespmem:s1+$0x12B00]  }
0x2fe: {  	v3 =	vld [tilespmem:s1+$0x1AB00]  }
0x2ff: {  	v4 =	vld [tilespmem:s1+$0x12B10]  }
0x300: {  	v5 =	vld [tilespmem:s1+$0x1AB10]  }
0x301: {  	v6 =	vld [tilespmem:s1+$0x12B20]  }
0x302: {  	v7 =	vld [tilespmem:s1+$0x1AB30]  }
0x303: {  	v8 =	vld [tilespmem:s1+$0x12B40]  }
0x304: {  	v9 =	vld [tilespmem:s1+$0x1AB40]  }
0x305: {  	v10 =	vld [tilespmem:s1+$0x12B50]  }
0x306: {  	v11 =	vld [tilespmem:s1+$0x1AB50];
	v0 =	vadd.f32 v1, v0  }
0x307: {  	v1 =	vld [tilespmem:s1+$0x1AB20]  }
0x308: {  	[tilespmem:s1+$0xAB70] =	vst.add.f32.msk $0xffff, v0  }
0x309: {  	v0 =	vld [tilespmem:s1+$0x12B30]  }
0x30a: {  	v63 =	vld [tilespmem:s1+$0x1AB60];
	v2 =	vadd.f32 v3, v2  }
0x30b: {  	v3 =	vld [tilespmem:s1+$0x12B60];
	v4 =	vadd.f32 v5, v4  }
0x30c: {  	[tilespmem:s1+$0xAB00] =	vst.add.f32.msk $0xffff, v2;
	v2 =	vadd.f32 v9, v8  }
0x30d: {  	[tilespmem:s1+$0xAB10] =	vst.add.f32.msk $0xffff, v4;
	v1 =	vadd.f32 v1, v6  }
0x30e: {  	[tilespmem:s1+$0xAB40] =	vst.add.f32.msk $0xffff, v2;
	v0 =	vadd.f32 v7, v0  }
0x30f: {  	[tilespmem:s1+$0xAB20] =	vst.add.f32.msk $0xffff, v1;
	v1 =	vadd.f32 v11, v10  }
0x310: {  	[tilespmem:s1+$0xAB30] =	vst.add.f32.msk $0xffff, v0;
	v0 =	vadd.f32 v63, v3  }
0x311: {  	s16 =	sadd.s32 s0, s29;
	[tilespmem:s1+$0xAB50] =	vst.add.f32.msk $0xffff, v1  }
0x312: {  	s2 =	simm.s32 $0x0;
	s3 =	simm.s32 $0xAB00;
	[tilespmem:s1+$0xAB60] =	vst.add.f32.msk $0xffff, v0;
	s1 =	simm.s32 $0x0  }
0x313: {  	[hbm4b:s16+s2] =	stream.linear.scatter [tilespmem:s3], [sflag:$0xA], $0x800, $0x38;
	[tilespmem:$0x1CB00] =	vst v63  }
0x314: {  	s2 =	simm.s32 $0x200;
	v0 =	vld [tilespmem:s1+$0x13370]  }
.LBB2_29:
0x315: {  	p0 =	sne.s32 s2, $0x1E00;
	v1 =	vld [tilespmem:s1+$0x1B370]  }
0x316: {  	v2 =	vld [tilespmem:s1+$0x13300]  }
0x317: {  	v3 =	vld [tilespmem:s1+$0x1B300]  }
0x318: {  	v4 =	vld [tilespmem:s1+$0x13310]  }
0x319: {  	v5 =	vld [tilespmem:s1+$0x1B310]  }
0x31a: {  	v6 =	vld [tilespmem:s1+$0x13320];
	v0 =	vadd.f32 v1, v0  }
0x31b: {  	v1 =	vld [tilespmem:s1+$0x1B320]  }
0x31c: {  	v2 =	vadd.f32 v3, v2;
	[tilespmem:s1+$0xB370] =	vst.add.f32.msk $0xffff, v0  }
0x31d: {  	v0 =	vld [tilespmem:s1+$0x13330]  }
0x31e: {  	v3 =	vadd.f32 v5, v4;
	v4 =	vld [tilespmem:s1+$0x1B330]  }
0x31f: {  	v5 =	vld [tilespmem:s1+$0x13340]  }
0x320: {  	v1 =	vadd.f32 v1, v6;
	v6 =	vld [tilespmem:s1+$0x1B340]  }
0x321: {  	v7 =	vld [tilespmem:s1+$0x13350]  }
0x322: {  	v8 =	vld [tilespmem:s1+$0x1B350]  }
0x323: {  	v0 =	vadd.f32 v4, v0;
	v4 =	vld [tilespmem:s1+$0x13360]  }
0x324: {  	v9 =	vld [tilespmem:s1+$0x1B360]  }
0x325: {  	[tilespmem:s1+$0xB300] =	vst.add.f32.msk $0xffff, v2;
	v2 =	vadd.f32 v6, v5  }
0x326: {  	[tilespmem:s1+$0xB310] =	vst.add.f32.msk $0xffff, v3  }
0x327: {  	[tilespmem:s1+$0xB320] =	vst.add.f32.msk $0xffff, v1;
	v1 =	vadd.f32 v8, v7  }
.Ltmp13:
0x328: {  	[tilespmem:s1+$0xB330] =	vst.add.f32.msk $0xffff, v0;
	(pc) =	sbr.rel @p0 .LBB2_29-.Ltmp13, $4  }
0x329: {  	[tilespmem:s1+$0xB340] =	vst.add.f32.msk $0xffff, v2;
	v0 =	vadd.f32 v9, v4  }
0x32a: {  	[tilespmem:s1+$0xB350] =	vst.add.f32.msk $0xffff, v1  }
0x32b: {  	[tilespmem:s1+$0xB360] =	vst.add.f32.msk $0xffff, v0;
	s1 =	sshra.s32 s2, $0x2  }
0x32c: {  	s2 =	sadd.s32 $0x200, s2;
	v0 =	vld [tilespmem:s1+$0x13370]  }
0x32d: {  	v1 =	vld [tilespmem:s1+$0x1B370]  }
0x32e: {  	v2 =	vld [tilespmem:s1+$0x13300]  }
0x32f: {  	v3 =	vld [tilespmem:s1+$0x1B300]  }
0x330: {  	v4 =	vld [tilespmem:s1+$0x13310]  }
0x331: {  	v5 =	vld [tilespmem:s1+$0x1B310]  }
0x332: {  	v6 =	vld [tilespmem:s1+$0x13320]  }
0x333: {  	v7 =	vld [tilespmem:s1+$0x1B330]  }
0x334: {  	v8 =	vld [tilespmem:s1+$0x13340]  }
0x335: {  	v9 =	vld [tilespmem:s1+$0x1B340]  }
0x336: {  	v10 =	vld [tilespmem:s1+$0x13350]  }
0x337: {  	v11 =	vld [tilespmem:s1+$0x1B350];
	v0 =	vadd.f32 v1, v0  }
0x338: {  	v1 =	vld [tilespmem:s1+$0x1B320]  }
0x339: {  	[tilespmem:s1+$0xB370] =	vst.add.f32.msk $0xffff, v0  }
0x33a: {  	v0 =	vld [tilespmem:s1+$0x13330]  }
0x33b: {  	v63 =	vld [tilespmem:s1+$0x1B360];
	v2 =	vadd.f32 v3, v2  }
0x33c: {  	v3 =	vld [tilespmem:s1+$0x13360];
	v4 =	vadd.f32 v5, v4  }
0x33d: {  	[tilespmem:s1+$0xB300] =	vst.add.f32.msk $0xffff, v2;
	v2 =	vadd.f32 v9, v8  }
0x33e: {  	[tilespmem:s1+$0xB310] =	vst.add.f32.msk $0xffff, v4;
	v1 =	vadd.f32 v1, v6  }
0x33f: {  	[tilespmem:s1+$0xB340] =	vst.add.f32.msk $0xffff, v2;
	v0 =	vadd.f32 v7, v0  }
0x340: {  	[tilespmem:s1+$0xB320] =	vst.add.f32.msk $0xffff, v1;
	v1 =	vadd.f32 v11, v10  }
0x341: {  	[tilespmem:s1+$0xB330] =	vst.add.f32.msk $0xffff, v0;
	v0 =	vadd.f32 v63, v3  }
0x342: {  	s16 =	sadd.s32 s0, s30;
	[tilespmem:s1+$0xB350] =	vst.add.f32.msk $0xffff, v1  }
0x343: {  	s2 =	simm.s32 $0x0;
	s3 =	simm.s32 $0xB300;
	[tilespmem:s1+$0xB360] =	vst.add.f32.msk $0xffff, v0;
	s1 =	simm.s32 $0x0  }
0x344: {  	[hbm4b:s16+s2] =	stream.linear.scatter [tilespmem:s3], [sflag:$0xA], $0x800, $0x38;
	[tilespmem:$0x1CB00] =	vst v63  }
0x345: {  	s2 =	simm.s32 $0x200;
	v0 =	vld [tilespmem:s1+$0x13B70]  }
.LBB2_31:
0x346: {  	p0 =	sne.s32 s2, $0x1E00;
	v1 =	vld [tilespmem:s1+$0x1BB70]  }
0x347: {  	v2 =	vld [tilespmem:s1+$0x13B00]  }
0x348: {  	v3 =	vld [tilespmem:s1+$0x1BB00]  }
0x349: {  	v4 =	vld [tilespmem:s1+$0x13B10]  }
0x34a: {  	v5 =	vld [tilespmem:s1+$0x1BB10]  }
0x34b: {  	v6 =	vld [tilespmem:s1+$0x13B20];
	v0 =	vadd.f32 v1, v0  }
0x34c: {  	v1 =	vld [tilespmem:s1+$0x1BB20]  }
0x34d: {  	v2 =	vadd.f32 v3, v2;
	[tilespmem:s1+$0xBB70] =	vst.add.f32.msk $0xffff, v0  }
0x34e: {  	v0 =	vld [tilespmem:s1+$0x13B30]  }
0x34f: {  	v3 =	vadd.f32 v5, v4;
	v4 =	vld [tilespmem:s1+$0x1BB30]  }
0x350: {  	v5 =	vld [tilespmem:s1+$0x13B40]  }
0x351: {  	v1 =	vadd.f32 v1, v6;
	v6 =	vld [tilespmem:s1+$0x1BB40]  }
0x352: {  	v7 =	vld [tilespmem:s1+$0x13B50]  }
0x353: {  	v8 =	vld [tilespmem:s1+$0x1BB50]  }
0x354: {  	v0 =	vadd.f32 v4, v0;
	v4 =	vld [tilespmem:s1+$0x13B60]  }
0x355: {  	v9 =	vld [tilespmem:s1+$0x1BB60]  }
0x356: {  	[tilespmem:s1+$0xBB00] =	vst.add.f32.msk $0xffff, v2;
	v2 =	vadd.f32 v6, v5  }
0x357: {  	[tilespmem:s1+$0xBB10] =	vst.add.f32.msk $0xffff, v3  }
0x358: {  	[tilespmem:s1+$0xBB20] =	vst.add.f32.msk $0xffff, v1;
	v1 =	vadd.f32 v8, v7  }
.Ltmp14:
0x359: {  	[tilespmem:s1+$0xBB30] =	vst.add.f32.msk $0xffff, v0;
	(pc) =	sbr.rel @p0 .LBB2_31-.Ltmp14, $4  }
0x35a: {  	[tilespmem:s1+$0xBB40] =	vst.add.f32.msk $0xffff, v2;
	v0 =	vadd.f32 v9, v4  }
0x35b: {  	[tilespmem:s1+$0xBB50] =	vst.add.f32.msk $0xffff, v1  }
0x35c: {  	[tilespmem:s1+$0xBB60] =	vst.add.f32.msk $0xffff, v0;
	s1 =	sshra.s32 s2, $0x2  }
0x35d: {  	s2 =	sadd.s32 $0x200, s2;
	v0 =	vld [tilespmem:s1+$0x13B70]  }
0x35e: {  	v1 =	vld [tilespmem:s1+$0x1BB70]  }
0x35f: {  	v2 =	vld [tilespmem:s1+$0x13B00]  }
0x360: {  	v3 =	vld [tilespmem:s1+$0x1BB00]  }
0x361: {  	v4 =	vld [tilespmem:s1+$0x13B10]  }
0x362: {  	v5 =	vld [tilespmem:s1+$0x1BB10]  }
0x363: {  	v6 =	vld [tilespmem:s1+$0x13B20]  }
0x364: {  	v7 =	vld [tilespmem:s1+$0x1BB30]  }
0x365: {  	v8 =	vld [tilespmem:s1+$0x13B40]  }
0x366: {  	v9 =	vld [tilespmem:s1+$0x1BB40]  }
0x367: {  	v10 =	vld [tilespmem:s1+$0x13B50]  }
0x368: {  	v11 =	vld [tilespmem:s1+$0x1BB50];
	v0 =	vadd.f32 v1, v0  }
0x369: {  	v1 =	vld [tilespmem:s1+$0x1BB20]  }
0x36a: {  	[tilespmem:s1+$0xBB70] =	vst.add.f32.msk $0xffff, v0  }
0x36b: {  	v0 =	vld [tilespmem:s1+$0x13B30]  }
0x36c: {  	v63 =	vld [tilespmem:s1+$0x1BB60];
	v2 =	vadd.f32 v3, v2  }
0x36d: {  	v3 =	vld [tilespmem:s1+$0x13B60];
	v4 =	vadd.f32 v5, v4  }
0x36e: {  	[tilespmem:s1+$0xBB00] =	vst.add.f32.msk $0xffff, v2;
	v2 =	vadd.f32 v9, v8  }
0x36f: {  	[tilespmem:s1+$0xBB10] =	vst.add.f32.msk $0xffff, v4;
	v1 =	vadd.f32 v1, v6  }
0x370: {  	[tilespmem:s1+$0xBB40] =	vst.add.f32.msk $0xffff, v2;
	v0 =	vadd.f32 v7, v0  }
0x371: {  	[tilespmem:s1+$0xBB20] =	vst.add.f32.msk $0xffff, v1;
	v1 =	vadd.f32 v11, v10  }
0x372: {  	[tilespmem:s1+$0xBB30] =	vst.add.f32.msk $0xffff, v0;
	v0 =	vadd.f32 v63, v3  }
0x373: {  	s16 =	sadd.s32 s0, s31;
	[tilespmem:s1+$0xBB50] =	vst.add.f32.msk $0xffff, v1  }
0x374: {  	s2 =	simm.s32 $0x0;
	s3 =	simm.s32 $0xBB00;
	[tilespmem:s1+$0xBB60] =	vst.add.f32.msk $0xffff, v0;
	s1 =	simm.s32 $0x0  }
0x375: {  	[hbm4b:s16+s2] =	stream.linear.scatter [tilespmem:s3], [sflag:$0xA], $0x800, $0x38;
	[tilespmem:$0x1CB00] =	vst v63  }
0x376: {  	s2 =	simm.s32 $0x200;
	v0 =	vld [tilespmem:s1+$0x14370]  }
.LBB2_33:
0x377: {  	p0 =	sne.s32 s2, $0x1E00;
	v1 =	vld [tilespmem:s1+$0x1C370]  }
0x378: {  	v2 =	vld [tilespmem:s1+$0x14300]  }
0x379: {  	v3 =	vld [tilespmem:s1+$0x1C300]  }
0x37a: {  	v4 =	vld [tilespmem:s1+$0x14310]  }
0x37b: {  	v5 =	vld [tilespmem:s1+$0x1C310]  }
0x37c: {  	v6 =	vld [tilespmem:s1+$0x14320];
	v0 =	vadd.f32 v1, v0  }
0x37d: {  	v1 =	vld [tilespmem:s1+$0x1C320]  }
0x37e: {  	v2 =	vadd.f32 v3, v2;
	[tilespmem:s1+$0xC370] =	vst.add.f32.msk $0xffff, v0  }
0x37f: {  	v0 =	vld [tilespmem:s1+$0x14330]  }
0x380: {  	v3 =	vadd.f32 v5, v4;
	v4 =	vld [tilespmem:s1+$0x1C330]  }
0x381: {  	v5 =	vld [tilespmem:s1+$0x14340]  }
0x382: {  	v1 =	vadd.f32 v1, v6;
	v6 =	vld [tilespmem:s1+$0x1C340]  }
0x383: {  	v7 =	vld [tilespmem:s1+$0x14350]  }
0x384: {  	v8 =	vld [tilespmem:s1+$0x1C350]  }
0x385: {  	v0 =	vadd.f32 v4, v0;
	v4 =	vld [tilespmem:s1+$0x14360]  }
0x386: {  	v9 =	vld [tilespmem:s1+$0x1C360]  }
0x387: {  	[tilespmem:s1+$0xC300] =	vst.add.f32.msk $0xffff, v2;
	v2 =	vadd.f32 v6, v5  }
0x388: {  	[tilespmem:s1+$0xC310] =	vst.add.f32.msk $0xffff, v3  }
0x389: {  	[tilespmem:s1+$0xC320] =	vst.add.f32.msk $0xffff, v1;
	v1 =	vadd.f32 v8, v7  }
.Ltmp15:
0x38a: {  	[tilespmem:s1+$0xC330] =	vst.add.f32.msk $0xffff, v0;
	(pc) =	sbr.rel @p0 .LBB2_33-.Ltmp15, $4  }
0x38b: {  	[tilespmem:s1+$0xC340] =	vst.add.f32.msk $0xffff, v2;
	v0 =	vadd.f32 v9, v4  }
0x38c: {  	[tilespmem:s1+$0xC350] =	vst.add.f32.msk $0xffff, v1  }
0x38d: {  	[tilespmem:s1+$0xC360] =	vst.add.f32.msk $0xffff, v0;
	s1 =	sshra.s32 s2, $0x2  }
0x38e: {  	s2 =	sadd.s32 $0x200, s2;
	v0 =	vld [tilespmem:s1+$0x14370]  }
0x38f: {  	v1 =	vld [tilespmem:s1+$0x1C370]  }
0x390: {  	v2 =	vld [tilespmem:s1+$0x14300]  }
0x391: {  	v3 =	vld [tilespmem:s1+$0x1C300]  }
0x392: {  	v4 =	vld [tilespmem:s1+$0x14310]  }
0x393: {  	v5 =	vld [tilespmem:s1+$0x1C310]  }
0x394: {  	v6 =	vld [tilespmem:s1+$0x14320]  }
0x395: {  	v57 =	vld [tilespmem:s1+$0x1C320]  }
0x396: {  	v58 =	vld [tilespmem:s1+$0x14330]  }
0x397: {  	v7 =	vld [tilespmem:s1+$0x1C330]  }
0x398: {  	v8 =	vld [tilespmem:s1+$0x14340]  }
0x399: {  	v9 =	vld [tilespmem:s1+$0x1C340]  }
0x39a: {  	v10 =	vld [tilespmem:s1+$0x14350]  }
0x39b: {  	v11 =	vld [tilespmem:s1+$0x1C350]  }
0x39c: {  	v59 =	vld [tilespmem:s1+$0x14360];
	v0 =	vadd.f32 v1, v0  }
0x39d: {  	v60 =	vld [tilespmem:s1+$0x1C360];
	v2 =	vadd.f32 v3, v2  }
0x39e: {  	v4 =	vadd.f32 v5, v4;
	[tilespmem:s1+$0xC370] =	vst.add.f32.msk $0xffff, v0  }
0x39f: {  	v1 =	vadd.f32 v57, v6;
	[tilespmem:s1+$0xC300] =	vst.add.f32.msk $0xffff, v2  }
0x3a0: {  	s15 =	sadd.s32 $0x1, s15;
	v61 =	vadd.f32 v9, v8;
	[tilespmem:s1+$0xC310] =	vst.add.f32.msk $0xffff, v4  }
0x3a1: {  	p0 =	sne.s32 s15, $0x64;
	v62 =	vadd.f32 v11, v10;
	[tilespmem:s1+$0xC320] =	vst.add.f32.msk $0xffff, v1  }
.Ltmp16:
0x3a2: {  	v63 =	vadd.f32 v60, v59;
	[tilespmem:s1+$0xC340] =	vst.add.f32.msk $0xffff, v61;
	(pc) =	sbr.rel @p0 .LBB2_2-.Ltmp16, $4  }
0x3a3: {  	v0 =	vadd.f32 v7, v58;
	[tilespmem:s1+$0xC350] =	vst.add.f32.msk $0xffff, v62  }
0x3a4: {  	[tilespmem:s1+$0xC360] =	vst.add.f32.msk $0xffff, v63  }
0x3a5: {  	s0 =	sadd.s32 s0, s4;
	s16 =	simm.s32 $0xC300;
	[tilespmem:s1+$0xC330] =	vst.add.f32.msk $0xffff, v0  }
0x3a6: {  	[hbm4b:s0+s9] =	stream.linear.scatter [tilespmem:s16], [sflag:$0xA], $0x800, $0x38;
	[tilespmem:$0x1CB00] =	vst v63  }
0x3a7: {  	s0 =	simm.s32 $0x9  }
0x3a8: {  	_ =	swait.ge [sflag:s0], $0x4000  }
0x3a9: {  	[sflag:s0] =	ssyncset.done $0x0  }
0x3aa: {  	s1 =	simm.s32 $0xA;
	[sflag:s0] =	ssyncadd.s32 $0xFFFFC000  }
0x3ab: {  	_ =	swait.ge [sflag:s1], $0x4000  }
0x3ac: {  	s2 =	rddreg [dreg:$0x19]  }
0x3ad: {  	s16 =	rddreg [dreg:$0x15];
	s2 =	sadd.s32 $0x1, s2  }
0x3ae: {  	p0 =	sne.s32 s2, s16  }
.Ltmp17:
0x3af: {  	_ = 	snop;
	(pc) =	sbr.rel @p0 .LBB2_1-.Ltmp17, $3  }
0x3b0: {  	_ =	sdelay $0x1  }
0x3b1: {  	[sflag:s1] =	ssyncset.done $0x0  }
0x3b2: {  	[sflag:s1] =	ssyncadd.s32 $0xFFFFC000  }
0x3b3: {  	_ =	sfence.sel $0x180000  }
0x3b4: {  	[bflag:$0x0] =	sbarrier.arrive $0xFFFF  }
0x3b5: {  	_ =	strace $0x90000047  }
0x3b6: {  	s0 =	stileid.u32;
	[bflag:$0x2] =	sbarrier.arrive $0xFFFF  }
0x3b7: {  	p0 =	sne.s32 s0, $0x0;
	s0 =	rddreg [dreg:$0x9]  }
0x3b8: {  	s0 =	sadd.s32 @!p0 $0x100000, s0  }
0x3b9: {  	[sflag:s0] =	ssyncadd.tile.s32 @!p0 $0x1;
	_ =	shalt  }
.Lfunc_end2:
_tile_overlayer_lowered:
.L_overlay_start_2:
0x3ba: {  	(tag) =	ssettag $0x2  }
0x3bb: {  	s0 =	rddreg [dreg:$0x0];
	s2 =	stileid.u32  }
0x3bc: {  	s1 =	rddreg [dreg:$0x1];
	p0 =	sne.s32 s2, $0x0  }
0x3bd: {  	s3 =	rddreg [dreg:$0x2];
	[bflag:$0x3] =	sbarrier.arrive $0xFFFF;
	s2 =	simm.s32 @!p0 $0x1C0B  }
0x3be: {  	[timem:s3], [sflag:s2] =	dma.local @!p0 [hbm:s0], s1  }
0x3bf: {  	s0 =	simm.s32 @!p0 $0xB  }
0x3c0: {  	_ =	swait.ge @!p0 [sflag:s0], s1  }
0x3c1: {  	s1 =	ssub.s32 @!p0 $0x0, s1;
	[sflag:s0] =	ssyncset.done @!p0 $0x0  }
0x3c2: {  	[sflag:s0] =	ssyncadd.s32 @!p0 s1  }
0x3c3: {  	[bflag:$0x3] =	sbarrier.arrive $0xFFFF  }
0x3c4: {  	_ =	shalt  }

</sc_bundles>
